<compile_context>
chip_gen: v7x
topology: tpu7x:2x2x1
jax: 0.10.2.dev20260603
libtpu: 0.0.44.dev20260713+nightly
codegen_flags: <defaults>
</compile_context>

<pallas_src>
import functools

import jax
import jax.numpy as jnp
from jax import lax
from jax.experimental import pallas as pl
from jax.experimental.pallas import tpu as pltpu
from jax.experimental.pallas import tpu_sc as plsc

_NC = 2
_NS = 16
_NW = _NC * _NS
_NBUF = 3


def _make_embed(vocab: int, seqlen: int, embed: int, batch: int):
    n = batch * seqlen
    assert n % _NW == 0
    per_w = n // _NW
    chunk = 800
    assert per_w % chunk == 0 and chunk % seqlen == 0 and chunk % 8 == 0
    nchunk = per_w // chunk
    reps = chunk // seqlen
    assert embed == 32

    mesh = plsc.VectorSubcoreMesh(core_axis_name="c", subcore_axis_name="s")

    scratch = (
        [pltpu.VMEM((per_w,), jnp.int32)]
        + [pltpu.VMEM((chunk, embed), jnp.float32) for _ in range(_NBUF)]
        + [pltpu.VMEM((seqlen, embed), jnp.float32)]
        + [pltpu.SemaphoreType.DMA for _ in range(2 * _NBUF)]
    )

    @functools.partial(
        pl.kernel,
        mesh=mesh,
        compiler_params=pltpu.CompilerParams(use_tc_tiling_on_sc=False),
        out_type=jax.ShapeDtypeStruct((n, embed), jnp.float32),
        scratch_types=scratch,
    )
    def emb(token_hbm, idx_hbm, pos_hbm, out_hbm, *sc):
        idx_v = sc[0]
        row_bufs = sc[1:1 + _NBUF]
        pos_v = sc[1 + _NBUF]
        gsems = sc[2 + _NBUF:2 + 2 * _NBUF]
        wsems = sc[2 + 2 * _NBUF:]

        wid = lax.axis_index("s") * _NC + lax.axis_index("c")
        base0 = wid * per_w
        pltpu.sync_copy(pos_hbm, pos_v)
        pltpu.sync_copy(idx_hbm.at[pl.ds(base0, per_w)], idx_v)

        def add_pos(rows_v):
            def body(s, carry):
                p0 = pos_v[s, pl.ds(0, 16)]
                p1 = pos_v[s, pl.ds(16, 16)]
                for b in range(reps):
                    r = b * seqlen + s
                    rows_v[r, pl.ds(0, 16)] += p0
                    rows_v[r, pl.ds(16, 16)] += p1
                return carry
            return body

        gh = [None] * _NBUF
        wh = [None] * _NBUF

        def issue(f):
            sl = f % _NBUF
            if wh[sl] is not None:
                wh[sl].wait()
                wh[sl] = None
            gh[sl] = pltpu.async_copy(
                token_hbm.at[idx_v.at[pl.ds(f * chunk, chunk)]],
                row_bufs[sl], gsems[sl])

        for f in range(min(_NBUF - 1, nchunk)):
            issue(f)
        for g in range(nchunk):
            sl = g % _NBUF
            if g + _NBUF - 1 < nchunk:
                issue(g + _NBUF - 1)
            gh[sl].wait()
            lax.fori_loop(0, seqlen, add_pos(row_bufs[sl]), 0, unroll=False)
            wh[sl] = pltpu.async_copy(
                row_bufs[sl], out_hbm.at[pl.ds(base0 + g * chunk, chunk)],
                wsems[sl])
        for sl in range(_NBUF):
            if wh[sl] is not None:
                wh[sl].wait()

    return emb


def kernel(x, token_table, pos_table):
    batch, seqlen = x.shape
    vocab, embed = token_table.shape
    xf = x.reshape(-1).astype(jnp.int32)
    emb = _make_embed(vocab, seqlen, embed, batch)
    out = emb(token_table, xf, pos_table)
    return out.reshape(batch, seqlen, embed)

# --- scband reference (transcript-rebuilt; emitter-appended) ---
"""Pipeline reference for scband-token-and-position-embedding-23218593202211 (READ-ONLY COPY).

The authoritative reference and input builder live on the scoring server;
editing this copy changes nothing except your own understanding.
"""

import jax, jax.numpy as jnp
import numpy as np

VOCAB = 1000000
MAXLEN = 200
EMBED = 32
BATCH = 4096

def setup_inputs(seed: int = 0) -> dict:
    key = jax.random.key(seed)
    k1, k2, k3 = jax.random.split(key, 3)
    x = jax.random.randint(k1, (BATCH, MAXLEN), 0, VOCAB, dtype=jnp.int64 if jax.config.jax_enable_x64 else jnp.int32)
    token_table = jax.random.normal(k2, (VOCAB, EMBED), dtype=jnp.float32) * 0.02
    pos_table = jax.random.normal(k3, (MAXLEN, EMBED), dtype=jnp.float32) * 0.02
    return {"x": x, "token_table": token_table, "pos_table": pos_table}

def reference(x, token_table, pos_table):
    # maxlen = tf.shape(x)[-1]; positions = range(maxlen)
    seqlen = x.shape[-1]
    positions = jnp.arange(seqlen)
    pos = jnp.take(pos_table, positions, axis=0)      # [S, E]
    tok = jnp.take(token_table, x, axis=0)            # [B, S, E]
    return tok + pos[None, :, :]

if __name__ == "__main__":
    import jax
    _d = setup_inputs()
    print(jax.jit(kernel)(*tuple(_d.values())))

</pallas_src>

<mosaic_0001>
#map = affine_map<(d0, d1) -> (0, 0)>
#map1 = affine_map<(d0, d1) -> (0)>
module attributes {stable_mosaic.version = 14 : i64} {
  func.func @emb(%arg0: i32, %arg1: i32, %arg2: memref<1000000x32xf32, #tpu.memory_space<hbm>>, %arg3: memref<819200xi32, #tpu.memory_space<hbm>>, %arg4: memref<200x32xf32, #tpu.memory_space<hbm>>, %arg5: memref<819200x32xf32, #tpu.memory_space<hbm>>, %arg6: memref<25600xi32, #tpu.memory_space<vmem>>, %arg7: memref<800x32xf32, #tpu.memory_space<vmem>>, %arg8: memref<800x32xf32, #tpu.memory_space<vmem>>, %arg9: memref<800x32xf32, #tpu.memory_space<vmem>>, %arg10: memref<200x32xf32, #tpu.memory_space<vmem>>, %arg11: memref<!tpu.dma_semaphore, #tpu.memory_space<semaphore_mem>>, %arg12: memref<!tpu.dma_semaphore, #tpu.memory_space<semaphore_mem>>, %arg13: memref<!tpu.dma_semaphore, #tpu.memory_space<semaphore_mem>>, %arg14: memref<!tpu.dma_semaphore, #tpu.memory_space<semaphore_mem>>, %arg15: memref<!tpu.dma_semaphore, #tpu.memory_space<semaphore_mem>>, %arg16: memref<!tpu.dma_semaphore, #tpu.memory_space<semaphore_mem>>) attributes {dimension_semantics = [#tpu.dimension_semantics<core_parallel>, #tpu.dimension_semantics<subcore_parallel>], iteration_bounds = array<i64: 2, 16>, scalar_prefetch = 0 : i64, scratch_operands = 11 : i64, tpu.core_type = #tpu.core_type<sc_vector_subcore>, window_params = [{transform_indices = #map}, {transform_indices = #map1}, {transform_indices = #map}, {transform_indices = #map}]} {
    %mul3A = arith.constant 2 : i32
    %mul3A_0 = arith.muli %arg1, %mul3A : i32
    %add3A = arith.addi %mul3A_0, %arg0 : i32
    %mul3A_1 = arith.constant 25600 : i32
    %mul3A_2 = arith.muli %add3A, %mul3A_1 : i32
    "tpu.region"() ({
      %run_scoped3A = tpu.sem_alloc : memref<!tpu.dma_semaphore, #tpu.memory_space<semaphore_mem>>
      tpu.enqueue_dma source(%arg4 : memref<200x32xf32, #tpu.memory_space<hbm>>) target(%arg10 : memref<200x32xf32, #tpu.memory_space<vmem>>) target_semaphore(%run_scoped3A : memref<!tpu.dma_semaphore, #tpu.memory_space<semaphore_mem>>)
      tpu.wait_dma2 semaphore(%run_scoped3A : memref<!tpu.dma_semaphore, #tpu.memory_space<semaphore_mem>>) src(%arg4 : memref<200x32xf32, #tpu.memory_space<hbm>>) dst(%arg10 : memref<200x32xf32, #tpu.memory_space<vmem>>)
      tpu.yield
    }) : () -> ()
    "tpu.region"() ({
      %run_scoped3A = tpu.sem_alloc : memref<!tpu.dma_semaphore, #tpu.memory_space<semaphore_mem>>
      %dma_start3A_832 = tpu.memref_slice %arg3[%mul3A_2] : memref<819200xi32, #tpu.memory_space<hbm>> -> memref<25600xi32, #tpu.memory_space<hbm>>
      %dma_start3A_833 = tpu.memref_slice %arg3[%mul3A_2] : memref<819200xi32, #tpu.memory_space<hbm>> -> memref<25600xi32, #tpu.memory_space<hbm>>
      tpu.enqueue_dma source(%dma_start3A_833 : memref<25600xi32, #tpu.memory_space<hbm>>) target(%arg6 : memref<25600xi32, #tpu.memory_space<vmem>>) target_semaphore(%run_scoped3A : memref<!tpu.dma_semaphore, #tpu.memory_space<semaphore_mem>>)
      %dma_wait3A_834 = tpu.memref_slice %arg3[%mul3A_2] : memref<819200xi32, #tpu.memory_space<hbm>> -> memref<25600xi32, #tpu.memory_space<hbm>>
      %dma_wait3A_835 = tpu.memref_slice %arg3[%mul3A_2] : memref<819200xi32, #tpu.memory_space<hbm>> -> memref<25600xi32, #tpu.memory_space<hbm>>
      tpu.wait_dma2 semaphore(%run_scoped3A : memref<!tpu.dma_semaphore, #tpu.memory_space<semaphore_mem>>) src(%dma_wait3A_835 : memref<25600xi32, #tpu.memory_space<hbm>>) dst(%arg6 : memref<25600xi32, #tpu.memory_space<vmem>>)
      tpu.yield
    }) : () -> ()
    %dma_start3A = arith.constant 0 : i32
    %dma_start3A_3 = tpu.memref_slice %arg6[%dma_start3A] : memref<25600xi32, #tpu.memory_space<vmem>> -> memref<800xi32, #tpu.memory_space<vmem>>
    %dma_start3A_4 = arith.constant 0 : i32
    %dma_start3A_5 = arith.constant 0 : i32
    %dma_start3A_6 = tpu.memref_slice %arg2[%dma_start3A_4, %dma_start3A_5] : memref<1000000x32xf32, #tpu.memory_space<hbm>> -> memref<1000000x32xf32, #tpu.memory_space<hbm>>
    tpu.enqueue_indirect_dma source(%dma_start3A_6 : memref<1000000x32xf32, #tpu.memory_space<hbm>>) target(%arg7 : memref<800x32xf32, #tpu.memory_space<vmem>>) offsets(%dma_start3A_3 : memref<800xi32, #tpu.memory_space<vmem>>) semaphore(%arg11 : memref<!tpu.dma_semaphore, #tpu.memory_space<semaphore_mem>>)
    %dma_start3A_7 = arith.constant 800 : i32
    %dma_start3A_8 = tpu.memref_slice %arg6[%dma_start3A_7] : memref<25600xi32, #tpu.memory_space<vmem>> -> memref<800xi32, #tpu.memory_space<vmem>>
    %dma_start3A_9 = arith.constant 0 : i32
    %dma_start3A_10 = arith.constant 0 : i32
    %dma_start3A_11 = tpu.memref_slice %arg2[%dma_start3A_9, %dma_start3A_10] : memref<1000000x32xf32, #tpu.memory_space<hbm>> -> memref<1000000x32xf32, #tpu.memory_space<hbm>>
    tpu.enqueue_indirect_dma source(%dma_start3A_11 : memref<1000000x32xf32, #tpu.memory_space<hbm>>) target(%arg8 : memref<800x32xf32, #tpu.memory_space<vmem>>) offsets(%dma_start3A_8 : memref<800xi32, #tpu.memory_space<vmem>>) semaphore(%arg12 : memref<!tpu.dma_semaphore, #tpu.memory_space<semaphore_mem>>)
    %dma_start3A_12 = arith.constant 1600 : i32
    %dma_start3A_13 = tpu.memref_slice %arg6[%dma_start3A_12] : memref<25600xi32, #tpu.memory_space<vmem>> -> memref<800xi32, #tpu.memory_space<vmem>>
    %dma_start3A_14 = arith.constant 0 : i32
    %dma_start3A_15 = arith.constant 0 : i32
    %dma_start3A_16 = tpu.memref_slice %arg2[%dma_start3A_14, %dma_start3A_15] : memref<1000000x32xf32, #tpu.memory_space<hbm>> -> memref<1000000x32xf32, #tpu.memory_space<hbm>>
    tpu.enqueue_indirect_dma source(%dma_start3A_16 : memref<1000000x32xf32, #tpu.memory_space<hbm>>) target(%arg9 : memref<800x32xf32, #tpu.memory_space<vmem>>) offsets(%dma_start3A_13 : memref<800xi32, #tpu.memory_space<vmem>>) semaphore(%arg13 : memref<!tpu.dma_semaphore, #tpu.memory_space<semaphore_mem>>)
    %dma_wait3A = arith.constant 0 : i32
    %dma_wait3A_17 = tpu.memref_slice %arg6[%dma_wait3A] : memref<25600xi32, #tpu.memory_space<vmem>> -> memref<800xi32, #tpu.memory_space<vmem>>
    %dma_wait3A_18 = arith.constant 0 : i32
    %dma_wait3A_19 = arith.constant 0 : i32
    %dma_wait3A_20 = tpu.memref_slice %arg2[%dma_wait3A_18, %dma_wait3A_19] : memref<1000000x32xf32, #tpu.memory_space<hbm>> -> memref<1000000x32xf32, #tpu.memory_space<hbm>>
    tpu.wait_indirect_dma semaphore(%arg11 : memref<!tpu.dma_semaphore, #tpu.memory_space<semaphore_mem>>) src(%dma_wait3A_20 : memref<1000000x32xf32, #tpu.memory_space<hbm>>) dst(%arg7 : memref<800x32xf32, #tpu.memory_space<vmem>>)
    %scan3A = arith.constant 0 : i32
    %scan3A_21 = arith.constant 0 : i32
    %scan3A_22 = arith.constant 200 : i32
    %scan3A_23 = arith.addi %scan3A_21, %scan3A_22 : i32
    %scan3A_24 = arith.constant 1 : i32
    scf.for %scan3A_832 = %scan3A_21 to %scan3A_23 step %scan3A_24  : i32 {
      %get3A = arith.index_cast %scan3A_832 : i32 to index
      %get3A_833 = arith.constant 0 : index
      %get3A_834 = tpu.vector_load %arg10[%get3A, %get3A_833] {strides = array<i32>} : memref<200x32xf32, #tpu.memory_space<vmem>>, vector<1x16xf32>,
      %get3A_835 = vector.shape_cast %get3A_834 : vector<1x16xf32> to vector<16xf32>
      %get3A_836 = arith.index_cast %scan3A_832 : i32 to index
      %get3A_837 = arith.constant 16 : index
      %get3A_838 = tpu.vector_load %arg10[%get3A_836, %get3A_837] {strides = array<i32>} : memref<200x32xf32, #tpu.memory_space<vmem>>, vector<1x16xf32>,
      %get3A_839 = vector.shape_cast %get3A_838 : vector<1x16xf32> to vector<16xf32>
      %add3A_840 = arith.constant 0 : i32
      %add3A_841 = arith.addi %add3A_840, %scan3A_832 : i32
      %get3A_842 = arith.index_cast %add3A_841 : i32 to index
      %get3A_843 = arith.constant 0 : index
      %get3A_844 = tpu.vector_load %arg7[%get3A_842, %get3A_843] {strides = array<i32>} : memref<800x32xf32, #tpu.memory_space<vmem>>, vector<1x16xf32>,
      %get3A_845 = vector.shape_cast %get3A_844 : vector<1x16xf32> to vector<16xf32>
      %add3A_846 = arith.addf %get3A_845, %get3A_835 : vector<16xf32>
      %swap3A = arith.index_cast %add3A_841 : i32 to index
      %swap3A_847 = arith.constant 0 : index
      %swap3A_848 = tpu.vector_load %arg7[%swap3A, %swap3A_847] {strides = array<i32>} : memref<800x32xf32, #tpu.memory_space<vmem>>, vector<1x16xf32>,
      %swap3A_849 = vector.shape_cast %swap3A_848 : vector<1x16xf32> to vector<16xf32>
      %swap3A_850 = vector.shape_cast %add3A_846 : vector<16xf32> to vector<1x16xf32>
      tpu.vector_store %arg7[%swap3A, %swap3A_847], %swap3A_850 {strides = array<i32>} : memref<800x32xf32, #tpu.memory_space<vmem>>, vector<1x16xf32>,
      %get3A_851 = arith.index_cast %add3A_841 : i32 to index
      %get3A_852 = arith.constant 16 : index
      %get3A_853 = tpu.vector_load %arg7[%get3A_851, %get3A_852] {strides = array<i32>} : memref<800x32xf32, #tpu.memory_space<vmem>>, vector<1x16xf32>,
      %get3A_854 = vector.shape_cast %get3A_853 : vector<1x16xf32> to vector<16xf32>
      %add3A_855 = arith.addf %get3A_854, %get3A_839 : vector<16xf32>
      %swap3A_856 = arith.index_cast %add3A_841 : i32 to index
      %swap3A_857 = arith.constant 16 : index
      %swap3A_858 = tpu.vector_load %arg7[%swap3A_856, %swap3A_857] {strides = array<i32>} : memref<800x32xf32, #tpu.memory_space<vmem>>, vector<1x16xf32>,
      %swap3A_859 = vector.shape_cast %swap3A_858 : vector<1x16xf32> to vector<16xf32>
      %swap3A_860 = vector.shape_cast %add3A_855 : vector<16xf32> to vector<1x16xf32>
      tpu.vector_store %arg7[%swap3A_856, %swap3A_857], %swap3A_860 {strides = array<i32>} : memref<800x32xf32, #tpu.memory_space<vmem>>, vector<1x16xf32>,
      %add3A_861 = arith.constant 200 : i32
      %add3A_862 = arith.addi %add3A_861, %scan3A_832 : i32
      %get3A_863 = arith.index_cast %add3A_862 : i32 to index
      %get3A_864 = arith.constant 0 : index
      %get3A_865 = tpu.vector_load %arg7[%get3A_863, %get3A_864] {strides = array<i32>} : memref<800x32xf32, #tpu.memory_space<vmem>>, vector<1x16xf32>,
      %get3A_866 = vector.shape_cast %get3A_865 : vector<1x16xf32> to vector<16xf32>
      %add3A_867 = arith.addf %get3A_866, %get3A_835 : vector<16xf32>
      %swap3A_868 = arith.index_cast %add3A_862 : i32 to index
      %swap3A_869 = arith.constant 0 : index
      %swap3A_870 = tpu.vector_load %arg7[%swap3A_868, %swap3A_869] {strides = array<i32>} : memref<800x32xf32, #tpu.memory_space<vmem>>, vector<1x16xf32>,
      %swap3A_871 = vector.shape_cast %swap3A_870 : vector<1x16xf32> to vector<16xf32>
      %swap3A_872 = vector.shape_cast %add3A_867 : vector<16xf32> to vector<1x16xf32>
      tpu.vector_store %arg7[%swap3A_868, %swap3A_869], %swap3A_872 {strides = array<i32>} : memref<800x32xf32, #tpu.memory_space<vmem>>, vector<1x16xf32>,
      %get3A_873 = arith.index_cast %add3A_862 : i32 to index
      %get3A_874 = arith.constant 16 : index
      %get3A_875 = tpu.vector_load %arg7[%get3A_873, %get3A_874] {strides = array<i32>} : memref<800x32xf32, #tpu.memory_space<vmem>>, vector<1x16xf32>,
      %get3A_876 = vector.shape_cast %get3A_875 : vector<1x16xf32> to vector<16xf32>
      %add3A_877 = arith.addf %get3A_876, %get3A_839 : vector<16xf32>
      %swap3A_878 = arith.index_cast %add3A_862 : i32 to index
      %swap3A_879 = arith.constant 16 : index
      %swap3A_880 = tpu.vector_load %arg7[%swap3A_878, %swap3A_879] {strides = array<i32>} : memref<800x32xf32, #tpu.memory_space<vmem>>, vector<1x16xf32>,
      %swap3A_881 = vector.shape_cast %swap3A_880 : vector<1x16xf32> to vector<16xf32>
      %swap3A_882 = vector.shape_cast %add3A_877 : vector<16xf32> to vector<1x16xf32>
      tpu.vector_store %arg7[%swap3A_878, %swap3A_879], %swap3A_882 {strides = array<i32>} : memref<800x32xf32, #tpu.memory_space<vmem>>, vector<1x16xf32>,
      %add3A_883 = arith.constant 400 : i32
      %add3A_884 = arith.addi %add3A_883, %scan3A_832 : i32
      %get3A_885 = arith.index_cast %add3A_884 : i32 to index
      %get3A_886 = arith.constant 0 : index
      %get3A_887 = tpu.vector_load %arg7[%get3A_885, %get3A_886] {strides = array<i32>} : memref<800x32xf32, #tpu.memory_space<vmem>>, vector<1x16xf32>,
      %get3A_888 = vector.shape_cast %get3A_887 : vector<1x16xf32> to vector<16xf32>
      %add3A_889 = arith.addf %get3A_888, %get3A_835 : vector<16xf32>
      %swap3A_890 = arith.index_cast %add3A_884 : i32 to index
      %swap3A_891 = arith.constant 0 : index
      %swap3A_892 = tpu.vector_load %arg7[%swap3A_890, %swap3A_891] {strides = array<i32>} : memref<800x32xf32, #tpu.memory_space<vmem>>, vector<1x16xf32>,
      %swap3A_893 = vector.shape_cast %swap3A_892 : vector<1x16xf32> to vector<16xf32>
      %swap3A_894 = vector.shape_cast %add3A_889 : vector<16xf32> to vector<1x16xf32>
      tpu.vector_store %arg7[%swap3A_890, %swap3A_891], %swap3A_894 {strides = array<i32>} : memref<800x32xf32, #tpu.memory_space<vmem>>, vector<1x16xf32>,
      %get3A_895 = arith.index_cast %add3A_884 : i32 to index
      %get3A_896 = arith.constant 16 : index
      %get3A_897 = tpu.vector_load %arg7[%get3A_895, %get3A_896] {strides = array<i32>} : memref<800x32xf32, #tpu.memory_space<vmem>>, vector<1x16xf32>,
      %get3A_898 = vector.shape_cast %get3A_897 : vector<1x16xf32> to vector<16xf32>
      %add3A_899 = arith.addf %get3A_898, %get3A_839 : vector<16xf32>
      %swap3A_900 = arith.index_cast %add3A_884 : i32 to index
      %swap3A_901 = arith.constant 16 : index
      %swap3A_902 = tpu.vector_load %arg7[%swap3A_900, %swap3A_901] {strides = array<i32>} : memref<800x32xf32, #tpu.memory_space<vmem>>, vector<1x16xf32>,
      %swap3A_903 = vector.shape_cast %swap3A_902 : vector<1x16xf32> to vector<16xf32>
      %swap3A_904 = vector.shape_cast %add3A_899 : vector<16xf32> to vector<1x16xf32>
      tpu.vector_store %arg7[%swap3A_900, %swap3A_901], %swap3A_904 {strides = array<i32>} : memref<800x32xf32, #tpu.memory_space<vmem>>, vector<1x16xf32>,
      %add3A_905 = arith.constant 600 : i32
      %add3A_906 = arith.addi %add3A_905, %scan3A_832 : i32
      %get3A_907 = arith.index_cast %add3A_906 : i32 to index
      %get3A_908 = arith.constant 0 : index
      %get3A_909 = tpu.vector_load %arg7[%get3A_907, %get3A_908] {strides = array<i32>} : memref<800x32xf32, #tpu.memory_space<vmem>>, vector<1x16xf32>,
      %get3A_910 = vector.shape_cast %get3A_909 : vector<1x16xf32> to vector<16xf32>
      %add3A_911 = arith.addf %get3A_910, %get3A_835 : vector<16xf32>
      %swap3A_912 = arith.index_cast %add3A_906 : i32 to index
      %swap3A_913 = arith.constant 0 : index
      %swap3A_914 = tpu.vector_load %arg7[%swap3A_912, %swap3A_913] {strides = array<i32>} : memref<800x32xf32, #tpu.memory_space<vmem>>, vector<1x16xf32>,
      %swap3A_915 = vector.shape_cast %swap3A_914 : vector<1x16xf32> to vector<16xf32>
      %swap3A_916 = vector.shape_cast %add3A_911 : vector<16xf32> to vector<1x16xf32>
      tpu.vector_store %arg7[%swap3A_912, %swap3A_913], %swap3A_916 {strides = array<i32>} : memref<800x32xf32, #tpu.memory_space<vmem>>, vector<1x16xf32>,
      %get3A_917 = arith.index_cast %add3A_906 : i32 to index
      %get3A_918 = arith.constant 16 : index
      %get3A_919 = tpu.vector_load %arg7[%get3A_917, %get3A_918] {strides = array<i32>} : memref<800x32xf32, #tpu.memory_space<vmem>>, vector<1x16xf32>,
      %get3A_920 = vector.shape_cast %get3A_919 : vector<1x16xf32> to vector<16xf32>
      %add3A_921 = arith.addf %get3A_920, %get3A_839 : vector<16xf32>
      %swap3A_922 = arith.index_cast %add3A_906 : i32 to index
      %swap3A_923 = arith.constant 16 : index
      %swap3A_924 = tpu.vector_load %arg7[%swap3A_922, %swap3A_923] {strides = array<i32>} : memref<800x32xf32, #tpu.memory_space<vmem>>, vector<1x16xf32>,
      %swap3A_925 = vector.shape_cast %swap3A_924 : vector<1x16xf32> to vector<16xf32>
      %swap3A_926 = vector.shape_cast %add3A_921 : vector<16xf32> to vector<1x16xf32>
      tpu.vector_store %arg7[%swap3A_922, %swap3A_923], %swap3A_926 {strides = array<i32>} : memref<800x32xf32, #tpu.memory_space<vmem>>, vector<1x16xf32>,
    }
    %scan3A_25 = arith.constant 200 : i32
    %add3A_26 = arith.constant 0 : i32
    %add3A_27 = arith.addi %mul3A_2, %add3A_26 : i32
    %dma_start3A_28 = arith.constant 0 : i32
    %dma_start3A_29 = tpu.memref_slice %arg5[%add3A_27, %dma_start3A_28] : memref<819200x32xf32, #tpu.memory_space<hbm>> -> memref<800x32xf32, #tpu.memory_space<hbm>>
    %dma_start3A_30 = arith.constant 0 : i32
    %dma_start3A_31 = tpu.memref_slice %arg5[%add3A_27, %dma_start3A_30] : memref<819200x32xf32, #tpu.memory_space<hbm>> -> memref<800x32xf32, #tpu.memory_space<hbm>>
    tpu.enqueue_dma source(%arg7 : memref<800x32xf32, #tpu.memory_space<vmem>>) target(%dma_start3A_31 : memref<800x32xf32, #tpu.memory_space<hbm>>) target_semaphore(%arg14 : memref<!tpu.dma_semaphore, #tpu.memory_space<semaphore_mem>>)
    %dma_wait3A_32 = arith.constant 0 : i32
    %dma_wait3A_33 = tpu.memref_slice %arg5[%add3A_27, %dma_wait3A_32] : memref<819200x32xf32, #tpu.memory_space<hbm>> -> memref<800x32xf32, #tpu.memory_space<hbm>>
    %dma_wait3A_34 = arith.constant 0 : i32
    %dma_wait3A_35 = tpu.memref_slice %arg5[%add3A_27, %dma_wait3A_34] : memref<819200x32xf32, #tpu.memory_space<hbm>> -> memref<800x32xf32, #tpu.memory_space<hbm>>
    tpu.wait_dma2 semaphore(%arg14 : memref<!tpu.dma_semaphore, #tpu.memory_space<semaphore_mem>>) src(%arg7 : memref<800x32xf32, #tpu.memory_space<vmem>>) dst(%dma_wait3A_35 : memref<800x32xf32, #tpu.memory_space<hbm>>)
    %dma_start3A_36 = arith.constant 2400 : i32
    %dma_start3A_37 = tpu.memref_slice %arg6[%dma_start3A_36] : memref<25600xi32, #tpu.memory_space<vmem>> -> memref<800xi32, #tpu.memory_space<vmem>>
    %dma_start3A_38 = arith.constant 0 : i32
    %dma_start3A_39 = arith.constant 0 : i32
    %dma_start3A_40 = tpu.memref_slice %arg2[%dma_start3A_38, %dma_start3A_39] : memref<1000000x32xf32, #tpu.memory_space<hbm>> -> memref<1000000x32xf32, #tpu.memory_space<hbm>>
    tpu.enqueue_indirect_dma source(%dma_start3A_40 : memref<1000000x32xf32, #tpu.memory_space<hbm>>) target(%arg7 : memref<800x32xf32, #tpu.memory_space<vmem>>) offsets(%dma_start3A_37 : memref<800xi32, #tpu.memory_space<vmem>>) semaphore(%arg11 : memref<!tpu.dma_semaphore, #tpu.memory_space<semaphore_mem>>)
    %dma_wait3A_41 = arith.constant 800 : i32
    %dma_wait3A_42 = tpu.memref_slice %arg6[%dma_wait3A_41] : memref<25600xi32, #tpu.memory_space<vmem>> -> memref<800xi32, #tpu.memory_space<vmem>>
    %dma_wait3A_43 = arith.constant 0 : i32
    %dma_wait3A_44 = arith.constant 0 : i32
    %dma_wait3A_45 = tpu.memref_slice %arg2[%dma_wait3A_43, %dma_wait3A_44] : memref<1000000x32xf32, #tpu.memory_space<hbm>> -> memref<1000000x32xf32, #tpu.memory_space<hbm>>
    tpu.wait_indirect_dma semaphore(%arg12 : memref<!tpu.dma_semaphore, #tpu.memory_space<semaphore_mem>>) src(%dma_wait3A_45 : memref<1000000x32xf32, #tpu.memory_space<hbm>>) dst(%arg8 : memref<800x32xf32, #tpu.memory_space<vmem>>)
    %scan3A_46 = arith.constant 0 : i32
    %scan3A_47 = arith.constant 0 : i32
    %scan3A_48 = arith.constant 200 : i32
    %scan3A_49 = arith.addi %scan3A_47, %scan3A_48 : i32
    %scan3A_50 = arith.constant 1 : i32
    scf.for %scan3A_832 = %scan3A_47 to %scan3A_49 step %scan3A_50  : i32 {
      %get3A = arith.index_cast %scan3A_832 : i32 to index
      %get3A_833 = arith.constant 0 : index
      %get3A_834 = tpu.vector_load %arg10[%get3A, %get3A_833] {strides = array<i32>} : memref<200x32xf32, #tpu.memory_space<vmem>>, vector<1x16xf32>,
      %get3A_835 = vector.shape_cast %get3A_834 : vector<1x16xf32> to vector<16xf32>
      %get3A_836 = arith.index_cast %scan3A_832 : i32 to index
      %get3A_837 = arith.constant 16 : index
      %get3A_838 = tpu.vector_load %arg10[%get3A_836, %get3A_837] {strides = array<i32>} : memref<200x32xf32, #tpu.memory_space<vmem>>, vector<1x16xf32>,
      %get3A_839 = vector.shape_cast %get3A_838 : vector<1x16xf32> to vector<16xf32>
      %add3A_840 = arith.constant 0 : i32
      %add3A_841 = arith.addi %add3A_840, %scan3A_832 : i32
      %get3A_842 = arith.index_cast %add3A_841 : i32 to index
      %get3A_843 = arith.constant 0 : index
      %get3A_844 = tpu.vector_load %arg8[%get3A_842, %get3A_843] {strides = array<i32>} : memref<800x32xf32, #tpu.memory_space<vmem>>, vector<1x16xf32>,
      %get3A_845 = vector.shape_cast %get3A_844 : vector<1x16xf32> to vector<16xf32>
      %add3A_846 = arith.addf %get3A_845, %get3A_835 : vector<16xf32>
      %swap3A = arith.index_cast %add3A_841 : i32 to index
      %swap3A_847 = arith.constant 0 : index
      %swap3A_848 = tpu.vector_load %arg8[%swap3A, %swap3A_847] {strides = array<i32>} : memref<800x32xf32, #tpu.memory_space<vmem>>, vector<1x16xf32>,
      %swap3A_849 = vector.shape_cast %swap3A_848 : vector<1x16xf32> to vector<16xf32>
      %swap3A_850 = vector.shape_cast %add3A_846 : vector<16xf32> to vector<1x16xf32>
      tpu.vector_store %arg8[%swap3A, %swap3A_847], %swap3A_850 {strides = array<i32>} : memref<800x32xf32, #tpu.memory_space<vmem>>, vector<1x16xf32>,
      %get3A_851 = arith.index_cast %add3A_841 : i32 to index
      %get3A_852 = arith.constant 16 : index
      %get3A_853 = tpu.vector_load %arg8[%get3A_851, %get3A_852] {strides = array<i32>} : memref<800x32xf32, #tpu.memory_space<vmem>>, vector<1x16xf32>,
      %get3A_854 = vector.shape_cast %get3A_853 : vector<1x16xf32> to vector<16xf32>
      %add3A_855 = arith.addf %get3A_854, %get3A_839 : vector<16xf32>
      %swap3A_856 = arith.index_cast %add3A_841 : i32 to index
      %swap3A_857 = arith.constant 16 : index
      %swap3A_858 = tpu.vector_load %arg8[%swap3A_856, %swap3A_857] {strides = array<i32>} : memref<800x32xf32, #tpu.memory_space<vmem>>, vector<1x16xf32>,
      %swap3A_859 = vector.shape_cast %swap3A_858 : vector<1x16xf32> to vector<16xf32>
      %swap3A_860 = vector.shape_cast %add3A_855 : vector<16xf32> to vector<1x16xf32>
      tpu.vector_store %arg8[%swap3A_856, %swap3A_857], %swap3A_860 {strides = array<i32>} : memref<800x32xf32, #tpu.memory_space<vmem>>, vector<1x16xf32>,
      %add3A_861 = arith.constant 200 : i32
      %add3A_862 = arith.addi %add3A_861, %scan3A_832 : i32
      %get3A_863 = arith.index_cast %add3A_862 : i32 to index
      %get3A_864 = arith.constant 0 : index
      %get3A_865 = tpu.vector_load %arg8[%get3A_863, %get3A_864] {strides = array<i32>} : memref<800x32xf32, #tpu.memory_space<vmem>>, vector<1x16xf32>,
      %get3A_866 = vector.shape_cast %get3A_865 : vector<1x16xf32> to vector<16xf32>
      %add3A_867 = arith.addf %get3A_866, %get3A_835 : vector<16xf32>
      %swap3A_868 = arith.index_cast %add3A_862 : i32 to index
      %swap3A_869 = arith.constant 0 : index
      %swap3A_870 = tpu.vector_load %arg8[%swap3A_868, %swap3A_869] {strides = array<i32>} : memref<800x32xf32, #tpu.memory_space<vmem>>, vector<1x16xf32>,
      %swap3A_871 = vector.shape_cast %swap3A_870 : vector<1x16xf32> to vector<16xf32>
      %swap3A_872 = vector.shape_cast %add3A_867 : vector<16xf32> to vector<1x16xf32>
      tpu.vector_store %arg8[%swap3A_868, %swap3A_869], %swap3A_872 {strides = array<i32>} : memref<800x32xf32, #tpu.memory_space<vmem>>, vector<1x16xf32>,
      %get3A_873 = arith.index_cast %add3A_862 : i32 to index
      %get3A_874 = arith.constant 16 : index
      %get3A_875 = tpu.vector_load %arg8[%get3A_873, %get3A_874] {strides = array<i32>} : memref<800x32xf32, #tpu.memory_space<vmem>>, vector<1x16xf32>,
      %get3A_876 = vector.shape_cast %get3A_875 : vector<1x16xf32> to vector<16xf32>
      %add3A_877 = arith.addf %get3A_876, %get3A_839 : vector<16xf32>
      %swap3A_878 = arith.index_cast %add3A_862 : i32 to index
      %swap3A_879 = arith.constant 16 : index
      %swap3A_880 = tpu.vector_load %arg8[%swap3A_878, %swap3A_879] {strides = array<i32>} : memref<800x32xf32, #tpu.memory_space<vmem>>, vector<1x16xf32>,
      %swap3A_881 = vector.shape_cast %swap3A_880 : vector<1x16xf32> to vector<16xf32>
      %swap3A_882 = vector.shape_cast %add3A_877 : vector<16xf32> to vector<1x16xf32>
      tpu.vector_store %arg8[%swap3A_878, %swap3A_879], %swap3A_882 {strides = array<i32>} : memref<800x32xf32, #tpu.memory_space<vmem>>, vector<1x16xf32>,
      %add3A_883 = arith.constant 400 : i32
      %add3A_884 = arith.addi %add3A_883, %scan3A_832 : i32
      %get3A_885 = arith.index_cast %add3A_884 : i32 to index
      %get3A_886 = arith.constant 0 : index
      %get3A_887 = tpu.vector_load %arg8[%get3A_885, %get3A_886] {strides = array<i32>} : memref<800x32xf32, #tpu.memory_space<vmem>>, vector<1x16xf32>,
      %get3A_888 = vector.shape_cast %get3A_887 : vector<1x16xf32> to vector<16xf32>
      %add3A_889 = arith.addf %get3A_888, %get3A_835 : vector<16xf32>
      %swap3A_890 = arith.index_cast %add3A_884 : i32 to index
      %swap3A_891 = arith.constant 0 : index
      %swap3A_892 = tpu.vector_load %arg8[%swap3A_890, %swap3A_891] {strides = array<i32>} : memref<800x32xf32, #tpu.memory_space<vmem>>, vector<1x16xf32>,
      %swap3A_893 = vector.shape_cast %swap3A_892 : vector<1x16xf32> to vector<16xf32>
      %swap3A_894 = vector.shape_cast %add3A_889 : vector<16xf32> to vector<1x16xf32>
      tpu.vector_store %arg8[%swap3A_890, %swap3A_891], %swap3A_894 {strides = array<i32>} : memref<800x32xf32, #tpu.memory_space<vmem>>, vector<1x16xf32>,
      %get3A_895 = arith.index_cast %add3A_884 : i32 to index
      %get3A_896 = arith.constant 16 : index
      %get3A_897 = tpu.vector_load %arg8[%get3A_895, %get3A_896] {strides = array<i32>} : memref<800x32xf32, #tpu.memory_space<vmem>>, vector<1x16xf32>,
      %get3A_898 = vector.shape_cast %get3A_897 : vector<1x16xf32> to vector<16xf32>
      %add3A_899 = arith.addf %get3A_898, %get3A_839 : vector<16xf32>
      %swap3A_900 = arith.index_cast %add3A_884 : i32 to index
      %swap3A_901 = arith.constant 16 : index
      %swap3A_902 = tpu.vector_load %arg8[%swap3A_900, %swap3A_901] {strides = array<i32>} : memref<800x32xf32, #tpu.memory_space<vmem>>, vector<1x16xf32>,
      %swap3A_903 = vector.shape_cast %swap3A_902 : vector<1x16xf32> to vector<16xf32>
      %swap3A_904 = vector.shape_cast %add3A_899 : vector<16xf32> to vector<1x16xf32>
      tpu.vector_store %arg8[%swap3A_900, %swap3A_901], %swap3A_904 {strides = array<i32>} : memref<800x32xf32, #tpu.memory_space<vmem>>, vector<1x16xf32>,
      %add3A_905 = arith.constant 600 : i32
      %add3A_906 = arith.addi %add3A_905, %scan3A_832 : i32
      %get3A_907 = arith.index_cast %add3A_906 : i32 to index
      %get3A_908 = arith.constant 0 : index
      %get3A_909 = tpu.vector_load %arg8[%get3A_907, %get3A_908] {strides = array<i32>} : memref<800x32xf32, #tpu.memory_space<vmem>>, vector<1x16xf32>,
      %get3A_910 = vector.shape_cast %get3A_909 : vector<1x16xf32> to vector<16xf32>
      %add3A_911 = arith.addf %get3A_910, %get3A_835 : vector<16xf32>
      %swap3A_912 = arith.index_cast %add3A_906 : i32 to index
      %swap3A_913 = arith.constant 0 : index
      %swap3A_914 = tpu.vector_load %arg8[%swap3A_912, %swap3A_913] {strides = array<i32>} : memref<800x32xf32, #tpu.memory_space<vmem>>, vector<1x16xf32>,
      %swap3A_915 = vector.shape_cast %swap3A_914 : vector<1x16xf32> to vector<16xf32>
      %swap3A_916 = vector.shape_cast %add3A_911 : vector<16xf32> to vector<1x16xf32>
      tpu.vector_store %arg8[%swap3A_912, %swap3A_913], %swap3A_916 {strides = array<i32>} : memref<800x32xf32, #tpu.memory_space<vmem>>, vector<1x16xf32>,
      %get3A_917 = arith.index_cast %add3A_906 : i32 to index
      %get3A_918 = arith.constant 16 : index
      %get3A_919 = tpu.vector_load %arg8[%get3A_917, %get3A_918] {strides = array<i32>} : memref<800x32xf32, #tpu.memory_space<vmem>>, vector<1x16xf32>,
      %get3A_920 = vector.shape_cast %get3A_919 : vector<1x16xf32> to vector<16xf32>
      %add3A_921 = arith.addf %get3A_920, %get3A_839 : vector<16xf32>
      %swap3A_922 = arith.index_cast %add3A_906 : i32 to index
      %swap3A_923 = arith.constant 16 : index
      %swap3A_924 = tpu.vector_load %arg8[%swap3A_922, %swap3A_923] {strides = array<i32>} : memref<800x32xf32, #tpu.memory_space<vmem>>, vector<1x16xf32>,
      %swap3A_925 = vector.shape_cast %swap3A_924 : vector<1x16xf32> to vector<16xf32>
      %swap3A_926 = vector.shape_cast %add3A_921 : vector<16xf32> to vector<1x16xf32>
      tpu.vector_store %arg8[%swap3A_922, %swap3A_923], %swap3A_926 {strides = array<i32>} : memref<800x32xf32, #tpu.memory_space<vmem>>, vector<1x16xf32>,
    }
    %scan3A_51 = arith.constant 200 : i32
    %add3A_52 = arith.constant 800 : i32
    %add3A_53 = arith.addi %mul3A_2, %add3A_52 : i32
    %dma_start3A_54 = arith.constant 0 : i32
    %dma_start3A_55 = tpu.memref_slice %arg5[%add3A_53, %dma_start3A_54] : memref<819200x32xf32, #tpu.memory_space<hbm>> -> memref<800x32xf32, #tpu.memory_space<hbm>>
    %dma_start3A_56 = arith.constant 0 : i32
    %dma_start3A_57 = tpu.memref_slice %arg5[%add3A_53, %dma_start3A_56] : memref<819200x32xf32, #tpu.memory_space<hbm>> -> memref<800x32xf32, #tpu.memory_space<hbm>>
    tpu.enqueue_dma source(%arg8 : memref<800x32xf32, #tpu.memory_space<vmem>>) target(%dma_start3A_57 : memref<800x32xf32, #tpu.memory_space<hbm>>) target_semaphore(%arg15 : memref<!tpu.dma_semaphore, #tpu.memory_space<semaphore_mem>>)
    %dma_wait3A_58 = arith.constant 0 : i32
    %dma_wait3A_59 = tpu.memref_slice %arg5[%add3A_53, %dma_wait3A_58] : memref<819200x32xf32, #tpu.memory_space<hbm>> -> memref<800x32xf32, #tpu.memory_space<hbm>>
    %dma_wait3A_60 = arith.constant 0 : i32
    %dma_wait3A_61 = tpu.memref_slice %arg5[%add3A_53, %dma_wait3A_60] : memref<819200x32xf32, #tpu.memory_space<hbm>> -> memref<800x32xf32, #tpu.memory_space<hbm>>
    tpu.wait_dma2 semaphore(%arg15 : memref<!tpu.dma_semaphore, #tpu.memory_space<semaphore_mem>>) src(%arg8 : memref<800x32xf32, #tpu.memory_space<vmem>>) dst(%dma_wait3A_61 : memref<800x32xf32, #tpu.memory_space<hbm>>)
    %dma_start3A_62 = arith.constant 3200 : i32
    %dma_start3A_63 = tpu.memref_slice %arg6[%dma_start3A_62] : memref<25600xi32, #tpu.memory_space<vmem>> -> memref<800xi32, #tpu.memory_space<vmem>>
    %dma_start3A_64 = arith.constant 0 : i32
    %dma_start3A_65 = arith.constant 0 : i32
    %dma_start3A_66 = tpu.memref_slice %arg2[%dma_start3A_64, %dma_start3A_65] : memref<1000000x32xf32, #tpu.memory_space<hbm>> -> memref<1000000x32xf32, #tpu.memory_space<hbm>>
    tpu.enqueue_indirect_dma source(%dma_start3A_66 : memref<1000000x32xf32, #tpu.memory_space<hbm>>) target(%arg8 : memref<800x32xf32, #tpu.memory_space<vmem>>) offsets(%dma_start3A_63 : memref<800xi32, #tpu.memory_space<vmem>>) semaphore(%arg12 : memref<!tpu.dma_semaphore, #tpu.memory_space<semaphore_mem>>)
    %dma_wait3A_67 = arith.constant 1600 : i32
    %dma_wait3A_68 = tpu.memref_slice %arg6[%dma_wait3A_67] : memref<25600xi32, #tpu.memory_space<vmem>> -> memref<800xi32, #tpu.memory_space<vmem>>
    %dma_wait3A_69 = arith.constant 0 : i32
    %dma_wait3A_70 = arith.constant 0 : i32
    %dma_wait3A_71 = tpu.memref_slice %arg2[%dma_wait3A_69, %dma_wait3A_70] : memref<1000000x32xf32, #tpu.memory_space<hbm>> -> memref<1000000x32xf32, #tpu.memory_space<hbm>>
    tpu.wait_indirect_dma semaphore(%arg13 : memref<!tpu.dma_semaphore, #tpu.memory_space<semaphore_mem>>) src(%dma_wait3A_71 : memref<1000000x32xf32, #tpu.memory_space<hbm>>) dst(%arg9 : memref<800x32xf32, #tpu.memory_space<vmem>>)
    %scan3A_72 = arith.constant 0 : i32
    %scan3A_73 = arith.constant 0 : i32
    %scan3A_74 = arith.constant 200 : i32
    %scan3A_75 = arith.addi %scan3A_73, %scan3A_74 : i32
    %scan3A_76 = arith.constant 1 : i32
    scf.for %scan3A_832 = %scan3A_73 to %scan3A_75 step %scan3A_76  : i32 {
      %get3A = arith.index_cast %scan3A_832 : i32 to index
      %get3A_833 = arith.constant 0 : index
      %get3A_834 = tpu.vector_load %arg10[%get3A, %get3A_833] {strides = array<i32>} : memref<200x32xf32, #tpu.memory_space<vmem>>, vector<1x16xf32>,
      %get3A_835 = vector.shape_cast %get3A_834 : vector<1x16xf32> to vector<16xf32>
      %get3A_836 = arith.index_cast %scan3A_832 : i32 to index
      %get3A_837 = arith.constant 16 : index
      %get3A_838 = tpu.vector_load %arg10[%get3A_836, %get3A_837] {strides = array<i32>} : memref<200x32xf32, #tpu.memory_space<vmem>>, vector<1x16xf32>,
      %get3A_839 = vector.shape_cast %get3A_838 : vector<1x16xf32> to vector<16xf32>
      %add3A_840 = arith.constant 0 : i32
      %add3A_841 = arith.addi %add3A_840, %scan3A_832 : i32
      %get3A_842 = arith.index_cast %add3A_841 : i32 to index
      %get3A_843 = arith.constant 0 : index
      %get3A_844 = tpu.vector_load %arg9[%get3A_842, %get3A_843] {strides = array<i32>} : memref<800x32xf32, #tpu.memory_space<vmem>>, vector<1x16xf32>,
      %get3A_845 = vector.shape_cast %get3A_844 : vector<1x16xf32> to vector<16xf32>
      %add3A_846 = arith.addf %get3A_845, %get3A_835 : vector<16xf32>
      %swap3A = arith.index_cast %add3A_841 : i32 to index
      %swap3A_847 = arith.constant 0 : index
      %swap3A_848 = tpu.vector_load %arg9[%swap3A, %swap3A_847] {strides = array<i32>} : memref<800x32xf32, #tpu.memory_space<vmem>>, vector<1x16xf32>,
      %swap3A_849 = vector.shape_cast %swap3A_848 : vector<1x16xf32> to vector<16xf32>
      %swap3A_850 = vector.shape_cast %add3A_846 : vector<16xf32> to vector<1x16xf32>
      tpu.vector_store %arg9[%swap3A, %swap3A_847], %swap3A_850 {strides = array<i32>} : memref<800x32xf32, #tpu.memory_space<vmem>>, vector<1x16xf32>,
      %get3A_851 = arith.index_cast %add3A_841 : i32 to index
      %get3A_852 = arith.constant 16 : index
      %get3A_853 = tpu.vector_load %arg9[%get3A_851, %get3A_852] {strides = array<i32>} : memref<800x32xf32, #tpu.memory_space<vmem>>, vector<1x16xf32>,
      %get3A_854 = vector.shape_cast %get3A_853 : vector<1x16xf32> to vector<16xf32>
      %add3A_855 = arith.addf %get3A_854, %get3A_839 : vector<16xf32>
      %swap3A_856 = arith.index_cast %add3A_841 : i32 to index
      %swap3A_857 = arith.constant 16 : index
      %swap3A_858 = tpu.vector_load %arg9[%swap3A_856, %swap3A_857] {strides = array<i32>} : memref<800x32xf32, #tpu.memory_space<vmem>>, vector<1x16xf32>,
      %swap3A_859 = vector.shape_cast %swap3A_858 : vector<1x16xf32> to vector<16xf32>
      %swap3A_860 = vector.shape_cast %add3A_855 : vector<16xf32> to vector<1x16xf32>
      tpu.vector_store %arg9[%swap3A_856, %swap3A_857], %swap3A_860 {strides = array<i32>} : memref<800x32xf32, #tpu.memory_space<vmem>>, vector<1x16xf32>,
      %add3A_861 = arith.constant 200 : i32
      %add3A_862 = arith.addi %add3A_861, %scan3A_832 : i32
      %get3A_863 = arith.index_cast %add3A_862 : i32 to index
      %get3A_864 = arith.constant 0 : index
      %get3A_865 = tpu.vector_load %arg9[%get3A_863, %get3A_864] {strides = array<i32>} : memref<800x32xf32, #tpu.memory_space<vmem>>, vector<1x16xf32>,
      %get3A_866 = vector.shape_cast %get3A_865 : vector<1x16xf32> to vector<16xf32>
      %add3A_867 = arith.addf %get3A_866, %get3A_835 : vector<16xf32>
      %swap3A_868 = arith.index_cast %add3A_862 : i32 to index
      %swap3A_869 = arith.constant 0 : index
      %swap3A_870 = tpu.vector_load %arg9[%swap3A_868, %swap3A_869] {strides = array<i32>} : memref<800x32xf32, #tpu.memory_space<vmem>>, vector<1x16xf32>,
      %swap3A_871 = vector.shape_cast %swap3A_870 : vector<1x16xf32> to vector<16xf32>
      %swap3A_872 = vector.shape_cast %add3A_867 : vector<16xf32> to vector<1x16xf32>
      tpu.vector_store %arg9[%swap3A_868, %swap3A_869], %swap3A_872 {strides = array<i32>} : memref<800x32xf32, #tpu.memory_space<vmem>>, vector<1x16xf32>,
      %get3A_873 = arith.index_cast %add3A_862 : i32 to index
      %get3A_874 = arith.constant 16 : index
      %get3A_875 = tpu.vector_load %arg9[%get3A_873, %get3A_874] {strides = array<i32>} : memref<800x32xf32, #tpu.memory_space<vmem>>, vector<1x16xf32>,
      %get3A_876 = vector.shape_cast %get3A_875 : vector<1x16xf32> to vector<16xf32>
      %add3A_877 = arith.addf %get3A_876, %get3A_839 : vector<16xf32>
      %swap3A_878 = arith.index_cast %add3A_862 : i32 to index
      %swap3A_879 = arith.constant 16 : index
      %swap3A_880 = tpu.vector_load %arg9[%swap3A_878, %swap3A_879] {strides = array<i32>} : memref<800x32xf32, #tpu.memory_space<vmem>>, vector<1x16xf32>,
      %swap3A_881 = vector.shape_cast %swap3A_880 : vector<1x16xf32> to vector<16xf32>
      %swap3A_882 = vector.shape_cast %add3A_877 : vector<16xf32> to vector<1x16xf32>
      tpu.vector_store %arg9[%swap3A_878, %swap3A_879], %swap3A_882 {strides = array<i32>} : memref<800x32xf32, #tpu.memory_space<vmem>>, vector<1x16xf32>,
      %add3A_883 = arith.constant 400 : i32
      %add3A_884 = arith.addi %add3A_883, %scan3A_832 : i32
      %get3A_885 = arith.index_cast %add3A_884 : i32 to index
      %get3A_886 = arith.constant 0 : index
      %get3A_887 = tpu.vector_load %arg9[%get3A_885, %get3A_886] {strides = array<i32>} : memref<800x32xf32, #tpu.memory_space<vmem>>, vector<1x16xf32>,
      %get3A_888 = vector.shape_cast %get3A_887 : vector<1x16xf32> to vector<16xf32>
      %add3A_889 = arith.addf %get3A_888, %get3A_835 : vector<16xf32>
      %swap3A_890 = arith.index_cast %add3A_884 : i32 to index
      %swap3A_891 = arith.constant 0 : index
      %swap3A_892 = tpu.vector_load %arg9[%swap3A_890, %swap3A_891] {strides = array<i32>} : memref<800x32xf32, #tpu.memory_space<vmem>>, vector<1x16xf32>,
      %swap3A_893 = vector.shape_cast %swap3A_892 : vector<1x16xf32> to vector<16xf32>
      %swap3A_894 = vector.shape_cast %add3A_889 : vector<16xf32> to vector<1x16xf32>
      tpu.vector_store %arg9[%swap3A_890, %swap3A_891], %swap3A_894 {strides = array<i32>} : memref<800x32xf32, #tpu.memory_space<vmem>>, vector<1x16xf32>,
      %get3A_895 = arith.index_cast %add3A_884 : i32 to index
      %get3A_896 = arith.constant 16 : index
      %get3A_897 = tpu.vector_load %arg9[%get3A_895, %get3A_896] {strides = array<i32>} : memref<800x32xf32, #tpu.memory_space<vmem>>, vector<1x16xf32>,
      %get3A_898 = vector.shape_cast %get3A_897 : vector<1x16xf32> to vector<16xf32>
      %add3A_899 = arith.addf %get3A_898, %get3A_839 : vector<16xf32>
      %swap3A_900 = arith.index_cast %add3A_884 : i32 to index
      %swap3A_901 = arith.constant 16 : index
      %swap3A_902 = tpu.vector_load %arg9[%swap3A_900, %swap3A_901] {strides = array<i32>} : memref<800x32xf32, #tpu.memory_space<vmem>>, vector<1x16xf32>,
      %swap3A_903 = vector.shape_cast %swap3A_902 : vector<1x16xf32> to vector<16xf32>
      %swap3A_904 = vector.shape_cast %add3A_899 : vector<16xf32> to vector<1x16xf32>
      tpu.vector_store %arg9[%swap3A_900, %swap3A_901], %swap3A_904 {strides = array<i32>} : memref<800x32xf32, #tpu.memory_space<vmem>>, vector<1x16xf32>,
      %add3A_905 = arith.constant 600 : i32
      %add3A_906 = arith.addi %add3A_905, %scan3A_832 : i32
      %get3A_907 = arith.index_cast %add3A_906 : i32 to index
      %get3A_908 = arith.constant 0 : index
      %get3A_909 = tpu.vector_load %arg9[%get3A_907, %get3A_908] {strides = array<i32>} : memref<800x32xf32, #tpu.memory_space<vmem>>, vector<1x16xf32>,
      %get3A_910 = vector.shape_cast %get3A_909 : vector<1x16xf32> to vector<16xf32>
      %add3A_911 = arith.addf %get3A_910, %get3A_835 : vector<16xf32>
      %swap3A_912 = arith.index_cast %add3A_906 : i32 to index
      %swap3A_913 = arith.constant 0 : index
      %swap3A_914 = tpu.vector_load %arg9[%swap3A_912, %swap3A_913] {strides = array<i32>} : memref<800x32xf32, #tpu.memory_space<vmem>>, vector<1x16xf32>,
      %swap3A_915 = vector.shape_cast %swap3A_914 : vector<1x16xf32> to vector<16xf32>
      %swap3A_916 = vector.shape_cast %add3A_911 : vector<16xf32> to vector<1x16xf32>
      tpu.vector_store %arg9[%swap3A_912, %swap3A_913], %swap3A_916 {strides = array<i32>} : memref<800x32xf32, #tpu.memory_space<vmem>>, vector<1x16xf32>,
      %get3A_917 = arith.index_cast %add3A_906 : i32 to index
      %get3A_918 = arith.constant 16 : index
      %get3A_919 = tpu.vector_load %arg9[%get3A_917, %get3A_918] {strides = array<i32>} : memref<800x32xf32, #tpu.memory_space<vmem>>, vector<1x16xf32>,
      %get3A_920 = vector.shape_cast %get3A_919 : vector<1x16xf32> to vector<16xf32>
      %add3A_921 = arith.addf %get3A_920, %get3A_839 : vector<16xf32>
      %swap3A_922 = arith.index_cast %add3A_906 : i32 to index
      %swap3A_923 = arith.constant 16 : index
      %swap3A_924 = tpu.vector_load %arg9[%swap3A_922, %swap3A_923] {strides = array<i32>} : memref<800x32xf32, #tpu.memory_space<vmem>>, vector<1x16xf32>,
      %swap3A_925 = vector.shape_cast %swap3A_924 : vector<1x16xf32> to vector<16xf32>
      %swap3A_926 = vector.shape_cast %add3A_921 : vector<16xf32> to vector<1x16xf32>
      tpu.vector_store %arg9[%swap3A_922, %swap3A_923], %swap3A_926 {strides = array<i32>} : memref<800x32xf32, #tpu.memory_space<vmem>>, vector<1x16xf32>,
    }
    %scan3A_77 = arith.constant 200 : i32
    %add3A_78 = arith.constant 1600 : i32
    %add3A_79 = arith.addi %mul3A_2, %add3A_78 : i32
    %dma_start3A_80 = arith.constant 0 : i32
    %dma_start3A_81 = tpu.memref_slice %arg5[%add3A_79, %dma_start3A_80] : memref<819200x32xf32, #tpu.memory_space<hbm>> -> memref<800x32xf32, #tpu.memory_space<hbm>>
    %dma_start3A_82 = arith.constant 0 : i32
    %dma_start3A_83 = tpu.memref_slice %arg5[%add3A_79, %dma_start3A_82] : memref<819200x32xf32, #tpu.memory_space<hbm>> -> memref<800x32xf32, #tpu.memory_space<hbm>>
    tpu.enqueue_dma source(%arg9 : memref<800x32xf32, #tpu.memory_space<vmem>>) target(%dma_start3A_83 : memref<800x32xf32, #tpu.memory_space<hbm>>) target_semaphore(%arg16 : memref<!tpu.dma_semaphore, #tpu.memory_space<semaphore_mem>>)
    %dma_wait3A_84 = arith.constant 0 : i32
    %dma_wait3A_85 = tpu.memref_slice %arg5[%add3A_79, %dma_wait3A_84] : memref<819200x32xf32, #tpu.memory_space<hbm>> -> memref<800x32xf32, #tpu.memory_space<hbm>>
    %dma_wait3A_86 = arith.constant 0 : i32
    %dma_wait3A_87 = tpu.memref_slice %arg5[%add3A_79, %dma_wait3A_86] : memref<819200x32xf32, #tpu.memory_space<hbm>> -> memref<800x32xf32, #tpu.memory_space<hbm>>
    tpu.wait_dma2 semaphore(%arg16 : memref<!tpu.dma_semaphore, #tpu.memory_space<semaphore_mem>>) src(%arg9 : memref<800x32xf32, #tpu.memory_space<vmem>>) dst(%dma_wait3A_87 : memref<800x32xf32, #tpu.memory_space<hbm>>)
    %dma_start3A_88 = arith.constant 4000 : i32
    %dma_start3A_89 = tpu.memref_slice %arg6[%dma_start3A_88] : memref<25600xi32, #tpu.memory_space<vmem>> -> memref<800xi32, #tpu.memory_space<vmem>>
    %dma_start3A_90 = arith.constant 0 : i32
    %dma_start3A_91 = arith.constant 0 : i32
    %dma_start3A_92 = tpu.memref_slice %arg2[%dma_start3A_90, %dma_start3A_91] : memref<1000000x32xf32, #tpu.memory_space<hbm>> -> memref<1000000x32xf32, #tpu.memory_space<hbm>>
    tpu.enqueue_indirect_dma source(%dma_start3A_92 : memref<1000000x32xf32, #tpu.memory_space<hbm>>) target(%arg9 : memref<800x32xf32, #tpu.memory_space<vmem>>) offsets(%dma_start3A_89 : memref<800xi32, #tpu.memory_space<vmem>>) semaphore(%arg13 : memref<!tpu.dma_semaphore, #tpu.memory_space<semaphore_mem>>)
    %dma_wait3A_93 = arith.constant 2400 : i32
    %dma_wait3A_94 = tpu.memref_slice %arg6[%dma_wait3A_93] : memref<25600xi32, #tpu.memory_space<vmem>> -> memref<800xi32, #tpu.memory_space<vmem>>
    %dma_wait3A_95 = arith.constant 0 : i32
    %dma_wait3A_96 = arith.constant 0 : i32
    %dma_wait3A_97 = tpu.memref_slice %arg2[%dma_wait3A_95, %dma_wait3A_96] : memref<1000000x32xf32, #tpu.memory_space<hbm>> -> memref<1000000x32xf32, #tpu.memory_space<hbm>>
    tpu.wait_indirect_dma semaphore(%arg11 : memref<!tpu.dma_semaphore, #tpu.memory_space<semaphore_mem>>) src(%dma_wait3A_97 : memref<1000000x32xf32, #tpu.memory_space<hbm>>) dst(%arg7 : memref<800x32xf32, #tpu.memory_space<vmem>>)
    %scan3A_98 = arith.constant 0 : i32
    %scan3A_99 = arith.constant 0 : i32
    %scan3A_100 = arith.constant 200 : i32
    %scan3A_101 = arith.addi %scan3A_99, %scan3A_100 : i32
    %scan3A_102 = arith.constant 1 : i32
    scf.for %scan3A_832 = %scan3A_99 to %scan3A_101 step %scan3A_102  : i32 {
      %get3A = arith.index_cast %scan3A_832 : i32 to index
      %get3A_833 = arith.constant 0 : index
      %get3A_834 = tpu.vector_load %arg10[%get3A, %get3A_833] {strides = array<i32>} : memref<200x32xf32, #tpu.memory_space<vmem>>, vector<1x16xf32>,
      %get3A_835 = vector.shape_cast %get3A_834 : vector<1x16xf32> to vector<16xf32>
      %get3A_836 = arith.index_cast %scan3A_832 : i32 to index
      %get3A_837 = arith.constant 16 : index
      %get3A_838 = tpu.vector_load %arg10[%get3A_836, %get3A_837] {strides = array<i32>} : memref<200x32xf32, #tpu.memory_space<vmem>>, vector<1x16xf32>,
      %get3A_839 = vector.shape_cast %get3A_838 : vector<1x16xf32> to vector<16xf32>
      %add3A_840 = arith.constant 0 : i32
      %add3A_841 = arith.addi %add3A_840, %scan3A_832 : i32
      %get3A_842 = arith.index_cast %add3A_841 : i32 to index
      %get3A_843 = arith.constant 0 : index
      %get3A_844 = tpu.vector_load %arg7[%get3A_842, %get3A_843] {strides = array<i32>} : memref<800x32xf32, #tpu.memory_space<vmem>>, vector<1x16xf32>,
      %get3A_845 = vector.shape_cast %get3A_844 : vector<1x16xf32> to vector<16xf32>
      %add3A_846 = arith.addf %get3A_845, %get3A_835 : vector<16xf32>
      %swap3A = arith.index_cast %add3A_841 : i32 to index
      %swap3A_847 = arith.constant 0 : index
      %swap3A_848 = tpu.vector_load %arg7[%swap3A, %swap3A_847] {strides = array<i32>} : memref<800x32xf32, #tpu.memory_space<vmem>>, vector<1x16xf32>,
      %swap3A_849 = vector.shape_cast %swap3A_848 : vector<1x16xf32> to vector<16xf32>
      %swap3A_850 = vector.shape_cast %add3A_846 : vector<16xf32> to vector<1x16xf32>
      tpu.vector_store %arg7[%swap3A, %swap3A_847], %swap3A_850 {strides = array<i32>} : memref<800x32xf32, #tpu.memory_space<vmem>>, vector<1x16xf32>,
      %get3A_851 = arith.index_cast %add3A_841 : i32 to index
      %get3A_852 = arith.constant 16 : index
      %get3A_853 = tpu.vector_load %arg7[%get3A_851, %get3A_852] {strides = array<i32>} : memref<800x32xf32, #tpu.memory_space<vmem>>, vector<1x16xf32>,
      %get3A_854 = vector.shape_cast %get3A_853 : vector<1x16xf32> to vector<16xf32>
      %add3A_855 = arith.addf %get3A_854, %get3A_839 : vector<16xf32>
      %swap3A_856 = arith.index_cast %add3A_841 : i32 to index
      %swap3A_857 = arith.constant 16 : index
      %swap3A_858 = tpu.vector_load %arg7[%swap3A_856, %swap3A_857] {strides = array<i32>} : memref<800x32xf32, #tpu.memory_space<vmem>>, vector<1x16xf32>,
      %swap3A_859 = vector.shape_cast %swap3A_858 : vector<1x16xf32> to vector<16xf32>
      %swap3A_860 = vector.shape_cast %add3A_855 : vector<16xf32> to vector<1x16xf32>
      tpu.vector_store %arg7[%swap3A_856, %swap3A_857], %swap3A_860 {strides = array<i32>} : memref<800x32xf32, #tpu.memory_space<vmem>>, vector<1x16xf32>,
      %add3A_861 = arith.constant 200 : i32
      %add3A_862 = arith.addi %add3A_861, %scan3A_832 : i32
      %get3A_863 = arith.index_cast %add3A_862 : i32 to index
      %get3A_864 = arith.constant 0 : index
      %get3A_865 = tpu.vector_load %arg7[%get3A_863, %get3A_864] {strides = array<i32>} : memref<800x32xf32, #tpu.memory_space<vmem>>, vector<1x16xf32>,
      %get3A_866 = vector.shape_cast %get3A_865 : vector<1x16xf32> to vector<16xf32>
      %add3A_867 = arith.addf %get3A_866, %get3A_835 : vector<16xf32>
      %swap3A_868 = arith.index_cast %add3A_862 : i32 to index
      %swap3A_869 = arith.constant 0 : index
      %swap3A_870 = tpu.vector_load %arg7[%swap3A_868, %swap3A_869] {strides = array<i32>} : memref<800x32xf32, #tpu.memory_space<vmem>>, vector<1x16xf32>,
      %swap3A_871 = vector.shape_cast %swap3A_870 : vector<1x16xf32> to vector<16xf32>
      %swap3A_872 = vector.shape_cast %add3A_867 : vector<16xf32> to vector<1x16xf32>
      tpu.vector_store %arg7[%swap3A_868, %swap3A_869], %swap3A_872 {strides = array<i32>} : memref<800x32xf32, #tpu.memory_space<vmem>>, vector<1x16xf32>,
      %get3A_873 = arith.index_cast %add3A_862 : i32 to index
      %get3A_874 = arith.constant 16 : index
      %get3A_875 = tpu.vector_load %arg7[%get3A_873, %get3A_874] {strides = array<i32>} : memref<800x32xf32, #tpu.memory_space<vmem>>, vector<1x16xf32>,
      %get3A_876 = vector.shape_cast %get3A_875 : vector<1x16xf32> to vector<16xf32>
      %add3A_877 = arith.addf %get3A_876, %get3A_839 : vector<16xf32>
      %swap3A_878 = arith.index_cast %add3A_862 : i32 to index
      %swap3A_879 = arith.constant 16 : index
      %swap3A_880 = tpu.vector_load %arg7[%swap3A_878, %swap3A_879] {strides = array<i32>} : memref<800x32xf32, #tpu.memory_space<vmem>>, vector<1x16xf32>,
      %swap3A_881 = vector.shape_cast %swap3A_880 : vector<1x16xf32> to vector<16xf32>
      %swap3A_882 = vector.shape_cast %add3A_877 : vector<16xf32> to vector<1x16xf32>
      tpu.vector_store %arg7[%swap3A_878, %swap3A_879], %swap3A_882 {strides = array<i32>} : memref<800x32xf32, #tpu.memory_space<vmem>>, vector<1x16xf32>,
      %add3A_883 = arith.constant 400 : i32
      %add3A_884 = arith.addi %add3A_883, %scan3A_832 : i32
      %get3A_885 = arith.index_cast %add3A_884 : i32 to index
      %get3A_886 = arith.constant 0 : index
      %get3A_887 = tpu.vector_load %arg7[%get3A_885, %get3A_886] {strides = array<i32>} : memref<800x32xf32, #tpu.memory_space<vmem>>, vector<1x16xf32>,
      %get3A_888 = vector.shape_cast %get3A_887 : vector<1x16xf32> to vector<16xf32>
      %add3A_889 = arith.addf %get3A_888, %get3A_835 : vector<16xf32>
      %swap3A_890 = arith.index_cast %add3A_884 : i32 to index
      %swap3A_891 = arith.constant 0 : index
      %swap3A_892 = tpu.vector_load %arg7[%swap3A_890, %swap3A_891] {strides = array<i32>} : memref<800x32xf32, #tpu.memory_space<vmem>>, vector<1x16xf32>,
      %swap3A_893 = vector.shape_cast %swap3A_892 : vector<1x16xf32> to vector<16xf32>
      %swap3A_894 = vector.shape_cast %add3A_889 : vector<16xf32> to vector<1x16xf32>
      tpu.vector_store %arg7[%swap3A_890, %swap3A_891], %swap3A_894 {strides = array<i32>} : memref<800x32xf32, #tpu.memory_space<vmem>>, vector<1x16xf32>,
      %get3A_895 = arith.index_cast %add3A_884 : i32 to index
      %get3A_896 = arith.constant 16 : index
      %get3A_897 = tpu.vector_load %arg7[%get3A_895, %get3A_896] {strides = array<i32>} : memref<800x32xf32, #tpu.memory_space<vmem>>, vector<1x16xf32>,
      %get3A_898 = vector.shape_cast %get3A_897 : vector<1x16xf32> to vector<16xf32>
      %add3A_899 = arith.addf %get3A_898, %get3A_839 : vector<16xf32>
      %swap3A_900 = arith.index_cast %add3A_884 : i32 to index
      %swap3A_901 = arith.constant 16 : index
      %swap3A_902 = tpu.vector_load %arg7[%swap3A_900, %swap3A_901] {strides = array<i32>} : memref<800x32xf32, #tpu.memory_space<vmem>>, vector<1x16xf32>,
      %swap3A_903 = vector.shape_cast %swap3A_902 : vector<1x16xf32> to vector<16xf32>
      %swap3A_904 = vector.shape_cast %add3A_899 : vector<16xf32> to vector<1x16xf32>
      tpu.vector_store %arg7[%swap3A_900, %swap3A_901], %swap3A_904 {strides = array<i32>} : memref<800x32xf32, #tpu.memory_space<vmem>>, vector<1x16xf32>,
      %add3A_905 = arith.constant 600 : i32
      %add3A_906 = arith.addi %add3A_905, %scan3A_832 : i32
      %get3A_907 = arith.index_cast %add3A_906 : i32 to index
      %get3A_908 = arith.constant 0 : index
      %get3A_909 = tpu.vector_load %arg7[%get3A_907, %get3A_908] {strides = array<i32>} : memref<800x32xf32, #tpu.memory_space<vmem>>, vector<1x16xf32>,
      %get3A_910 = vector.shape_cast %get3A_909 : vector<1x16xf32> to vector<16xf32>
      %add3A_911 = arith.addf %get3A_910, %get3A_835 : vector<16xf32>
      %swap3A_912 = arith.index_cast %add3A_906 : i32 to index
      %swap3A_913 = arith.constant 0 : index
      %swap3A_914 = tpu.vector_load %arg7[%swap3A_912, %swap3A_913] {strides = array<i32>} : memref<800x32xf32, #tpu.memory_space<vmem>>, vector<1x16xf32>,
      %swap3A_915 = vector.shape_cast %swap3A_914 : vector<1x16xf32> to vector<16xf32>
      %swap3A_916 = vector.shape_cast %add3A_911 : vector<16xf32> to vector<1x16xf32>
      tpu.vector_store %arg7[%swap3A_912, %swap3A_913], %swap3A_916 {strides = array<i32>} : memref<800x32xf32, #tpu.memory_space<vmem>>, vector<1x16xf32>,
      %get3A_917 = arith.index_cast %add3A_906 : i32 to index
      %get3A_918 = arith.constant 16 : index
      %get3A_919 = tpu.vector_load %arg7[%get3A_917, %get3A_918] {strides = array<i32>} : memref<800x32xf32, #tpu.memory_space<vmem>>, vector<1x16xf32>,
      %get3A_920 = vector.shape_cast %get3A_919 : vector<1x16xf32> to vector<16xf32>
      %add3A_921 = arith.addf %get3A_920, %get3A_839 : vector<16xf32>
      %swap3A_922 = arith.index_cast %add3A_906 : i32 to index
      %swap3A_923 = arith.constant 16 : index
      %swap3A_924 = tpu.vector_load %arg7[%swap3A_922, %swap3A_923] {strides = array<i32>} : memref<800x32xf32, #tpu.memory_space<vmem>>, vector<1x16xf32>,
      %swap3A_925 = vector.shape_cast %swap3A_924 : vector<1x16xf32> to vector<16xf32>
      %swap3A_926 = vector.shape_cast %add3A_921 : vector<16xf32> to vector<1x16xf32>
      tpu.vector_store %arg7[%swap3A_922, %swap3A_923], %swap3A_926 {strides = array<i32>} : memref<800x32xf32, #tpu.memory_space<vmem>>, vector<1x16xf32>,
    }
    %scan3A_103 = arith.constant 200 : i32
    %add3A_104 = arith.constant 2400 : i32
    %add3A_105 = arith.addi %mul3A_2, %add3A_104 : i32
    %dma_start3A_106 = arith.constant 0 : i32
    %dma_start3A_107 = tpu.memref_slice %arg5[%add3A_105, %dma_start3A_106] : memref<819200x32xf32, #tpu.memory_space<hbm>> -> memref<800x32xf32, #tpu.memory_space<hbm>>
    %dma_start3A_108 = arith.constant 0 : i32
    %dma_start3A_109 = tpu.memref_slice %arg5[%add3A_105, %dma_start3A_108] : memref<819200x32xf32, #tpu.memory_space<hbm>> -> memref<800x32xf32, #tpu.memory_space<hbm>>
    tpu.enqueue_dma source(%arg7 : memref<800x32xf32, #tpu.memory_space<vmem>>) target(%dma_start3A_109 : memref<800x32xf32, #tpu.memory_space<hbm>>) target_semaphore(%arg14 : memref<!tpu.dma_semaphore, #tpu.memory_space<semaphore_mem>>)
    %dma_wait3A_110 = arith.constant 0 : i32
    %dma_wait3A_111 = tpu.memref_slice %arg5[%add3A_105, %dma_wait3A_110] : memref<819200x32xf32, #tpu.memory_space<hbm>> -> memref<800x32xf32, #tpu.memory_space<hbm>>
    %dma_wait3A_112 = arith.constant 0 : i32
    %dma_wait3A_113 = tpu.memref_slice %arg5[%add3A_105, %dma_wait3A_112] : memref<819200x32xf32, #tpu.memory_space<hbm>> -> memref<800x32xf32, #tpu.memory_space<hbm>>
    tpu.wait_dma2 semaphore(%arg14 : memref<!tpu.dma_semaphore, #tpu.memory_space<semaphore_mem>>) src(%arg7 : memref<800x32xf32, #tpu.memory_space<vmem>>) dst(%dma_wait3A_113 : memref<800x32xf32, #tpu.memory_space<hbm>>)
    %dma_start3A_114 = arith.constant 4800 : i32
    %dma_start3A_115 = tpu.memref_slice %arg6[%dma_start3A_114] : memref<25600xi32, #tpu.memory_space<vmem>> -> memref<800xi32, #tpu.memory_space<vmem>>
    %dma_start3A_116 = arith.constant 0 : i32
    %dma_start3A_117 = arith.constant 0 : i32
    %dma_start3A_118 = tpu.memref_slice %arg2[%dma_start3A_116, %dma_start3A_117] : memref<1000000x32xf32, #tpu.memory_space<hbm>> -> memref<1000000x32xf32, #tpu.memory_space<hbm>>
    tpu.enqueue_indirect_dma source(%dma_start3A_118 : memref<1000000x32xf32, #tpu.memory_space<hbm>>) target(%arg7 : memref<800x32xf32, #tpu.memory_space<vmem>>) offsets(%dma_start3A_115 : memref<800xi32, #tpu.memory_space<vmem>>) semaphore(%arg11 : memref<!tpu.dma_semaphore, #tpu.memory_space<semaphore_mem>>)
    %dma_wait3A_119 = arith.constant 3200 : i32
    %dma_wait3A_120 = tpu.memref_slice %arg6[%dma_wait3A_119] : memref<25600xi32, #tpu.memory_space<vmem>> -> memref<800xi32, #tpu.memory_space<vmem>>
    %dma_wait3A_121 = arith.constant 0 : i32
    %dma_wait3A_122 = arith.constant 0 : i32
    %dma_wait3A_123 = tpu.memref_slice %arg2[%dma_wait3A_121, %dma_wait3A_122] : memref<1000000x32xf32, #tpu.memory_space<hbm>> -> memref<1000000x32xf32, #tpu.memory_space<hbm>>
    tpu.wait_indirect_dma semaphore(%arg12 : memref<!tpu.dma_semaphore, #tpu.memory_space<semaphore_mem>>) src(%dma_wait3A_123 : memref<1000000x32xf32, #tpu.memory_space<hbm>>) dst(%arg8 : memref<800x32xf32, #tpu.memory_space<vmem>>)
    %scan3A_124 = arith.constant 0 : i32
    %scan3A_125 = arith.constant 0 : i32
    %scan3A_126 = arith.constant 200 : i32
    %scan3A_127 = arith.addi %scan3A_125, %scan3A_126 : i32
    %scan3A_128 = arith.constant 1 : i32
    scf.for %scan3A_832 = %scan3A_125 to %scan3A_127 step %scan3A_128  : i32 {
      %get3A = arith.index_cast %scan3A_832 : i32 to index
      %get3A_833 = arith.constant 0 : index
      %get3A_834 = tpu.vector_load %arg10[%get3A, %get3A_833] {strides = array<i32>} : memref<200x32xf32, #tpu.memory_space<vmem>>, vector<1x16xf32>,
      %get3A_835 = vector.shape_cast %get3A_834 : vector<1x16xf32> to vector<16xf32>
      %get3A_836 = arith.index_cast %scan3A_832 : i32 to index
      %get3A_837 = arith.constant 16 : index
      %get3A_838 = tpu.vector_load %arg10[%get3A_836, %get3A_837] {strides = array<i32>} : memref<200x32xf32, #tpu.memory_space<vmem>>, vector<1x16xf32>,
      %get3A_839 = vector.shape_cast %get3A_838 : vector<1x16xf32> to vector<16xf32>
      %add3A_840 = arith.constant 0 : i32
      %add3A_841 = arith.addi %add3A_840, %scan3A_832 : i32
      %get3A_842 = arith.index_cast %add3A_841 : i32 to index
      %get3A_843 = arith.constant 0 : index
      %get3A_844 = tpu.vector_load %arg8[%get3A_842, %get3A_843] {strides = array<i32>} : memref<800x32xf32, #tpu.memory_space<vmem>>, vector<1x16xf32>,
      %get3A_845 = vector.shape_cast %get3A_844 : vector<1x16xf32> to vector<16xf32>
      %add3A_846 = arith.addf %get3A_845, %get3A_835 : vector<16xf32>
      %swap3A = arith.index_cast %add3A_841 : i32 to index
      %swap3A_847 = arith.constant 0 : index
      %swap3A_848 = tpu.vector_load %arg8[%swap3A, %swap3A_847] {strides = array<i32>} : memref<800x32xf32, #tpu.memory_space<vmem>>, vector<1x16xf32>,
      %swap3A_849 = vector.shape_cast %swap3A_848 : vector<1x16xf32> to vector<16xf32>
      %swap3A_850 = vector.shape_cast %add3A_846 : vector<16xf32> to vector<1x16xf32>
      tpu.vector_store %arg8[%swap3A, %swap3A_847], %swap3A_850 {strides = array<i32>} : memref<800x32xf32, #tpu.memory_space<vmem>>, vector<1x16xf32>,
      %get3A_851 = arith.index_cast %add3A_841 : i32 to index
      %get3A_852 = arith.constant 16 : index
      %get3A_853 = tpu.vector_load %arg8[%get3A_851, %get3A_852] {strides = array<i32>} : memref<800x32xf32, #tpu.memory_space<vmem>>, vector<1x16xf32>,
      %get3A_854 = vector.shape_cast %get3A_853 : vector<1x16xf32> to vector<16xf32>
      %add3A_855 = arith.addf %get3A_854, %get3A_839 : vector<16xf32>
      %swap3A_856 = arith.index_cast %add3A_841 : i32 to index
      %swap3A_857 = arith.constant 16 : index
      %swap3A_858 = tpu.vector_load %arg8[%swap3A_856, %swap3A_857] {strides = array<i32>} : memref<800x32xf32, #tpu.memory_space<vmem>>, vector<1x16xf32>,
      %swap3A_859 = vector.shape_cast %swap3A_858 : vector<1x16xf32> to vector<16xf32>
      %swap3A_860 = vector.shape_cast %add3A_855 : vector<16xf32> to vector<1x16xf32>
      tpu.vector_store %arg8[%swap3A_856, %swap3A_857], %swap3A_860 {strides = array<i32>} : memref<800x32xf32, #tpu.memory_space<vmem>>, vector<1x16xf32>,
      %add3A_861 = arith.constant 200 : i32
      %add3A_862 = arith.addi %add3A_861, %scan3A_832 : i32
      %get3A_863 = arith.index_cast %add3A_862 : i32 to index
      %get3A_864 = arith.constant 0 : index
      %get3A_865 = tpu.vector_load %arg8[%get3A_863, %get3A_864] {strides = array<i32>} : memref<800x32xf32, #tpu.memory_space<vmem>>, vector<1x16xf32>,
      %get3A_866 = vector.shape_cast %get3A_865 : vector<1x16xf32> to vector<16xf32>
      %add3A_867 = arith.addf %get3A_866, %get3A_835 : vector<16xf32>
      %swap3A_868 = arith.index_cast %add3A_862 : i32 to index
      %swap3A_869 = arith.constant 0 : index
      %swap3A_870 = tpu.vector_load %arg8[%swap3A_868, %swap3A_869] {strides = array<i32>} : memref<800x32xf32, #tpu.memory_space<vmem>>, vector<1x16xf32>,
      %swap3A_871 = vector.shape_cast %swap3A_870 : vector<1x16xf32> to vector<16xf32>
      %swap3A_872 = vector.shape_cast %add3A_867 : vector<16xf32> to vector<1x16xf32>
      tpu.vector_store %arg8[%swap3A_868, %swap3A_869], %swap3A_872 {strides = array<i32>} : memref<800x32xf32, #tpu.memory_space<vmem>>, vector<1x16xf32>,
      %get3A_873 = arith.index_cast %add3A_862 : i32 to index
      %get3A_874 = arith.constant 16 : index
      %get3A_875 = tpu.vector_load %arg8[%get3A_873, %get3A_874] {strides = array<i32>} : memref<800x32xf32, #tpu.memory_space<vmem>>, vector<1x16xf32>,
      %get3A_876 = vector.shape_cast %get3A_875 : vector<1x16xf32> to vector<16xf32>
      %add3A_877 = arith.addf %get3A_876, %get3A_839 : vector<16xf32>
      %swap3A_878 = arith.index_cast %add3A_862 : i32 to index
      %swap3A_879 = arith.constant 16 : index
      %swap3A_880 = tpu.vector_load %arg8[%swap3A_878, %swap3A_879] {strides = array<i32>} : memref<800x32xf32, #tpu.memory_space<vmem>>, vector<1x16xf32>,
      %swap3A_881 = vector.shape_cast %swap3A_880 : vector<1x16xf32> to vector<16xf32>
      %swap3A_882 = vector.shape_cast %add3A_877 : vector<16xf32> to vector<1x16xf32>
      tpu.vector_store %arg8[%swap3A_878, %swap3A_879], %swap3A_882 {strides = array<i32>} : memref<800x32xf32, #tpu.memory_space<vmem>>, vector<1x16xf32>,
      %add3A_883 = arith.constant 400 : i32
      %add3A_884 = arith.addi %add3A_883, %scan3A_832 : i32
      %get3A_885 = arith.index_cast %add3A_884 : i32 to index
      %get3A_886 = arith.constant 0 : index
      %get3A_887 = tpu.vector_load %arg8[%get3A_885, %get3A_886] {strides = array<i32>} : memref<800x32xf32, #tpu.memory_space<vmem>>, vector<1x16xf32>,
      %get3A_888 = vector.shape_cast %get3A_887 : vector<1x16xf32> to vector<16xf32>
      %add3A_889 = arith.addf %get3A_888, %get3A_835 : vector<16xf32>
      %swap3A_890 = arith.index_cast %add3A_884 : i32 to index
      %swap3A_891 = arith.constant 0 : index
      %swap3A_892 = tpu.vector_load %arg8[%swap3A_890, %swap3A_891] {strides = array<i32>} : memref<800x32xf32, #tpu.memory_space<vmem>>, vector<1x16xf32>,
      %swap3A_893 = vector.shape_cast %swap3A_892 : vector<1x16xf32> to vector<16xf32>
      %swap3A_894 = vector.shape_cast %add3A_889 : vector<16xf32> to vector<1x16xf32>
      tpu.vector_store %arg8[%swap3A_890, %swap3A_891], %swap3A_894 {strides = array<i32>} : memref<800x32xf32, #tpu.memory_space<vmem>>, vector<1x16xf32>,
      %get3A_895 = arith.index_cast %add3A_884 : i32 to index
      %get3A_896 = arith.constant 16 : index
      %get3A_897 = tpu.vector_load %arg8[%get3A_895, %get3A_896] {strides = array<i32>} : memref<800x32xf32, #tpu.memory_space<vmem>>, vector<1x16xf32>,
      %get3A_898 = vector.shape_cast %get3A_897 : vector<1x16xf32> to vector<16xf32>
      %add3A_899 = arith.addf %get3A_898, %get3A_839 : vector<16xf32>
      %swap3A_900 = arith.index_cast %add3A_884 : i32 to index
      %swap3A_901 = arith.constant 16 : index
      %swap3A_902 = tpu.vector_load %arg8[%swap3A_900, %swap3A_901] {strides = array<i32>} : memref<800x32xf32, #tpu.memory_space<vmem>>, vector<1x16xf32>,
      %swap3A_903 = vector.shape_cast %swap3A_902 : vector<1x16xf32> to vector<16xf32>
      %swap3A_904 = vector.shape_cast %add3A_899 : vector<16xf32> to vector<1x16xf32>
      tpu.vector_store %arg8[%swap3A_900, %swap3A_901], %swap3A_904 {strides = array<i32>} : memref<800x32xf32, #tpu.memory_space<vmem>>, vector<1x16xf32>,
      %add3A_905 = arith.constant 600 : i32
      %add3A_906 = arith.addi %add3A_905, %scan3A_832 : i32
      %get3A_907 = arith.index_cast %add3A_906 : i32 to index
      %get3A_908 = arith.constant 0 : index
      %get3A_909 = tpu.vector_load %arg8[%get3A_907, %get3A_908] {strides = array<i32>} : memref<800x32xf32, #tpu.memory_space<vmem>>, vector<1x16xf32>,
      %get3A_910 = vector.shape_cast %get3A_909 : vector<1x16xf32> to vector<16xf32>
      %add3A_911 = arith.addf %get3A_910, %get3A_835 : vector<16xf32>
      %swap3A_912 = arith.index_cast %add3A_906 : i32 to index
      %swap3A_913 = arith.constant 0 : index
      %swap3A_914 = tpu.vector_load %arg8[%swap3A_912, %swap3A_913] {strides = array<i32>} : memref<800x32xf32, #tpu.memory_space<vmem>>, vector<1x16xf32>,
      %swap3A_915 = vector.shape_cast %swap3A_914 : vector<1x16xf32> to vector<16xf32>
      %swap3A_916 = vector.shape_cast %add3A_911 : vector<16xf32> to vector<1x16xf32>
      tpu.vector_store %arg8[%swap3A_912, %swap3A_913], %swap3A_916 {strides = array<i32>} : memref<800x32xf32, #tpu.memory_space<vmem>>, vector<1x16xf32>,
      %get3A_917 = arith.index_cast %add3A_906 : i32 to index
      %get3A_918 = arith.constant 16 : index
      %get3A_919 = tpu.vector_load %arg8[%get3A_917, %get3A_918] {strides = array<i32>} : memref<800x32xf32, #tpu.memory_space<vmem>>, vector<1x16xf32>,
      %get3A_920 = vector.shape_cast %get3A_919 : vector<1x16xf32> to vector<16xf32>
      %add3A_921 = arith.addf %get3A_920, %get3A_839 : vector<16xf32>
      %swap3A_922 = arith.index_cast %add3A_906 : i32 to index
      %swap3A_923 = arith.constant 16 : index
      %swap3A_924 = tpu.vector_load %arg8[%swap3A_922, %swap3A_923] {strides = array<i32>} : memref<800x32xf32, #tpu.memory_space<vmem>>, vector<1x16xf32>,
      %swap3A_925 = vector.shape_cast %swap3A_924 : vector<1x16xf32> to vector<16xf32>
      %swap3A_926 = vector.shape_cast %add3A_921 : vector<16xf32> to vector<1x16xf32>
      tpu.vector_store %arg8[%swap3A_922, %swap3A_923], %swap3A_926 {strides = array<i32>} : memref<800x32xf32, #tpu.memory_space<vmem>>, vector<1x16xf32>,
    }
    %scan3A_129 = arith.constant 200 : i32
    %add3A_130 = arith.constant 3200 : i32
    %add3A_131 = arith.addi %mul3A_2, %add3A_130 : i32
    %dma_start3A_132 = arith.constant 0 : i32
    %dma_start3A_133 = tpu.memref_slice %arg5[%add3A_131, %dma_start3A_132] : memref<819200x32xf32, #tpu.memory_space<hbm>> -> memref<800x32xf32, #tpu.memory_space<hbm>>
    %dma_start3A_134 = arith.constant 0 : i32
    %dma_start3A_135 = tpu.memref_slice %arg5[%add3A_131, %dma_start3A_134] : memref<819200x32xf32, #tpu.memory_space<hbm>> -> memref<800x32xf32, #tpu.memory_space<hbm>>
    tpu.enqueue_dma source(%arg8 : memref<800x32xf32, #tpu.memory_space<vmem>>) target(%dma_start3A_135 : memref<800x32xf32, #tpu.memory_space<hbm>>) target_semaphore(%arg15 : memref<!tpu.dma_semaphore, #tpu.memory_space<semaphore_mem>>)
    %dma_wait3A_136 = arith.constant 0 : i32
    %dma_wait3A_137 = tpu.memref_slice %arg5[%add3A_131, %dma_wait3A_136] : memref<819200x32xf32, #tpu.memory_space<hbm>> -> memref<800x32xf32, #tpu.memory_space<hbm>>
    %dma_wait3A_138 = arith.constant 0 : i32
    %dma_wait3A_139 = tpu.memref_slice %arg5[%add3A_131, %dma_wait3A_138] : memref<819200x32xf32, #tpu.memory_space<hbm>> -> memref<800x32xf32, #tpu.memory_space<hbm>>
    tpu.wait_dma2 semaphore(%arg15 : memref<!tpu.dma_semaphore, #tpu.memory_space<semaphore_mem>>) src(%arg8 : memref<800x32xf32, #tpu.memory_space<vmem>>) dst(%dma_wait3A_139 : memref<800x32xf32, #tpu.memory_space<hbm>>)
    %dma_start3A_140 = arith.constant 5600 : i32
    %dma_start3A_141 = tpu.memref_slice %arg6[%dma_start3A_140] : memref<25600xi32, #tpu.memory_space<vmem>> -> memref<800xi32, #tpu.memory_space<vmem>>
    %dma_start3A_142 = arith.constant 0 : i32
    %dma_start3A_143 = arith.constant 0 : i32
    %dma_start3A_144 = tpu.memref_slice %arg2[%dma_start3A_142, %dma_start3A_143] : memref<1000000x32xf32, #tpu.memory_space<hbm>> -> memref<1000000x32xf32, #tpu.memory_space<hbm>>
    tpu.enqueue_indirect_dma source(%dma_start3A_144 : memref<1000000x32xf32, #tpu.memory_space<hbm>>) target(%arg8 : memref<800x32xf32, #tpu.memory_space<vmem>>) offsets(%dma_start3A_141 : memref<800xi32, #tpu.memory_space<vmem>>) semaphore(%arg12 : memref<!tpu.dma_semaphore, #tpu.memory_space<semaphore_mem>>)
    %dma_wait3A_145 = arith.constant 4000 : i32
    %dma_wait3A_146 = tpu.memref_slice %arg6[%dma_wait3A_145] : memref<25600xi32, #tpu.memory_space<vmem>> -> memref<800xi32, #tpu.memory_space<vmem>>
    %dma_wait3A_147 = arith.constant 0 : i32
    %dma_wait3A_148 = arith.constant 0 : i32
    %dma_wait3A_149 = tpu.memref_slice %arg2[%dma_wait3A_147, %dma_wait3A_148] : memref<1000000x32xf32, #tpu.memory_space<hbm>> -> memref<1000000x32xf32, #tpu.memory_space<hbm>>
    tpu.wait_indirect_dma semaphore(%arg13 : memref<!tpu.dma_semaphore, #tpu.memory_space<semaphore_mem>>) src(%dma_wait3A_149 : memref<1000000x32xf32, #tpu.memory_space<hbm>>) dst(%arg9 : memref<800x32xf32, #tpu.memory_space<vmem>>)
    %scan3A_150 = arith.constant 0 : i32
    %scan3A_151 = arith.constant 0 : i32
    %scan3A_152 = arith.constant 200 : i32
    %scan3A_153 = arith.addi %scan3A_151, %scan3A_152 : i32
    %scan3A_154 = arith.constant 1 : i32
    scf.for %scan3A_832 = %scan3A_151 to %scan3A_153 step %scan3A_154  : i32 {
      %get3A = arith.index_cast %scan3A_832 : i32 to index
      %get3A_833 = arith.constant 0 : index
      %get3A_834 = tpu.vector_load %arg10[%get3A, %get3A_833] {strides = array<i32>} : memref<200x32xf32, #tpu.memory_space<vmem>>, vector<1x16xf32>,
      %get3A_835 = vector.shape_cast %get3A_834 : vector<1x16xf32> to vector<16xf32>
      %get3A_836 = arith.index_cast %scan3A_832 : i32 to index
      %get3A_837 = arith.constant 16 : index
      %get3A_838 = tpu.vector_load %arg10[%get3A_836, %get3A_837] {strides = array<i32>} : memref<200x32xf32, #tpu.memory_space<vmem>>, vector<1x16xf32>,
      %get3A_839 = vector.shape_cast %get3A_838 : vector<1x16xf32> to vector<16xf32>
      %add3A_840 = arith.constant 0 : i32
      %add3A_841 = arith.addi %add3A_840, %scan3A_832 : i32
      %get3A_842 = arith.index_cast %add3A_841 : i32 to index
      %get3A_843 = arith.constant 0 : index
      %get3A_844 = tpu.vector_load %arg9[%get3A_842, %get3A_843] {strides = array<i32>} : memref<800x32xf32, #tpu.memory_space<vmem>>, vector<1x16xf32>,
      %get3A_845 = vector.shape_cast %get3A_844 : vector<1x16xf32> to vector<16xf32>
      %add3A_846 = arith.addf %get3A_845, %get3A_835 : vector<16xf32>
      %swap3A = arith.index_cast %add3A_841 : i32 to index
      %swap3A_847 = arith.constant 0 : index
      %swap3A_848 = tpu.vector_load %arg9[%swap3A, %swap3A_847] {strides = array<i32>} : memref<800x32xf32, #tpu.memory_space<vmem>>, vector<1x16xf32>,
      %swap3A_849 = vector.shape_cast %swap3A_848 : vector<1x16xf32> to vector<16xf32>
      %swap3A_850 = vector.shape_cast %add3A_846 : vector<16xf32> to vector<1x16xf32>
      tpu.vector_store %arg9[%swap3A, %swap3A_847], %swap3A_850 {strides = array<i32>} : memref<800x32xf32, #tpu.memory_space<vmem>>, vector<1x16xf32>,
      %get3A_851 = arith.index_cast %add3A_841 : i32 to index
      %get3A_852 = arith.constant 16 : index
      %get3A_853 = tpu.vector_load %arg9[%get3A_851, %get3A_852] {strides = array<i32>} : memref<800x32xf32, #tpu.memory_space<vmem>>, vector<1x16xf32>,
      %get3A_854 = vector.shape_cast %get3A_853 : vector<1x16xf32> to vector<16xf32>
      %add3A_855 = arith.addf %get3A_854, %get3A_839 : vector<16xf32>
      %swap3A_856 = arith.index_cast %add3A_841 : i32 to index
      %swap3A_857 = arith.constant 16 : index
      %swap3A_858 = tpu.vector_load %arg9[%swap3A_856, %swap3A_857] {strides = array<i32>} : memref<800x32xf32, #tpu.memory_space<vmem>>, vector<1x16xf32>,
      %swap3A_859 = vector.shape_cast %swap3A_858 : vector<1x16xf32> to vector<16xf32>
      %swap3A_860 = vector.shape_cast %add3A_855 : vector<16xf32> to vector<1x16xf32>
      tpu.vector_store %arg9[%swap3A_856, %swap3A_857], %swap3A_860 {strides = array<i32>} : memref<800x32xf32, #tpu.memory_space<vmem>>, vector<1x16xf32>,
      %add3A_861 = arith.constant 200 : i32
      %add3A_862 = arith.addi %add3A_861, %scan3A_832 : i32
      %get3A_863 = arith.index_cast %add3A_862 : i32 to index
      %get3A_864 = arith.constant 0 : index
      %get3A_865 = tpu.vector_load %arg9[%get3A_863, %get3A_864] {strides = array<i32>} : memref<800x32xf32, #tpu.memory_space<vmem>>, vector<1x16xf32>,
      %get3A_866 = vector.shape_cast %get3A_865 : vector<1x16xf32> to vector<16xf32>
      %add3A_867 = arith.addf %get3A_866, %get3A_835 : vector<16xf32>
      %swap3A_868 = arith.index_cast %add3A_862 : i32 to index
      %swap3A_869 = arith.constant 0 : index
      %swap3A_870 = tpu.vector_load %arg9[%swap3A_868, %swap3A_869] {strides = array<i32>} : memref<800x32xf32, #tpu.memory_space<vmem>>, vector<1x16xf32>,
      %swap3A_871 = vector.shape_cast %swap3A_870 : vector<1x16xf32> to vector<16xf32>
      %swap3A_872 = vector.shape_cast %add3A_867 : vector<16xf32> to vector<1x16xf32>
      tpu.vector_store %arg9[%swap3A_868, %swap3A_869], %swap3A_872 {strides = array<i32>} : memref<800x32xf32, #tpu.memory_space<vmem>>, vector<1x16xf32>,
      %get3A_873 = arith.index_cast %add3A_862 : i32 to index
      %get3A_874 = arith.constant 16 : index
      %get3A_875 = tpu.vector_load %arg9[%get3A_873, %get3A_874] {strides = array<i32>} : memref<800x32xf32, #tpu.memory_space<vmem>>, vector<1x16xf32>,
      %get3A_876 = vector.shape_cast %get3A_875 : vector<1x16xf32> to vector<16xf32>
      %add3A_877 = arith.addf %get3A_876, %get3A_839 : vector<16xf32>
      %swap3A_878 = arith.index_cast %add3A_862 : i32 to index
      %swap3A_879 = arith.constant 16 : index
      %swap3A_880 = tpu.vector_load %arg9[%swap3A_878, %swap3A_879] {strides = array<i32>} : memref<800x32xf32, #tpu.memory_space<vmem>>, vector<1x16xf32>,
      %swap3A_881 = vector.shape_cast %swap3A_880 : vector<1x16xf32> to vector<16xf32>
      %swap3A_882 = vector.shape_cast %add3A_877 : vector<16xf32> to vector<1x16xf32>
      tpu.vector_store %arg9[%swap3A_878, %swap3A_879], %swap3A_882 {strides = array<i32>} : memref<800x32xf32, #tpu.memory_space<vmem>>, vector<1x16xf32>,
      %add3A_883 = arith.constant 400 : i32
      %add3A_884 = arith.addi %add3A_883, %scan3A_832 : i32
      %get3A_885 = arith.index_cast %add3A_884 : i32 to index
      %get3A_886 = arith.constant 0 : index
      %get3A_887 = tpu.vector_load %arg9[%get3A_885, %get3A_886] {strides = array<i32>} : memref<800x32xf32, #tpu.memory_space<vmem>>, vector<1x16xf32>,
      %get3A_888 = vector.shape_cast %get3A_887 : vector<1x16xf32> to vector<16xf32>
      %add3A_889 = arith.addf %get3A_888, %get3A_835 : vector<16xf32>
      %swap3A_890 = arith.index_cast %add3A_884 : i32 to index
      %swap3A_891 = arith.constant 0 : index
      %swap3A_892 = tpu.vector_load %arg9[%swap3A_890, %swap3A_891] {strides = array<i32>} : memref<800x32xf32, #tpu.memory_space<vmem>>, vector<1x16xf32>,
      %swap3A_893 = vector.shape_cast %swap3A_892 : vector<1x16xf32> to vector<16xf32>
      %swap3A_894 = vector.shape_cast %add3A_889 : vector<16xf32> to vector<1x16xf32>
      tpu.vector_store %arg9[%swap3A_890, %swap3A_891], %swap3A_894 {strides = array<i32>} : memref<800x32xf32, #tpu.memory_space<vmem>>, vector<1x16xf32>,
      %get3A_895 = arith.index_cast %add3A_884 : i32 to index
      %get3A_896 = arith.constant 16 : index
      %get3A_897 = tpu.vector_load %arg9[%get3A_895, %get3A_896] {strides = array<i32>} : memref<800x32xf32, #tpu.memory_space<vmem>>, vector<1x16xf32>,
      %get3A_898 = vector.shape_cast %get3A_897 : vector<1x16xf32> to vector<16xf32>
      %add3A_899 = arith.addf %get3A_898, %get3A_839 : vector<16xf32>
      %swap3A_900 = arith.index_cast %add3A_884 : i32 to index
      %swap3A_901 = arith.constant 16 : index
      %swap3A_902 = tpu.vector_load %arg9[%swap3A_900, %swap3A_901] {strides = array<i32>} : memref<800x32xf32, #tpu.memory_space<vmem>>, vector<1x16xf32>,
      %swap3A_903 = vector.shape_cast %swap3A_902 : vector<1x16xf32> to vector<16xf32>
      %swap3A_904 = vector.shape_cast %add3A_899 : vector<16xf32> to vector<1x16xf32>
      tpu.vector_store %arg9[%swap3A_900, %swap3A_901], %swap3A_904 {strides = array<i32>} : memref<800x32xf32, #tpu.memory_space<vmem>>, vector<1x16xf32>,
      %add3A_905 = arith.constant 600 : i32
      %add3A_906 = arith.addi %add3A_905, %scan3A_832 : i32
      %get3A_907 = arith.index_cast %add3A_906 : i32 to index
      %get3A_908 = arith.constant 0 : index
      %get3A_909 = tpu.vector_load %arg9[%get3A_907, %get3A_908] {strides = array<i32>} : memref<800x32xf32, #tpu.memory_space<vmem>>, vector<1x16xf32>,
      %get3A_910 = vector.shape_cast %get3A_909 : vector<1x16xf32> to vector<16xf32>
      %add3A_911 = arith.addf %get3A_910, %get3A_835 : vector<16xf32>
      %swap3A_912 = arith.index_cast %add3A_906 : i32 to index
      %swap3A_913 = arith.constant 0 : index
      %swap3A_914 = tpu.vector_load %arg9[%swap3A_912, %swap3A_913] {strides = array<i32>} : memref<800x32xf32, #tpu.memory_space<vmem>>, vector<1x16xf32>,
      %swap3A_915 = vector.shape_cast %swap3A_914 : vector<1x16xf32> to vector<16xf32>
      %swap3A_916 = vector.shape_cast %add3A_911 : vector<16xf32> to vector<1x16xf32>
      tpu.vector_store %arg9[%swap3A_912, %swap3A_913], %swap3A_916 {strides = array<i32>} : memref<800x32xf32, #tpu.memory_space<vmem>>, vector<1x16xf32>,
      %get3A_917 = arith.index_cast %add3A_906 : i32 to index
      %get3A_918 = arith.constant 16 : index
      %get3A_919 = tpu.vector_load %arg9[%get3A_917, %get3A_918] {strides = array<i32>} : memref<800x32xf32, #tpu.memory_space<vmem>>, vector<1x16xf32>,
      %get3A_920 = vector.shape_cast %get3A_919 : vector<1x16xf32> to vector<16xf32>
      %add3A_921 = arith.addf %get3A_920, %get3A_839 : vector<16xf32>
      %swap3A_922 = arith.index_cast %add3A_906 : i32 to index
      %swap3A_923 = arith.constant 16 : index
      %swap3A_924 = tpu.vector_load %arg9[%swap3A_922, %swap3A_923] {strides = array<i32>} : memref<800x32xf32, #tpu.memory_space<vmem>>, vector<1x16xf32>,
      %swap3A_925 = vector.shape_cast %swap3A_924 : vector<1x16xf32> to vector<16xf32>
      %swap3A_926 = vector.shape_cast %add3A_921 : vector<16xf32> to vector<1x16xf32>
      tpu.vector_store %arg9[%swap3A_922, %swap3A_923], %swap3A_926 {strides = array<i32>} : memref<800x32xf32, #tpu.memory_space<vmem>>, vector<1x16xf32>,
    }
    %scan3A_155 = arith.constant 200 : i32
    %add3A_156 = arith.constant 4000 : i32
    %add3A_157 = arith.addi %mul3A_2, %add3A_156 : i32
    %dma_start3A_158 = arith.constant 0 : i32
    %dma_start3A_159 = tpu.memref_slice %arg5[%add3A_157, %dma_start3A_158] : memref<819200x32xf32, #tpu.memory_space<hbm>> -> memref<800x32xf32, #tpu.memory_space<hbm>>
    %dma_start3A_160 = arith.constant 0 : i32
    %dma_start3A_161 = tpu.memref_slice %arg5[%add3A_157, %dma_start3A_160] : memref<819200x32xf32, #tpu.memory_space<hbm>> -> memref<800x32xf32, #tpu.memory_space<hbm>>
    tpu.enqueue_dma source(%arg9 : memref<800x32xf32, #tpu.memory_space<vmem>>) target(%dma_start3A_161 : memref<800x32xf32, #tpu.memory_space<hbm>>) target_semaphore(%arg16 : memref<!tpu.dma_semaphore, #tpu.memory_space<semaphore_mem>>)
    %dma_wait3A_162 = arith.constant 0 : i32
    %dma_wait3A_163 = tpu.memref_slice %arg5[%add3A_157, %dma_wait3A_162] : memref<819200x32xf32, #tpu.memory_space<hbm>> -> memref<800x32xf32, #tpu.memory_space<hbm>>
    %dma_wait3A_164 = arith.constant 0 : i32
    %dma_wait3A_165 = tpu.memref_slice %arg5[%add3A_157, %dma_wait3A_164] : memref<819200x32xf32, #tpu.memory_space<hbm>> -> memref<800x32xf32, #tpu.memory_space<hbm>>
    tpu.wait_dma2 semaphore(%arg16 : memref<!tpu.dma_semaphore, #tpu.memory_space<semaphore_mem>>) src(%arg9 : memref<800x32xf32, #tpu.memory_space<vmem>>) dst(%dma_wait3A_165 : memref<800x32xf32, #tpu.memory_space<hbm>>)
    %dma_start3A_166 = arith.constant 6400 : i32
    %dma_start3A_167 = tpu.memref_slice %arg6[%dma_start3A_166] : memref<25600xi32, #tpu.memory_space<vmem>> -> memref<800xi32, #tpu.memory_space<vmem>>
    %dma_start3A_168 = arith.constant 0 : i32
    %dma_start3A_169 = arith.constant 0 : i32
    %dma_start3A_170 = tpu.memref_slice %arg2[%dma_start3A_168, %dma_start3A_169] : memref<1000000x32xf32, #tpu.memory_space<hbm>> -> memref<1000000x32xf32, #tpu.memory_space<hbm>>
    tpu.enqueue_indirect_dma source(%dma_start3A_170 : memref<1000000x32xf32, #tpu.memory_space<hbm>>) target(%arg9 : memref<800x32xf32, #tpu.memory_space<vmem>>) offsets(%dma_start3A_167 : memref<800xi32, #tpu.memory_space<vmem>>) semaphore(%arg13 : memref<!tpu.dma_semaphore, #tpu.memory_space<semaphore_mem>>)
    %dma_wait3A_171 = arith.constant 4800 : i32
    %dma_wait3A_172 = tpu.memref_slice %arg6[%dma_wait3A_171] : memref<25600xi32, #tpu.memory_space<vmem>> -> memref<800xi32, #tpu.memory_space<vmem>>
    %dma_wait3A_173 = arith.constant 0 : i32
    %dma_wait3A_174 = arith.constant 0 : i32
    %dma_wait3A_175 = tpu.memref_slice %arg2[%dma_wait3A_173, %dma_wait3A_174] : memref<1000000x32xf32, #tpu.memory_space<hbm>> -> memref<1000000x32xf32, #tpu.memory_space<hbm>>
    tpu.wait_indirect_dma semaphore(%arg11 : memref<!tpu.dma_semaphore, #tpu.memory_space<semaphore_mem>>) src(%dma_wait3A_175 : memref<1000000x32xf32, #tpu.memory_space<hbm>>) dst(%arg7 : memref<800x32xf32, #tpu.memory_space<vmem>>)
    %scan3A_176 = arith.constant 0 : i32
    %scan3A_177 = arith.constant 0 : i32
    %scan3A_178 = arith.constant 200 : i32
    %scan3A_179 = arith.addi %scan3A_177, %scan3A_178 : i32
    %scan3A_180 = arith.constant 1 : i32
    scf.for %scan3A_832 = %scan3A_177 to %scan3A_179 step %scan3A_180  : i32 {
      %get3A = arith.index_cast %scan3A_832 : i32 to index
      %get3A_833 = arith.constant 0 : index
      %get3A_834 = tpu.vector_load %arg10[%get3A, %get3A_833] {strides = array<i32>} : memref<200x32xf32, #tpu.memory_space<vmem>>, vector<1x16xf32>,
      %get3A_835 = vector.shape_cast %get3A_834 : vector<1x16xf32> to vector<16xf32>
      %get3A_836 = arith.index_cast %scan3A_832 : i32 to index
      %get3A_837 = arith.constant 16 : index
      %get3A_838 = tpu.vector_load %arg10[%get3A_836, %get3A_837] {strides = array<i32>} : memref<200x32xf32, #tpu.memory_space<vmem>>, vector<1x16xf32>,
      %get3A_839 = vector.shape_cast %get3A_838 : vector<1x16xf32> to vector<16xf32>
      %add3A_840 = arith.constant 0 : i32
      %add3A_841 = arith.addi %add3A_840, %scan3A_832 : i32
      %get3A_842 = arith.index_cast %add3A_841 : i32 to index
      %get3A_843 = arith.constant 0 : index
      %get3A_844 = tpu.vector_load %arg7[%get3A_842, %get3A_843] {strides = array<i32>} : memref<800x32xf32, #tpu.memory_space<vmem>>, vector<1x16xf32>,
      %get3A_845 = vector.shape_cast %get3A_844 : vector<1x16xf32> to vector<16xf32>
      %add3A_846 = arith.addf %get3A_845, %get3A_835 : vector<16xf32>
      %swap3A = arith.index_cast %add3A_841 : i32 to index
      %swap3A_847 = arith.constant 0 : index
      %swap3A_848 = tpu.vector_load %arg7[%swap3A, %swap3A_847] {strides = array<i32>} : memref<800x32xf32, #tpu.memory_space<vmem>>, vector<1x16xf32>,
      %swap3A_849 = vector.shape_cast %swap3A_848 : vector<1x16xf32> to vector<16xf32>
      %swap3A_850 = vector.shape_cast %add3A_846 : vector<16xf32> to vector<1x16xf32>
      tpu.vector_store %arg7[%swap3A, %swap3A_847], %swap3A_850 {strides = array<i32>} : memref<800x32xf32, #tpu.memory_space<vmem>>, vector<1x16xf32>,
      %get3A_851 = arith.index_cast %add3A_841 : i32 to index
      %get3A_852 = arith.constant 16 : index
      %get3A_853 = tpu.vector_load %arg7[%get3A_851, %get3A_852] {strides = array<i32>} : memref<800x32xf32, #tpu.memory_space<vmem>>, vector<1x16xf32>,
      %get3A_854 = vector.shape_cast %get3A_853 : vector<1x16xf32> to vector<16xf32>
      %add3A_855 = arith.addf %get3A_854, %get3A_839 : vector<16xf32>
      %swap3A_856 = arith.index_cast %add3A_841 : i32 to index
      %swap3A_857 = arith.constant 16 : index
      %swap3A_858 = tpu.vector_load %arg7[%swap3A_856, %swap3A_857] {strides = array<i32>} : memref<800x32xf32, #tpu.memory_space<vmem>>, vector<1x16xf32>,
      %swap3A_859 = vector.shape_cast %swap3A_858 : vector<1x16xf32> to vector<16xf32>
      %swap3A_860 = vector.shape_cast %add3A_855 : vector<16xf32> to vector<1x16xf32>
      tpu.vector_store %arg7[%swap3A_856, %swap3A_857], %swap3A_860 {strides = array<i32>} : memref<800x32xf32, #tpu.memory_space<vmem>>, vector<1x16xf32>,
      %add3A_861 = arith.constant 200 : i32
      %add3A_862 = arith.addi %add3A_861, %scan3A_832 : i32
      %get3A_863 = arith.index_cast %add3A_862 : i32 to index
      %get3A_864 = arith.constant 0 : index
      %get3A_865 = tpu.vector_load %arg7[%get3A_863, %get3A_864] {strides = array<i32>} : memref<800x32xf32, #tpu.memory_space<vmem>>, vector<1x16xf32>,
      %get3A_866 = vector.shape_cast %get3A_865 : vector<1x16xf32> to vector<16xf32>
      %add3A_867 = arith.addf %get3A_866, %get3A_835 : vector<16xf32>
      %swap3A_868 = arith.index_cast %add3A_862 : i32 to index
      %swap3A_869 = arith.constant 0 : index
      %swap3A_870 = tpu.vector_load %arg7[%swap3A_868, %swap3A_869] {strides = array<i32>} : memref<800x32xf32, #tpu.memory_space<vmem>>, vector<1x16xf32>,
      %swap3A_871 = vector.shape_cast %swap3A_870 : vector<1x16xf32> to vector<16xf32>
      %swap3A_872 = vector.shape_cast %add3A_867 : vector<16xf32> to vector<1x16xf32>
      tpu.vector_store %arg7[%swap3A_868, %swap3A_869], %swap3A_872 {strides = array<i32>} : memref<800x32xf32, #tpu.memory_space<vmem>>, vector<1x16xf32>,
      %get3A_873 = arith.index_cast %add3A_862 : i32 to index
      %get3A_874 = arith.constant 16 : index
      %get3A_875 = tpu.vector_load %arg7[%get3A_873, %get3A_874] {strides = array<i32>} : memref<800x32xf32, #tpu.memory_space<vmem>>, vector<1x16xf32>,
      %get3A_876 = vector.shape_cast %get3A_875 : vector<1x16xf32> to vector<16xf32>
      %add3A_877 = arith.addf %get3A_876, %get3A_839 : vector<16xf32>
      %swap3A_878 = arith.index_cast %add3A_862 : i32 to index
      %swap3A_879 = arith.constant 16 : index
      %swap3A_880 = tpu.vector_load %arg7[%swap3A_878, %swap3A_879] {strides = array<i32>} : memref<800x32xf32, #tpu.memory_space<vmem>>, vector<1x16xf32>,
      %swap3A_881 = vector.shape_cast %swap3A_880 : vector<1x16xf32> to vector<16xf32>
      %swap3A_882 = vector.shape_cast %add3A_877 : vector<16xf32> to vector<1x16xf32>
      tpu.vector_store %arg7[%swap3A_878, %swap3A_879], %swap3A_882 {strides = array<i32>} : memref<800x32xf32, #tpu.memory_space<vmem>>, vector<1x16xf32>,
      %add3A_883 = arith.constant 400 : i32
      %add3A_884 = arith.addi %add3A_883, %scan3A_832 : i32
      %get3A_885 = arith.index_cast %add3A_884 : i32 to index
      %get3A_886 = arith.constant 0 : index
      %get3A_887 = tpu.vector_load %arg7[%get3A_885, %get3A_886] {strides = array<i32>} : memref<800x32xf32, #tpu.memory_space<vmem>>, vector<1x16xf32>,
      %get3A_888 = vector.shape_cast %get3A_887 : vector<1x16xf32> to vector<16xf32>
      %add3A_889 = arith.addf %get3A_888, %get3A_835 : vector<16xf32>
      %swap3A_890 = arith.index_cast %add3A_884 : i32 to index
      %swap3A_891 = arith.constant 0 : index
      %swap3A_892 = tpu.vector_load %arg7[%swap3A_890, %swap3A_891] {strides = array<i32>} : memref<800x32xf32, #tpu.memory_space<vmem>>, vector<1x16xf32>,
      %swap3A_893 = vector.shape_cast %swap3A_892 : vector<1x16xf32> to vector<16xf32>
      %swap3A_894 = vector.shape_cast %add3A_889 : vector<16xf32> to vector<1x16xf32>
      tpu.vector_store %arg7[%swap3A_890, %swap3A_891], %swap3A_894 {strides = array<i32>} : memref<800x32xf32, #tpu.memory_space<vmem>>, vector<1x16xf32>,
      %get3A_895 = arith.index_cast %add3A_884 : i32 to index
      %get3A_896 = arith.constant 16 : index
      %get3A_897 = tpu.vector_load %arg7[%get3A_895, %get3A_896] {strides = array<i32>} : memref<800x32xf32, #tpu.memory_space<vmem>>, vector<1x16xf32>,
      %get3A_898 = vector.shape_cast %get3A_897 : vector<1x16xf32> to vector<16xf32>
      %add3A_899 = arith.addf %get3A_898, %get3A_839 : vector<16xf32>
      %swap3A_900 = arith.index_cast %add3A_884 : i32 to index
      %swap3A_901 = arith.constant 16 : index
      %swap3A_902 = tpu.vector_load %arg7[%swap3A_900, %swap3A_901] {strides = array<i32>} : memref<800x32xf32, #tpu.memory_space<vmem>>, vector<1x16xf32>,
      %swap3A_903 = vector.shape_cast %swap3A_902 : vector<1x16xf32> to vector<16xf32>
      %swap3A_904 = vector.shape_cast %add3A_899 : vector<16xf32> to vector<1x16xf32>
      tpu.vector_store %arg7[%swap3A_900, %swap3A_901], %swap3A_904 {strides = array<i32>} : memref<800x32xf32, #tpu.memory_space<vmem>>, vector<1x16xf32>,
      %add3A_905 = arith.constant 600 : i32
      %add3A_906 = arith.addi %add3A_905, %scan3A_832 : i32
      %get3A_907 = arith.index_cast %add3A_906 : i32 to index
      %get3A_908 = arith.constant 0 : index
      %get3A_909 = tpu.vector_load %arg7[%get3A_907, %get3A_908] {strides = array<i32>} : memref<800x32xf32, #tpu.memory_space<vmem>>, vector<1x16xf32>,
      %get3A_910 = vector.shape_cast %get3A_909 : vector<1x16xf32> to vector<16xf32>
      %add3A_911 = arith.addf %get3A_910, %get3A_835 : vector<16xf32>
      %swap3A_912 = arith.index_cast %add3A_906 : i32 to index
      %swap3A_913 = arith.constant 0 : index
      %swap3A_914 = tpu.vector_load %arg7[%swap3A_912, %swap3A_913] {strides = array<i32>} : memref<800x32xf32, #tpu.memory_space<vmem>>, vector<1x16xf32>,
      %swap3A_915 = vector.shape_cast %swap3A_914 : vector<1x16xf32> to vector<16xf32>
      %swap3A_916 = vector.shape_cast %add3A_911 : vector<16xf32> to vector<1x16xf32>
      tpu.vector_store %arg7[%swap3A_912, %swap3A_913], %swap3A_916 {strides = array<i32>} : memref<800x32xf32, #tpu.memory_space<vmem>>, vector<1x16xf32>,
      %get3A_917 = arith.index_cast %add3A_906 : i32 to index
      %get3A_918 = arith.constant 16 : index
      %get3A_919 = tpu.vector_load %arg7[%get3A_917, %get3A_918] {strides = array<i32>} : memref<800x32xf32, #tpu.memory_space<vmem>>, vector<1x16xf32>,
      %get3A_920 = vector.shape_cast %get3A_919 : vector<1x16xf32> to vector<16xf32>
      %add3A_921 = arith.addf %get3A_920, %get3A_839 : vector<16xf32>
      %swap3A_922 = arith.index_cast %add3A_906 : i32 to index
      %swap3A_923 = arith.constant 16 : index
      %swap3A_924 = tpu.vector_load %arg7[%swap3A_922, %swap3A_923] {strides = array<i32>} : memref<800x32xf32, #tpu.memory_space<vmem>>, vector<1x16xf32>,
      %swap3A_925 = vector.shape_cast %swap3A_924 : vector<1x16xf32> to vector<16xf32>
      %swap3A_926 = vector.shape_cast %add3A_921 : vector<16xf32> to vector<1x16xf32>
      tpu.vector_store %arg7[%swap3A_922, %swap3A_923], %swap3A_926 {strides = array<i32>} : memref<800x32xf32, #tpu.memory_space<vmem>>, vector<1x16xf32>,
    }
    %scan3A_181 = arith.constant 200 : i32
    %add3A_182 = arith.constant 4800 : i32
    %add3A_183 = arith.addi %mul3A_2, %add3A_182 : i32
    %dma_start3A_184 = arith.constant 0 : i32
    %dma_start3A_185 = tpu.memref_slice %arg5[%add3A_183, %dma_start3A_184] : memref<819200x32xf32, #tpu.memory_space<hbm>> -> memref<800x32xf32, #tpu.memory_space<hbm>>
    %dma_start3A_186 = arith.constant 0 : i32
    %dma_start3A_187 = tpu.memref_slice %arg5[%add3A_183, %dma_start3A_186] : memref<819200x32xf32, #tpu.memory_space<hbm>> -> memref<800x32xf32, #tpu.memory_space<hbm>>
    tpu.enqueue_dma source(%arg7 : memref<800x32xf32, #tpu.memory_space<vmem>>) target(%dma_start3A_187 : memref<800x32xf32, #tpu.memory_space<hbm>>) target_semaphore(%arg14 : memref<!tpu.dma_semaphore, #tpu.memory_space<semaphore_mem>>)
    %dma_wait3A_188 = arith.constant 0 : i32
    %dma_wait3A_189 = tpu.memref_slice %arg5[%add3A_183, %dma_wait3A_188] : memref<819200x32xf32, #tpu.memory_space<hbm>> -> memref<800x32xf32, #tpu.memory_space<hbm>>
    %dma_wait3A_190 = arith.constant 0 : i32
    %dma_wait3A_191 = tpu.memref_slice %arg5[%add3A_183, %dma_wait3A_190] : memref<819200x32xf32, #tpu.memory_space<hbm>> -> memref<800x32xf32, #tpu.memory_space<hbm>>
    tpu.wait_dma2 semaphore(%arg14 : memref<!tpu.dma_semaphore, #tpu.memory_space<semaphore_mem>>) src(%arg7 : memref<800x32xf32, #tpu.memory_space<vmem>>) dst(%dma_wait3A_191 : memref<800x32xf32, #tpu.memory_space<hbm>>)
    %dma_start3A_192 = arith.constant 7200 : i32
    %dma_start3A_193 = tpu.memref_slice %arg6[%dma_start3A_192] : memref<25600xi32, #tpu.memory_space<vmem>> -> memref<800xi32, #tpu.memory_space<vmem>>
    %dma_start3A_194 = arith.constant 0 : i32
    %dma_start3A_195 = arith.constant 0 : i32
    %dma_start3A_196 = tpu.memref_slice %arg2[%dma_start3A_194, %dma_start3A_195] : memref<1000000x32xf32, #tpu.memory_space<hbm>> -> memref<1000000x32xf32, #tpu.memory_space<hbm>>
    tpu.enqueue_indirect_dma source(%dma_start3A_196 : memref<1000000x32xf32, #tpu.memory_space<hbm>>) target(%arg7 : memref<800x32xf32, #tpu.memory_space<vmem>>) offsets(%dma_start3A_193 : memref<800xi32, #tpu.memory_space<vmem>>) semaphore(%arg11 : memref<!tpu.dma_semaphore, #tpu.memory_space<semaphore_mem>>)
    %dma_wait3A_197 = arith.constant 5600 : i32
    %dma_wait3A_198 = tpu.memref_slice %arg6[%dma_wait3A_197] : memref<25600xi32, #tpu.memory_space<vmem>> -> memref<800xi32, #tpu.memory_space<vmem>>
    %dma_wait3A_199 = arith.constant 0 : i32
    %dma_wait3A_200 = arith.constant 0 : i32
    %dma_wait3A_201 = tpu.memref_slice %arg2[%dma_wait3A_199, %dma_wait3A_200] : memref<1000000x32xf32, #tpu.memory_space<hbm>> -> memref<1000000x32xf32, #tpu.memory_space<hbm>>
    tpu.wait_indirect_dma semaphore(%arg12 : memref<!tpu.dma_semaphore, #tpu.memory_space<semaphore_mem>>) src(%dma_wait3A_201 : memref<1000000x32xf32, #tpu.memory_space<hbm>>) dst(%arg8 : memref<800x32xf32, #tpu.memory_space<vmem>>)
    %scan3A_202 = arith.constant 0 : i32
    %scan3A_203 = arith.constant 0 : i32
    %scan3A_204 = arith.constant 200 : i32
    %scan3A_205 = arith.addi %scan3A_203, %scan3A_204 : i32
    %scan3A_206 = arith.constant 1 : i32
    scf.for %scan3A_832 = %scan3A_203 to %scan3A_205 step %scan3A_206  : i32 {
      %get3A = arith.index_cast %scan3A_832 : i32 to index
      %get3A_833 = arith.constant 0 : index
      %get3A_834 = tpu.vector_load %arg10[%get3A, %get3A_833] {strides = array<i32>} : memref<200x32xf32, #tpu.memory_space<vmem>>, vector<1x16xf32>,
      %get3A_835 = vector.shape_cast %get3A_834 : vector<1x16xf32> to vector<16xf32>
      %get3A_836 = arith.index_cast %scan3A_832 : i32 to index
      %get3A_837 = arith.constant 16 : index
      %get3A_838 = tpu.vector_load %arg10[%get3A_836, %get3A_837] {strides = array<i32>} : memref<200x32xf32, #tpu.memory_space<vmem>>, vector<1x16xf32>,
      %get3A_839 = vector.shape_cast %get3A_838 : vector<1x16xf32> to vector<16xf32>
      %add3A_840 = arith.constant 0 : i32
      %add3A_841 = arith.addi %add3A_840, %scan3A_832 : i32
      %get3A_842 = arith.index_cast %add3A_841 : i32 to index
      %get3A_843 = arith.constant 0 : index
      %get3A_844 = tpu.vector_load %arg8[%get3A_842, %get3A_843] {strides = array<i32>} : memref<800x32xf32, #tpu.memory_space<vmem>>, vector<1x16xf32>,
      %get3A_845 = vector.shape_cast %get3A_844 : vector<1x16xf32> to vector<16xf32>
      %add3A_846 = arith.addf %get3A_845, %get3A_835 : vector<16xf32>
      %swap3A = arith.index_cast %add3A_841 : i32 to index
      %swap3A_847 = arith.constant 0 : index
      %swap3A_848 = tpu.vector_load %arg8[%swap3A, %swap3A_847] {strides = array<i32>} : memref<800x32xf32, #tpu.memory_space<vmem>>, vector<1x16xf32>,
      %swap3A_849 = vector.shape_cast %swap3A_848 : vector<1x16xf32> to vector<16xf32>
      %swap3A_850 = vector.shape_cast %add3A_846 : vector<16xf32> to vector<1x16xf32>
      tpu.vector_store %arg8[%swap3A, %swap3A_847], %swap3A_850 {strides = array<i32>} : memref<800x32xf32, #tpu.memory_space<vmem>>, vector<1x16xf32>,
      %get3A_851 = arith.index_cast %add3A_841 : i32 to index
      %get3A_852 = arith.constant 16 : index
      %get3A_853 = tpu.vector_load %arg8[%get3A_851, %get3A_852] {strides = array<i32>} : memref<800x32xf32, #tpu.memory_space<vmem>>, vector<1x16xf32>,
      %get3A_854 = vector.shape_cast %get3A_853 : vector<1x16xf32> to vector<16xf32>
      %add3A_855 = arith.addf %get3A_854, %get3A_839 : vector<16xf32>
      %swap3A_856 = arith.index_cast %add3A_841 : i32 to index
      %swap3A_857 = arith.constant 16 : index
      %swap3A_858 = tpu.vector_load %arg8[%swap3A_856, %swap3A_857] {strides = array<i32>} : memref<800x32xf32, #tpu.memory_space<vmem>>, vector<1x16xf32>,
      %swap3A_859 = vector.shape_cast %swap3A_858 : vector<1x16xf32> to vector<16xf32>
      %swap3A_860 = vector.shape_cast %add3A_855 : vector<16xf32> to vector<1x16xf32>
      tpu.vector_store %arg8[%swap3A_856, %swap3A_857], %swap3A_860 {strides = array<i32>} : memref<800x32xf32, #tpu.memory_space<vmem>>, vector<1x16xf32>,
      %add3A_861 = arith.constant 200 : i32
      %add3A_862 = arith.addi %add3A_861, %scan3A_832 : i32
      %get3A_863 = arith.index_cast %add3A_862 : i32 to index
      %get3A_864 = arith.constant 0 : index
      %get3A_865 = tpu.vector_load %arg8[%get3A_863, %get3A_864] {strides = array<i32>} : memref<800x32xf32, #tpu.memory_space<vmem>>, vector<1x16xf32>,
      %get3A_866 = vector.shape_cast %get3A_865 : vector<1x16xf32> to vector<16xf32>
      %add3A_867 = arith.addf %get3A_866, %get3A_835 : vector<16xf32>
      %swap3A_868 = arith.index_cast %add3A_862 : i32 to index
      %swap3A_869 = arith.constant 0 : index
      %swap3A_870 = tpu.vector_load %arg8[%swap3A_868, %swap3A_869] {strides = array<i32>} : memref<800x32xf32, #tpu.memory_space<vmem>>, vector<1x16xf32>,
      %swap3A_871 = vector.shape_cast %swap3A_870 : vector<1x16xf32> to vector<16xf32>
      %swap3A_872 = vector.shape_cast %add3A_867 : vector<16xf32> to vector<1x16xf32>
      tpu.vector_store %arg8[%swap3A_868, %swap3A_869], %swap3A_872 {strides = array<i32>} : memref<800x32xf32, #tpu.memory_space<vmem>>, vector<1x16xf32>,
      %get3A_873 = arith.index_cast %add3A_862 : i32 to index
      %get3A_874 = arith.constant 16 : index
      %get3A_875 = tpu.vector_load %arg8[%get3A_873, %get3A_874] {strides = array<i32>} : memref<800x32xf32, #tpu.memory_space<vmem>>, vector<1x16xf32>,
      %get3A_876 = vector.shape_cast %get3A_875 : vector<1x16xf32> to vector<16xf32>
      %add3A_877 = arith.addf %get3A_876, %get3A_839 : vector<16xf32>
      %swap3A_878 = arith.index_cast %add3A_862 : i32 to index
      %swap3A_879 = arith.constant 16 : index
      %swap3A_880 = tpu.vector_load %arg8[%swap3A_878, %swap3A_879] {strides = array<i32>} : memref<800x32xf32, #tpu.memory_space<vmem>>, vector<1x16xf32>,
      %swap3A_881 = vector.shape_cast %swap3A_880 : vector<1x16xf32> to vector<16xf32>
      %swap3A_882 = vector.shape_cast %add3A_877 : vector<16xf32> to vector<1x16xf32>
      tpu.vector_store %arg8[%swap3A_878, %swap3A_879], %swap3A_882 {strides = array<i32>} : memref<800x32xf32, #tpu.memory_space<vmem>>, vector<1x16xf32>,
      %add3A_883 = arith.constant 400 : i32
      %add3A_884 = arith.addi %add3A_883, %scan3A_832 : i32
      %get3A_885 = arith.index_cast %add3A_884 : i32 to index
      %get3A_886 = arith.constant 0 : index
      %get3A_887 = tpu.vector_load %arg8[%get3A_885, %get3A_886] {strides = array<i32>} : memref<800x32xf32, #tpu.memory_space<vmem>>, vector<1x16xf32>,
      %get3A_888 = vector.shape_cast %get3A_887 : vector<1x16xf32> to vector<16xf32>
      %add3A_889 = arith.addf %get3A_888, %get3A_835 : vector<16xf32>
      %swap3A_890 = arith.index_cast %add3A_884 : i32 to index
      %swap3A_891 = arith.constant 0 : index
      %swap3A_892 = tpu.vector_load %arg8[%swap3A_890, %swap3A_891] {strides = array<i32>} : memref<800x32xf32, #tpu.memory_space<vmem>>, vector<1x16xf32>,
      %swap3A_893 = vector.shape_cast %swap3A_892 : vector<1x16xf32> to vector<16xf32>
      %swap3A_894 = vector.shape_cast %add3A_889 : vector<16xf32> to vector<1x16xf32>
      tpu.vector_store %arg8[%swap3A_890, %swap3A_891], %swap3A_894 {strides = array<i32>} : memref<800x32xf32, #tpu.memory_space<vmem>>, vector<1x16xf32>,
      %get3A_895 = arith.index_cast %add3A_884 : i32 to index
      %get3A_896 = arith.constant 16 : index
      %get3A_897 = tpu.vector_load %arg8[%get3A_895, %get3A_896] {strides = array<i32>} : memref<800x32xf32, #tpu.memory_space<vmem>>, vector<1x16xf32>,
      %get3A_898 = vector.shape_cast %get3A_897 : vector<1x16xf32> to vector<16xf32>
      %add3A_899 = arith.addf %get3A_898, %get3A_839 : vector<16xf32>
      %swap3A_900 = arith.index_cast %add3A_884 : i32 to index
      %swap3A_901 = arith.constant 16 : index
      %swap3A_902 = tpu.vector_load %arg8[%swap3A_900, %swap3A_901] {strides = array<i32>} : memref<800x32xf32, #tpu.memory_space<vmem>>, vector<1x16xf32>,
      %swap3A_903 = vector.shape_cast %swap3A_902 : vector<1x16xf32> to vector<16xf32>
      %swap3A_904 = vector.shape_cast %add3A_899 : vector<16xf32> to vector<1x16xf32>
      tpu.vector_store %arg8[%swap3A_900, %swap3A_901], %swap3A_904 {strides = array<i32>} : memref<800x32xf32, #tpu.memory_space<vmem>>, vector<1x16xf32>,
      %add3A_905 = arith.constant 600 : i32
      %add3A_906 = arith.addi %add3A_905, %scan3A_832 : i32
      %get3A_907 = arith.index_cast %add3A_906 : i32 to index
      %get3A_908 = arith.constant 0 : index
      %get3A_909 = tpu.vector_load %arg8[%get3A_907, %get3A_908] {strides = array<i32>} : memref<800x32xf32, #tpu.memory_space<vmem>>, vector<1x16xf32>,
      %get3A_910 = vector.shape_cast %get3A_909 : vector<1x16xf32> to vector<16xf32>
      %add3A_911 = arith.addf %get3A_910, %get3A_835 : vector<16xf32>
      %swap3A_912 = arith.index_cast %add3A_906 : i32 to index
      %swap3A_913 = arith.constant 0 : index
      %swap3A_914 = tpu.vector_load %arg8[%swap3A_912, %swap3A_913] {strides = array<i32>} : memref<800x32xf32, #tpu.memory_space<vmem>>, vector<1x16xf32>,
      %swap3A_915 = vector.shape_cast %swap3A_914 : vector<1x16xf32> to vector<16xf32>
      %swap3A_916 = vector.shape_cast %add3A_911 : vector<16xf32> to vector<1x16xf32>
      tpu.vector_store %arg8[%swap3A_912, %swap3A_913], %swap3A_916 {strides = array<i32>} : memref<800x32xf32, #tpu.memory_space<vmem>>, vector<1x16xf32>,
      %get3A_917 = arith.index_cast %add3A_906 : i32 to index
      %get3A_918 = arith.constant 16 : index
      %get3A_919 = tpu.vector_load %arg8[%get3A_917, %get3A_918] {strides = array<i32>} : memref<800x32xf32, #tpu.memory_space<vmem>>, vector<1x16xf32>,
      %get3A_920 = vector.shape_cast %get3A_919 : vector<1x16xf32> to vector<16xf32>
      %add3A_921 = arith.addf %get3A_920, %get3A_839 : vector<16xf32>
      %swap3A_922 = arith.index_cast %add3A_906 : i32 to index
      %swap3A_923 = arith.constant 16 : index
      %swap3A_924 = tpu.vector_load %arg8[%swap3A_922, %swap3A_923] {strides = array<i32>} : memref<800x32xf32, #tpu.memory_space<vmem>>, vector<1x16xf32>,
      %swap3A_925 = vector.shape_cast %swap3A_924 : vector<1x16xf32> to vector<16xf32>
      %swap3A_926 = vector.shape_cast %add3A_921 : vector<16xf32> to vector<1x16xf32>
      tpu.vector_store %arg8[%swap3A_922, %swap3A_923], %swap3A_926 {strides = array<i32>} : memref<800x32xf32, #tpu.memory_space<vmem>>, vector<1x16xf32>,
    }
    %scan3A_207 = arith.constant 200 : i32
    %add3A_208 = arith.constant 5600 : i32
    %add3A_209 = arith.addi %mul3A_2, %add3A_208 : i32
    %dma_start3A_210 = arith.constant 0 : i32
    %dma_start3A_211 = tpu.memref_slice %arg5[%add3A_209, %dma_start3A_210] : memref<819200x32xf32, #tpu.memory_space<hbm>> -> memref<800x32xf32, #tpu.memory_space<hbm>>
    %dma_start3A_212 = arith.constant 0 : i32
    %dma_start3A_213 = tpu.memref_slice %arg5[%add3A_209, %dma_start3A_212] : memref<819200x32xf32, #tpu.memory_space<hbm>> -> memref<800x32xf32, #tpu.memory_space<hbm>>
    tpu.enqueue_dma source(%arg8 : memref<800x32xf32, #tpu.memory_space<vmem>>) target(%dma_start3A_213 : memref<800x32xf32, #tpu.memory_space<hbm>>) target_semaphore(%arg15 : memref<!tpu.dma_semaphore, #tpu.memory_space<semaphore_mem>>)
    %dma_wait3A_214 = arith.constant 0 : i32
    %dma_wait3A_215 = tpu.memref_slice %arg5[%add3A_209, %dma_wait3A_214] : memref<819200x32xf32, #tpu.memory_space<hbm>> -> memref<800x32xf32, #tpu.memory_space<hbm>>
    %dma_wait3A_216 = arith.constant 0 : i32
    %dma_wait3A_217 = tpu.memref_slice %arg5[%add3A_209, %dma_wait3A_216] : memref<819200x32xf32, #tpu.memory_space<hbm>> -> memref<800x32xf32, #tpu.memory_space<hbm>>
    tpu.wait_dma2 semaphore(%arg15 : memref<!tpu.dma_semaphore, #tpu.memory_space<semaphore_mem>>) src(%arg8 : memref<800x32xf32, #tpu.memory_space<vmem>>) dst(%dma_wait3A_217 : memref<800x32xf32, #tpu.memory_space<hbm>>)
    %dma_start3A_218 = arith.constant 8000 : i32
    %dma_start3A_219 = tpu.memref_slice %arg6[%dma_start3A_218] : memref<25600xi32, #tpu.memory_space<vmem>> -> memref<800xi32, #tpu.memory_space<vmem>>
    %dma_start3A_220 = arith.constant 0 : i32
    %dma_start3A_221 = arith.constant 0 : i32
    %dma_start3A_222 = tpu.memref_slice %arg2[%dma_start3A_220, %dma_start3A_221] : memref<1000000x32xf32, #tpu.memory_space<hbm>> -> memref<1000000x32xf32, #tpu.memory_space<hbm>>
    tpu.enqueue_indirect_dma source(%dma_start3A_222 : memref<1000000x32xf32, #tpu.memory_space<hbm>>) target(%arg8 : memref<800x32xf32, #tpu.memory_space<vmem>>) offsets(%dma_start3A_219 : memref<800xi32, #tpu.memory_space<vmem>>) semaphore(%arg12 : memref<!tpu.dma_semaphore, #tpu.memory_space<semaphore_mem>>)
    %dma_wait3A_223 = arith.constant 6400 : i32
    %dma_wait3A_224 = tpu.memref_slice %arg6[%dma_wait3A_223] : memref<25600xi32, #tpu.memory_space<vmem>> -> memref<800xi32, #tpu.memory_space<vmem>>
    %dma_wait3A_225 = arith.constant 0 : i32
    %dma_wait3A_226 = arith.constant 0 : i32
    %dma_wait3A_227 = tpu.memref_slice %arg2[%dma_wait3A_225, %dma_wait3A_226] : memref<1000000x32xf32, #tpu.memory_space<hbm>> -> memref<1000000x32xf32, #tpu.memory_space<hbm>>
    tpu.wait_indirect_dma semaphore(%arg13 : memref<!tpu.dma_semaphore, #tpu.memory_space<semaphore_mem>>) src(%dma_wait3A_227 : memref<1000000x32xf32, #tpu.memory_space<hbm>>) dst(%arg9 : memref<800x32xf32, #tpu.memory_space<vmem>>)
    %scan3A_228 = arith.constant 0 : i32
    %scan3A_229 = arith.constant 0 : i32
    %scan3A_230 = arith.constant 200 : i32
    %scan3A_231 = arith.addi %scan3A_229, %scan3A_230 : i32
    %scan3A_232 = arith.constant 1 : i32
    scf.for %scan3A_832 = %scan3A_229 to %scan3A_231 step %scan3A_232  : i32 {
      %get3A = arith.index_cast %scan3A_832 : i32 to index
      %get3A_833 = arith.constant 0 : index
      %get3A_834 = tpu.vector_load %arg10[%get3A, %get3A_833] {strides = array<i32>} : memref<200x32xf32, #tpu.memory_space<vmem>>, vector<1x16xf32>,
      %get3A_835 = vector.shape_cast %get3A_834 : vector<1x16xf32> to vector<16xf32>
      %get3A_836 = arith.index_cast %scan3A_832 : i32 to index
      %get3A_837 = arith.constant 16 : index
      %get3A_838 = tpu.vector_load %arg10[%get3A_836, %get3A_837] {strides = array<i32>} : memref<200x32xf32, #tpu.memory_space<vmem>>, vector<1x16xf32>,
      %get3A_839 = vector.shape_cast %get3A_838 : vector<1x16xf32> to vector<16xf32>
      %add3A_840 = arith.constant 0 : i32
      %add3A_841 = arith.addi %add3A_840, %scan3A_832 : i32
      %get3A_842 = arith.index_cast %add3A_841 : i32 to index
      %get3A_843 = arith.constant 0 : index
      %get3A_844 = tpu.vector_load %arg9[%get3A_842, %get3A_843] {strides = array<i32>} : memref<800x32xf32, #tpu.memory_space<vmem>>, vector<1x16xf32>,
      %get3A_845 = vector.shape_cast %get3A_844 : vector<1x16xf32> to vector<16xf32>
      %add3A_846 = arith.addf %get3A_845, %get3A_835 : vector<16xf32>
      %swap3A = arith.index_cast %add3A_841 : i32 to index
      %swap3A_847 = arith.constant 0 : index
      %swap3A_848 = tpu.vector_load %arg9[%swap3A, %swap3A_847] {strides = array<i32>} : memref<800x32xf32, #tpu.memory_space<vmem>>, vector<1x16xf32>,
      %swap3A_849 = vector.shape_cast %swap3A_848 : vector<1x16xf32> to vector<16xf32>
      %swap3A_850 = vector.shape_cast %add3A_846 : vector<16xf32> to vector<1x16xf32>
      tpu.vector_store %arg9[%swap3A, %swap3A_847], %swap3A_850 {strides = array<i32>} : memref<800x32xf32, #tpu.memory_space<vmem>>, vector<1x16xf32>,
      %get3A_851 = arith.index_cast %add3A_841 : i32 to index
      %get3A_852 = arith.constant 16 : index
      %get3A_853 = tpu.vector_load %arg9[%get3A_851, %get3A_852] {strides = array<i32>} : memref<800x32xf32, #tpu.memory_space<vmem>>, vector<1x16xf32>,
      %get3A_854 = vector.shape_cast %get3A_853 : vector<1x16xf32> to vector<16xf32>
      %add3A_855 = arith.addf %get3A_854, %get3A_839 : vector<16xf32>
      %swap3A_856 = arith.index_cast %add3A_841 : i32 to index
      %swap3A_857 = arith.constant 16 : index
      %swap3A_858 = tpu.vector_load %arg9[%swap3A_856, %swap3A_857] {strides = array<i32>} : memref<800x32xf32, #tpu.memory_space<vmem>>, vector<1x16xf32>,
      %swap3A_859 = vector.shape_cast %swap3A_858 : vector<1x16xf32> to vector<16xf32>
      %swap3A_860 = vector.shape_cast %add3A_855 : vector<16xf32> to vector<1x16xf32>
      tpu.vector_store %arg9[%swap3A_856, %swap3A_857], %swap3A_860 {strides = array<i32>} : memref<800x32xf32, #tpu.memory_space<vmem>>, vector<1x16xf32>,
      %add3A_861 = arith.constant 200 : i32
      %add3A_862 = arith.addi %add3A_861, %scan3A_832 : i32
      %get3A_863 = arith.index_cast %add3A_862 : i32 to index
      %get3A_864 = arith.constant 0 : index
      %get3A_865 = tpu.vector_load %arg9[%get3A_863, %get3A_864] {strides = array<i32>} : memref<800x32xf32, #tpu.memory_space<vmem>>, vector<1x16xf32>,
      %get3A_866 = vector.shape_cast %get3A_865 : vector<1x16xf32> to vector<16xf32>
      %add3A_867 = arith.addf %get3A_866, %get3A_835 : vector<16xf32>
      %swap3A_868 = arith.index_cast %add3A_862 : i32 to index
      %swap3A_869 = arith.constant 0 : index
      %swap3A_870 = tpu.vector_load %arg9[%swap3A_868, %swap3A_869] {strides = array<i32>} : memref<800x32xf32, #tpu.memory_space<vmem>>, vector<1x16xf32>,
      %swap3A_871 = vector.shape_cast %swap3A_870 : vector<1x16xf32> to vector<16xf32>
      %swap3A_872 = vector.shape_cast %add3A_867 : vector<16xf32> to vector<1x16xf32>
      tpu.vector_store %arg9[%swap3A_868, %swap3A_869], %swap3A_872 {strides = array<i32>} : memref<800x32xf32, #tpu.memory_space<vmem>>, vector<1x16xf32>,
      %get3A_873 = arith.index_cast %add3A_862 : i32 to index
      %get3A_874 = arith.constant 16 : index
      %get3A_875 = tpu.vector_load %arg9[%get3A_873, %get3A_874] {strides = array<i32>} : memref<800x32xf32, #tpu.memory_space<vmem>>, vector<1x16xf32>,
      %get3A_876 = vector.shape_cast %get3A_875 : vector<1x16xf32> to vector<16xf32>
      %add3A_877 = arith.addf %get3A_876, %get3A_839 : vector<16xf32>
      %swap3A_878 = arith.index_cast %add3A_862 : i32 to index
      %swap3A_879 = arith.constant 16 : index
      %swap3A_880 = tpu.vector_load %arg9[%swap3A_878, %swap3A_879] {strides = array<i32>} : memref<800x32xf32, #tpu.memory_space<vmem>>, vector<1x16xf32>,
      %swap3A_881 = vector.shape_cast %swap3A_880 : vector<1x16xf32> to vector<16xf32>
      %swap3A_882 = vector.shape_cast %add3A_877 : vector<16xf32> to vector<1x16xf32>
      tpu.vector_store %arg9[%swap3A_878, %swap3A_879], %swap3A_882 {strides = array<i32>} : memref<800x32xf32, #tpu.memory_space<vmem>>, vector<1x16xf32>,
      %add3A_883 = arith.constant 400 : i32
      %add3A_884 = arith.addi %add3A_883, %scan3A_832 : i32
      %get3A_885 = arith.index_cast %add3A_884 : i32 to index
      %get3A_886 = arith.constant 0 : index
      %get3A_887 = tpu.vector_load %arg9[%get3A_885, %get3A_886] {strides = array<i32>} : memref<800x32xf32, #tpu.memory_space<vmem>>, vector<1x16xf32>,
      %get3A_888 = vector.shape_cast %get3A_887 : vector<1x16xf32> to vector<16xf32>
      %add3A_889 = arith.addf %get3A_888, %get3A_835 : vector<16xf32>
      %swap3A_890 = arith.index_cast %add3A_884 : i32 to index
      %swap3A_891 = arith.constant 0 : index
      %swap3A_892 = tpu.vector_load %arg9[%swap3A_890, %swap3A_891] {strides = array<i32>} : memref<800x32xf32, #tpu.memory_space<vmem>>, vector<1x16xf32>,
      %swap3A_893 = vector.shape_cast %swap3A_892 : vector<1x16xf32> to vector<16xf32>
      %swap3A_894 = vector.shape_cast %add3A_889 : vector<16xf32> to vector<1x16xf32>
      tpu.vector_store %arg9[%swap3A_890, %swap3A_891], %swap3A_894 {strides = array<i32>} : memref<800x32xf32, #tpu.memory_space<vmem>>, vector<1x16xf32>,
      %get3A_895 = arith.index_cast %add3A_884 : i32 to index
      %get3A_896 = arith.constant 16 : index
      %get3A_897 = tpu.vector_load %arg9[%get3A_895, %get3A_896] {strides = array<i32>} : memref<800x32xf32, #tpu.memory_space<vmem>>, vector<1x16xf32>,
      %get3A_898 = vector.shape_cast %get3A_897 : vector<1x16xf32> to vector<16xf32>
      %add3A_899 = arith.addf %get3A_898, %get3A_839 : vector<16xf32>
      %swap3A_900 = arith.index_cast %add3A_884 : i32 to index
      %swap3A_901 = arith.constant 16 : index
      %swap3A_902 = tpu.vector_load %arg9[%swap3A_900, %swap3A_901] {strides = array<i32>} : memref<800x32xf32, #tpu.memory_space<vmem>>, vector<1x16xf32>,
      %swap3A_903 = vector.shape_cast %swap3A_902 : vector<1x16xf32> to vector<16xf32>
      %swap3A_904 = vector.shape_cast %add3A_899 : vector<16xf32> to vector<1x16xf32>
      tpu.vector_store %arg9[%swap3A_900, %swap3A_901], %swap3A_904 {strides = array<i32>} : memref<800x32xf32, #tpu.memory_space<vmem>>, vector<1x16xf32>,
      %add3A_905 = arith.constant 600 : i32
      %add3A_906 = arith.addi %add3A_905, %scan3A_832 : i32
      %get3A_907 = arith.index_cast %add3A_906 : i32 to index
      %get3A_908 = arith.constant 0 : index
      %get3A_909 = tpu.vector_load %arg9[%get3A_907, %get3A_908] {strides = array<i32>} : memref<800x32xf32, #tpu.memory_space<vmem>>, vector<1x16xf32>,
      %get3A_910 = vector.shape_cast %get3A_909 : vector<1x16xf32> to vector<16xf32>
      %add3A_911 = arith.addf %get3A_910, %get3A_835 : vector<16xf32>
      %swap3A_912 = arith.index_cast %add3A_906 : i32 to index
      %swap3A_913 = arith.constant 0 : index
      %swap3A_914 = tpu.vector_load %arg9[%swap3A_912, %swap3A_913] {strides = array<i32>} : memref<800x32xf32, #tpu.memory_space<vmem>>, vector<1x16xf32>,
      %swap3A_915 = vector.shape_cast %swap3A_914 : vector<1x16xf32> to vector<16xf32>
      %swap3A_916 = vector.shape_cast %add3A_911 : vector<16xf32> to vector<1x16xf32>
      tpu.vector_store %arg9[%swap3A_912, %swap3A_913], %swap3A_916 {strides = array<i32>} : memref<800x32xf32, #tpu.memory_space<vmem>>, vector<1x16xf32>,
      %get3A_917 = arith.index_cast %add3A_906 : i32 to index
      %get3A_918 = arith.constant 16 : index
      %get3A_919 = tpu.vector_load %arg9[%get3A_917, %get3A_918] {strides = array<i32>} : memref<800x32xf32, #tpu.memory_space<vmem>>, vector<1x16xf32>,
      %get3A_920 = vector.shape_cast %get3A_919 : vector<1x16xf32> to vector<16xf32>
      %add3A_921 = arith.addf %get3A_920, %get3A_839 : vector<16xf32>
      %swap3A_922 = arith.index_cast %add3A_906 : i32 to index
      %swap3A_923 = arith.constant 16 : index
      %swap3A_924 = tpu.vector_load %arg9[%swap3A_922, %swap3A_923] {strides = array<i32>} : memref<800x32xf32, #tpu.memory_space<vmem>>, vector<1x16xf32>,
      %swap3A_925 = vector.shape_cast %swap3A_924 : vector<1x16xf32> to vector<16xf32>
      %swap3A_926 = vector.shape_cast %add3A_921 : vector<16xf32> to vector<1x16xf32>
      tpu.vector_store %arg9[%swap3A_922, %swap3A_923], %swap3A_926 {strides = array<i32>} : memref<800x32xf32, #tpu.memory_space<vmem>>, vector<1x16xf32>,
    }
    %scan3A_233 = arith.constant 200 : i32
    %add3A_234 = arith.constant 6400 : i32
    %add3A_235 = arith.addi %mul3A_2, %add3A_234 : i32
    %dma_start3A_236 = arith.constant 0 : i32
    %dma_start3A_237 = tpu.memref_slice %arg5[%add3A_235, %dma_start3A_236] : memref<819200x32xf32, #tpu.memory_space<hbm>> -> memref<800x32xf32, #tpu.memory_space<hbm>>
    %dma_start3A_238 = arith.constant 0 : i32
    %dma_start3A_239 = tpu.memref_slice %arg5[%add3A_235, %dma_start3A_238] : memref<819200x32xf32, #tpu.memory_space<hbm>> -> memref<800x32xf32, #tpu.memory_space<hbm>>
    tpu.enqueue_dma source(%arg9 : memref<800x32xf32, #tpu.memory_space<vmem>>) target(%dma_start3A_239 : memref<800x32xf32, #tpu.memory_space<hbm>>) target_semaphore(%arg16 : memref<!tpu.dma_semaphore, #tpu.memory_space<semaphore_mem>>)
    %dma_wait3A_240 = arith.constant 0 : i32
    %dma_wait3A_241 = tpu.memref_slice %arg5[%add3A_235, %dma_wait3A_240] : memref<819200x32xf32, #tpu.memory_space<hbm>> -> memref<800x32xf32, #tpu.memory_space<hbm>>
    %dma_wait3A_242 = arith.constant 0 : i32
    %dma_wait3A_243 = tpu.memref_slice %arg5[%add3A_235, %dma_wait3A_242] : memref<819200x32xf32, #tpu.memory_space<hbm>> -> memref<800x32xf32, #tpu.memory_space<hbm>>
    tpu.wait_dma2 semaphore(%arg16 : memref<!tpu.dma_semaphore, #tpu.memory_space<semaphore_mem>>) src(%arg9 : memref<800x32xf32, #tpu.memory_space<vmem>>) dst(%dma_wait3A_243 : memref<800x32xf32, #tpu.memory_space<hbm>>)
    %dma_start3A_244 = arith.constant 8800 : i32
    %dma_start3A_245 = tpu.memref_slice %arg6[%dma_start3A_244] : memref<25600xi32, #tpu.memory_space<vmem>> -> memref<800xi32, #tpu.memory_space<vmem>>
    %dma_start3A_246 = arith.constant 0 : i32
    %dma_start3A_247 = arith.constant 0 : i32
    %dma_start3A_248 = tpu.memref_slice %arg2[%dma_start3A_246, %dma_start3A_247] : memref<1000000x32xf32, #tpu.memory_space<hbm>> -> memref<1000000x32xf32, #tpu.memory_space<hbm>>
    tpu.enqueue_indirect_dma source(%dma_start3A_248 : memref<1000000x32xf32, #tpu.memory_space<hbm>>) target(%arg9 : memref<800x32xf32, #tpu.memory_space<vmem>>) offsets(%dma_start3A_245 : memref<800xi32, #tpu.memory_space<vmem>>) semaphore(%arg13 : memref<!tpu.dma_semaphore, #tpu.memory_space<semaphore_mem>>)
    %dma_wait3A_249 = arith.constant 7200 : i32
    %dma_wait3A_250 = tpu.memref_slice %arg6[%dma_wait3A_249] : memref<25600xi32, #tpu.memory_space<vmem>> -> memref<800xi32, #tpu.memory_space<vmem>>
    %dma_wait3A_251 = arith.constant 0 : i32
    %dma_wait3A_252 = arith.constant 0 : i32
    %dma_wait3A_253 = tpu.memref_slice %arg2[%dma_wait3A_251, %dma_wait3A_252] : memref<1000000x32xf32, #tpu.memory_space<hbm>> -> memref<1000000x32xf32, #tpu.memory_space<hbm>>
    tpu.wait_indirect_dma semaphore(%arg11 : memref<!tpu.dma_semaphore, #tpu.memory_space<semaphore_mem>>) src(%dma_wait3A_253 : memref<1000000x32xf32, #tpu.memory_space<hbm>>) dst(%arg7 : memref<800x32xf32, #tpu.memory_space<vmem>>)
    %scan3A_254 = arith.constant 0 : i32
    %scan3A_255 = arith.constant 0 : i32
    %scan3A_256 = arith.constant 200 : i32
    %scan3A_257 = arith.addi %scan3A_255, %scan3A_256 : i32
    %scan3A_258 = arith.constant 1 : i32
    scf.for %scan3A_832 = %scan3A_255 to %scan3A_257 step %scan3A_258  : i32 {
      %get3A = arith.index_cast %scan3A_832 : i32 to index
      %get3A_833 = arith.constant 0 : index
      %get3A_834 = tpu.vector_load %arg10[%get3A, %get3A_833] {strides = array<i32>} : memref<200x32xf32, #tpu.memory_space<vmem>>, vector<1x16xf32>,
      %get3A_835 = vector.shape_cast %get3A_834 : vector<1x16xf32> to vector<16xf32>
      %get3A_836 = arith.index_cast %scan3A_832 : i32 to index
      %get3A_837 = arith.constant 16 : index
      %get3A_838 = tpu.vector_load %arg10[%get3A_836, %get3A_837] {strides = array<i32>} : memref<200x32xf32, #tpu.memory_space<vmem>>, vector<1x16xf32>,
      %get3A_839 = vector.shape_cast %get3A_838 : vector<1x16xf32> to vector<16xf32>
      %add3A_840 = arith.constant 0 : i32
      %add3A_841 = arith.addi %add3A_840, %scan3A_832 : i32
      %get3A_842 = arith.index_cast %add3A_841 : i32 to index
      %get3A_843 = arith.constant 0 : index
      %get3A_844 = tpu.vector_load %arg7[%get3A_842, %get3A_843] {strides = array<i32>} : memref<800x32xf32, #tpu.memory_space<vmem>>, vector<1x16xf32>,
      %get3A_845 = vector.shape_cast %get3A_844 : vector<1x16xf32> to vector<16xf32>
      %add3A_846 = arith.addf %get3A_845, %get3A_835 : vector<16xf32>
      %swap3A = arith.index_cast %add3A_841 : i32 to index
      %swap3A_847 = arith.constant 0 : index
      %swap3A_848 = tpu.vector_load %arg7[%swap3A, %swap3A_847] {strides = array<i32>} : memref<800x32xf32, #tpu.memory_space<vmem>>, vector<1x16xf32>,
      %swap3A_849 = vector.shape_cast %swap3A_848 : vector<1x16xf32> to vector<16xf32>
      %swap3A_850 = vector.shape_cast %add3A_846 : vector<16xf32> to vector<1x16xf32>
      tpu.vector_store %arg7[%swap3A, %swap3A_847], %swap3A_850 {strides = array<i32>} : memref<800x32xf32, #tpu.memory_space<vmem>>, vector<1x16xf32>,
      %get3A_851 = arith.index_cast %add3A_841 : i32 to index
      %get3A_852 = arith.constant 16 : index
      %get3A_853 = tpu.vector_load %arg7[%get3A_851, %get3A_852] {strides = array<i32>} : memref<800x32xf32, #tpu.memory_space<vmem>>, vector<1x16xf32>,
      %get3A_854 = vector.shape_cast %get3A_853 : vector<1x16xf32> to vector<16xf32>
      %add3A_855 = arith.addf %get3A_854, %get3A_839 : vector<16xf32>
      %swap3A_856 = arith.index_cast %add3A_841 : i32 to index
      %swap3A_857 = arith.constant 16 : index
      %swap3A_858 = tpu.vector_load %arg7[%swap3A_856, %swap3A_857] {strides = array<i32>} : memref<800x32xf32, #tpu.memory_space<vmem>>, vector<1x16xf32>,
      %swap3A_859 = vector.shape_cast %swap3A_858 : vector<1x16xf32> to vector<16xf32>
      %swap3A_860 = vector.shape_cast %add3A_855 : vector<16xf32> to vector<1x16xf32>
      tpu.vector_store %arg7[%swap3A_856, %swap3A_857], %swap3A_860 {strides = array<i32>} : memref<800x32xf32, #tpu.memory_space<vmem>>, vector<1x16xf32>,
      %add3A_861 = arith.constant 200 : i32
      %add3A_862 = arith.addi %add3A_861, %scan3A_832 : i32
      %get3A_863 = arith.index_cast %add3A_862 : i32 to index
      %get3A_864 = arith.constant 0 : index
      %get3A_865 = tpu.vector_load %arg7[%get3A_863, %get3A_864] {strides = array<i32>} : memref<800x32xf32, #tpu.memory_space<vmem>>, vector<1x16xf32>,
      %get3A_866 = vector.shape_cast %get3A_865 : vector<1x16xf32> to vector<16xf32>
      %add3A_867 = arith.addf %get3A_866, %get3A_835 : vector<16xf32>
      %swap3A_868 = arith.index_cast %add3A_862 : i32 to index
      %swap3A_869 = arith.constant 0 : index
      %swap3A_870 = tpu.vector_load %arg7[%swap3A_868, %swap3A_869] {strides = array<i32>} : memref<800x32xf32, #tpu.memory_space<vmem>>, vector<1x16xf32>,
      %swap3A_871 = vector.shape_cast %swap3A_870 : vector<1x16xf32> to vector<16xf32>
      %swap3A_872 = vector.shape_cast %add3A_867 : vector<16xf32> to vector<1x16xf32>
      tpu.vector_store %arg7[%swap3A_868, %swap3A_869], %swap3A_872 {strides = array<i32>} : memref<800x32xf32, #tpu.memory_space<vmem>>, vector<1x16xf32>,
      %get3A_873 = arith.index_cast %add3A_862 : i32 to index
      %get3A_874 = arith.constant 16 : index
      %get3A_875 = tpu.vector_load %arg7[%get3A_873, %get3A_874] {strides = array<i32>} : memref<800x32xf32, #tpu.memory_space<vmem>>, vector<1x16xf32>,
      %get3A_876 = vector.shape_cast %get3A_875 : vector<1x16xf32> to vector<16xf32>
      %add3A_877 = arith.addf %get3A_876, %get3A_839 : vector<16xf32>
      %swap3A_878 = arith.index_cast %add3A_862 : i32 to index
      %swap3A_879 = arith.constant 16 : index
      %swap3A_880 = tpu.vector_load %arg7[%swap3A_878, %swap3A_879] {strides = array<i32>} : memref<800x32xf32, #tpu.memory_space<vmem>>, vector<1x16xf32>,
      %swap3A_881 = vector.shape_cast %swap3A_880 : vector<1x16xf32> to vector<16xf32>
      %swap3A_882 = vector.shape_cast %add3A_877 : vector<16xf32> to vector<1x16xf32>
      tpu.vector_store %arg7[%swap3A_878, %swap3A_879], %swap3A_882 {strides = array<i32>} : memref<800x32xf32, #tpu.memory_space<vmem>>, vector<1x16xf32>,
      %add3A_883 = arith.constant 400 : i32
      %add3A_884 = arith.addi %add3A_883, %scan3A_832 : i32
      %get3A_885 = arith.index_cast %add3A_884 : i32 to index
      %get3A_886 = arith.constant 0 : index
      %get3A_887 = tpu.vector_load %arg7[%get3A_885, %get3A_886] {strides = array<i32>} : memref<800x32xf32, #tpu.memory_space<vmem>>, vector<1x16xf32>,
      %get3A_888 = vector.shape_cast %get3A_887 : vector<1x16xf32> to vector<16xf32>
      %add3A_889 = arith.addf %get3A_888, %get3A_835 : vector<16xf32>
      %swap3A_890 = arith.index_cast %add3A_884 : i32 to index
      %swap3A_891 = arith.constant 0 : index
      %swap3A_892 = tpu.vector_load %arg7[%swap3A_890, %swap3A_891] {strides = array<i32>} : memref<800x32xf32, #tpu.memory_space<vmem>>, vector<1x16xf32>,
      %swap3A_893 = vector.shape_cast %swap3A_892 : vector<1x16xf32> to vector<16xf32>
      %swap3A_894 = vector.shape_cast %add3A_889 : vector<16xf32> to vector<1x16xf32>
      tpu.vector_store %arg7[%swap3A_890, %swap3A_891], %swap3A_894 {strides = array<i32>} : memref<800x32xf32, #tpu.memory_space<vmem>>, vector<1x16xf32>,
      %get3A_895 = arith.index_cast %add3A_884 : i32 to index
      %get3A_896 = arith.constant 16 : index
      %get3A_897 = tpu.vector_load %arg7[%get3A_895, %get3A_896] {strides = array<i32>} : memref<800x32xf32, #tpu.memory_space<vmem>>, vector<1x16xf32>,
      %get3A_898 = vector.shape_cast %get3A_897 : vector<1x16xf32> to vector<16xf32>
      %add3A_899 = arith.addf %get3A_898, %get3A_839 : vector<16xf32>
      %swap3A_900 = arith.index_cast %add3A_884 : i32 to index
      %swap3A_901 = arith.constant 16 : index
      %swap3A_902 = tpu.vector_load %arg7[%swap3A_900, %swap3A_901] {strides = array<i32>} : memref<800x32xf32, #tpu.memory_space<vmem>>, vector<1x16xf32>,
      %swap3A_903 = vector.shape_cast %swap3A_902 : vector<1x16xf32> to vector<16xf32>
      %swap3A_904 = vector.shape_cast %add3A_899 : vector<16xf32> to vector<1x16xf32>
      tpu.vector_store %arg7[%swap3A_900, %swap3A_901], %swap3A_904 {strides = array<i32>} : memref<800x32xf32, #tpu.memory_space<vmem>>, vector<1x16xf32>,
      %add3A_905 = arith.constant 600 : i32
      %add3A_906 = arith.addi %add3A_905, %scan3A_832 : i32
      %get3A_907 = arith.index_cast %add3A_906 : i32 to index
      %get3A_908 = arith.constant 0 : index
      %get3A_909 = tpu.vector_load %arg7[%get3A_907, %get3A_908] {strides = array<i32>} : memref<800x32xf32, #tpu.memory_space<vmem>>, vector<1x16xf32>,
      %get3A_910 = vector.shape_cast %get3A_909 : vector<1x16xf32> to vector<16xf32>
      %add3A_911 = arith.addf %get3A_910, %get3A_835 : vector<16xf32>
      %swap3A_912 = arith.index_cast %add3A_906 : i32 to index
      %swap3A_913 = arith.constant 0 : index
      %swap3A_914 = tpu.vector_load %arg7[%swap3A_912, %swap3A_913] {strides = array<i32>} : memref<800x32xf32, #tpu.memory_space<vmem>>, vector<1x16xf32>,
      %swap3A_915 = vector.shape_cast %swap3A_914 : vector<1x16xf32> to vector<16xf32>
      %swap3A_916 = vector.shape_cast %add3A_911 : vector<16xf32> to vector<1x16xf32>
      tpu.vector_store %arg7[%swap3A_912, %swap3A_913], %swap3A_916 {strides = array<i32>} : memref<800x32xf32, #tpu.memory_space<vmem>>, vector<1x16xf32>,
      %get3A_917 = arith.index_cast %add3A_906 : i32 to index
      %get3A_918 = arith.constant 16 : index
      %get3A_919 = tpu.vector_load %arg7[%get3A_917, %get3A_918] {strides = array<i32>} : memref<800x32xf32, #tpu.memory_space<vmem>>, vector<1x16xf32>,
      %get3A_920 = vector.shape_cast %get3A_919 : vector<1x16xf32> to vector<16xf32>
      %add3A_921 = arith.addf %get3A_920, %get3A_839 : vector<16xf32>
      %swap3A_922 = arith.index_cast %add3A_906 : i32 to index
      %swap3A_923 = arith.constant 16 : index
      %swap3A_924 = tpu.vector_load %arg7[%swap3A_922, %swap3A_923] {strides = array<i32>} : memref<800x32xf32, #tpu.memory_space<vmem>>, vector<1x16xf32>,
      %swap3A_925 = vector.shape_cast %swap3A_924 : vector<1x16xf32> to vector<16xf32>
      %swap3A_926 = vector.shape_cast %add3A_921 : vector<16xf32> to vector<1x16xf32>
      tpu.vector_store %arg7[%swap3A_922, %swap3A_923], %swap3A_926 {strides = array<i32>} : memref<800x32xf32, #tpu.memory_space<vmem>>, vector<1x16xf32>,
    }
    %scan3A_259 = arith.constant 200 : i32
    %add3A_260 = arith.constant 7200 : i32
    %add3A_261 = arith.addi %mul3A_2, %add3A_260 : i32
    %dma_start3A_262 = arith.constant 0 : i32
    %dma_start3A_263 = tpu.memref_slice %arg5[%add3A_261, %dma_start3A_262] : memref<819200x32xf32, #tpu.memory_space<hbm>> -> memref<800x32xf32, #tpu.memory_space<hbm>>
    %dma_start3A_264 = arith.constant 0 : i32
    %dma_start3A_265 = tpu.memref_slice %arg5[%add3A_261, %dma_start3A_264] : memref<819200x32xf32, #tpu.memory_space<hbm>> -> memref<800x32xf32, #tpu.memory_space<hbm>>
    tpu.enqueue_dma source(%arg7 : memref<800x32xf32, #tpu.memory_space<vmem>>) target(%dma_start3A_265 : memref<800x32xf32, #tpu.memory_space<hbm>>) target_semaphore(%arg14 : memref<!tpu.dma_semaphore, #tpu.memory_space<semaphore_mem>>)
    %dma_wait3A_266 = arith.constant 0 : i32
    %dma_wait3A_267 = tpu.memref_slice %arg5[%add3A_261, %dma_wait3A_266] : memref<819200x32xf32, #tpu.memory_space<hbm>> -> memref<800x32xf32, #tpu.memory_space<hbm>>
    %dma_wait3A_268 = arith.constant 0 : i32
    %dma_wait3A_269 = tpu.memref_slice %arg5[%add3A_261, %dma_wait3A_268] : memref<819200x32xf32, #tpu.memory_space<hbm>> -> memref<800x32xf32, #tpu.memory_space<hbm>>
    tpu.wait_dma2 semaphore(%arg14 : memref<!tpu.dma_semaphore, #tpu.memory_space<semaphore_mem>>) src(%arg7 : memref<800x32xf32, #tpu.memory_space<vmem>>) dst(%dma_wait3A_269 : memref<800x32xf32, #tpu.memory_space<hbm>>)
    %dma_start3A_270 = arith.constant 9600 : i32
    %dma_start3A_271 = tpu.memref_slice %arg6[%dma_start3A_270] : memref<25600xi32, #tpu.memory_space<vmem>> -> memref<800xi32, #tpu.memory_space<vmem>>
    %dma_start3A_272 = arith.constant 0 : i32
    %dma_start3A_273 = arith.constant 0 : i32
    %dma_start3A_274 = tpu.memref_slice %arg2[%dma_start3A_272, %dma_start3A_273] : memref<1000000x32xf32, #tpu.memory_space<hbm>> -> memref<1000000x32xf32, #tpu.memory_space<hbm>>
    tpu.enqueue_indirect_dma source(%dma_start3A_274 : memref<1000000x32xf32, #tpu.memory_space<hbm>>) target(%arg7 : memref<800x32xf32, #tpu.memory_space<vmem>>) offsets(%dma_start3A_271 : memref<800xi32, #tpu.memory_space<vmem>>) semaphore(%arg11 : memref<!tpu.dma_semaphore, #tpu.memory_space<semaphore_mem>>)
    %dma_wait3A_275 = arith.constant 8000 : i32
    %dma_wait3A_276 = tpu.memref_slice %arg6[%dma_wait3A_275] : memref<25600xi32, #tpu.memory_space<vmem>> -> memref<800xi32, #tpu.memory_space<vmem>>
    %dma_wait3A_277 = arith.constant 0 : i32
    %dma_wait3A_278 = arith.constant 0 : i32
    %dma_wait3A_279 = tpu.memref_slice %arg2[%dma_wait3A_277, %dma_wait3A_278] : memref<1000000x32xf32, #tpu.memory_space<hbm>> -> memref<1000000x32xf32, #tpu.memory_space<hbm>>
    tpu.wait_indirect_dma semaphore(%arg12 : memref<!tpu.dma_semaphore, #tpu.memory_space<semaphore_mem>>) src(%dma_wait3A_279 : memref<1000000x32xf32, #tpu.memory_space<hbm>>) dst(%arg8 : memref<800x32xf32, #tpu.memory_space<vmem>>)
    %scan3A_280 = arith.constant 0 : i32
    %scan3A_281 = arith.constant 0 : i32
    %scan3A_282 = arith.constant 200 : i32
    %scan3A_283 = arith.addi %scan3A_281, %scan3A_282 : i32
    %scan3A_284 = arith.constant 1 : i32
    scf.for %scan3A_832 = %scan3A_281 to %scan3A_283 step %scan3A_284  : i32 {
      %get3A = arith.index_cast %scan3A_832 : i32 to index
      %get3A_833 = arith.constant 0 : index
      %get3A_834 = tpu.vector_load %arg10[%get3A, %get3A_833] {strides = array<i32>} : memref<200x32xf32, #tpu.memory_space<vmem>>, vector<1x16xf32>,
      %get3A_835 = vector.shape_cast %get3A_834 : vector<1x16xf32> to vector<16xf32>
      %get3A_836 = arith.index_cast %scan3A_832 : i32 to index
      %get3A_837 = arith.constant 16 : index
      %get3A_838 = tpu.vector_load %arg10[%get3A_836, %get3A_837] {strides = array<i32>} : memref<200x32xf32, #tpu.memory_space<vmem>>, vector<1x16xf32>,
      %get3A_839 = vector.shape_cast %get3A_838 : vector<1x16xf32> to vector<16xf32>
      %add3A_840 = arith.constant 0 : i32
      %add3A_841 = arith.addi %add3A_840, %scan3A_832 : i32
      %get3A_842 = arith.index_cast %add3A_841 : i32 to index
      %get3A_843 = arith.constant 0 : index
      %get3A_844 = tpu.vector_load %arg8[%get3A_842, %get3A_843] {strides = array<i32>} : memref<800x32xf32, #tpu.memory_space<vmem>>, vector<1x16xf32>,
      %get3A_845 = vector.shape_cast %get3A_844 : vector<1x16xf32> to vector<16xf32>
      %add3A_846 = arith.addf %get3A_845, %get3A_835 : vector<16xf32>
      %swap3A = arith.index_cast %add3A_841 : i32 to index
      %swap3A_847 = arith.constant 0 : index
      %swap3A_848 = tpu.vector_load %arg8[%swap3A, %swap3A_847] {strides = array<i32>} : memref<800x32xf32, #tpu.memory_space<vmem>>, vector<1x16xf32>,
      %swap3A_849 = vector.shape_cast %swap3A_848 : vector<1x16xf32> to vector<16xf32>
      %swap3A_850 = vector.shape_cast %add3A_846 : vector<16xf32> to vector<1x16xf32>
      tpu.vector_store %arg8[%swap3A, %swap3A_847], %swap3A_850 {strides = array<i32>} : memref<800x32xf32, #tpu.memory_space<vmem>>, vector<1x16xf32>,
      %get3A_851 = arith.index_cast %add3A_841 : i32 to index
      %get3A_852 = arith.constant 16 : index
      %get3A_853 = tpu.vector_load %arg8[%get3A_851, %get3A_852] {strides = array<i32>} : memref<800x32xf32, #tpu.memory_space<vmem>>, vector<1x16xf32>,
      %get3A_854 = vector.shape_cast %get3A_853 : vector<1x16xf32> to vector<16xf32>
      %add3A_855 = arith.addf %get3A_854, %get3A_839 : vector<16xf32>
      %swap3A_856 = arith.index_cast %add3A_841 : i32 to index
      %swap3A_857 = arith.constant 16 : index
      %swap3A_858 = tpu.vector_load %arg8[%swap3A_856, %swap3A_857] {strides = array<i32>} : memref<800x32xf32, #tpu.memory_space<vmem>>, vector<1x16xf32>,
      %swap3A_859 = vector.shape_cast %swap3A_858 : vector<1x16xf32> to vector<16xf32>
      %swap3A_860 = vector.shape_cast %add3A_855 : vector<16xf32> to vector<1x16xf32>
      tpu.vector_store %arg8[%swap3A_856, %swap3A_857], %swap3A_860 {strides = array<i32>} : memref<800x32xf32, #tpu.memory_space<vmem>>, vector<1x16xf32>,
      %add3A_861 = arith.constant 200 : i32
      %add3A_862 = arith.addi %add3A_861, %scan3A_832 : i32
      %get3A_863 = arith.index_cast %add3A_862 : i32 to index
      %get3A_864 = arith.constant 0 : index
      %get3A_865 = tpu.vector_load %arg8[%get3A_863, %get3A_864] {strides = array<i32>} : memref<800x32xf32, #tpu.memory_space<vmem>>, vector<1x16xf32>,
      %get3A_866 = vector.shape_cast %get3A_865 : vector<1x16xf32> to vector<16xf32>
      %add3A_867 = arith.addf %get3A_866, %get3A_835 : vector<16xf32>
      %swap3A_868 = arith.index_cast %add3A_862 : i32 to index
      %swap3A_869 = arith.constant 0 : index
      %swap3A_870 = tpu.vector_load %arg8[%swap3A_868, %swap3A_869] {strides = array<i32>} : memref<800x32xf32, #tpu.memory_space<vmem>>, vector<1x16xf32>,
      %swap3A_871 = vector.shape_cast %swap3A_870 : vector<1x16xf32> to vector<16xf32>
      %swap3A_872 = vector.shape_cast %add3A_867 : vector<16xf32> to vector<1x16xf32>
      tpu.vector_store %arg8[%swap3A_868, %swap3A_869], %swap3A_872 {strides = array<i32>} : memref<800x32xf32, #tpu.memory_space<vmem>>, vector<1x16xf32>,
      %get3A_873 = arith.index_cast %add3A_862 : i32 to index
      %get3A_874 = arith.constant 16 : index
      %get3A_875 = tpu.vector_load %arg8[%get3A_873, %get3A_874] {strides = array<i32>} : memref<800x32xf32, #tpu.memory_space<vmem>>, vector<1x16xf32>,
      %get3A_876 = vector.shape_cast %get3A_875 : vector<1x16xf32> to vector<16xf32>
      %add3A_877 = arith.addf %get3A_876, %get3A_839 : vector<16xf32>
      %swap3A_878 = arith.index_cast %add3A_862 : i32 to index
      %swap3A_879 = arith.constant 16 : index
      %swap3A_880 = tpu.vector_load %arg8[%swap3A_878, %swap3A_879] {strides = array<i32>} : memref<800x32xf32, #tpu.memory_space<vmem>>, vector<1x16xf32>,
      %swap3A_881 = vector.shape_cast %swap3A_880 : vector<1x16xf32> to vector<16xf32>
      %swap3A_882 = vector.shape_cast %add3A_877 : vector<16xf32> to vector<1x16xf32>
      tpu.vector_store %arg8[%swap3A_878, %swap3A_879], %swap3A_882 {strides = array<i32>} : memref<800x32xf32, #tpu.memory_space<vmem>>, vector<1x16xf32>,
      %add3A_883 = arith.constant 400 : i32
      %add3A_884 = arith.addi %add3A_883, %scan3A_832 : i32
      %get3A_885 = arith.index_cast %add3A_884 : i32 to index
      %get3A_886 = arith.constant 0 : index
      %get3A_887 = tpu.vector_load %arg8[%get3A_885, %get3A_886] {strides = array<i32>} : memref<800x32xf32, #tpu.memory_space<vmem>>, vector<1x16xf32>,
      %get3A_888 = vector.shape_cast %get3A_887 : vector<1x16xf32> to vector<16xf32>
      %add3A_889 = arith.addf %get3A_888, %get3A_835 : vector<16xf32>
      %swap3A_890 = arith.index_cast %add3A_884 : i32 to index
      %swap3A_891 = arith.constant 0 : index
      %swap3A_892 = tpu.vector_load %arg8[%swap3A_890, %swap3A_891] {strides = array<i32>} : memref<800x32xf32, #tpu.memory_space<vmem>>, vector<1x16xf32>,
      %swap3A_893 = vector.shape_cast %swap3A_892 : vector<1x16xf32> to vector<16xf32>
      %swap3A_894 = vector.shape_cast %add3A_889 : vector<16xf32> to vector<1x16xf32>
      tpu.vector_store %arg8[%swap3A_890, %swap3A_891], %swap3A_894 {strides = array<i32>} : memref<800x32xf32, #tpu.memory_space<vmem>>, vector<1x16xf32>,
      %get3A_895 = arith.index_cast %add3A_884 : i32 to index
      %get3A_896 = arith.constant 16 : index
      %get3A_897 = tpu.vector_load %arg8[%get3A_895, %get3A_896] {strides = array<i32>} : memref<800x32xf32, #tpu.memory_space<vmem>>, vector<1x16xf32>,
      %get3A_898 = vector.shape_cast %get3A_897 : vector<1x16xf32> to vector<16xf32>
      %add3A_899 = arith.addf %get3A_898, %get3A_839 : vector<16xf32>
      %swap3A_900 = arith.index_cast %add3A_884 : i32 to index
      %swap3A_901 = arith.constant 16 : index
      %swap3A_902 = tpu.vector_load %arg8[%swap3A_900, %swap3A_901] {strides = array<i32>} : memref<800x32xf32, #tpu.memory_space<vmem>>, vector<1x16xf32>,
      %swap3A_903 = vector.shape_cast %swap3A_902 : vector<1x16xf32> to vector<16xf32>
      %swap3A_904 = vector.shape_cast %add3A_899 : vector<16xf32> to vector<1x16xf32>
      tpu.vector_store %arg8[%swap3A_900, %swap3A_901], %swap3A_904 {strides = array<i32>} : memref<800x32xf32, #tpu.memory_space<vmem>>, vector<1x16xf32>,
      %add3A_905 = arith.constant 600 : i32
      %add3A_906 = arith.addi %add3A_905, %scan3A_832 : i32
      %get3A_907 = arith.index_cast %add3A_906 : i32 to index
      %get3A_908 = arith.constant 0 : index
      %get3A_909 = tpu.vector_load %arg8[%get3A_907, %get3A_908] {strides = array<i32>} : memref<800x32xf32, #tpu.memory_space<vmem>>, vector<1x16xf32>,
      %get3A_910 = vector.shape_cast %get3A_909 : vector<1x16xf32> to vector<16xf32>
      %add3A_911 = arith.addf %get3A_910, %get3A_835 : vector<16xf32>
      %swap3A_912 = arith.index_cast %add3A_906 : i32 to index
      %swap3A_913 = arith.constant 0 : index
      %swap3A_914 = tpu.vector_load %arg8[%swap3A_912, %swap3A_913] {strides = array<i32>} : memref<800x32xf32, #tpu.memory_space<vmem>>, vector<1x16xf32>,
      %swap3A_915 = vector.shape_cast %swap3A_914 : vector<1x16xf32> to vector<16xf32>
      %swap3A_916 = vector.shape_cast %add3A_911 : vector<16xf32> to vector<1x16xf32>
      tpu.vector_store %arg8[%swap3A_912, %swap3A_913], %swap3A_916 {strides = array<i32>} : memref<800x32xf32, #tpu.memory_space<vmem>>, vector<1x16xf32>,
      %get3A_917 = arith.index_cast %add3A_906 : i32 to index
      %get3A_918 = arith.constant 16 : index
      %get3A_919 = tpu.vector_load %arg8[%get3A_917, %get3A_918] {strides = array<i32>} : memref<800x32xf32, #tpu.memory_space<vmem>>, vector<1x16xf32>,
      %get3A_920 = vector.shape_cast %get3A_919 : vector<1x16xf32> to vector<16xf32>
      %add3A_921 = arith.addf %get3A_920, %get3A_839 : vector<16xf32>
      %swap3A_922 = arith.index_cast %add3A_906 : i32 to index
      %swap3A_923 = arith.constant 16 : index
      %swap3A_924 = tpu.vector_load %arg8[%swap3A_922, %swap3A_923] {strides = array<i32>} : memref<800x32xf32, #tpu.memory_space<vmem>>, vector<1x16xf32>,
      %swap3A_925 = vector.shape_cast %swap3A_924 : vector<1x16xf32> to vector<16xf32>
      %swap3A_926 = vector.shape_cast %add3A_921 : vector<16xf32> to vector<1x16xf32>
      tpu.vector_store %arg8[%swap3A_922, %swap3A_923], %swap3A_926 {strides = array<i32>} : memref<800x32xf32, #tpu.memory_space<vmem>>, vector<1x16xf32>,
    }
    %scan3A_285 = arith.constant 200 : i32
    %add3A_286 = arith.constant 8000 : i32
    %add3A_287 = arith.addi %mul3A_2, %add3A_286 : i32
    %dma_start3A_288 = arith.constant 0 : i32
    %dma_start3A_289 = tpu.memref_slice %arg5[%add3A_287, %dma_start3A_288] : memref<819200x32xf32, #tpu.memory_space<hbm>> -> memref<800x32xf32, #tpu.memory_space<hbm>>
    %dma_start3A_290 = arith.constant 0 : i32
    %dma_start3A_291 = tpu.memref_slice %arg5[%add3A_287, %dma_start3A_290] : memref<819200x32xf32, #tpu.memory_space<hbm>> -> memref<800x32xf32, #tpu.memory_space<hbm>>
    tpu.enqueue_dma source(%arg8 : memref<800x32xf32, #tpu.memory_space<vmem>>) target(%dma_start3A_291 : memref<800x32xf32, #tpu.memory_space<hbm>>) target_semaphore(%arg15 : memref<!tpu.dma_semaphore, #tpu.memory_space<semaphore_mem>>)
    %dma_wait3A_292 = arith.constant 0 : i32
    %dma_wait3A_293 = tpu.memref_slice %arg5[%add3A_287, %dma_wait3A_292] : memref<819200x32xf32, #tpu.memory_space<hbm>> -> memref<800x32xf32, #tpu.memory_space<hbm>>
    %dma_wait3A_294 = arith.constant 0 : i32
    %dma_wait3A_295 = tpu.memref_slice %arg5[%add3A_287, %dma_wait3A_294] : memref<819200x32xf32, #tpu.memory_space<hbm>> -> memref<800x32xf32, #tpu.memory_space<hbm>>
    tpu.wait_dma2 semaphore(%arg15 : memref<!tpu.dma_semaphore, #tpu.memory_space<semaphore_mem>>) src(%arg8 : memref<800x32xf32, #tpu.memory_space<vmem>>) dst(%dma_wait3A_295 : memref<800x32xf32, #tpu.memory_space<hbm>>)
    %dma_start3A_296 = arith.constant 10400 : i32
    %dma_start3A_297 = tpu.memref_slice %arg6[%dma_start3A_296] : memref<25600xi32, #tpu.memory_space<vmem>> -> memref<800xi32, #tpu.memory_space<vmem>>
    %dma_start3A_298 = arith.constant 0 : i32
    %dma_start3A_299 = arith.constant 0 : i32
    %dma_start3A_300 = tpu.memref_slice %arg2[%dma_start3A_298, %dma_start3A_299] : memref<1000000x32xf32, #tpu.memory_space<hbm>> -> memref<1000000x32xf32, #tpu.memory_space<hbm>>
    tpu.enqueue_indirect_dma source(%dma_start3A_300 : memref<1000000x32xf32, #tpu.memory_space<hbm>>) target(%arg8 : memref<800x32xf32, #tpu.memory_space<vmem>>) offsets(%dma_start3A_297 : memref<800xi32, #tpu.memory_space<vmem>>) semaphore(%arg12 : memref<!tpu.dma_semaphore, #tpu.memory_space<semaphore_mem>>)
    %dma_wait3A_301 = arith.constant 8800 : i32
    %dma_wait3A_302 = tpu.memref_slice %arg6[%dma_wait3A_301] : memref<25600xi32, #tpu.memory_space<vmem>> -> memref<800xi32, #tpu.memory_space<vmem>>
    %dma_wait3A_303 = arith.constant 0 : i32
    %dma_wait3A_304 = arith.constant 0 : i32
    %dma_wait3A_305 = tpu.memref_slice %arg2[%dma_wait3A_303, %dma_wait3A_304] : memref<1000000x32xf32, #tpu.memory_space<hbm>> -> memref<1000000x32xf32, #tpu.memory_space<hbm>>
    tpu.wait_indirect_dma semaphore(%arg13 : memref<!tpu.dma_semaphore, #tpu.memory_space<semaphore_mem>>) src(%dma_wait3A_305 : memref<1000000x32xf32, #tpu.memory_space<hbm>>) dst(%arg9 : memref<800x32xf32, #tpu.memory_space<vmem>>)
    %scan3A_306 = arith.constant 0 : i32
    %scan3A_307 = arith.constant 0 : i32
    %scan3A_308 = arith.constant 200 : i32
    %scan3A_309 = arith.addi %scan3A_307, %scan3A_308 : i32
    %scan3A_310 = arith.constant 1 : i32
    scf.for %scan3A_832 = %scan3A_307 to %scan3A_309 step %scan3A_310  : i32 {
      %get3A = arith.index_cast %scan3A_832 : i32 to index
      %get3A_833 = arith.constant 0 : index
      %get3A_834 = tpu.vector_load %arg10[%get3A, %get3A_833] {strides = array<i32>} : memref<200x32xf32, #tpu.memory_space<vmem>>, vector<1x16xf32>,
      %get3A_835 = vector.shape_cast %get3A_834 : vector<1x16xf32> to vector<16xf32>
      %get3A_836 = arith.index_cast %scan3A_832 : i32 to index
      %get3A_837 = arith.constant 16 : index
      %get3A_838 = tpu.vector_load %arg10[%get3A_836, %get3A_837] {strides = array<i32>} : memref<200x32xf32, #tpu.memory_space<vmem>>, vector<1x16xf32>,
      %get3A_839 = vector.shape_cast %get3A_838 : vector<1x16xf32> to vector<16xf32>
      %add3A_840 = arith.constant 0 : i32
      %add3A_841 = arith.addi %add3A_840, %scan3A_832 : i32
      %get3A_842 = arith.index_cast %add3A_841 : i32 to index
      %get3A_843 = arith.constant 0 : index
      %get3A_844 = tpu.vector_load %arg9[%get3A_842, %get3A_843] {strides = array<i32>} : memref<800x32xf32, #tpu.memory_space<vmem>>, vector<1x16xf32>,
      %get3A_845 = vector.shape_cast %get3A_844 : vector<1x16xf32> to vector<16xf32>
      %add3A_846 = arith.addf %get3A_845, %get3A_835 : vector<16xf32>
      %swap3A = arith.index_cast %add3A_841 : i32 to index
      %swap3A_847 = arith.constant 0 : index
      %swap3A_848 = tpu.vector_load %arg9[%swap3A, %swap3A_847] {strides = array<i32>} : memref<800x32xf32, #tpu.memory_space<vmem>>, vector<1x16xf32>,
      %swap3A_849 = vector.shape_cast %swap3A_848 : vector<1x16xf32> to vector<16xf32>
      %swap3A_850 = vector.shape_cast %add3A_846 : vector<16xf32> to vector<1x16xf32>
      tpu.vector_store %arg9[%swap3A, %swap3A_847], %swap3A_850 {strides = array<i32>} : memref<800x32xf32, #tpu.memory_space<vmem>>, vector<1x16xf32>,
      %get3A_851 = arith.index_cast %add3A_841 : i32 to index
      %get3A_852 = arith.constant 16 : index
      %get3A_853 = tpu.vector_load %arg9[%get3A_851, %get3A_852] {strides = array<i32>} : memref<800x32xf32, #tpu.memory_space<vmem>>, vector<1x16xf32>,
      %get3A_854 = vector.shape_cast %get3A_853 : vector<1x16xf32> to vector<16xf32>
      %add3A_855 = arith.addf %get3A_854, %get3A_839 : vector<16xf32>
      %swap3A_856 = arith.index_cast %add3A_841 : i32 to index
      %swap3A_857 = arith.constant 16 : index
      %swap3A_858 = tpu.vector_load %arg9[%swap3A_856, %swap3A_857] {strides = array<i32>} : memref<800x32xf32, #tpu.memory_space<vmem>>, vector<1x16xf32>,
      %swap3A_859 = vector.shape_cast %swap3A_858 : vector<1x16xf32> to vector<16xf32>
      %swap3A_860 = vector.shape_cast %add3A_855 : vector<16xf32> to vector<1x16xf32>
      tpu.vector_store %arg9[%swap3A_856, %swap3A_857], %swap3A_860 {strides = array<i32>} : memref<800x32xf32, #tpu.memory_space<vmem>>, vector<1x16xf32>,
      %add3A_861 = arith.constant 200 : i32
      %add3A_862 = arith.addi %add3A_861, %scan3A_832 : i32
      %get3A_863 = arith.index_cast %add3A_862 : i32 to index
      %get3A_864 = arith.constant 0 : index
      %get3A_865 = tpu.vector_load %arg9[%get3A_863, %get3A_864] {strides = array<i32>} : memref<800x32xf32, #tpu.memory_space<vmem>>, vector<1x16xf32>,
      %get3A_866 = vector.shape_cast %get3A_865 : vector<1x16xf32> to vector<16xf32>
      %add3A_867 = arith.addf %get3A_866, %get3A_835 : vector<16xf32>
      %swap3A_868 = arith.index_cast %add3A_862 : i32 to index
      %swap3A_869 = arith.constant 0 : index
      %swap3A_870 = tpu.vector_load %arg9[%swap3A_868, %swap3A_869] {strides = array<i32>} : memref<800x32xf32, #tpu.memory_space<vmem>>, vector<1x16xf32>,
      %swap3A_871 = vector.shape_cast %swap3A_870 : vector<1x16xf32> to vector<16xf32>
      %swap3A_872 = vector.shape_cast %add3A_867 : vector<16xf32> to vector<1x16xf32>
      tpu.vector_store %arg9[%swap3A_868, %swap3A_869], %swap3A_872 {strides = array<i32>} : memref<800x32xf32, #tpu.memory_space<vmem>>, vector<1x16xf32>,
      %get3A_873 = arith.index_cast %add3A_862 : i32 to index
      %get3A_874 = arith.constant 16 : index
      %get3A_875 = tpu.vector_load %arg9[%get3A_873, %get3A_874] {strides = array<i32>} : memref<800x32xf32, #tpu.memory_space<vmem>>, vector<1x16xf32>,
      %get3A_876 = vector.shape_cast %get3A_875 : vector<1x16xf32> to vector<16xf32>
      %add3A_877 = arith.addf %get3A_876, %get3A_839 : vector<16xf32>
      %swap3A_878 = arith.index_cast %add3A_862 : i32 to index
      %swap3A_879 = arith.constant 16 : index
      %swap3A_880 = tpu.vector_load %arg9[%swap3A_878, %swap3A_879] {strides = array<i32>} : memref<800x32xf32, #tpu.memory_space<vmem>>, vector<1x16xf32>,
      %swap3A_881 = vector.shape_cast %swap3A_880 : vector<1x16xf32> to vector<16xf32>
      %swap3A_882 = vector.shape_cast %add3A_877 : vector<16xf32> to vector<1x16xf32>
      tpu.vector_store %arg9[%swap3A_878, %swap3A_879], %swap3A_882 {strides = array<i32>} : memref<800x32xf32, #tpu.memory_space<vmem>>, vector<1x16xf32>,
      %add3A_883 = arith.constant 400 : i32
      %add3A_884 = arith.addi %add3A_883, %scan3A_832 : i32
      %get3A_885 = arith.index_cast %add3A_884 : i32 to index
      %get3A_886 = arith.constant 0 : index
      %get3A_887 = tpu.vector_load %arg9[%get3A_885, %get3A_886] {strides = array<i32>} : memref<800x32xf32, #tpu.memory_space<vmem>>, vector<1x16xf32>,
      %get3A_888 = vector.shape_cast %get3A_887 : vector<1x16xf32> to vector<16xf32>
      %add3A_889 = arith.addf %get3A_888, %get3A_835 : vector<16xf32>
      %swap3A_890 = arith.index_cast %add3A_884 : i32 to index
      %swap3A_891 = arith.constant 0 : index
      %swap3A_892 = tpu.vector_load %arg9[%swap3A_890, %swap3A_891] {strides = array<i32>} : memref<800x32xf32, #tpu.memory_space<vmem>>, vector<1x16xf32>,
      %swap3A_893 = vector.shape_cast %swap3A_892 : vector<1x16xf32> to vector<16xf32>
      %swap3A_894 = vector.shape_cast %add3A_889 : vector<16xf32> to vector<1x16xf32>
      tpu.vector_store %arg9[%swap3A_890, %swap3A_891], %swap3A_894 {strides = array<i32>} : memref<800x32xf32, #tpu.memory_space<vmem>>, vector<1x16xf32>,
      %get3A_895 = arith.index_cast %add3A_884 : i32 to index
      %get3A_896 = arith.constant 16 : index
      %get3A_897 = tpu.vector_load %arg9[%get3A_895, %get3A_896] {strides = array<i32>} : memref<800x32xf32, #tpu.memory_space<vmem>>, vector<1x16xf32>,
      %get3A_898 = vector.shape_cast %get3A_897 : vector<1x16xf32> to vector<16xf32>
      %add3A_899 = arith.addf %get3A_898, %get3A_839 : vector<16xf32>
      %swap3A_900 = arith.index_cast %add3A_884 : i32 to index
      %swap3A_901 = arith.constant 16 : index
      %swap3A_902 = tpu.vector_load %arg9[%swap3A_900, %swap3A_901] {strides = array<i32>} : memref<800x32xf32, #tpu.memory_space<vmem>>, vector<1x16xf32>,
      %swap3A_903 = vector.shape_cast %swap3A_902 : vector<1x16xf32> to vector<16xf32>
      %swap3A_904 = vector.shape_cast %add3A_899 : vector<16xf32> to vector<1x16xf32>
      tpu.vector_store %arg9[%swap3A_900, %swap3A_901], %swap3A_904 {strides = array<i32>} : memref<800x32xf32, #tpu.memory_space<vmem>>, vector<1x16xf32>,
      %add3A_905 = arith.constant 600 : i32
      %add3A_906 = arith.addi %add3A_905, %scan3A_832 : i32
      %get3A_907 = arith.index_cast %add3A_906 : i32 to index
      %get3A_908 = arith.constant 0 : index
      %get3A_909 = tpu.vector_load %arg9[%get3A_907, %get3A_908] {strides = array<i32>} : memref<800x32xf32, #tpu.memory_space<vmem>>, vector<1x16xf32>,
      %get3A_910 = vector.shape_cast %get3A_909 : vector<1x16xf32> to vector<16xf32>
      %add3A_911 = arith.addf %get3A_910, %get3A_835 : vector<16xf32>
      %swap3A_912 = arith.index_cast %add3A_906 : i32 to index
      %swap3A_913 = arith.constant 0 : index
      %swap3A_914 = tpu.vector_load %arg9[%swap3A_912, %swap3A_913] {strides = array<i32>} : memref<800x32xf32, #tpu.memory_space<vmem>>, vector<1x16xf32>,
      %swap3A_915 = vector.shape_cast %swap3A_914 : vector<1x16xf32> to vector<16xf32>
      %swap3A_916 = vector.shape_cast %add3A_911 : vector<16xf32> to vector<1x16xf32>
      tpu.vector_store %arg9[%swap3A_912, %swap3A_913], %swap3A_916 {strides = array<i32>} : memref<800x32xf32, #tpu.memory_space<vmem>>, vector<1x16xf32>,
      %get3A_917 = arith.index_cast %add3A_906 : i32 to index
      %get3A_918 = arith.constant 16 : index
      %get3A_919 = tpu.vector_load %arg9[%get3A_917, %get3A_918] {strides = array<i32>} : memref<800x32xf32, #tpu.memory_space<vmem>>, vector<1x16xf32>,
      %get3A_920 = vector.shape_cast %get3A_919 : vector<1x16xf32> to vector<16xf32>
      %add3A_921 = arith.addf %get3A_920, %get3A_839 : vector<16xf32>
      %swap3A_922 = arith.index_cast %add3A_906 : i32 to index
      %swap3A_923 = arith.constant 16 : index
      %swap3A_924 = tpu.vector_load %arg9[%swap3A_922, %swap3A_923] {strides = array<i32>} : memref<800x32xf32, #tpu.memory_space<vmem>>, vector<1x16xf32>,
      %swap3A_925 = vector.shape_cast %swap3A_924 : vector<1x16xf32> to vector<16xf32>
      %swap3A_926 = vector.shape_cast %add3A_921 : vector<16xf32> to vector<1x16xf32>
      tpu.vector_store %arg9[%swap3A_922, %swap3A_923], %swap3A_926 {strides = array<i32>} : memref<800x32xf32, #tpu.memory_space<vmem>>, vector<1x16xf32>,
    }
    %scan3A_311 = arith.constant 200 : i32
    %add3A_312 = arith.constant 8800 : i32
    %add3A_313 = arith.addi %mul3A_2, %add3A_312 : i32
    %dma_start3A_314 = arith.constant 0 : i32
    %dma_start3A_315 = tpu.memref_slice %arg5[%add3A_313, %dma_start3A_314] : memref<819200x32xf32, #tpu.memory_space<hbm>> -> memref<800x32xf32, #tpu.memory_space<hbm>>
    %dma_start3A_316 = arith.constant 0 : i32
    %dma_start3A_317 = tpu.memref_slice %arg5[%add3A_313, %dma_start3A_316] : memref<819200x32xf32, #tpu.memory_space<hbm>> -> memref<800x32xf32, #tpu.memory_space<hbm>>
    tpu.enqueue_dma source(%arg9 : memref<800x32xf32, #tpu.memory_space<vmem>>) target(%dma_start3A_317 : memref<800x32xf32, #tpu.memory_space<hbm>>) target_semaphore(%arg16 : memref<!tpu.dma_semaphore, #tpu.memory_space<semaphore_mem>>)
    %dma_wait3A_318 = arith.constant 0 : i32
    %dma_wait3A_319 = tpu.memref_slice %arg5[%add3A_313, %dma_wait3A_318] : memref<819200x32xf32, #tpu.memory_space<hbm>> -> memref<800x32xf32, #tpu.memory_space<hbm>>
    %dma_wait3A_320 = arith.constant 0 : i32
    %dma_wait3A_321 = tpu.memref_slice %arg5[%add3A_313, %dma_wait3A_320] : memref<819200x32xf32, #tpu.memory_space<hbm>> -> memref<800x32xf32, #tpu.memory_space<hbm>>
    tpu.wait_dma2 semaphore(%arg16 : memref<!tpu.dma_semaphore, #tpu.memory_space<semaphore_mem>>) src(%arg9 : memref<800x32xf32, #tpu.memory_space<vmem>>) dst(%dma_wait3A_321 : memref<800x32xf32, #tpu.memory_space<hbm>>)
    %dma_start3A_322 = arith.constant 11200 : i32
    %dma_start3A_323 = tpu.memref_slice %arg6[%dma_start3A_322] : memref<25600xi32, #tpu.memory_space<vmem>> -> memref<800xi32, #tpu.memory_space<vmem>>
    %dma_start3A_324 = arith.constant 0 : i32
    %dma_start3A_325 = arith.constant 0 : i32
    %dma_start3A_326 = tpu.memref_slice %arg2[%dma_start3A_324, %dma_start3A_325] : memref<1000000x32xf32, #tpu.memory_space<hbm>> -> memref<1000000x32xf32, #tpu.memory_space<hbm>>
    tpu.enqueue_indirect_dma source(%dma_start3A_326 : memref<1000000x32xf32, #tpu.memory_space<hbm>>) target(%arg9 : memref<800x32xf32, #tpu.memory_space<vmem>>) offsets(%dma_start3A_323 : memref<800xi32, #tpu.memory_space<vmem>>) semaphore(%arg13 : memref<!tpu.dma_semaphore, #tpu.memory_space<semaphore_mem>>)
    %dma_wait3A_327 = arith.constant 9600 : i32
    %dma_wait3A_328 = tpu.memref_slice %arg6[%dma_wait3A_327] : memref<25600xi32, #tpu.memory_space<vmem>> -> memref<800xi32, #tpu.memory_space<vmem>>
    %dma_wait3A_329 = arith.constant 0 : i32
    %dma_wait3A_330 = arith.constant 0 : i32
    %dma_wait3A_331 = tpu.memref_slice %arg2[%dma_wait3A_329, %dma_wait3A_330] : memref<1000000x32xf32, #tpu.memory_space<hbm>> -> memref<1000000x32xf32, #tpu.memory_space<hbm>>
    tpu.wait_indirect_dma semaphore(%arg11 : memref<!tpu.dma_semaphore, #tpu.memory_space<semaphore_mem>>) src(%dma_wait3A_331 : memref<1000000x32xf32, #tpu.memory_space<hbm>>) dst(%arg7 : memref<800x32xf32, #tpu.memory_space<vmem>>)
    %scan3A_332 = arith.constant 0 : i32
    %scan3A_333 = arith.constant 0 : i32
    %scan3A_334 = arith.constant 200 : i32
    %scan3A_335 = arith.addi %scan3A_333, %scan3A_334 : i32
    %scan3A_336 = arith.constant 1 : i32
    scf.for %scan3A_832 = %scan3A_333 to %scan3A_335 step %scan3A_336  : i32 {
      %get3A = arith.index_cast %scan3A_832 : i32 to index
      %get3A_833 = arith.constant 0 : index
      %get3A_834 = tpu.vector_load %arg10[%get3A, %get3A_833] {strides = array<i32>} : memref<200x32xf32, #tpu.memory_space<vmem>>, vector<1x16xf32>,
      %get3A_835 = vector.shape_cast %get3A_834 : vector<1x16xf32> to vector<16xf32>
      %get3A_836 = arith.index_cast %scan3A_832 : i32 to index
      %get3A_837 = arith.constant 16 : index
      %get3A_838 = tpu.vector_load %arg10[%get3A_836, %get3A_837] {strides = array<i32>} : memref<200x32xf32, #tpu.memory_space<vmem>>, vector<1x16xf32>,
      %get3A_839 = vector.shape_cast %get3A_838 : vector<1x16xf32> to vector<16xf32>
      %add3A_840 = arith.constant 0 : i32
      %add3A_841 = arith.addi %add3A_840, %scan3A_832 : i32
      %get3A_842 = arith.index_cast %add3A_841 : i32 to index
      %get3A_843 = arith.constant 0 : index
      %get3A_844 = tpu.vector_load %arg7[%get3A_842, %get3A_843] {strides = array<i32>} : memref<800x32xf32, #tpu.memory_space<vmem>>, vector<1x16xf32>,
      %get3A_845 = vector.shape_cast %get3A_844 : vector<1x16xf32> to vector<16xf32>
      %add3A_846 = arith.addf %get3A_845, %get3A_835 : vector<16xf32>
      %swap3A = arith.index_cast %add3A_841 : i32 to index
      %swap3A_847 = arith.constant 0 : index
      %swap3A_848 = tpu.vector_load %arg7[%swap3A, %swap3A_847] {strides = array<i32>} : memref<800x32xf32, #tpu.memory_space<vmem>>, vector<1x16xf32>,
      %swap3A_849 = vector.shape_cast %swap3A_848 : vector<1x16xf32> to vector<16xf32>
      %swap3A_850 = vector.shape_cast %add3A_846 : vector<16xf32> to vector<1x16xf32>
      tpu.vector_store %arg7[%swap3A, %swap3A_847], %swap3A_850 {strides = array<i32>} : memref<800x32xf32, #tpu.memory_space<vmem>>, vector<1x16xf32>,
      %get3A_851 = arith.index_cast %add3A_841 : i32 to index
      %get3A_852 = arith.constant 16 : index
      %get3A_853 = tpu.vector_load %arg7[%get3A_851, %get3A_852] {strides = array<i32>} : memref<800x32xf32, #tpu.memory_space<vmem>>, vector<1x16xf32>,
      %get3A_854 = vector.shape_cast %get3A_853 : vector<1x16xf32> to vector<16xf32>
      %add3A_855 = arith.addf %get3A_854, %get3A_839 : vector<16xf32>
      %swap3A_856 = arith.index_cast %add3A_841 : i32 to index
      %swap3A_857 = arith.constant 16 : index
      %swap3A_858 = tpu.vector_load %arg7[%swap3A_856, %swap3A_857] {strides = array<i32>} : memref<800x32xf32, #tpu.memory_space<vmem>>, vector<1x16xf32>,
      %swap3A_859 = vector.shape_cast %swap3A_858 : vector<1x16xf32> to vector<16xf32>
      %swap3A_860 = vector.shape_cast %add3A_855 : vector<16xf32> to vector<1x16xf32>
      tpu.vector_store %arg7[%swap3A_856, %swap3A_857], %swap3A_860 {strides = array<i32>} : memref<800x32xf32, #tpu.memory_space<vmem>>, vector<1x16xf32>,
      %add3A_861 = arith.constant 200 : i32
      %add3A_862 = arith.addi %add3A_861, %scan3A_832 : i32
      %get3A_863 = arith.index_cast %add3A_862 : i32 to index
      %get3A_864 = arith.constant 0 : index
      %get3A_865 = tpu.vector_load %arg7[%get3A_863, %get3A_864] {strides = array<i32>} : memref<800x32xf32, #tpu.memory_space<vmem>>, vector<1x16xf32>,
      %get3A_866 = vector.shape_cast %get3A_865 : vector<1x16xf32> to vector<16xf32>
      %add3A_867 = arith.addf %get3A_866, %get3A_835 : vector<16xf32>
      %swap3A_868 = arith.index_cast %add3A_862 : i32 to index
      %swap3A_869 = arith.constant 0 : index
      %swap3A_870 = tpu.vector_load %arg7[%swap3A_868, %swap3A_869] {strides = array<i32>} : memref<800x32xf32, #tpu.memory_space<vmem>>, vector<1x16xf32>,
      %swap3A_871 = vector.shape_cast %swap3A_870 : vector<1x16xf32> to vector<16xf32>
      %swap3A_872 = vector.shape_cast %add3A_867 : vector<16xf32> to vector<1x16xf32>
      tpu.vector_store %arg7[%swap3A_868, %swap3A_869], %swap3A_872 {strides = array<i32>} : memref<800x32xf32, #tpu.memory_space<vmem>>, vector<1x16xf32>,
      %get3A_873 = arith.index_cast %add3A_862 : i32 to index
      %get3A_874 = arith.constant 16 : index
      %get3A_875 = tpu.vector_load %arg7[%get3A_873, %get3A_874] {strides = array<i32>} : memref<800x32xf32, #tpu.memory_space<vmem>>, vector<1x16xf32>,
      %get3A_876 = vector.shape_cast %get3A_875 : vector<1x16xf32> to vector<16xf32>
      %add3A_877 = arith.addf %get3A_876, %get3A_839 : vector<16xf32>
      %swap3A_878 = arith.index_cast %add3A_862 : i32 to index
      %swap3A_879 = arith.constant 16 : index
      %swap3A_880 = tpu.vector_load %arg7[%swap3A_878, %swap3A_879] {strides = array<i32>} : memref<800x32xf32, #tpu.memory_space<vmem>>, vector<1x16xf32>,
      %swap3A_881 = vector.shape_cast %swap3A_880 : vector<1x16xf32> to vector<16xf32>
      %swap3A_882 = vector.shape_cast %add3A_877 : vector<16xf32> to vector<1x16xf32>
      tpu.vector_store %arg7[%swap3A_878, %swap3A_879], %swap3A_882 {strides = array<i32>} : memref<800x32xf32, #tpu.memory_space<vmem>>, vector<1x16xf32>,
      %add3A_883 = arith.constant 400 : i32
      %add3A_884 = arith.addi %add3A_883, %scan3A_832 : i32
      %get3A_885 = arith.index_cast %add3A_884 : i32 to index
      %get3A_886 = arith.constant 0 : index
      %get3A_887 = tpu.vector_load %arg7[%get3A_885, %get3A_886] {strides = array<i32>} : memref<800x32xf32, #tpu.memory_space<vmem>>, vector<1x16xf32>,
      %get3A_888 = vector.shape_cast %get3A_887 : vector<1x16xf32> to vector<16xf32>
      %add3A_889 = arith.addf %get3A_888, %get3A_835 : vector<16xf32>
      %swap3A_890 = arith.index_cast %add3A_884 : i32 to index
      %swap3A_891 = arith.constant 0 : index
      %swap3A_892 = tpu.vector_load %arg7[%swap3A_890, %swap3A_891] {strides = array<i32>} : memref<800x32xf32, #tpu.memory_space<vmem>>, vector<1x16xf32>,
      %swap3A_893 = vector.shape_cast %swap3A_892 : vector<1x16xf32> to vector<16xf32>
      %swap3A_894 = vector.shape_cast %add3A_889 : vector<16xf32> to vector<1x16xf32>
      tpu.vector_store %arg7[%swap3A_890, %swap3A_891], %swap3A_894 {strides = array<i32>} : memref<800x32xf32, #tpu.memory_space<vmem>>, vector<1x16xf32>,
      %get3A_895 = arith.index_cast %add3A_884 : i32 to index
      %get3A_896 = arith.constant 16 : index
      %get3A_897 = tpu.vector_load %arg7[%get3A_895, %get3A_896] {strides = array<i32>} : memref<800x32xf32, #tpu.memory_space<vmem>>, vector<1x16xf32>,
      %get3A_898 = vector.shape_cast %get3A_897 : vector<1x16xf32> to vector<16xf32>
      %add3A_899 = arith.addf %get3A_898, %get3A_839 : vector<16xf32>
      %swap3A_900 = arith.index_cast %add3A_884 : i32 to index
      %swap3A_901 = arith.constant 16 : index
      %swap3A_902 = tpu.vector_load %arg7[%swap3A_900, %swap3A_901] {strides = array<i32>} : memref<800x32xf32, #tpu.memory_space<vmem>>, vector<1x16xf32>,
      %swap3A_903 = vector.shape_cast %swap3A_902 : vector<1x16xf32> to vector<16xf32>
      %swap3A_904 = vector.shape_cast %add3A_899 : vector<16xf32> to vector<1x16xf32>
      tpu.vector_store %arg7[%swap3A_900, %swap3A_901], %swap3A_904 {strides = array<i32>} : memref<800x32xf32, #tpu.memory_space<vmem>>, vector<1x16xf32>,
      %add3A_905 = arith.constant 600 : i32
      %add3A_906 = arith.addi %add3A_905, %scan3A_832 : i32
      %get3A_907 = arith.index_cast %add3A_906 : i32 to index
      %get3A_908 = arith.constant 0 : index
      %get3A_909 = tpu.vector_load %arg7[%get3A_907, %get3A_908] {strides = array<i32>} : memref<800x32xf32, #tpu.memory_space<vmem>>, vector<1x16xf32>,
      %get3A_910 = vector.shape_cast %get3A_909 : vector<1x16xf32> to vector<16xf32>
      %add3A_911 = arith.addf %get3A_910, %get3A_835 : vector<16xf32>
      %swap3A_912 = arith.index_cast %add3A_906 : i32 to index
      %swap3A_913 = arith.constant 0 : index
      %swap3A_914 = tpu.vector_load %arg7[%swap3A_912, %swap3A_913] {strides = array<i32>} : memref<800x32xf32, #tpu.memory_space<vmem>>, vector<1x16xf32>,
      %swap3A_915 = vector.shape_cast %swap3A_914 : vector<1x16xf32> to vector<16xf32>
      %swap3A_916 = vector.shape_cast %add3A_911 : vector<16xf32> to vector<1x16xf32>
      tpu.vector_store %arg7[%swap3A_912, %swap3A_913], %swap3A_916 {strides = array<i32>} : memref<800x32xf32, #tpu.memory_space<vmem>>, vector<1x16xf32>,
      %get3A_917 = arith.index_cast %add3A_906 : i32 to index
      %get3A_918 = arith.constant 16 : index
      %get3A_919 = tpu.vector_load %arg7[%get3A_917, %get3A_918] {strides = array<i32>} : memref<800x32xf32, #tpu.memory_space<vmem>>, vector<1x16xf32>,
      %get3A_920 = vector.shape_cast %get3A_919 : vector<1x16xf32> to vector<16xf32>
      %add3A_921 = arith.addf %get3A_920, %get3A_839 : vector<16xf32>
      %swap3A_922 = arith.index_cast %add3A_906 : i32 to index
      %swap3A_923 = arith.constant 16 : index
      %swap3A_924 = tpu.vector_load %arg7[%swap3A_922, %swap3A_923] {strides = array<i32>} : memref<800x32xf32, #tpu.memory_space<vmem>>, vector<1x16xf32>,
      %swap3A_925 = vector.shape_cast %swap3A_924 : vector<1x16xf32> to vector<16xf32>
      %swap3A_926 = vector.shape_cast %add3A_921 : vector<16xf32> to vector<1x16xf32>
      tpu.vector_store %arg7[%swap3A_922, %swap3A_923], %swap3A_926 {strides = array<i32>} : memref<800x32xf32, #tpu.memory_space<vmem>>, vector<1x16xf32>,
    }
    %scan3A_337 = arith.constant 200 : i32
    %add3A_338 = arith.constant 9600 : i32
    %add3A_339 = arith.addi %mul3A_2, %add3A_338 : i32
    %dma_start3A_340 = arith.constant 0 : i32
    %dma_start3A_341 = tpu.memref_slice %arg5[%add3A_339, %dma_start3A_340] : memref<819200x32xf32, #tpu.memory_space<hbm>> -> memref<800x32xf32, #tpu.memory_space<hbm>>
    %dma_start3A_342 = arith.constant 0 : i32
    %dma_start3A_343 = tpu.memref_slice %arg5[%add3A_339, %dma_start3A_342] : memref<819200x32xf32, #tpu.memory_space<hbm>> -> memref<800x32xf32, #tpu.memory_space<hbm>>
    tpu.enqueue_dma source(%arg7 : memref<800x32xf32, #tpu.memory_space<vmem>>) target(%dma_start3A_343 : memref<800x32xf32, #tpu.memory_space<hbm>>) target_semaphore(%arg14 : memref<!tpu.dma_semaphore, #tpu.memory_space<semaphore_mem>>)
    %dma_wait3A_344 = arith.constant 0 : i32
    %dma_wait3A_345 = tpu.memref_slice %arg5[%add3A_339, %dma_wait3A_344] : memref<819200x32xf32, #tpu.memory_space<hbm>> -> memref<800x32xf32, #tpu.memory_space<hbm>>
    %dma_wait3A_346 = arith.constant 0 : i32
    %dma_wait3A_347 = tpu.memref_slice %arg5[%add3A_339, %dma_wait3A_346] : memref<819200x32xf32, #tpu.memory_space<hbm>> -> memref<800x32xf32, #tpu.memory_space<hbm>>
    tpu.wait_dma2 semaphore(%arg14 : memref<!tpu.dma_semaphore, #tpu.memory_space<semaphore_mem>>) src(%arg7 : memref<800x32xf32, #tpu.memory_space<vmem>>) dst(%dma_wait3A_347 : memref<800x32xf32, #tpu.memory_space<hbm>>)
    %dma_start3A_348 = arith.constant 12000 : i32
    %dma_start3A_349 = tpu.memref_slice %arg6[%dma_start3A_348] : memref<25600xi32, #tpu.memory_space<vmem>> -> memref<800xi32, #tpu.memory_space<vmem>>
    %dma_start3A_350 = arith.constant 0 : i32
    %dma_start3A_351 = arith.constant 0 : i32
    %dma_start3A_352 = tpu.memref_slice %arg2[%dma_start3A_350, %dma_start3A_351] : memref<1000000x32xf32, #tpu.memory_space<hbm>> -> memref<1000000x32xf32, #tpu.memory_space<hbm>>
    tpu.enqueue_indirect_dma source(%dma_start3A_352 : memref<1000000x32xf32, #tpu.memory_space<hbm>>) target(%arg7 : memref<800x32xf32, #tpu.memory_space<vmem>>) offsets(%dma_start3A_349 : memref<800xi32, #tpu.memory_space<vmem>>) semaphore(%arg11 : memref<!tpu.dma_semaphore, #tpu.memory_space<semaphore_mem>>)
    %dma_wait3A_353 = arith.constant 10400 : i32
    %dma_wait3A_354 = tpu.memref_slice %arg6[%dma_wait3A_353] : memref<25600xi32, #tpu.memory_space<vmem>> -> memref<800xi32, #tpu.memory_space<vmem>>
    %dma_wait3A_355 = arith.constant 0 : i32
    %dma_wait3A_356 = arith.constant 0 : i32
    %dma_wait3A_357 = tpu.memref_slice %arg2[%dma_wait3A_355, %dma_wait3A_356] : memref<1000000x32xf32, #tpu.memory_space<hbm>> -> memref<1000000x32xf32, #tpu.memory_space<hbm>>
    tpu.wait_indirect_dma semaphore(%arg12 : memref<!tpu.dma_semaphore, #tpu.memory_space<semaphore_mem>>) src(%dma_wait3A_357 : memref<1000000x32xf32, #tpu.memory_space<hbm>>) dst(%arg8 : memref<800x32xf32, #tpu.memory_space<vmem>>)
    %scan3A_358 = arith.constant 0 : i32
    %scan3A_359 = arith.constant 0 : i32
    %scan3A_360 = arith.constant 200 : i32
    %scan3A_361 = arith.addi %scan3A_359, %scan3A_360 : i32
    %scan3A_362 = arith.constant 1 : i32
    scf.for %scan3A_832 = %scan3A_359 to %scan3A_361 step %scan3A_362  : i32 {
      %get3A = arith.index_cast %scan3A_832 : i32 to index
      %get3A_833 = arith.constant 0 : index
      %get3A_834 = tpu.vector_load %arg10[%get3A, %get3A_833] {strides = array<i32>} : memref<200x32xf32, #tpu.memory_space<vmem>>, vector<1x16xf32>,
      %get3A_835 = vector.shape_cast %get3A_834 : vector<1x16xf32> to vector<16xf32>
      %get3A_836 = arith.index_cast %scan3A_832 : i32 to index
      %get3A_837 = arith.constant 16 : index
      %get3A_838 = tpu.vector_load %arg10[%get3A_836, %get3A_837] {strides = array<i32>} : memref<200x32xf32, #tpu.memory_space<vmem>>, vector<1x16xf32>,
      %get3A_839 = vector.shape_cast %get3A_838 : vector<1x16xf32> to vector<16xf32>
      %add3A_840 = arith.constant 0 : i32
      %add3A_841 = arith.addi %add3A_840, %scan3A_832 : i32
      %get3A_842 = arith.index_cast %add3A_841 : i32 to index
      %get3A_843 = arith.constant 0 : index
      %get3A_844 = tpu.vector_load %arg8[%get3A_842, %get3A_843] {strides = array<i32>} : memref<800x32xf32, #tpu.memory_space<vmem>>, vector<1x16xf32>,
      %get3A_845 = vector.shape_cast %get3A_844 : vector<1x16xf32> to vector<16xf32>
      %add3A_846 = arith.addf %get3A_845, %get3A_835 : vector<16xf32>
      %swap3A = arith.index_cast %add3A_841 : i32 to index
      %swap3A_847 = arith.constant 0 : index
      %swap3A_848 = tpu.vector_load %arg8[%swap3A, %swap3A_847] {strides = array<i32>} : memref<800x32xf32, #tpu.memory_space<vmem>>, vector<1x16xf32>,
      %swap3A_849 = vector.shape_cast %swap3A_848 : vector<1x16xf32> to vector<16xf32>
      %swap3A_850 = vector.shape_cast %add3A_846 : vector<16xf32> to vector<1x16xf32>
      tpu.vector_store %arg8[%swap3A, %swap3A_847], %swap3A_850 {strides = array<i32>} : memref<800x32xf32, #tpu.memory_space<vmem>>, vector<1x16xf32>,
      %get3A_851 = arith.index_cast %add3A_841 : i32 to index
      %get3A_852 = arith.constant 16 : index
      %get3A_853 = tpu.vector_load %arg8[%get3A_851, %get3A_852] {strides = array<i32>} : memref<800x32xf32, #tpu.memory_space<vmem>>, vector<1x16xf32>,
      %get3A_854 = vector.shape_cast %get3A_853 : vector<1x16xf32> to vector<16xf32>
      %add3A_855 = arith.addf %get3A_854, %get3A_839 : vector<16xf32>
      %swap3A_856 = arith.index_cast %add3A_841 : i32 to index
      %swap3A_857 = arith.constant 16 : index
      %swap3A_858 = tpu.vector_load %arg8[%swap3A_856, %swap3A_857] {strides = array<i32>} : memref<800x32xf32, #tpu.memory_space<vmem>>, vector<1x16xf32>,
      %swap3A_859 = vector.shape_cast %swap3A_858 : vector<1x16xf32> to vector<16xf32>
      %swap3A_860 = vector.shape_cast %add3A_855 : vector<16xf32> to vector<1x16xf32>
      tpu.vector_store %arg8[%swap3A_856, %swap3A_857], %swap3A_860 {strides = array<i32>} : memref<800x32xf32, #tpu.memory_space<vmem>>, vector<1x16xf32>,
      %add3A_861 = arith.constant 200 : i32
      %add3A_862 = arith.addi %add3A_861, %scan3A_832 : i32
      %get3A_863 = arith.index_cast %add3A_862 : i32 to index
      %get3A_864 = arith.constant 0 : index
      %get3A_865 = tpu.vector_load %arg8[%get3A_863, %get3A_864] {strides = array<i32>} : memref<800x32xf32, #tpu.memory_space<vmem>>, vector<1x16xf32>,
      %get3A_866 = vector.shape_cast %get3A_865 : vector<1x16xf32> to vector<16xf32>
      %add3A_867 = arith.addf %get3A_866, %get3A_835 : vector<16xf32>
      %swap3A_868 = arith.index_cast %add3A_862 : i32 to index
      %swap3A_869 = arith.constant 0 : index
      %swap3A_870 = tpu.vector_load %arg8[%swap3A_868, %swap3A_869] {strides = array<i32>} : memref<800x32xf32, #tpu.memory_space<vmem>>, vector<1x16xf32>,
      %swap3A_871 = vector.shape_cast %swap3A_870 : vector<1x16xf32> to vector<16xf32>
      %swap3A_872 = vector.shape_cast %add3A_867 : vector<16xf32> to vector<1x16xf32>
      tpu.vector_store %arg8[%swap3A_868, %swap3A_869], %swap3A_872 {strides = array<i32>} : memref<800x32xf32, #tpu.memory_space<vmem>>, vector<1x16xf32>,
      %get3A_873 = arith.index_cast %add3A_862 : i32 to index
      %get3A_874 = arith.constant 16 : index
      %get3A_875 = tpu.vector_load %arg8[%get3A_873, %get3A_874] {strides = array<i32>} : memref<800x32xf32, #tpu.memory_space<vmem>>, vector<1x16xf32>,
      %get3A_876 = vector.shape_cast %get3A_875 : vector<1x16xf32> to vector<16xf32>
      %add3A_877 = arith.addf %get3A_876, %get3A_839 : vector<16xf32>
      %swap3A_878 = arith.index_cast %add3A_862 : i32 to index
      %swap3A_879 = arith.constant 16 : index
      %swap3A_880 = tpu.vector_load %arg8[%swap3A_878, %swap3A_879] {strides = array<i32>} : memref<800x32xf32, #tpu.memory_space<vmem>>, vector<1x16xf32>,
      %swap3A_881 = vector.shape_cast %swap3A_880 : vector<1x16xf32> to vector<16xf32>
      %swap3A_882 = vector.shape_cast %add3A_877 : vector<16xf32> to vector<1x16xf32>
      tpu.vector_store %arg8[%swap3A_878, %swap3A_879], %swap3A_882 {strides = array<i32>} : memref<800x32xf32, #tpu.memory_space<vmem>>, vector<1x16xf32>,
      %add3A_883 = arith.constant 400 : i32
      %add3A_884 = arith.addi %add3A_883, %scan3A_832 : i32
      %get3A_885 = arith.index_cast %add3A_884 : i32 to index
      %get3A_886 = arith.constant 0 : index
      %get3A_887 = tpu.vector_load %arg8[%get3A_885, %get3A_886] {strides = array<i32>} : memref<800x32xf32, #tpu.memory_space<vmem>>, vector<1x16xf32>,
      %get3A_888 = vector.shape_cast %get3A_887 : vector<1x16xf32> to vector<16xf32>
      %add3A_889 = arith.addf %get3A_888, %get3A_835 : vector<16xf32>
      %swap3A_890 = arith.index_cast %add3A_884 : i32 to index
      %swap3A_891 = arith.constant 0 : index
      %swap3A_892 = tpu.vector_load %arg8[%swap3A_890, %swap3A_891] {strides = array<i32>} : memref<800x32xf32, #tpu.memory_space<vmem>>, vector<1x16xf32>,
      %swap3A_893 = vector.shape_cast %swap3A_892 : vector<1x16xf32> to vector<16xf32>
      %swap3A_894 = vector.shape_cast %add3A_889 : vector<16xf32> to vector<1x16xf32>
      tpu.vector_store %arg8[%swap3A_890, %swap3A_891], %swap3A_894 {strides = array<i32>} : memref<800x32xf32, #tpu.memory_space<vmem>>, vector<1x16xf32>,
      %get3A_895 = arith.index_cast %add3A_884 : i32 to index
      %get3A_896 = arith.constant 16 : index
      %get3A_897 = tpu.vector_load %arg8[%get3A_895, %get3A_896] {strides = array<i32>} : memref<800x32xf32, #tpu.memory_space<vmem>>, vector<1x16xf32>,
      %get3A_898 = vector.shape_cast %get3A_897 : vector<1x16xf32> to vector<16xf32>
      %add3A_899 = arith.addf %get3A_898, %get3A_839 : vector<16xf32>
      %swap3A_900 = arith.index_cast %add3A_884 : i32 to index
      %swap3A_901 = arith.constant 16 : index
      %swap3A_902 = tpu.vector_load %arg8[%swap3A_900, %swap3A_901] {strides = array<i32>} : memref<800x32xf32, #tpu.memory_space<vmem>>, vector<1x16xf32>,
      %swap3A_903 = vector.shape_cast %swap3A_902 : vector<1x16xf32> to vector<16xf32>
      %swap3A_904 = vector.shape_cast %add3A_899 : vector<16xf32> to vector<1x16xf32>
      tpu.vector_store %arg8[%swap3A_900, %swap3A_901], %swap3A_904 {strides = array<i32>} : memref<800x32xf32, #tpu.memory_space<vmem>>, vector<1x16xf32>,
      %add3A_905 = arith.constant 600 : i32
      %add3A_906 = arith.addi %add3A_905, %scan3A_832 : i32
      %get3A_907 = arith.index_cast %add3A_906 : i32 to index
      %get3A_908 = arith.constant 0 : index
      %get3A_909 = tpu.vector_load %arg8[%get3A_907, %get3A_908] {strides = array<i32>} : memref<800x32xf32, #tpu.memory_space<vmem>>, vector<1x16xf32>,
      %get3A_910 = vector.shape_cast %get3A_909 : vector<1x16xf32> to vector<16xf32>
      %add3A_911 = arith.addf %get3A_910, %get3A_835 : vector<16xf32>
      %swap3A_912 = arith.index_cast %add3A_906 : i32 to index
      %swap3A_913 = arith.constant 0 : index
      %swap3A_914 = tpu.vector_load %arg8[%swap3A_912, %swap3A_913] {strides = array<i32>} : memref<800x32xf32, #tpu.memory_space<vmem>>, vector<1x16xf32>,
      %swap3A_915 = vector.shape_cast %swap3A_914 : vector<1x16xf32> to vector<16xf32>
      %swap3A_916 = vector.shape_cast %add3A_911 : vector<16xf32> to vector<1x16xf32>
      tpu.vector_store %arg8[%swap3A_912, %swap3A_913], %swap3A_916 {strides = array<i32>} : memref<800x32xf32, #tpu.memory_space<vmem>>, vector<1x16xf32>,
      %get3A_917 = arith.index_cast %add3A_906 : i32 to index
      %get3A_918 = arith.constant 16 : index
      %get3A_919 = tpu.vector_load %arg8[%get3A_917, %get3A_918] {strides = array<i32>} : memref<800x32xf32, #tpu.memory_space<vmem>>, vector<1x16xf32>,
      %get3A_920 = vector.shape_cast %get3A_919 : vector<1x16xf32> to vector<16xf32>
      %add3A_921 = arith.addf %get3A_920, %get3A_839 : vector<16xf32>
      %swap3A_922 = arith.index_cast %add3A_906 : i32 to index
      %swap3A_923 = arith.constant 16 : index
      %swap3A_924 = tpu.vector_load %arg8[%swap3A_922, %swap3A_923] {strides = array<i32>} : memref<800x32xf32, #tpu.memory_space<vmem>>, vector<1x16xf32>,
      %swap3A_925 = vector.shape_cast %swap3A_924 : vector<1x16xf32> to vector<16xf32>
      %swap3A_926 = vector.shape_cast %add3A_921 : vector<16xf32> to vector<1x16xf32>
      tpu.vector_store %arg8[%swap3A_922, %swap3A_923], %swap3A_926 {strides = array<i32>} : memref<800x32xf32, #tpu.memory_space<vmem>>, vector<1x16xf32>,
    }
    %scan3A_363 = arith.constant 200 : i32
    %add3A_364 = arith.constant 10400 : i32
    %add3A_365 = arith.addi %mul3A_2, %add3A_364 : i32
    %dma_start3A_366 = arith.constant 0 : i32
    %dma_start3A_367 = tpu.memref_slice %arg5[%add3A_365, %dma_start3A_366] : memref<819200x32xf32, #tpu.memory_space<hbm>> -> memref<800x32xf32, #tpu.memory_space<hbm>>
    %dma_start3A_368 = arith.constant 0 : i32
    %dma_start3A_369 = tpu.memref_slice %arg5[%add3A_365, %dma_start3A_368] : memref<819200x32xf32, #tpu.memory_space<hbm>> -> memref<800x32xf32, #tpu.memory_space<hbm>>
    tpu.enqueue_dma source(%arg8 : memref<800x32xf32, #tpu.memory_space<vmem>>) target(%dma_start3A_369 : memref<800x32xf32, #tpu.memory_space<hbm>>) target_semaphore(%arg15 : memref<!tpu.dma_semaphore, #tpu.memory_space<semaphore_mem>>)
    %dma_wait3A_370 = arith.constant 0 : i32
    %dma_wait3A_371 = tpu.memref_slice %arg5[%add3A_365, %dma_wait3A_370] : memref<819200x32xf32, #tpu.memory_space<hbm>> -> memref<800x32xf32, #tpu.memory_space<hbm>>
    %dma_wait3A_372 = arith.constant 0 : i32
    %dma_wait3A_373 = tpu.memref_slice %arg5[%add3A_365, %dma_wait3A_372] : memref<819200x32xf32, #tpu.memory_space<hbm>> -> memref<800x32xf32, #tpu.memory_space<hbm>>
    tpu.wait_dma2 semaphore(%arg15 : memref<!tpu.dma_semaphore, #tpu.memory_space<semaphore_mem>>) src(%arg8 : memref<800x32xf32, #tpu.memory_space<vmem>>) dst(%dma_wait3A_373 : memref<800x32xf32, #tpu.memory_space<hbm>>)
    %dma_start3A_374 = arith.constant 12800 : i32
    %dma_start3A_375 = tpu.memref_slice %arg6[%dma_start3A_374] : memref<25600xi32, #tpu.memory_space<vmem>> -> memref<800xi32, #tpu.memory_space<vmem>>
    %dma_start3A_376 = arith.constant 0 : i32
    %dma_start3A_377 = arith.constant 0 : i32
    %dma_start3A_378 = tpu.memref_slice %arg2[%dma_start3A_376, %dma_start3A_377] : memref<1000000x32xf32, #tpu.memory_space<hbm>> -> memref<1000000x32xf32, #tpu.memory_space<hbm>>
    tpu.enqueue_indirect_dma source(%dma_start3A_378 : memref<1000000x32xf32, #tpu.memory_space<hbm>>) target(%arg8 : memref<800x32xf32, #tpu.memory_space<vmem>>) offsets(%dma_start3A_375 : memref<800xi32, #tpu.memory_space<vmem>>) semaphore(%arg12 : memref<!tpu.dma_semaphore, #tpu.memory_space<semaphore_mem>>)
    %dma_wait3A_379 = arith.constant 11200 : i32
    %dma_wait3A_380 = tpu.memref_slice %arg6[%dma_wait3A_379] : memref<25600xi32, #tpu.memory_space<vmem>> -> memref<800xi32, #tpu.memory_space<vmem>>
    %dma_wait3A_381 = arith.constant 0 : i32
    %dma_wait3A_382 = arith.constant 0 : i32
    %dma_wait3A_383 = tpu.memref_slice %arg2[%dma_wait3A_381, %dma_wait3A_382] : memref<1000000x32xf32, #tpu.memory_space<hbm>> -> memref<1000000x32xf32, #tpu.memory_space<hbm>>
    tpu.wait_indirect_dma semaphore(%arg13 : memref<!tpu.dma_semaphore, #tpu.memory_space<semaphore_mem>>) src(%dma_wait3A_383 : memref<1000000x32xf32, #tpu.memory_space<hbm>>) dst(%arg9 : memref<800x32xf32, #tpu.memory_space<vmem>>)
    %scan3A_384 = arith.constant 0 : i32
    %scan3A_385 = arith.constant 0 : i32
    %scan3A_386 = arith.constant 200 : i32
    %scan3A_387 = arith.addi %scan3A_385, %scan3A_386 : i32
    %scan3A_388 = arith.constant 1 : i32
    scf.for %scan3A_832 = %scan3A_385 to %scan3A_387 step %scan3A_388  : i32 {
      %get3A = arith.index_cast %scan3A_832 : i32 to index
      %get3A_833 = arith.constant 0 : index
      %get3A_834 = tpu.vector_load %arg10[%get3A, %get3A_833] {strides = array<i32>} : memref<200x32xf32, #tpu.memory_space<vmem>>, vector<1x16xf32>,
      %get3A_835 = vector.shape_cast %get3A_834 : vector<1x16xf32> to vector<16xf32>
      %get3A_836 = arith.index_cast %scan3A_832 : i32 to index
      %get3A_837 = arith.constant 16 : index
      %get3A_838 = tpu.vector_load %arg10[%get3A_836, %get3A_837] {strides = array<i32>} : memref<200x32xf32, #tpu.memory_space<vmem>>, vector<1x16xf32>,
      %get3A_839 = vector.shape_cast %get3A_838 : vector<1x16xf32> to vector<16xf32>
      %add3A_840 = arith.constant 0 : i32
      %add3A_841 = arith.addi %add3A_840, %scan3A_832 : i32
      %get3A_842 = arith.index_cast %add3A_841 : i32 to index
      %get3A_843 = arith.constant 0 : index
      %get3A_844 = tpu.vector_load %arg9[%get3A_842, %get3A_843] {strides = array<i32>} : memref<800x32xf32, #tpu.memory_space<vmem>>, vector<1x16xf32>,
      %get3A_845 = vector.shape_cast %get3A_844 : vector<1x16xf32> to vector<16xf32>
      %add3A_846 = arith.addf %get3A_845, %get3A_835 : vector<16xf32>
      %swap3A = arith.index_cast %add3A_841 : i32 to index
      %swap3A_847 = arith.constant 0 : index
      %swap3A_848 = tpu.vector_load %arg9[%swap3A, %swap3A_847] {strides = array<i32>} : memref<800x32xf32, #tpu.memory_space<vmem>>, vector<1x16xf32>,
      %swap3A_849 = vector.shape_cast %swap3A_848 : vector<1x16xf32> to vector<16xf32>
      %swap3A_850 = vector.shape_cast %add3A_846 : vector<16xf32> to vector<1x16xf32>
      tpu.vector_store %arg9[%swap3A, %swap3A_847], %swap3A_850 {strides = array<i32>} : memref<800x32xf32, #tpu.memory_space<vmem>>, vector<1x16xf32>,
      %get3A_851 = arith.index_cast %add3A_841 : i32 to index
      %get3A_852 = arith.constant 16 : index
      %get3A_853 = tpu.vector_load %arg9[%get3A_851, %get3A_852] {strides = array<i32>} : memref<800x32xf32, #tpu.memory_space<vmem>>, vector<1x16xf32>,
      %get3A_854 = vector.shape_cast %get3A_853 : vector<1x16xf32> to vector<16xf32>
      %add3A_855 = arith.addf %get3A_854, %get3A_839 : vector<16xf32>
      %swap3A_856 = arith.index_cast %add3A_841 : i32 to index
      %swap3A_857 = arith.constant 16 : index
      %swap3A_858 = tpu.vector_load %arg9[%swap3A_856, %swap3A_857] {strides = array<i32>} : memref<800x32xf32, #tpu.memory_space<vmem>>, vector<1x16xf32>,
      %swap3A_859 = vector.shape_cast %swap3A_858 : vector<1x16xf32> to vector<16xf32>
      %swap3A_860 = vector.shape_cast %add3A_855 : vector<16xf32> to vector<1x16xf32>
      tpu.vector_store %arg9[%swap3A_856, %swap3A_857], %swap3A_860 {strides = array<i32>} : memref<800x32xf32, #tpu.memory_space<vmem>>, vector<1x16xf32>,
      %add3A_861 = arith.constant 200 : i32
      %add3A_862 = arith.addi %add3A_861, %scan3A_832 : i32
      %get3A_863 = arith.index_cast %add3A_862 : i32 to index
      %get3A_864 = arith.constant 0 : index
      %get3A_865 = tpu.vector_load %arg9[%get3A_863, %get3A_864] {strides = array<i32>} : memref<800x32xf32, #tpu.memory_space<vmem>>, vector<1x16xf32>,
      %get3A_866 = vector.shape_cast %get3A_865 : vector<1x16xf32> to vector<16xf32>
      %add3A_867 = arith.addf %get3A_866, %get3A_835 : vector<16xf32>
      %swap3A_868 = arith.index_cast %add3A_862 : i32 to index
      %swap3A_869 = arith.constant 0 : index
      %swap3A_870 = tpu.vector_load %arg9[%swap3A_868, %swap3A_869] {strides = array<i32>} : memref<800x32xf32, #tpu.memory_space<vmem>>, vector<1x16xf32>,
      %swap3A_871 = vector.shape_cast %swap3A_870 : vector<1x16xf32> to vector<16xf32>
      %swap3A_872 = vector.shape_cast %add3A_867 : vector<16xf32> to vector<1x16xf32>
      tpu.vector_store %arg9[%swap3A_868, %swap3A_869], %swap3A_872 {strides = array<i32>} : memref<800x32xf32, #tpu.memory_space<vmem>>, vector<1x16xf32>,
      %get3A_873 = arith.index_cast %add3A_862 : i32 to index
      %get3A_874 = arith.constant 16 : index
      %get3A_875 = tpu.vector_load %arg9[%get3A_873, %get3A_874] {strides = array<i32>} : memref<800x32xf32, #tpu.memory_space<vmem>>, vector<1x16xf32>,
      %get3A_876 = vector.shape_cast %get3A_875 : vector<1x16xf32> to vector<16xf32>
      %add3A_877 = arith.addf %get3A_876, %get3A_839 : vector<16xf32>
      %swap3A_878 = arith.index_cast %add3A_862 : i32 to index
      %swap3A_879 = arith.constant 16 : index
      %swap3A_880 = tpu.vector_load %arg9[%swap3A_878, %swap3A_879] {strides = array<i32>} : memref<800x32xf32, #tpu.memory_space<vmem>>, vector<1x16xf32>,
      %swap3A_881 = vector.shape_cast %swap3A_880 : vector<1x16xf32> to vector<16xf32>
      %swap3A_882 = vector.shape_cast %add3A_877 : vector<16xf32> to vector<1x16xf32>
      tpu.vector_store %arg9[%swap3A_878, %swap3A_879], %swap3A_882 {strides = array<i32>} : memref<800x32xf32, #tpu.memory_space<vmem>>, vector<1x16xf32>,
      %add3A_883 = arith.constant 400 : i32
      %add3A_884 = arith.addi %add3A_883, %scan3A_832 : i32
      %get3A_885 = arith.index_cast %add3A_884 : i32 to index
      %get3A_886 = arith.constant 0 : index
      %get3A_887 = tpu.vector_load %arg9[%get3A_885, %get3A_886] {strides = array<i32>} : memref<800x32xf32, #tpu.memory_space<vmem>>, vector<1x16xf32>,
      %get3A_888 = vector.shape_cast %get3A_887 : vector<1x16xf32> to vector<16xf32>
      %add3A_889 = arith.addf %get3A_888, %get3A_835 : vector<16xf32>
      %swap3A_890 = arith.index_cast %add3A_884 : i32 to index
      %swap3A_891 = arith.constant 0 : index
      %swap3A_892 = tpu.vector_load %arg9[%swap3A_890, %swap3A_891] {strides = array<i32>} : memref<800x32xf32, #tpu.memory_space<vmem>>, vector<1x16xf32>,
      %swap3A_893 = vector.shape_cast %swap3A_892 : vector<1x16xf32> to vector<16xf32>
      %swap3A_894 = vector.shape_cast %add3A_889 : vector<16xf32> to vector<1x16xf32>
      tpu.vector_store %arg9[%swap3A_890, %swap3A_891], %swap3A_894 {strides = array<i32>} : memref<800x32xf32, #tpu.memory_space<vmem>>, vector<1x16xf32>,
      %get3A_895 = arith.index_cast %add3A_884 : i32 to index
      %get3A_896 = arith.constant 16 : index
      %get3A_897 = tpu.vector_load %arg9[%get3A_895, %get3A_896] {strides = array<i32>} : memref<800x32xf32, #tpu.memory_space<vmem>>, vector<1x16xf32>,
      %get3A_898 = vector.shape_cast %get3A_897 : vector<1x16xf32> to vector<16xf32>
      %add3A_899 = arith.addf %get3A_898, %get3A_839 : vector<16xf32>
      %swap3A_900 = arith.index_cast %add3A_884 : i32 to index
      %swap3A_901 = arith.constant 16 : index
      %swap3A_902 = tpu.vector_load %arg9[%swap3A_900, %swap3A_901] {strides = array<i32>} : memref<800x32xf32, #tpu.memory_space<vmem>>, vector<1x16xf32>,
      %swap3A_903 = vector.shape_cast %swap3A_902 : vector<1x16xf32> to vector<16xf32>
      %swap3A_904 = vector.shape_cast %add3A_899 : vector<16xf32> to vector<1x16xf32>
      tpu.vector_store %arg9[%swap3A_900, %swap3A_901], %swap3A_904 {strides = array<i32>} : memref<800x32xf32, #tpu.memory_space<vmem>>, vector<1x16xf32>,
      %add3A_905 = arith.constant 600 : i32
      %add3A_906 = arith.addi %add3A_905, %scan3A_832 : i32
      %get3A_907 = arith.index_cast %add3A_906 : i32 to index
      %get3A_908 = arith.constant 0 : index
      %get3A_909 = tpu.vector_load %arg9[%get3A_907, %get3A_908] {strides = array<i32>} : memref<800x32xf32, #tpu.memory_space<vmem>>, vector<1x16xf32>,
      %get3A_910 = vector.shape_cast %get3A_909 : vector<1x16xf32> to vector<16xf32>
      %add3A_911 = arith.addf %get3A_910, %get3A_835 : vector<16xf32>
      %swap3A_912 = arith.index_cast %add3A_906 : i32 to index
      %swap3A_913 = arith.constant 0 : index
      %swap3A_914 = tpu.vector_load %arg9[%swap3A_912, %swap3A_913] {strides = array<i32>} : memref<800x32xf32, #tpu.memory_space<vmem>>, vector<1x16xf32>,
      %swap3A_915 = vector.shape_cast %swap3A_914 : vector<1x16xf32> to vector<16xf32>
      %swap3A_916 = vector.shape_cast %add3A_911 : vector<16xf32> to vector<1x16xf32>
      tpu.vector_store %arg9[%swap3A_912, %swap3A_913], %swap3A_916 {strides = array<i32>} : memref<800x32xf32, #tpu.memory_space<vmem>>, vector<1x16xf32>,
      %get3A_917 = arith.index_cast %add3A_906 : i32 to index
      %get3A_918 = arith.constant 16 : index
      %get3A_919 = tpu.vector_load %arg9[%get3A_917, %get3A_918] {strides = array<i32>} : memref<800x32xf32, #tpu.memory_space<vmem>>, vector<1x16xf32>,
      %get3A_920 = vector.shape_cast %get3A_919 : vector<1x16xf32> to vector<16xf32>
      %add3A_921 = arith.addf %get3A_920, %get3A_839 : vector<16xf32>
      %swap3A_922 = arith.index_cast %add3A_906 : i32 to index
      %swap3A_923 = arith.constant 16 : index
      %swap3A_924 = tpu.vector_load %arg9[%swap3A_922, %swap3A_923] {strides = array<i32>} : memref<800x32xf32, #tpu.memory_space<vmem>>, vector<1x16xf32>,
      %swap3A_925 = vector.shape_cast %swap3A_924 : vector<1x16xf32> to vector<16xf32>
      %swap3A_926 = vector.shape_cast %add3A_921 : vector<16xf32> to vector<1x16xf32>
      tpu.vector_store %arg9[%swap3A_922, %swap3A_923], %swap3A_926 {strides = array<i32>} : memref<800x32xf32, #tpu.memory_space<vmem>>, vector<1x16xf32>,
    }
    %scan3A_389 = arith.constant 200 : i32
    %add3A_390 = arith.constant 11200 : i32
    %add3A_391 = arith.addi %mul3A_2, %add3A_390 : i32
    %dma_start3A_392 = arith.constant 0 : i32
    %dma_start3A_393 = tpu.memref_slice %arg5[%add3A_391, %dma_start3A_392] : memref<819200x32xf32, #tpu.memory_space<hbm>> -> memref<800x32xf32, #tpu.memory_space<hbm>>
    %dma_start3A_394 = arith.constant 0 : i32
    %dma_start3A_395 = tpu.memref_slice %arg5[%add3A_391, %dma_start3A_394] : memref<819200x32xf32, #tpu.memory_space<hbm>> -> memref<800x32xf32, #tpu.memory_space<hbm>>
    tpu.enqueue_dma source(%arg9 : memref<800x32xf32, #tpu.memory_space<vmem>>) target(%dma_start3A_395 : memref<800x32xf32, #tpu.memory_space<hbm>>) target_semaphore(%arg16 : memref<!tpu.dma_semaphore, #tpu.memory_space<semaphore_mem>>)
    %dma_wait3A_396 = arith.constant 0 : i32
    %dma_wait3A_397 = tpu.memref_slice %arg5[%add3A_391, %dma_wait3A_396] : memref<819200x32xf32, #tpu.memory_space<hbm>> -> memref<800x32xf32, #tpu.memory_space<hbm>>
    %dma_wait3A_398 = arith.constant 0 : i32
    %dma_wait3A_399 = tpu.memref_slice %arg5[%add3A_391, %dma_wait3A_398] : memref<819200x32xf32, #tpu.memory_space<hbm>> -> memref<800x32xf32, #tpu.memory_space<hbm>>
    tpu.wait_dma2 semaphore(%arg16 : memref<!tpu.dma_semaphore, #tpu.memory_space<semaphore_mem>>) src(%arg9 : memref<800x32xf32, #tpu.memory_space<vmem>>) dst(%dma_wait3A_399 : memref<800x32xf32, #tpu.memory_space<hbm>>)
    %dma_start3A_400 = arith.constant 13600 : i32
    %dma_start3A_401 = tpu.memref_slice %arg6[%dma_start3A_400] : memref<25600xi32, #tpu.memory_space<vmem>> -> memref<800xi32, #tpu.memory_space<vmem>>
    %dma_start3A_402 = arith.constant 0 : i32
    %dma_start3A_403 = arith.constant 0 : i32
    %dma_start3A_404 = tpu.memref_slice %arg2[%dma_start3A_402, %dma_start3A_403] : memref<1000000x32xf32, #tpu.memory_space<hbm>> -> memref<1000000x32xf32, #tpu.memory_space<hbm>>
    tpu.enqueue_indirect_dma source(%dma_start3A_404 : memref<1000000x32xf32, #tpu.memory_space<hbm>>) target(%arg9 : memref<800x32xf32, #tpu.memory_space<vmem>>) offsets(%dma_start3A_401 : memref<800xi32, #tpu.memory_space<vmem>>) semaphore(%arg13 : memref<!tpu.dma_semaphore, #tpu.memory_space<semaphore_mem>>)
    %dma_wait3A_405 = arith.constant 12000 : i32
    %dma_wait3A_406 = tpu.memref_slice %arg6[%dma_wait3A_405] : memref<25600xi32, #tpu.memory_space<vmem>> -> memref<800xi32, #tpu.memory_space<vmem>>
    %dma_wait3A_407 = arith.constant 0 : i32
    %dma_wait3A_408 = arith.constant 0 : i32
    %dma_wait3A_409 = tpu.memref_slice %arg2[%dma_wait3A_407, %dma_wait3A_408] : memref<1000000x32xf32, #tpu.memory_space<hbm>> -> memref<1000000x32xf32, #tpu.memory_space<hbm>>
    tpu.wait_indirect_dma semaphore(%arg11 : memref<!tpu.dma_semaphore, #tpu.memory_space<semaphore_mem>>) src(%dma_wait3A_409 : memref<1000000x32xf32, #tpu.memory_space<hbm>>) dst(%arg7 : memref<800x32xf32, #tpu.memory_space<vmem>>)
    %scan3A_410 = arith.constant 0 : i32
    %scan3A_411 = arith.constant 0 : i32
    %scan3A_412 = arith.constant 200 : i32
    %scan3A_413 = arith.addi %scan3A_411, %scan3A_412 : i32
    %scan3A_414 = arith.constant 1 : i32
    scf.for %scan3A_832 = %scan3A_411 to %scan3A_413 step %scan3A_414  : i32 {
      %get3A = arith.index_cast %scan3A_832 : i32 to index
      %get3A_833 = arith.constant 0 : index
      %get3A_834 = tpu.vector_load %arg10[%get3A, %get3A_833] {strides = array<i32>} : memref<200x32xf32, #tpu.memory_space<vmem>>, vector<1x16xf32>,
      %get3A_835 = vector.shape_cast %get3A_834 : vector<1x16xf32> to vector<16xf32>
      %get3A_836 = arith.index_cast %scan3A_832 : i32 to index
      %get3A_837 = arith.constant 16 : index
      %get3A_838 = tpu.vector_load %arg10[%get3A_836, %get3A_837] {strides = array<i32>} : memref<200x32xf32, #tpu.memory_space<vmem>>, vector<1x16xf32>,
      %get3A_839 = vector.shape_cast %get3A_838 : vector<1x16xf32> to vector<16xf32>
      %add3A_840 = arith.constant 0 : i32
      %add3A_841 = arith.addi %add3A_840, %scan3A_832 : i32
      %get3A_842 = arith.index_cast %add3A_841 : i32 to index
      %get3A_843 = arith.constant 0 : index
      %get3A_844 = tpu.vector_load %arg7[%get3A_842, %get3A_843] {strides = array<i32>} : memref<800x32xf32, #tpu.memory_space<vmem>>, vector<1x16xf32>,
      %get3A_845 = vector.shape_cast %get3A_844 : vector<1x16xf32> to vector<16xf32>
      %add3A_846 = arith.addf %get3A_845, %get3A_835 : vector<16xf32>
      %swap3A = arith.index_cast %add3A_841 : i32 to index
      %swap3A_847 = arith.constant 0 : index
      %swap3A_848 = tpu.vector_load %arg7[%swap3A, %swap3A_847] {strides = array<i32>} : memref<800x32xf32, #tpu.memory_space<vmem>>, vector<1x16xf32>,
      %swap3A_849 = vector.shape_cast %swap3A_848 : vector<1x16xf32> to vector<16xf32>
      %swap3A_850 = vector.shape_cast %add3A_846 : vector<16xf32> to vector<1x16xf32>
      tpu.vector_store %arg7[%swap3A, %swap3A_847], %swap3A_850 {strides = array<i32>} : memref<800x32xf32, #tpu.memory_space<vmem>>, vector<1x16xf32>,
      %get3A_851 = arith.index_cast %add3A_841 : i32 to index
      %get3A_852 = arith.constant 16 : index
      %get3A_853 = tpu.vector_load %arg7[%get3A_851, %get3A_852] {strides = array<i32>} : memref<800x32xf32, #tpu.memory_space<vmem>>, vector<1x16xf32>,
      %get3A_854 = vector.shape_cast %get3A_853 : vector<1x16xf32> to vector<16xf32>
      %add3A_855 = arith.addf %get3A_854, %get3A_839 : vector<16xf32>
      %swap3A_856 = arith.index_cast %add3A_841 : i32 to index
      %swap3A_857 = arith.constant 16 : index
      %swap3A_858 = tpu.vector_load %arg7[%swap3A_856, %swap3A_857] {strides = array<i32>} : memref<800x32xf32, #tpu.memory_space<vmem>>, vector<1x16xf32>,
      %swap3A_859 = vector.shape_cast %swap3A_858 : vector<1x16xf32> to vector<16xf32>
      %swap3A_860 = vector.shape_cast %add3A_855 : vector<16xf32> to vector<1x16xf32>
      tpu.vector_store %arg7[%swap3A_856, %swap3A_857], %swap3A_860 {strides = array<i32>} : memref<800x32xf32, #tpu.memory_space<vmem>>, vector<1x16xf32>,
      %add3A_861 = arith.constant 200 : i32
      %add3A_862 = arith.addi %add3A_861, %scan3A_832 : i32
      %get3A_863 = arith.index_cast %add3A_862 : i32 to index
      %get3A_864 = arith.constant 0 : index
      %get3A_865 = tpu.vector_load %arg7[%get3A_863, %get3A_864] {strides = array<i32>} : memref<800x32xf32, #tpu.memory_space<vmem>>, vector<1x16xf32>,
      %get3A_866 = vector.shape_cast %get3A_865 : vector<1x16xf32> to vector<16xf32>
      %add3A_867 = arith.addf %get3A_866, %get3A_835 : vector<16xf32>
      %swap3A_868 = arith.index_cast %add3A_862 : i32 to index
      %swap3A_869 = arith.constant 0 : index
      %swap3A_870 = tpu.vector_load %arg7[%swap3A_868, %swap3A_869] {strides = array<i32>} : memref<800x32xf32, #tpu.memory_space<vmem>>, vector<1x16xf32>,
      %swap3A_871 = vector.shape_cast %swap3A_870 : vector<1x16xf32> to vector<16xf32>
      %swap3A_872 = vector.shape_cast %add3A_867 : vector<16xf32> to vector<1x16xf32>
      tpu.vector_store %arg7[%swap3A_868, %swap3A_869], %swap3A_872 {strides = array<i32>} : memref<800x32xf32, #tpu.memory_space<vmem>>, vector<1x16xf32>,
      %get3A_873 = arith.index_cast %add3A_862 : i32 to index
      %get3A_874 = arith.constant 16 : index
      %get3A_875 = tpu.vector_load %arg7[%get3A_873, %get3A_874] {strides = array<i32>} : memref<800x32xf32, #tpu.memory_space<vmem>>, vector<1x16xf32>,
      %get3A_876 = vector.shape_cast %get3A_875 : vector<1x16xf32> to vector<16xf32>
      %add3A_877 = arith.addf %get3A_876, %get3A_839 : vector<16xf32>
      %swap3A_878 = arith.index_cast %add3A_862 : i32 to index
      %swap3A_879 = arith.constant 16 : index
      %swap3A_880 = tpu.vector_load %arg7[%swap3A_878, %swap3A_879] {strides = array<i32>} : memref<800x32xf32, #tpu.memory_space<vmem>>, vector<1x16xf32>,
      %swap3A_881 = vector.shape_cast %swap3A_880 : vector<1x16xf32> to vector<16xf32>
      %swap3A_882 = vector.shape_cast %add3A_877 : vector<16xf32> to vector<1x16xf32>
      tpu.vector_store %arg7[%swap3A_878, %swap3A_879], %swap3A_882 {strides = array<i32>} : memref<800x32xf32, #tpu.memory_space<vmem>>, vector<1x16xf32>,
      %add3A_883 = arith.constant 400 : i32
      %add3A_884 = arith.addi %add3A_883, %scan3A_832 : i32
      %get3A_885 = arith.index_cast %add3A_884 : i32 to index
      %get3A_886 = arith.constant 0 : index
      %get3A_887 = tpu.vector_load %arg7[%get3A_885, %get3A_886] {strides = array<i32>} : memref<800x32xf32, #tpu.memory_space<vmem>>, vector<1x16xf32>,
      %get3A_888 = vector.shape_cast %get3A_887 : vector<1x16xf32> to vector<16xf32>
      %add3A_889 = arith.addf %get3A_888, %get3A_835 : vector<16xf32>
      %swap3A_890 = arith.index_cast %add3A_884 : i32 to index
      %swap3A_891 = arith.constant 0 : index
      %swap3A_892 = tpu.vector_load %arg7[%swap3A_890, %swap3A_891] {strides = array<i32>} : memref<800x32xf32, #tpu.memory_space<vmem>>, vector<1x16xf32>,
      %swap3A_893 = vector.shape_cast %swap3A_892 : vector<1x16xf32> to vector<16xf32>
      %swap3A_894 = vector.shape_cast %add3A_889 : vector<16xf32> to vector<1x16xf32>
      tpu.vector_store %arg7[%swap3A_890, %swap3A_891], %swap3A_894 {strides = array<i32>} : memref<800x32xf32, #tpu.memory_space<vmem>>, vector<1x16xf32>,
      %get3A_895 = arith.index_cast %add3A_884 : i32 to index
      %get3A_896 = arith.constant 16 : index
      %get3A_897 = tpu.vector_load %arg7[%get3A_895, %get3A_896] {strides = array<i32>} : memref<800x32xf32, #tpu.memory_space<vmem>>, vector<1x16xf32>,
      %get3A_898 = vector.shape_cast %get3A_897 : vector<1x16xf32> to vector<16xf32>
      %add3A_899 = arith.addf %get3A_898, %get3A_839 : vector<16xf32>
      %swap3A_900 = arith.index_cast %add3A_884 : i32 to index
      %swap3A_901 = arith.constant 16 : index
      %swap3A_902 = tpu.vector_load %arg7[%swap3A_900, %swap3A_901] {strides = array<i32>} : memref<800x32xf32, #tpu.memory_space<vmem>>, vector<1x16xf32>,
      %swap3A_903 = vector.shape_cast %swap3A_902 : vector<1x16xf32> to vector<16xf32>
      %swap3A_904 = vector.shape_cast %add3A_899 : vector<16xf32> to vector<1x16xf32>
      tpu.vector_store %arg7[%swap3A_900, %swap3A_901], %swap3A_904 {strides = array<i32>} : memref<800x32xf32, #tpu.memory_space<vmem>>, vector<1x16xf32>,
      %add3A_905 = arith.constant 600 : i32
      %add3A_906 = arith.addi %add3A_905, %scan3A_832 : i32
      %get3A_907 = arith.index_cast %add3A_906 : i32 to index
      %get3A_908 = arith.constant 0 : index
      %get3A_909 = tpu.vector_load %arg7[%get3A_907, %get3A_908] {strides = array<i32>} : memref<800x32xf32, #tpu.memory_space<vmem>>, vector<1x16xf32>,
      %get3A_910 = vector.shape_cast %get3A_909 : vector<1x16xf32> to vector<16xf32>
      %add3A_911 = arith.addf %get3A_910, %get3A_835 : vector<16xf32>
      %swap3A_912 = arith.index_cast %add3A_906 : i32 to index
      %swap3A_913 = arith.constant 0 : index
      %swap3A_914 = tpu.vector_load %arg7[%swap3A_912, %swap3A_913] {strides = array<i32>} : memref<800x32xf32, #tpu.memory_space<vmem>>, vector<1x16xf32>,
      %swap3A_915 = vector.shape_cast %swap3A_914 : vector<1x16xf32> to vector<16xf32>
      %swap3A_916 = vector.shape_cast %add3A_911 : vector<16xf32> to vector<1x16xf32>
      tpu.vector_store %arg7[%swap3A_912, %swap3A_913], %swap3A_916 {strides = array<i32>} : memref<800x32xf32, #tpu.memory_space<vmem>>, vector<1x16xf32>,
      %get3A_917 = arith.index_cast %add3A_906 : i32 to index
      %get3A_918 = arith.constant 16 : index
      %get3A_919 = tpu.vector_load %arg7[%get3A_917, %get3A_918] {strides = array<i32>} : memref<800x32xf32, #tpu.memory_space<vmem>>, vector<1x16xf32>,
      %get3A_920 = vector.shape_cast %get3A_919 : vector<1x16xf32> to vector<16xf32>
      %add3A_921 = arith.addf %get3A_920, %get3A_839 : vector<16xf32>
      %swap3A_922 = arith.index_cast %add3A_906 : i32 to index
      %swap3A_923 = arith.constant 16 : index
      %swap3A_924 = tpu.vector_load %arg7[%swap3A_922, %swap3A_923] {strides = array<i32>} : memref<800x32xf32, #tpu.memory_space<vmem>>, vector<1x16xf32>,
      %swap3A_925 = vector.shape_cast %swap3A_924 : vector<1x16xf32> to vector<16xf32>
      %swap3A_926 = vector.shape_cast %add3A_921 : vector<16xf32> to vector<1x16xf32>
      tpu.vector_store %arg7[%swap3A_922, %swap3A_923], %swap3A_926 {strides = array<i32>} : memref<800x32xf32, #tpu.memory_space<vmem>>, vector<1x16xf32>,
    }
    %scan3A_415 = arith.constant 200 : i32
    %add3A_416 = arith.constant 12000 : i32
    %add3A_417 = arith.addi %mul3A_2, %add3A_416 : i32
    %dma_start3A_418 = arith.constant 0 : i32
    %dma_start3A_419 = tpu.memref_slice %arg5[%add3A_417, %dma_start3A_418] : memref<819200x32xf32, #tpu.memory_space<hbm>> -> memref<800x32xf32, #tpu.memory_space<hbm>>
    %dma_start3A_420 = arith.constant 0 : i32
    %dma_start3A_421 = tpu.memref_slice %arg5[%add3A_417, %dma_start3A_420] : memref<819200x32xf32, #tpu.memory_space<hbm>> -> memref<800x32xf32, #tpu.memory_space<hbm>>
    tpu.enqueue_dma source(%arg7 : memref<800x32xf32, #tpu.memory_space<vmem>>) target(%dma_start3A_421 : memref<800x32xf32, #tpu.memory_space<hbm>>) target_semaphore(%arg14 : memref<!tpu.dma_semaphore, #tpu.memory_space<semaphore_mem>>)
    %dma_wait3A_422 = arith.constant 0 : i32
    %dma_wait3A_423 = tpu.memref_slice %arg5[%add3A_417, %dma_wait3A_422] : memref<819200x32xf32, #tpu.memory_space<hbm>> -> memref<800x32xf32, #tpu.memory_space<hbm>>
    %dma_wait3A_424 = arith.constant 0 : i32
    %dma_wait3A_425 = tpu.memref_slice %arg5[%add3A_417, %dma_wait3A_424] : memref<819200x32xf32, #tpu.memory_space<hbm>> -> memref<800x32xf32, #tpu.memory_space<hbm>>
    tpu.wait_dma2 semaphore(%arg14 : memref<!tpu.dma_semaphore, #tpu.memory_space<semaphore_mem>>) src(%arg7 : memref<800x32xf32, #tpu.memory_space<vmem>>) dst(%dma_wait3A_425 : memref<800x32xf32, #tpu.memory_space<hbm>>)
    %dma_start3A_426 = arith.constant 14400 : i32
    %dma_start3A_427 = tpu.memref_slice %arg6[%dma_start3A_426] : memref<25600xi32, #tpu.memory_space<vmem>> -> memref<800xi32, #tpu.memory_space<vmem>>
    %dma_start3A_428 = arith.constant 0 : i32
    %dma_start3A_429 = arith.constant 0 : i32
    %dma_start3A_430 = tpu.memref_slice %arg2[%dma_start3A_428, %dma_start3A_429] : memref<1000000x32xf32, #tpu.memory_space<hbm>> -> memref<1000000x32xf32, #tpu.memory_space<hbm>>
    tpu.enqueue_indirect_dma source(%dma_start3A_430 : memref<1000000x32xf32, #tpu.memory_space<hbm>>) target(%arg7 : memref<800x32xf32, #tpu.memory_space<vmem>>) offsets(%dma_start3A_427 : memref<800xi32, #tpu.memory_space<vmem>>) semaphore(%arg11 : memref<!tpu.dma_semaphore, #tpu.memory_space<semaphore_mem>>)
    %dma_wait3A_431 = arith.constant 12800 : i32
    %dma_wait3A_432 = tpu.memref_slice %arg6[%dma_wait3A_431] : memref<25600xi32, #tpu.memory_space<vmem>> -> memref<800xi32, #tpu.memory_space<vmem>>
    %dma_wait3A_433 = arith.constant 0 : i32
    %dma_wait3A_434 = arith.constant 0 : i32
    %dma_wait3A_435 = tpu.memref_slice %arg2[%dma_wait3A_433, %dma_wait3A_434] : memref<1000000x32xf32, #tpu.memory_space<hbm>> -> memref<1000000x32xf32, #tpu.memory_space<hbm>>
    tpu.wait_indirect_dma semaphore(%arg12 : memref<!tpu.dma_semaphore, #tpu.memory_space<semaphore_mem>>) src(%dma_wait3A_435 : memref<1000000x32xf32, #tpu.memory_space<hbm>>) dst(%arg8 : memref<800x32xf32, #tpu.memory_space<vmem>>)
    %scan3A_436 = arith.constant 0 : i32
    %scan3A_437 = arith.constant 0 : i32
    %scan3A_438 = arith.constant 200 : i32
    %scan3A_439 = arith.addi %scan3A_437, %scan3A_438 : i32
    %scan3A_440 = arith.constant 1 : i32
    scf.for %scan3A_832 = %scan3A_437 to %scan3A_439 step %scan3A_440  : i32 {
      %get3A = arith.index_cast %scan3A_832 : i32 to index
      %get3A_833 = arith.constant 0 : index
      %get3A_834 = tpu.vector_load %arg10[%get3A, %get3A_833] {strides = array<i32>} : memref<200x32xf32, #tpu.memory_space<vmem>>, vector<1x16xf32>,
      %get3A_835 = vector.shape_cast %get3A_834 : vector<1x16xf32> to vector<16xf32>
      %get3A_836 = arith.index_cast %scan3A_832 : i32 to index
      %get3A_837 = arith.constant 16 : index
      %get3A_838 = tpu.vector_load %arg10[%get3A_836, %get3A_837] {strides = array<i32>} : memref<200x32xf32, #tpu.memory_space<vmem>>, vector<1x16xf32>,
      %get3A_839 = vector.shape_cast %get3A_838 : vector<1x16xf32> to vector<16xf32>
      %add3A_840 = arith.constant 0 : i32
      %add3A_841 = arith.addi %add3A_840, %scan3A_832 : i32
      %get3A_842 = arith.index_cast %add3A_841 : i32 to index
      %get3A_843 = arith.constant 0 : index
      %get3A_844 = tpu.vector_load %arg8[%get3A_842, %get3A_843] {strides = array<i32>} : memref<800x32xf32, #tpu.memory_space<vmem>>, vector<1x16xf32>,
      %get3A_845 = vector.shape_cast %get3A_844 : vector<1x16xf32> to vector<16xf32>
      %add3A_846 = arith.addf %get3A_845, %get3A_835 : vector<16xf32>
      %swap3A = arith.index_cast %add3A_841 : i32 to index
      %swap3A_847 = arith.constant 0 : index
      %swap3A_848 = tpu.vector_load %arg8[%swap3A, %swap3A_847] {strides = array<i32>} : memref<800x32xf32, #tpu.memory_space<vmem>>, vector<1x16xf32>,
      %swap3A_849 = vector.shape_cast %swap3A_848 : vector<1x16xf32> to vector<16xf32>
      %swap3A_850 = vector.shape_cast %add3A_846 : vector<16xf32> to vector<1x16xf32>
      tpu.vector_store %arg8[%swap3A, %swap3A_847], %swap3A_850 {strides = array<i32>} : memref<800x32xf32, #tpu.memory_space<vmem>>, vector<1x16xf32>,
      %get3A_851 = arith.index_cast %add3A_841 : i32 to index
      %get3A_852 = arith.constant 16 : index
      %get3A_853 = tpu.vector_load %arg8[%get3A_851, %get3A_852] {strides = array<i32>} : memref<800x32xf32, #tpu.memory_space<vmem>>, vector<1x16xf32>,
      %get3A_854 = vector.shape_cast %get3A_853 : vector<1x16xf32> to vector<16xf32>
      %add3A_855 = arith.addf %get3A_854, %get3A_839 : vector<16xf32>
      %swap3A_856 = arith.index_cast %add3A_841 : i32 to index
      %swap3A_857 = arith.constant 16 : index
      %swap3A_858 = tpu.vector_load %arg8[%swap3A_856, %swap3A_857] {strides = array<i32>} : memref<800x32xf32, #tpu.memory_space<vmem>>, vector<1x16xf32>,
      %swap3A_859 = vector.shape_cast %swap3A_858 : vector<1x16xf32> to vector<16xf32>
      %swap3A_860 = vector.shape_cast %add3A_855 : vector<16xf32> to vector<1x16xf32>
      tpu.vector_store %arg8[%swap3A_856, %swap3A_857], %swap3A_860 {strides = array<i32>} : memref<800x32xf32, #tpu.memory_space<vmem>>, vector<1x16xf32>,
      %add3A_861 = arith.constant 200 : i32
      %add3A_862 = arith.addi %add3A_861, %scan3A_832 : i32
      %get3A_863 = arith.index_cast %add3A_862 : i32 to index
      %get3A_864 = arith.constant 0 : index
      %get3A_865 = tpu.vector_load %arg8[%get3A_863, %get3A_864] {strides = array<i32>} : memref<800x32xf32, #tpu.memory_space<vmem>>, vector<1x16xf32>,
      %get3A_866 = vector.shape_cast %get3A_865 : vector<1x16xf32> to vector<16xf32>
      %add3A_867 = arith.addf %get3A_866, %get3A_835 : vector<16xf32>
      %swap3A_868 = arith.index_cast %add3A_862 : i32 to index
      %swap3A_869 = arith.constant 0 : index
      %swap3A_870 = tpu.vector_load %arg8[%swap3A_868, %swap3A_869] {strides = array<i32>} : memref<800x32xf32, #tpu.memory_space<vmem>>, vector<1x16xf32>,
      %swap3A_871 = vector.shape_cast %swap3A_870 : vector<1x16xf32> to vector<16xf32>
      %swap3A_872 = vector.shape_cast %add3A_867 : vector<16xf32> to vector<1x16xf32>
      tpu.vector_store %arg8[%swap3A_868, %swap3A_869], %swap3A_872 {strides = array<i32>} : memref<800x32xf32, #tpu.memory_space<vmem>>, vector<1x16xf32>,
      %get3A_873 = arith.index_cast %add3A_862 : i32 to index
      %get3A_874 = arith.constant 16 : index
      %get3A_875 = tpu.vector_load %arg8[%get3A_873, %get3A_874] {strides = array<i32>} : memref<800x32xf32, #tpu.memory_space<vmem>>, vector<1x16xf32>,
      %get3A_876 = vector.shape_cast %get3A_875 : vector<1x16xf32> to vector<16xf32>
      %add3A_877 = arith.addf %get3A_876, %get3A_839 : vector<16xf32>
      %swap3A_878 = arith.index_cast %add3A_862 : i32 to index
      %swap3A_879 = arith.constant 16 : index
      %swap3A_880 = tpu.vector_load %arg8[%swap3A_878, %swap3A_879] {strides = array<i32>} : memref<800x32xf32, #tpu.memory_space<vmem>>, vector<1x16xf32>,
      %swap3A_881 = vector.shape_cast %swap3A_880 : vector<1x16xf32> to vector<16xf32>
      %swap3A_882 = vector.shape_cast %add3A_877 : vector<16xf32> to vector<1x16xf32>
      tpu.vector_store %arg8[%swap3A_878, %swap3A_879], %swap3A_882 {strides = array<i32>} : memref<800x32xf32, #tpu.memory_space<vmem>>, vector<1x16xf32>,
      %add3A_883 = arith.constant 400 : i32
      %add3A_884 = arith.addi %add3A_883, %scan3A_832 : i32
      %get3A_885 = arith.index_cast %add3A_884 : i32 to index
      %get3A_886 = arith.constant 0 : index
      %get3A_887 = tpu.vector_load %arg8[%get3A_885, %get3A_886] {strides = array<i32>} : memref<800x32xf32, #tpu.memory_space<vmem>>, vector<1x16xf32>,
      %get3A_888 = vector.shape_cast %get3A_887 : vector<1x16xf32> to vector<16xf32>
      %add3A_889 = arith.addf %get3A_888, %get3A_835 : vector<16xf32>
      %swap3A_890 = arith.index_cast %add3A_884 : i32 to index
      %swap3A_891 = arith.constant 0 : index
      %swap3A_892 = tpu.vector_load %arg8[%swap3A_890, %swap3A_891] {strides = array<i32>} : memref<800x32xf32, #tpu.memory_space<vmem>>, vector<1x16xf32>,
      %swap3A_893 = vector.shape_cast %swap3A_892 : vector<1x16xf32> to vector<16xf32>
      %swap3A_894 = vector.shape_cast %add3A_889 : vector<16xf32> to vector<1x16xf32>
      tpu.vector_store %arg8[%swap3A_890, %swap3A_891], %swap3A_894 {strides = array<i32>} : memref<800x32xf32, #tpu.memory_space<vmem>>, vector<1x16xf32>,
      %get3A_895 = arith.index_cast %add3A_884 : i32 to index
      %get3A_896 = arith.constant 16 : index
      %get3A_897 = tpu.vector_load %arg8[%get3A_895, %get3A_896] {strides = array<i32>} : memref<800x32xf32, #tpu.memory_space<vmem>>, vector<1x16xf32>,
      %get3A_898 = vector.shape_cast %get3A_897 : vector<1x16xf32> to vector<16xf32>
      %add3A_899 = arith.addf %get3A_898, %get3A_839 : vector<16xf32>
      %swap3A_900 = arith.index_cast %add3A_884 : i32 to index
      %swap3A_901 = arith.constant 16 : index
      %swap3A_902 = tpu.vector_load %arg8[%swap3A_900, %swap3A_901] {strides = array<i32>} : memref<800x32xf32, #tpu.memory_space<vmem>>, vector<1x16xf32>,
      %swap3A_903 = vector.shape_cast %swap3A_902 : vector<1x16xf32> to vector<16xf32>
      %swap3A_904 = vector.shape_cast %add3A_899 : vector<16xf32> to vector<1x16xf32>
      tpu.vector_store %arg8[%swap3A_900, %swap3A_901], %swap3A_904 {strides = array<i32>} : memref<800x32xf32, #tpu.memory_space<vmem>>, vector<1x16xf32>,
      %add3A_905 = arith.constant 600 : i32
      %add3A_906 = arith.addi %add3A_905, %scan3A_832 : i32
      %get3A_907 = arith.index_cast %add3A_906 : i32 to index
      %get3A_908 = arith.constant 0 : index
      %get3A_909 = tpu.vector_load %arg8[%get3A_907, %get3A_908] {strides = array<i32>} : memref<800x32xf32, #tpu.memory_space<vmem>>, vector<1x16xf32>,
      %get3A_910 = vector.shape_cast %get3A_909 : vector<1x16xf32> to vector<16xf32>
      %add3A_911 = arith.addf %get3A_910, %get3A_835 : vector<16xf32>
      %swap3A_912 = arith.index_cast %add3A_906 : i32 to index
      %swap3A_913 = arith.constant 0 : index
      %swap3A_914 = tpu.vector_load %arg8[%swap3A_912, %swap3A_913] {strides = array<i32>} : memref<800x32xf32, #tpu.memory_space<vmem>>, vector<1x16xf32>,
      %swap3A_915 = vector.shape_cast %swap3A_914 : vector<1x16xf32> to vector<16xf32>
      %swap3A_916 = vector.shape_cast %add3A_911 : vector<16xf32> to vector<1x16xf32>
      tpu.vector_store %arg8[%swap3A_912, %swap3A_913], %swap3A_916 {strides = array<i32>} : memref<800x32xf32, #tpu.memory_space<vmem>>, vector<1x16xf32>,
      %get3A_917 = arith.index_cast %add3A_906 : i32 to index
      %get3A_918 = arith.constant 16 : index
      %get3A_919 = tpu.vector_load %arg8[%get3A_917, %get3A_918] {strides = array<i32>} : memref<800x32xf32, #tpu.memory_space<vmem>>, vector<1x16xf32>,
      %get3A_920 = vector.shape_cast %get3A_919 : vector<1x16xf32> to vector<16xf32>
      %add3A_921 = arith.addf %get3A_920, %get3A_839 : vector<16xf32>
      %swap3A_922 = arith.index_cast %add3A_906 : i32 to index
      %swap3A_923 = arith.constant 16 : index
      %swap3A_924 = tpu.vector_load %arg8[%swap3A_922, %swap3A_923] {strides = array<i32>} : memref<800x32xf32, #tpu.memory_space<vmem>>, vector<1x16xf32>,
      %swap3A_925 = vector.shape_cast %swap3A_924 : vector<1x16xf32> to vector<16xf32>
      %swap3A_926 = vector.shape_cast %add3A_921 : vector<16xf32> to vector<1x16xf32>
      tpu.vector_store %arg8[%swap3A_922, %swap3A_923], %swap3A_926 {strides = array<i32>} : memref<800x32xf32, #tpu.memory_space<vmem>>, vector<1x16xf32>,
    }
    %scan3A_441 = arith.constant 200 : i32
    %add3A_442 = arith.constant 12800 : i32
    %add3A_443 = arith.addi %mul3A_2, %add3A_442 : i32
    %dma_start3A_444 = arith.constant 0 : i32
    %dma_start3A_445 = tpu.memref_slice %arg5[%add3A_443, %dma_start3A_444] : memref<819200x32xf32, #tpu.memory_space<hbm>> -> memref<800x32xf32, #tpu.memory_space<hbm>>
    %dma_start3A_446 = arith.constant 0 : i32
    %dma_start3A_447 = tpu.memref_slice %arg5[%add3A_443, %dma_start3A_446] : memref<819200x32xf32, #tpu.memory_space<hbm>> -> memref<800x32xf32, #tpu.memory_space<hbm>>
    tpu.enqueue_dma source(%arg8 : memref<800x32xf32, #tpu.memory_space<vmem>>) target(%dma_start3A_447 : memref<800x32xf32, #tpu.memory_space<hbm>>) target_semaphore(%arg15 : memref<!tpu.dma_semaphore, #tpu.memory_space<semaphore_mem>>)
    %dma_wait3A_448 = arith.constant 0 : i32
    %dma_wait3A_449 = tpu.memref_slice %arg5[%add3A_443, %dma_wait3A_448] : memref<819200x32xf32, #tpu.memory_space<hbm>> -> memref<800x32xf32, #tpu.memory_space<hbm>>
    %dma_wait3A_450 = arith.constant 0 : i32
    %dma_wait3A_451 = tpu.memref_slice %arg5[%add3A_443, %dma_wait3A_450] : memref<819200x32xf32, #tpu.memory_space<hbm>> -> memref<800x32xf32, #tpu.memory_space<hbm>>
    tpu.wait_dma2 semaphore(%arg15 : memref<!tpu.dma_semaphore, #tpu.memory_space<semaphore_mem>>) src(%arg8 : memref<800x32xf32, #tpu.memory_space<vmem>>) dst(%dma_wait3A_451 : memref<800x32xf32, #tpu.memory_space<hbm>>)
    %dma_start3A_452 = arith.constant 15200 : i32
    %dma_start3A_453 = tpu.memref_slice %arg6[%dma_start3A_452] : memref<25600xi32, #tpu.memory_space<vmem>> -> memref<800xi32, #tpu.memory_space<vmem>>
    %dma_start3A_454 = arith.constant 0 : i32
    %dma_start3A_455 = arith.constant 0 : i32
    %dma_start3A_456 = tpu.memref_slice %arg2[%dma_start3A_454, %dma_start3A_455] : memref<1000000x32xf32, #tpu.memory_space<hbm>> -> memref<1000000x32xf32, #tpu.memory_space<hbm>>
    tpu.enqueue_indirect_dma source(%dma_start3A_456 : memref<1000000x32xf32, #tpu.memory_space<hbm>>) target(%arg8 : memref<800x32xf32, #tpu.memory_space<vmem>>) offsets(%dma_start3A_453 : memref<800xi32, #tpu.memory_space<vmem>>) semaphore(%arg12 : memref<!tpu.dma_semaphore, #tpu.memory_space<semaphore_mem>>)
    %dma_wait3A_457 = arith.constant 13600 : i32
    %dma_wait3A_458 = tpu.memref_slice %arg6[%dma_wait3A_457] : memref<25600xi32, #tpu.memory_space<vmem>> -> memref<800xi32, #tpu.memory_space<vmem>>
    %dma_wait3A_459 = arith.constant 0 : i32
    %dma_wait3A_460 = arith.constant 0 : i32
    %dma_wait3A_461 = tpu.memref_slice %arg2[%dma_wait3A_459, %dma_wait3A_460] : memref<1000000x32xf32, #tpu.memory_space<hbm>> -> memref<1000000x32xf32, #tpu.memory_space<hbm>>
    tpu.wait_indirect_dma semaphore(%arg13 : memref<!tpu.dma_semaphore, #tpu.memory_space<semaphore_mem>>) src(%dma_wait3A_461 : memref<1000000x32xf32, #tpu.memory_space<hbm>>) dst(%arg9 : memref<800x32xf32, #tpu.memory_space<vmem>>)
    %scan3A_462 = arith.constant 0 : i32
    %scan3A_463 = arith.constant 0 : i32
    %scan3A_464 = arith.constant 200 : i32
    %scan3A_465 = arith.addi %scan3A_463, %scan3A_464 : i32
    %scan3A_466 = arith.constant 1 : i32
    scf.for %scan3A_832 = %scan3A_463 to %scan3A_465 step %scan3A_466  : i32 {
      %get3A = arith.index_cast %scan3A_832 : i32 to index
      %get3A_833 = arith.constant 0 : index
      %get3A_834 = tpu.vector_load %arg10[%get3A, %get3A_833] {strides = array<i32>} : memref<200x32xf32, #tpu.memory_space<vmem>>, vector<1x16xf32>,
      %get3A_835 = vector.shape_cast %get3A_834 : vector<1x16xf32> to vector<16xf32>
      %get3A_836 = arith.index_cast %scan3A_832 : i32 to index
      %get3A_837 = arith.constant 16 : index
      %get3A_838 = tpu.vector_load %arg10[%get3A_836, %get3A_837] {strides = array<i32>} : memref<200x32xf32, #tpu.memory_space<vmem>>, vector<1x16xf32>,
      %get3A_839 = vector.shape_cast %get3A_838 : vector<1x16xf32> to vector<16xf32>
      %add3A_840 = arith.constant 0 : i32
      %add3A_841 = arith.addi %add3A_840, %scan3A_832 : i32
      %get3A_842 = arith.index_cast %add3A_841 : i32 to index
      %get3A_843 = arith.constant 0 : index
      %get3A_844 = tpu.vector_load %arg9[%get3A_842, %get3A_843] {strides = array<i32>} : memref<800x32xf32, #tpu.memory_space<vmem>>, vector<1x16xf32>,
      %get3A_845 = vector.shape_cast %get3A_844 : vector<1x16xf32> to vector<16xf32>
      %add3A_846 = arith.addf %get3A_845, %get3A_835 : vector<16xf32>
      %swap3A = arith.index_cast %add3A_841 : i32 to index
      %swap3A_847 = arith.constant 0 : index
      %swap3A_848 = tpu.vector_load %arg9[%swap3A, %swap3A_847] {strides = array<i32>} : memref<800x32xf32, #tpu.memory_space<vmem>>, vector<1x16xf32>,
      %swap3A_849 = vector.shape_cast %swap3A_848 : vector<1x16xf32> to vector<16xf32>
      %swap3A_850 = vector.shape_cast %add3A_846 : vector<16xf32> to vector<1x16xf32>
      tpu.vector_store %arg9[%swap3A, %swap3A_847], %swap3A_850 {strides = array<i32>} : memref<800x32xf32, #tpu.memory_space<vmem>>, vector<1x16xf32>,
      %get3A_851 = arith.index_cast %add3A_841 : i32 to index
      %get3A_852 = arith.constant 16 : index
      %get3A_853 = tpu.vector_load %arg9[%get3A_851, %get3A_852] {strides = array<i32>} : memref<800x32xf32, #tpu.memory_space<vmem>>, vector<1x16xf32>,
      %get3A_854 = vector.shape_cast %get3A_853 : vector<1x16xf32> to vector<16xf32>
      %add3A_855 = arith.addf %get3A_854, %get3A_839 : vector<16xf32>
      %swap3A_856 = arith.index_cast %add3A_841 : i32 to index
      %swap3A_857 = arith.constant 16 : index
      %swap3A_858 = tpu.vector_load %arg9[%swap3A_856, %swap3A_857] {strides = array<i32>} : memref<800x32xf32, #tpu.memory_space<vmem>>, vector<1x16xf32>,
      %swap3A_859 = vector.shape_cast %swap3A_858 : vector<1x16xf32> to vector<16xf32>
      %swap3A_860 = vector.shape_cast %add3A_855 : vector<16xf32> to vector<1x16xf32>
      tpu.vector_store %arg9[%swap3A_856, %swap3A_857], %swap3A_860 {strides = array<i32>} : memref<800x32xf32, #tpu.memory_space<vmem>>, vector<1x16xf32>,
      %add3A_861 = arith.constant 200 : i32
      %add3A_862 = arith.addi %add3A_861, %scan3A_832 : i32
      %get3A_863 = arith.index_cast %add3A_862 : i32 to index
      %get3A_864 = arith.constant 0 : index
      %get3A_865 = tpu.vector_load %arg9[%get3A_863, %get3A_864] {strides = array<i32>} : memref<800x32xf32, #tpu.memory_space<vmem>>, vector<1x16xf32>,
      %get3A_866 = vector.shape_cast %get3A_865 : vector<1x16xf32> to vector<16xf32>
      %add3A_867 = arith.addf %get3A_866, %get3A_835 : vector<16xf32>
      %swap3A_868 = arith.index_cast %add3A_862 : i32 to index
      %swap3A_869 = arith.constant 0 : index
      %swap3A_870 = tpu.vector_load %arg9[%swap3A_868, %swap3A_869] {strides = array<i32>} : memref<800x32xf32, #tpu.memory_space<vmem>>, vector<1x16xf32>,
      %swap3A_871 = vector.shape_cast %swap3A_870 : vector<1x16xf32> to vector<16xf32>
      %swap3A_872 = vector.shape_cast %add3A_867 : vector<16xf32> to vector<1x16xf32>
      tpu.vector_store %arg9[%swap3A_868, %swap3A_869], %swap3A_872 {strides = array<i32>} : memref<800x32xf32, #tpu.memory_space<vmem>>, vector<1x16xf32>,
      %get3A_873 = arith.index_cast %add3A_862 : i32 to index
      %get3A_874 = arith.constant 16 : index
      %get3A_875 = tpu.vector_load %arg9[%get3A_873, %get3A_874] {strides = array<i32>} : memref<800x32xf32, #tpu.memory_space<vmem>>, vector<1x16xf32>,
      %get3A_876 = vector.shape_cast %get3A_875 : vector<1x16xf32> to vector<16xf32>
      %add3A_877 = arith.addf %get3A_876, %get3A_839 : vector<16xf32>
      %swap3A_878 = arith.index_cast %add3A_862 : i32 to index
      %swap3A_879 = arith.constant 16 : index
      %swap3A_880 = tpu.vector_load %arg9[%swap3A_878, %swap3A_879] {strides = array<i32>} : memref<800x32xf32, #tpu.memory_space<vmem>>, vector<1x16xf32>,
      %swap3A_881 = vector.shape_cast %swap3A_880 : vector<1x16xf32> to vector<16xf32>
      %swap3A_882 = vector.shape_cast %add3A_877 : vector<16xf32> to vector<1x16xf32>
      tpu.vector_store %arg9[%swap3A_878, %swap3A_879], %swap3A_882 {strides = array<i32>} : memref<800x32xf32, #tpu.memory_space<vmem>>, vector<1x16xf32>,
      %add3A_883 = arith.constant 400 : i32
      %add3A_884 = arith.addi %add3A_883, %scan3A_832 : i32
      %get3A_885 = arith.index_cast %add3A_884 : i32 to index
      %get3A_886 = arith.constant 0 : index
      %get3A_887 = tpu.vector_load %arg9[%get3A_885, %get3A_886] {strides = array<i32>} : memref<800x32xf32, #tpu.memory_space<vmem>>, vector<1x16xf32>,
      %get3A_888 = vector.shape_cast %get3A_887 : vector<1x16xf32> to vector<16xf32>
      %add3A_889 = arith.addf %get3A_888, %get3A_835 : vector<16xf32>
      %swap3A_890 = arith.index_cast %add3A_884 : i32 to index
      %swap3A_891 = arith.constant 0 : index
      %swap3A_892 = tpu.vector_load %arg9[%swap3A_890, %swap3A_891] {strides = array<i32>} : memref<800x32xf32, #tpu.memory_space<vmem>>, vector<1x16xf32>,
      %swap3A_893 = vector.shape_cast %swap3A_892 : vector<1x16xf32> to vector<16xf32>
      %swap3A_894 = vector.shape_cast %add3A_889 : vector<16xf32> to vector<1x16xf32>
      tpu.vector_store %arg9[%swap3A_890, %swap3A_891], %swap3A_894 {strides = array<i32>} : memref<800x32xf32, #tpu.memory_space<vmem>>, vector<1x16xf32>,
      %get3A_895 = arith.index_cast %add3A_884 : i32 to index
      %get3A_896 = arith.constant 16 : index
      %get3A_897 = tpu.vector_load %arg9[%get3A_895, %get3A_896] {strides = array<i32>} : memref<800x32xf32, #tpu.memory_space<vmem>>, vector<1x16xf32>,
      %get3A_898 = vector.shape_cast %get3A_897 : vector<1x16xf32> to vector<16xf32>
      %add3A_899 = arith.addf %get3A_898, %get3A_839 : vector<16xf32>
      %swap3A_900 = arith.index_cast %add3A_884 : i32 to index
      %swap3A_901 = arith.constant 16 : index
      %swap3A_902 = tpu.vector_load %arg9[%swap3A_900, %swap3A_901] {strides = array<i32>} : memref<800x32xf32, #tpu.memory_space<vmem>>, vector<1x16xf32>,
      %swap3A_903 = vector.shape_cast %swap3A_902 : vector<1x16xf32> to vector<16xf32>
      %swap3A_904 = vector.shape_cast %add3A_899 : vector<16xf32> to vector<1x16xf32>
      tpu.vector_store %arg9[%swap3A_900, %swap3A_901], %swap3A_904 {strides = array<i32>} : memref<800x32xf32, #tpu.memory_space<vmem>>, vector<1x16xf32>,
      %add3A_905 = arith.constant 600 : i32
      %add3A_906 = arith.addi %add3A_905, %scan3A_832 : i32
      %get3A_907 = arith.index_cast %add3A_906 : i32 to index
      %get3A_908 = arith.constant 0 : index
      %get3A_909 = tpu.vector_load %arg9[%get3A_907, %get3A_908] {strides = array<i32>} : memref<800x32xf32, #tpu.memory_space<vmem>>, vector<1x16xf32>,
      %get3A_910 = vector.shape_cast %get3A_909 : vector<1x16xf32> to vector<16xf32>
      %add3A_911 = arith.addf %get3A_910, %get3A_835 : vector<16xf32>
      %swap3A_912 = arith.index_cast %add3A_906 : i32 to index
      %swap3A_913 = arith.constant 0 : index
      %swap3A_914 = tpu.vector_load %arg9[%swap3A_912, %swap3A_913] {strides = array<i32>} : memref<800x32xf32, #tpu.memory_space<vmem>>, vector<1x16xf32>,
      %swap3A_915 = vector.shape_cast %swap3A_914 : vector<1x16xf32> to vector<16xf32>
      %swap3A_916 = vector.shape_cast %add3A_911 : vector<16xf32> to vector<1x16xf32>
      tpu.vector_store %arg9[%swap3A_912, %swap3A_913], %swap3A_916 {strides = array<i32>} : memref<800x32xf32, #tpu.memory_space<vmem>>, vector<1x16xf32>,
      %get3A_917 = arith.index_cast %add3A_906 : i32 to index
      %get3A_918 = arith.constant 16 : index
      %get3A_919 = tpu.vector_load %arg9[%get3A_917, %get3A_918] {strides = array<i32>} : memref<800x32xf32, #tpu.memory_space<vmem>>, vector<1x16xf32>,
      %get3A_920 = vector.shape_cast %get3A_919 : vector<1x16xf32> to vector<16xf32>
      %add3A_921 = arith.addf %get3A_920, %get3A_839 : vector<16xf32>
      %swap3A_922 = arith.index_cast %add3A_906 : i32 to index
      %swap3A_923 = arith.constant 16 : index
      %swap3A_924 = tpu.vector_load %arg9[%swap3A_922, %swap3A_923] {strides = array<i32>} : memref<800x32xf32, #tpu.memory_space<vmem>>, vector<1x16xf32>,
      %swap3A_925 = vector.shape_cast %swap3A_924 : vector<1x16xf32> to vector<16xf32>
      %swap3A_926 = vector.shape_cast %add3A_921 : vector<16xf32> to vector<1x16xf32>
      tpu.vector_store %arg9[%swap3A_922, %swap3A_923], %swap3A_926 {strides = array<i32>} : memref<800x32xf32, #tpu.memory_space<vmem>>, vector<1x16xf32>,
    }
    %scan3A_467 = arith.constant 200 : i32
    %add3A_468 = arith.constant 13600 : i32
    %add3A_469 = arith.addi %mul3A_2, %add3A_468 : i32
    %dma_start3A_470 = arith.constant 0 : i32
    %dma_start3A_471 = tpu.memref_slice %arg5[%add3A_469, %dma_start3A_470] : memref<819200x32xf32, #tpu.memory_space<hbm>> -> memref<800x32xf32, #tpu.memory_space<hbm>>
    %dma_start3A_472 = arith.constant 0 : i32
    %dma_start3A_473 = tpu.memref_slice %arg5[%add3A_469, %dma_start3A_472] : memref<819200x32xf32, #tpu.memory_space<hbm>> -> memref<800x32xf32, #tpu.memory_space<hbm>>
    tpu.enqueue_dma source(%arg9 : memref<800x32xf32, #tpu.memory_space<vmem>>) target(%dma_start3A_473 : memref<800x32xf32, #tpu.memory_space<hbm>>) target_semaphore(%arg16 : memref<!tpu.dma_semaphore, #tpu.memory_space<semaphore_mem>>)
    %dma_wait3A_474 = arith.constant 0 : i32
    %dma_wait3A_475 = tpu.memref_slice %arg5[%add3A_469, %dma_wait3A_474] : memref<819200x32xf32, #tpu.memory_space<hbm>> -> memref<800x32xf32, #tpu.memory_space<hbm>>
    %dma_wait3A_476 = arith.constant 0 : i32
    %dma_wait3A_477 = tpu.memref_slice %arg5[%add3A_469, %dma_wait3A_476] : memref<819200x32xf32, #tpu.memory_space<hbm>> -> memref<800x32xf32, #tpu.memory_space<hbm>>
    tpu.wait_dma2 semaphore(%arg16 : memref<!tpu.dma_semaphore, #tpu.memory_space<semaphore_mem>>) src(%arg9 : memref<800x32xf32, #tpu.memory_space<vmem>>) dst(%dma_wait3A_477 : memref<800x32xf32, #tpu.memory_space<hbm>>)
    %dma_start3A_478 = arith.constant 16000 : i32
    %dma_start3A_479 = tpu.memref_slice %arg6[%dma_start3A_478] : memref<25600xi32, #tpu.memory_space<vmem>> -> memref<800xi32, #tpu.memory_space<vmem>>
    %dma_start3A_480 = arith.constant 0 : i32
    %dma_start3A_481 = arith.constant 0 : i32
    %dma_start3A_482 = tpu.memref_slice %arg2[%dma_start3A_480, %dma_start3A_481] : memref<1000000x32xf32, #tpu.memory_space<hbm>> -> memref<1000000x32xf32, #tpu.memory_space<hbm>>
    tpu.enqueue_indirect_dma source(%dma_start3A_482 : memref<1000000x32xf32, #tpu.memory_space<hbm>>) target(%arg9 : memref<800x32xf32, #tpu.memory_space<vmem>>) offsets(%dma_start3A_479 : memref<800xi32, #tpu.memory_space<vmem>>) semaphore(%arg13 : memref<!tpu.dma_semaphore, #tpu.memory_space<semaphore_mem>>)
    %dma_wait3A_483 = arith.constant 14400 : i32
    %dma_wait3A_484 = tpu.memref_slice %arg6[%dma_wait3A_483] : memref<25600xi32, #tpu.memory_space<vmem>> -> memref<800xi32, #tpu.memory_space<vmem>>
    %dma_wait3A_485 = arith.constant 0 : i32
    %dma_wait3A_486 = arith.constant 0 : i32
    %dma_wait3A_487 = tpu.memref_slice %arg2[%dma_wait3A_485, %dma_wait3A_486] : memref<1000000x32xf32, #tpu.memory_space<hbm>> -> memref<1000000x32xf32, #tpu.memory_space<hbm>>
    tpu.wait_indirect_dma semaphore(%arg11 : memref<!tpu.dma_semaphore, #tpu.memory_space<semaphore_mem>>) src(%dma_wait3A_487 : memref<1000000x32xf32, #tpu.memory_space<hbm>>) dst(%arg7 : memref<800x32xf32, #tpu.memory_space<vmem>>)
    %scan3A_488 = arith.constant 0 : i32
    %scan3A_489 = arith.constant 0 : i32
    %scan3A_490 = arith.constant 200 : i32
    %scan3A_491 = arith.addi %scan3A_489, %scan3A_490 : i32
    %scan3A_492 = arith.constant 1 : i32
    scf.for %scan3A_832 = %scan3A_489 to %scan3A_491 step %scan3A_492  : i32 {
      %get3A = arith.index_cast %scan3A_832 : i32 to index
      %get3A_833 = arith.constant 0 : index
      %get3A_834 = tpu.vector_load %arg10[%get3A, %get3A_833] {strides = array<i32>} : memref<200x32xf32, #tpu.memory_space<vmem>>, vector<1x16xf32>,
      %get3A_835 = vector.shape_cast %get3A_834 : vector<1x16xf32> to vector<16xf32>
      %get3A_836 = arith.index_cast %scan3A_832 : i32 to index
      %get3A_837 = arith.constant 16 : index
      %get3A_838 = tpu.vector_load %arg10[%get3A_836, %get3A_837] {strides = array<i32>} : memref<200x32xf32, #tpu.memory_space<vmem>>, vector<1x16xf32>,
      %get3A_839 = vector.shape_cast %get3A_838 : vector<1x16xf32> to vector<16xf32>
      %add3A_840 = arith.constant 0 : i32
      %add3A_841 = arith.addi %add3A_840, %scan3A_832 : i32
      %get3A_842 = arith.index_cast %add3A_841 : i32 to index
      %get3A_843 = arith.constant 0 : index
      %get3A_844 = tpu.vector_load %arg7[%get3A_842, %get3A_843] {strides = array<i32>} : memref<800x32xf32, #tpu.memory_space<vmem>>, vector<1x16xf32>,
      %get3A_845 = vector.shape_cast %get3A_844 : vector<1x16xf32> to vector<16xf32>
      %add3A_846 = arith.addf %get3A_845, %get3A_835 : vector<16xf32>
      %swap3A = arith.index_cast %add3A_841 : i32 to index
      %swap3A_847 = arith.constant 0 : index
      %swap3A_848 = tpu.vector_load %arg7[%swap3A, %swap3A_847] {strides = array<i32>} : memref<800x32xf32, #tpu.memory_space<vmem>>, vector<1x16xf32>,
      %swap3A_849 = vector.shape_cast %swap3A_848 : vector<1x16xf32> to vector<16xf32>
      %swap3A_850 = vector.shape_cast %add3A_846 : vector<16xf32> to vector<1x16xf32>
      tpu.vector_store %arg7[%swap3A, %swap3A_847], %swap3A_850 {strides = array<i32>} : memref<800x32xf32, #tpu.memory_space<vmem>>, vector<1x16xf32>,
      %get3A_851 = arith.index_cast %add3A_841 : i32 to index
      %get3A_852 = arith.constant 16 : index
      %get3A_853 = tpu.vector_load %arg7[%get3A_851, %get3A_852] {strides = array<i32>} : memref<800x32xf32, #tpu.memory_space<vmem>>, vector<1x16xf32>,
      %get3A_854 = vector.shape_cast %get3A_853 : vector<1x16xf32> to vector<16xf32>
      %add3A_855 = arith.addf %get3A_854, %get3A_839 : vector<16xf32>
      %swap3A_856 = arith.index_cast %add3A_841 : i32 to index
      %swap3A_857 = arith.constant 16 : index
      %swap3A_858 = tpu.vector_load %arg7[%swap3A_856, %swap3A_857] {strides = array<i32>} : memref<800x32xf32, #tpu.memory_space<vmem>>, vector<1x16xf32>,
      %swap3A_859 = vector.shape_cast %swap3A_858 : vector<1x16xf32> to vector<16xf32>
      %swap3A_860 = vector.shape_cast %add3A_855 : vector<16xf32> to vector<1x16xf32>
      tpu.vector_store %arg7[%swap3A_856, %swap3A_857], %swap3A_860 {strides = array<i32>} : memref<800x32xf32, #tpu.memory_space<vmem>>, vector<1x16xf32>,
      %add3A_861 = arith.constant 200 : i32
      %add3A_862 = arith.addi %add3A_861, %scan3A_832 : i32
      %get3A_863 = arith.index_cast %add3A_862 : i32 to index
      %get3A_864 = arith.constant 0 : index
      %get3A_865 = tpu.vector_load %arg7[%get3A_863, %get3A_864] {strides = array<i32>} : memref<800x32xf32, #tpu.memory_space<vmem>>, vector<1x16xf32>,
      %get3A_866 = vector.shape_cast %get3A_865 : vector<1x16xf32> to vector<16xf32>
      %add3A_867 = arith.addf %get3A_866, %get3A_835 : vector<16xf32>
      %swap3A_868 = arith.index_cast %add3A_862 : i32 to index
      %swap3A_869 = arith.constant 0 : index
      %swap3A_870 = tpu.vector_load %arg7[%swap3A_868, %swap3A_869] {strides = array<i32>} : memref<800x32xf32, #tpu.memory_space<vmem>>, vector<1x16xf32>,
      %swap3A_871 = vector.shape_cast %swap3A_870 : vector<1x16xf32> to vector<16xf32>
      %swap3A_872 = vector.shape_cast %add3A_867 : vector<16xf32> to vector<1x16xf32>
      tpu.vector_store %arg7[%swap3A_868, %swap3A_869], %swap3A_872 {strides = array<i32>} : memref<800x32xf32, #tpu.memory_space<vmem>>, vector<1x16xf32>,
      %get3A_873 = arith.index_cast %add3A_862 : i32 to index
      %get3A_874 = arith.constant 16 : index
      %get3A_875 = tpu.vector_load %arg7[%get3A_873, %get3A_874] {strides = array<i32>} : memref<800x32xf32, #tpu.memory_space<vmem>>, vector<1x16xf32>,
      %get3A_876 = vector.shape_cast %get3A_875 : vector<1x16xf32> to vector<16xf32>
      %add3A_877 = arith.addf %get3A_876, %get3A_839 : vector<16xf32>
      %swap3A_878 = arith.index_cast %add3A_862 : i32 to index
      %swap3A_879 = arith.constant 16 : index
      %swap3A_880 = tpu.vector_load %arg7[%swap3A_878, %swap3A_879] {strides = array<i32>} : memref<800x32xf32, #tpu.memory_space<vmem>>, vector<1x16xf32>,
      %swap3A_881 = vector.shape_cast %swap3A_880 : vector<1x16xf32> to vector<16xf32>
      %swap3A_882 = vector.shape_cast %add3A_877 : vector<16xf32> to vector<1x16xf32>
      tpu.vector_store %arg7[%swap3A_878, %swap3A_879], %swap3A_882 {strides = array<i32>} : memref<800x32xf32, #tpu.memory_space<vmem>>, vector<1x16xf32>,
      %add3A_883 = arith.constant 400 : i32
      %add3A_884 = arith.addi %add3A_883, %scan3A_832 : i32
      %get3A_885 = arith.index_cast %add3A_884 : i32 to index
      %get3A_886 = arith.constant 0 : index
      %get3A_887 = tpu.vector_load %arg7[%get3A_885, %get3A_886] {strides = array<i32>} : memref<800x32xf32, #tpu.memory_space<vmem>>, vector<1x16xf32>,
      %get3A_888 = vector.shape_cast %get3A_887 : vector<1x16xf32> to vector<16xf32>
      %add3A_889 = arith.addf %get3A_888, %get3A_835 : vector<16xf32>
      %swap3A_890 = arith.index_cast %add3A_884 : i32 to index
      %swap3A_891 = arith.constant 0 : index
      %swap3A_892 = tpu.vector_load %arg7[%swap3A_890, %swap3A_891] {strides = array<i32>} : memref<800x32xf32, #tpu.memory_space<vmem>>, vector<1x16xf32>,
      %swap3A_893 = vector.shape_cast %swap3A_892 : vector<1x16xf32> to vector<16xf32>
      %swap3A_894 = vector.shape_cast %add3A_889 : vector<16xf32> to vector<1x16xf32>
      tpu.vector_store %arg7[%swap3A_890, %swap3A_891], %swap3A_894 {strides = array<i32>} : memref<800x32xf32, #tpu.memory_space<vmem>>, vector<1x16xf32>,
      %get3A_895 = arith.index_cast %add3A_884 : i32 to index
      %get3A_896 = arith.constant 16 : index
      %get3A_897 = tpu.vector_load %arg7[%get3A_895, %get3A_896] {strides = array<i32>} : memref<800x32xf32, #tpu.memory_space<vmem>>, vector<1x16xf32>,
      %get3A_898 = vector.shape_cast %get3A_897 : vector<1x16xf32> to vector<16xf32>
      %add3A_899 = arith.addf %get3A_898, %get3A_839 : vector<16xf32>
      %swap3A_900 = arith.index_cast %add3A_884 : i32 to index
      %swap3A_901 = arith.constant 16 : index
      %swap3A_902 = tpu.vector_load %arg7[%swap3A_900, %swap3A_901] {strides = array<i32>} : memref<800x32xf32, #tpu.memory_space<vmem>>, vector<1x16xf32>,
      %swap3A_903 = vector.shape_cast %swap3A_902 : vector<1x16xf32> to vector<16xf32>
      %swap3A_904 = vector.shape_cast %add3A_899 : vector<16xf32> to vector<1x16xf32>
      tpu.vector_store %arg7[%swap3A_900, %swap3A_901], %swap3A_904 {strides = array<i32>} : memref<800x32xf32, #tpu.memory_space<vmem>>, vector<1x16xf32>,
      %add3A_905 = arith.constant 600 : i32
      %add3A_906 = arith.addi %add3A_905, %scan3A_832 : i32
      %get3A_907 = arith.index_cast %add3A_906 : i32 to index
      %get3A_908 = arith.constant 0 : index
      %get3A_909 = tpu.vector_load %arg7[%get3A_907, %get3A_908] {strides = array<i32>} : memref<800x32xf32, #tpu.memory_space<vmem>>, vector<1x16xf32>,
      %get3A_910 = vector.shape_cast %get3A_909 : vector<1x16xf32> to vector<16xf32>
      %add3A_911 = arith.addf %get3A_910, %get3A_835 : vector<16xf32>
      %swap3A_912 = arith.index_cast %add3A_906 : i32 to index
      %swap3A_913 = arith.constant 0 : index
      %swap3A_914 = tpu.vector_load %arg7[%swap3A_912, %swap3A_913] {strides = array<i32>} : memref<800x32xf32, #tpu.memory_space<vmem>>, vector<1x16xf32>,
      %swap3A_915 = vector.shape_cast %swap3A_914 : vector<1x16xf32> to vector<16xf32>
      %swap3A_916 = vector.shape_cast %add3A_911 : vector<16xf32> to vector<1x16xf32>
      tpu.vector_store %arg7[%swap3A_912, %swap3A_913], %swap3A_916 {strides = array<i32>} : memref<800x32xf32, #tpu.memory_space<vmem>>, vector<1x16xf32>,
      %get3A_917 = arith.index_cast %add3A_906 : i32 to index
      %get3A_918 = arith.constant 16 : index
      %get3A_919 = tpu.vector_load %arg7[%get3A_917, %get3A_918] {strides = array<i32>} : memref<800x32xf32, #tpu.memory_space<vmem>>, vector<1x16xf32>,
      %get3A_920 = vector.shape_cast %get3A_919 : vector<1x16xf32> to vector<16xf32>
      %add3A_921 = arith.addf %get3A_920, %get3A_839 : vector<16xf32>
      %swap3A_922 = arith.index_cast %add3A_906 : i32 to index
      %swap3A_923 = arith.constant 16 : index
      %swap3A_924 = tpu.vector_load %arg7[%swap3A_922, %swap3A_923] {strides = array<i32>} : memref<800x32xf32, #tpu.memory_space<vmem>>, vector<1x16xf32>,
      %swap3A_925 = vector.shape_cast %swap3A_924 : vector<1x16xf32> to vector<16xf32>
      %swap3A_926 = vector.shape_cast %add3A_921 : vector<16xf32> to vector<1x16xf32>
      tpu.vector_store %arg7[%swap3A_922, %swap3A_923], %swap3A_926 {strides = array<i32>} : memref<800x32xf32, #tpu.memory_space<vmem>>, vector<1x16xf32>,
    }
    %scan3A_493 = arith.constant 200 : i32
    %add3A_494 = arith.constant 14400 : i32
    %add3A_495 = arith.addi %mul3A_2, %add3A_494 : i32
    %dma_start3A_496 = arith.constant 0 : i32
    %dma_start3A_497 = tpu.memref_slice %arg5[%add3A_495, %dma_start3A_496] : memref<819200x32xf32, #tpu.memory_space<hbm>> -> memref<800x32xf32, #tpu.memory_space<hbm>>
    %dma_start3A_498 = arith.constant 0 : i32
    %dma_start3A_499 = tpu.memref_slice %arg5[%add3A_495, %dma_start3A_498] : memref<819200x32xf32, #tpu.memory_space<hbm>> -> memref<800x32xf32, #tpu.memory_space<hbm>>
    tpu.enqueue_dma source(%arg7 : memref<800x32xf32, #tpu.memory_space<vmem>>) target(%dma_start3A_499 : memref<800x32xf32, #tpu.memory_space<hbm>>) target_semaphore(%arg14 : memref<!tpu.dma_semaphore, #tpu.memory_space<semaphore_mem>>)
    %dma_wait3A_500 = arith.constant 0 : i32
    %dma_wait3A_501 = tpu.memref_slice %arg5[%add3A_495, %dma_wait3A_500] : memref<819200x32xf32, #tpu.memory_space<hbm>> -> memref<800x32xf32, #tpu.memory_space<hbm>>
    %dma_wait3A_502 = arith.constant 0 : i32
    %dma_wait3A_503 = tpu.memref_slice %arg5[%add3A_495, %dma_wait3A_502] : memref<819200x32xf32, #tpu.memory_space<hbm>> -> memref<800x32xf32, #tpu.memory_space<hbm>>
    tpu.wait_dma2 semaphore(%arg14 : memref<!tpu.dma_semaphore, #tpu.memory_space<semaphore_mem>>) src(%arg7 : memref<800x32xf32, #tpu.memory_space<vmem>>) dst(%dma_wait3A_503 : memref<800x32xf32, #tpu.memory_space<hbm>>)
    %dma_start3A_504 = arith.constant 16800 : i32
    %dma_start3A_505 = tpu.memref_slice %arg6[%dma_start3A_504] : memref<25600xi32, #tpu.memory_space<vmem>> -> memref<800xi32, #tpu.memory_space<vmem>>
    %dma_start3A_506 = arith.constant 0 : i32
    %dma_start3A_507 = arith.constant 0 : i32
    %dma_start3A_508 = tpu.memref_slice %arg2[%dma_start3A_506, %dma_start3A_507] : memref<1000000x32xf32, #tpu.memory_space<hbm>> -> memref<1000000x32xf32, #tpu.memory_space<hbm>>
    tpu.enqueue_indirect_dma source(%dma_start3A_508 : memref<1000000x32xf32, #tpu.memory_space<hbm>>) target(%arg7 : memref<800x32xf32, #tpu.memory_space<vmem>>) offsets(%dma_start3A_505 : memref<800xi32, #tpu.memory_space<vmem>>) semaphore(%arg11 : memref<!tpu.dma_semaphore, #tpu.memory_space<semaphore_mem>>)
    %dma_wait3A_509 = arith.constant 15200 : i32
    %dma_wait3A_510 = tpu.memref_slice %arg6[%dma_wait3A_509] : memref<25600xi32, #tpu.memory_space<vmem>> -> memref<800xi32, #tpu.memory_space<vmem>>
    %dma_wait3A_511 = arith.constant 0 : i32
    %dma_wait3A_512 = arith.constant 0 : i32
    %dma_wait3A_513 = tpu.memref_slice %arg2[%dma_wait3A_511, %dma_wait3A_512] : memref<1000000x32xf32, #tpu.memory_space<hbm>> -> memref<1000000x32xf32, #tpu.memory_space<hbm>>
    tpu.wait_indirect_dma semaphore(%arg12 : memref<!tpu.dma_semaphore, #tpu.memory_space<semaphore_mem>>) src(%dma_wait3A_513 : memref<1000000x32xf32, #tpu.memory_space<hbm>>) dst(%arg8 : memref<800x32xf32, #tpu.memory_space<vmem>>)
    %scan3A_514 = arith.constant 0 : i32
    %scan3A_515 = arith.constant 0 : i32
    %scan3A_516 = arith.constant 200 : i32
    %scan3A_517 = arith.addi %scan3A_515, %scan3A_516 : i32
    %scan3A_518 = arith.constant 1 : i32
    scf.for %scan3A_832 = %scan3A_515 to %scan3A_517 step %scan3A_518  : i32 {
      %get3A = arith.index_cast %scan3A_832 : i32 to index
      %get3A_833 = arith.constant 0 : index
      %get3A_834 = tpu.vector_load %arg10[%get3A, %get3A_833] {strides = array<i32>} : memref<200x32xf32, #tpu.memory_space<vmem>>, vector<1x16xf32>,
      %get3A_835 = vector.shape_cast %get3A_834 : vector<1x16xf32> to vector<16xf32>
      %get3A_836 = arith.index_cast %scan3A_832 : i32 to index
      %get3A_837 = arith.constant 16 : index
      %get3A_838 = tpu.vector_load %arg10[%get3A_836, %get3A_837] {strides = array<i32>} : memref<200x32xf32, #tpu.memory_space<vmem>>, vector<1x16xf32>,
      %get3A_839 = vector.shape_cast %get3A_838 : vector<1x16xf32> to vector<16xf32>
      %add3A_840 = arith.constant 0 : i32
      %add3A_841 = arith.addi %add3A_840, %scan3A_832 : i32
      %get3A_842 = arith.index_cast %add3A_841 : i32 to index
      %get3A_843 = arith.constant 0 : index
      %get3A_844 = tpu.vector_load %arg8[%get3A_842, %get3A_843] {strides = array<i32>} : memref<800x32xf32, #tpu.memory_space<vmem>>, vector<1x16xf32>,
      %get3A_845 = vector.shape_cast %get3A_844 : vector<1x16xf32> to vector<16xf32>
      %add3A_846 = arith.addf %get3A_845, %get3A_835 : vector<16xf32>
      %swap3A = arith.index_cast %add3A_841 : i32 to index
      %swap3A_847 = arith.constant 0 : index
      %swap3A_848 = tpu.vector_load %arg8[%swap3A, %swap3A_847] {strides = array<i32>} : memref<800x32xf32, #tpu.memory_space<vmem>>, vector<1x16xf32>,
      %swap3A_849 = vector.shape_cast %swap3A_848 : vector<1x16xf32> to vector<16xf32>
      %swap3A_850 = vector.shape_cast %add3A_846 : vector<16xf32> to vector<1x16xf32>
      tpu.vector_store %arg8[%swap3A, %swap3A_847], %swap3A_850 {strides = array<i32>} : memref<800x32xf32, #tpu.memory_space<vmem>>, vector<1x16xf32>,
      %get3A_851 = arith.index_cast %add3A_841 : i32 to index
      %get3A_852 = arith.constant 16 : index
      %get3A_853 = tpu.vector_load %arg8[%get3A_851, %get3A_852] {strides = array<i32>} : memref<800x32xf32, #tpu.memory_space<vmem>>, vector<1x16xf32>,
      %get3A_854 = vector.shape_cast %get3A_853 : vector<1x16xf32> to vector<16xf32>
      %add3A_855 = arith.addf %get3A_854, %get3A_839 : vector<16xf32>
      %swap3A_856 = arith.index_cast %add3A_841 : i32 to index
      %swap3A_857 = arith.constant 16 : index
      %swap3A_858 = tpu.vector_load %arg8[%swap3A_856, %swap3A_857] {strides = array<i32>} : memref<800x32xf32, #tpu.memory_space<vmem>>, vector<1x16xf32>,
      %swap3A_859 = vector.shape_cast %swap3A_858 : vector<1x16xf32> to vector<16xf32>
      %swap3A_860 = vector.shape_cast %add3A_855 : vector<16xf32> to vector<1x16xf32>
      tpu.vector_store %arg8[%swap3A_856, %swap3A_857], %swap3A_860 {strides = array<i32>} : memref<800x32xf32, #tpu.memory_space<vmem>>, vector<1x16xf32>,
      %add3A_861 = arith.constant 200 : i32
      %add3A_862 = arith.addi %add3A_861, %scan3A_832 : i32
      %get3A_863 = arith.index_cast %add3A_862 : i32 to index
      %get3A_864 = arith.constant 0 : index
      %get3A_865 = tpu.vector_load %arg8[%get3A_863, %get3A_864] {strides = array<i32>} : memref<800x32xf32, #tpu.memory_space<vmem>>, vector<1x16xf32>,
      %get3A_866 = vector.shape_cast %get3A_865 : vector<1x16xf32> to vector<16xf32>
      %add3A_867 = arith.addf %get3A_866, %get3A_835 : vector<16xf32>
      %swap3A_868 = arith.index_cast %add3A_862 : i32 to index
      %swap3A_869 = arith.constant 0 : index
      %swap3A_870 = tpu.vector_load %arg8[%swap3A_868, %swap3A_869] {strides = array<i32>} : memref<800x32xf32, #tpu.memory_space<vmem>>, vector<1x16xf32>,
      %swap3A_871 = vector.shape_cast %swap3A_870 : vector<1x16xf32> to vector<16xf32>
      %swap3A_872 = vector.shape_cast %add3A_867 : vector<16xf32> to vector<1x16xf32>
      tpu.vector_store %arg8[%swap3A_868, %swap3A_869], %swap3A_872 {strides = array<i32>} : memref<800x32xf32, #tpu.memory_space<vmem>>, vector<1x16xf32>,
      %get3A_873 = arith.index_cast %add3A_862 : i32 to index
      %get3A_874 = arith.constant 16 : index
      %get3A_875 = tpu.vector_load %arg8[%get3A_873, %get3A_874] {strides = array<i32>} : memref<800x32xf32, #tpu.memory_space<vmem>>, vector<1x16xf32>,
      %get3A_876 = vector.shape_cast %get3A_875 : vector<1x16xf32> to vector<16xf32>
      %add3A_877 = arith.addf %get3A_876, %get3A_839 : vector<16xf32>
      %swap3A_878 = arith.index_cast %add3A_862 : i32 to index
      %swap3A_879 = arith.constant 16 : index
      %swap3A_880 = tpu.vector_load %arg8[%swap3A_878, %swap3A_879] {strides = array<i32>} : memref<800x32xf32, #tpu.memory_space<vmem>>, vector<1x16xf32>,
      %swap3A_881 = vector.shape_cast %swap3A_880 : vector<1x16xf32> to vector<16xf32>
      %swap3A_882 = vector.shape_cast %add3A_877 : vector<16xf32> to vector<1x16xf32>
      tpu.vector_store %arg8[%swap3A_878, %swap3A_879], %swap3A_882 {strides = array<i32>} : memref<800x32xf32, #tpu.memory_space<vmem>>, vector<1x16xf32>,
      %add3A_883 = arith.constant 400 : i32
      %add3A_884 = arith.addi %add3A_883, %scan3A_832 : i32
      %get3A_885 = arith.index_cast %add3A_884 : i32 to index
      %get3A_886 = arith.constant 0 : index
      %get3A_887 = tpu.vector_load %arg8[%get3A_885, %get3A_886] {strides = array<i32>} : memref<800x32xf32, #tpu.memory_space<vmem>>, vector<1x16xf32>,
      %get3A_888 = vector.shape_cast %get3A_887 : vector<1x16xf32> to vector<16xf32>
      %add3A_889 = arith.addf %get3A_888, %get3A_835 : vector<16xf32>
      %swap3A_890 = arith.index_cast %add3A_884 : i32 to index
      %swap3A_891 = arith.constant 0 : index
      %swap3A_892 = tpu.vector_load %arg8[%swap3A_890, %swap3A_891] {strides = array<i32>} : memref<800x32xf32, #tpu.memory_space<vmem>>, vector<1x16xf32>,
      %swap3A_893 = vector.shape_cast %swap3A_892 : vector<1x16xf32> to vector<16xf32>
      %swap3A_894 = vector.shape_cast %add3A_889 : vector<16xf32> to vector<1x16xf32>
      tpu.vector_store %arg8[%swap3A_890, %swap3A_891], %swap3A_894 {strides = array<i32>} : memref<800x32xf32, #tpu.memory_space<vmem>>, vector<1x16xf32>,
      %get3A_895 = arith.index_cast %add3A_884 : i32 to index
      %get3A_896 = arith.constant 16 : index
      %get3A_897 = tpu.vector_load %arg8[%get3A_895, %get3A_896] {strides = array<i32>} : memref<800x32xf32, #tpu.memory_space<vmem>>, vector<1x16xf32>,
      %get3A_898 = vector.shape_cast %get3A_897 : vector<1x16xf32> to vector<16xf32>
      %add3A_899 = arith.addf %get3A_898, %get3A_839 : vector<16xf32>
      %swap3A_900 = arith.index_cast %add3A_884 : i32 to index
      %swap3A_901 = arith.constant 16 : index
      %swap3A_902 = tpu.vector_load %arg8[%swap3A_900, %swap3A_901] {strides = array<i32>} : memref<800x32xf32, #tpu.memory_space<vmem>>, vector<1x16xf32>,
      %swap3A_903 = vector.shape_cast %swap3A_902 : vector<1x16xf32> to vector<16xf32>
      %swap3A_904 = vector.shape_cast %add3A_899 : vector<16xf32> to vector<1x16xf32>
      tpu.vector_store %arg8[%swap3A_900, %swap3A_901], %swap3A_904 {strides = array<i32>} : memref<800x32xf32, #tpu.memory_space<vmem>>, vector<1x16xf32>,
      %add3A_905 = arith.constant 600 : i32
      %add3A_906 = arith.addi %add3A_905, %scan3A_832 : i32
      %get3A_907 = arith.index_cast %add3A_906 : i32 to index
      %get3A_908 = arith.constant 0 : index
      %get3A_909 = tpu.vector_load %arg8[%get3A_907, %get3A_908] {strides = array<i32>} : memref<800x32xf32, #tpu.memory_space<vmem>>, vector<1x16xf32>,
      %get3A_910 = vector.shape_cast %get3A_909 : vector<1x16xf32> to vector<16xf32>
      %add3A_911 = arith.addf %get3A_910, %get3A_835 : vector<16xf32>
      %swap3A_912 = arith.index_cast %add3A_906 : i32 to index
      %swap3A_913 = arith.constant 0 : index
      %swap3A_914 = tpu.vector_load %arg8[%swap3A_912, %swap3A_913] {strides = array<i32>} : memref<800x32xf32, #tpu.memory_space<vmem>>, vector<1x16xf32>,
      %swap3A_915 = vector.shape_cast %swap3A_914 : vector<1x16xf32> to vector<16xf32>
      %swap3A_916 = vector.shape_cast %add3A_911 : vector<16xf32> to vector<1x16xf32>
      tpu.vector_store %arg8[%swap3A_912, %swap3A_913], %swap3A_916 {strides = array<i32>} : memref<800x32xf32, #tpu.memory_space<vmem>>, vector<1x16xf32>,
      %get3A_917 = arith.index_cast %add3A_906 : i32 to index
      %get3A_918 = arith.constant 16 : index
      %get3A_919 = tpu.vector_load %arg8[%get3A_917, %get3A_918] {strides = array<i32>} : memref<800x32xf32, #tpu.memory_space<vmem>>, vector<1x16xf32>,
      %get3A_920 = vector.shape_cast %get3A_919 : vector<1x16xf32> to vector<16xf32>
      %add3A_921 = arith.addf %get3A_920, %get3A_839 : vector<16xf32>
      %swap3A_922 = arith.index_cast %add3A_906 : i32 to index
      %swap3A_923 = arith.constant 16 : index
      %swap3A_924 = tpu.vector_load %arg8[%swap3A_922, %swap3A_923] {strides = array<i32>} : memref<800x32xf32, #tpu.memory_space<vmem>>, vector<1x16xf32>,
      %swap3A_925 = vector.shape_cast %swap3A_924 : vector<1x16xf32> to vector<16xf32>
      %swap3A_926 = vector.shape_cast %add3A_921 : vector<16xf32> to vector<1x16xf32>
      tpu.vector_store %arg8[%swap3A_922, %swap3A_923], %swap3A_926 {strides = array<i32>} : memref<800x32xf32, #tpu.memory_space<vmem>>, vector<1x16xf32>,
    }
    %scan3A_519 = arith.constant 200 : i32
    %add3A_520 = arith.constant 15200 : i32
    %add3A_521 = arith.addi %mul3A_2, %add3A_520 : i32
    %dma_start3A_522 = arith.constant 0 : i32
    %dma_start3A_523 = tpu.memref_slice %arg5[%add3A_521, %dma_start3A_522] : memref<819200x32xf32, #tpu.memory_space<hbm>> -> memref<800x32xf32, #tpu.memory_space<hbm>>
    %dma_start3A_524 = arith.constant 0 : i32
    %dma_start3A_525 = tpu.memref_slice %arg5[%add3A_521, %dma_start3A_524] : memref<819200x32xf32, #tpu.memory_space<hbm>> -> memref<800x32xf32, #tpu.memory_space<hbm>>
    tpu.enqueue_dma source(%arg8 : memref<800x32xf32, #tpu.memory_space<vmem>>) target(%dma_start3A_525 : memref<800x32xf32, #tpu.memory_space<hbm>>) target_semaphore(%arg15 : memref<!tpu.dma_semaphore, #tpu.memory_space<semaphore_mem>>)
    %dma_wait3A_526 = arith.constant 0 : i32
    %dma_wait3A_527 = tpu.memref_slice %arg5[%add3A_521, %dma_wait3A_526] : memref<819200x32xf32, #tpu.memory_space<hbm>> -> memref<800x32xf32, #tpu.memory_space<hbm>>
    %dma_wait3A_528 = arith.constant 0 : i32
    %dma_wait3A_529 = tpu.memref_slice %arg5[%add3A_521, %dma_wait3A_528] : memref<819200x32xf32, #tpu.memory_space<hbm>> -> memref<800x32xf32, #tpu.memory_space<hbm>>
    tpu.wait_dma2 semaphore(%arg15 : memref<!tpu.dma_semaphore, #tpu.memory_space<semaphore_mem>>) src(%arg8 : memref<800x32xf32, #tpu.memory_space<vmem>>) dst(%dma_wait3A_529 : memref<800x32xf32, #tpu.memory_space<hbm>>)
    %dma_start3A_530 = arith.constant 17600 : i32
    %dma_start3A_531 = tpu.memref_slice %arg6[%dma_start3A_530] : memref<25600xi32, #tpu.memory_space<vmem>> -> memref<800xi32, #tpu.memory_space<vmem>>
    %dma_start3A_532 = arith.constant 0 : i32
    %dma_start3A_533 = arith.constant 0 : i32
    %dma_start3A_534 = tpu.memref_slice %arg2[%dma_start3A_532, %dma_start3A_533] : memref<1000000x32xf32, #tpu.memory_space<hbm>> -> memref<1000000x32xf32, #tpu.memory_space<hbm>>
    tpu.enqueue_indirect_dma source(%dma_start3A_534 : memref<1000000x32xf32, #tpu.memory_space<hbm>>) target(%arg8 : memref<800x32xf32, #tpu.memory_space<vmem>>) offsets(%dma_start3A_531 : memref<800xi32, #tpu.memory_space<vmem>>) semaphore(%arg12 : memref<!tpu.dma_semaphore, #tpu.memory_space<semaphore_mem>>)
    %dma_wait3A_535 = arith.constant 16000 : i32
    %dma_wait3A_536 = tpu.memref_slice %arg6[%dma_wait3A_535] : memref<25600xi32, #tpu.memory_space<vmem>> -> memref<800xi32, #tpu.memory_space<vmem>>
    %dma_wait3A_537 = arith.constant 0 : i32
    %dma_wait3A_538 = arith.constant 0 : i32
    %dma_wait3A_539 = tpu.memref_slice %arg2[%dma_wait3A_537, %dma_wait3A_538] : memref<1000000x32xf32, #tpu.memory_space<hbm>> -> memref<1000000x32xf32, #tpu.memory_space<hbm>>
    tpu.wait_indirect_dma semaphore(%arg13 : memref<!tpu.dma_semaphore, #tpu.memory_space<semaphore_mem>>) src(%dma_wait3A_539 : memref<1000000x32xf32, #tpu.memory_space<hbm>>) dst(%arg9 : memref<800x32xf32, #tpu.memory_space<vmem>>)
    %scan3A_540 = arith.constant 0 : i32
    %scan3A_541 = arith.constant 0 : i32
    %scan3A_542 = arith.constant 200 : i32
    %scan3A_543 = arith.addi %scan3A_541, %scan3A_542 : i32
    %scan3A_544 = arith.constant 1 : i32
    scf.for %scan3A_832 = %scan3A_541 to %scan3A_543 step %scan3A_544  : i32 {
      %get3A = arith.index_cast %scan3A_832 : i32 to index
      %get3A_833 = arith.constant 0 : index
      %get3A_834 = tpu.vector_load %arg10[%get3A, %get3A_833] {strides = array<i32>} : memref<200x32xf32, #tpu.memory_space<vmem>>, vector<1x16xf32>,
      %get3A_835 = vector.shape_cast %get3A_834 : vector<1x16xf32> to vector<16xf32>
      %get3A_836 = arith.index_cast %scan3A_832 : i32 to index
      %get3A_837 = arith.constant 16 : index
      %get3A_838 = tpu.vector_load %arg10[%get3A_836, %get3A_837] {strides = array<i32>} : memref<200x32xf32, #tpu.memory_space<vmem>>, vector<1x16xf32>,
      %get3A_839 = vector.shape_cast %get3A_838 : vector<1x16xf32> to vector<16xf32>
      %add3A_840 = arith.constant 0 : i32
      %add3A_841 = arith.addi %add3A_840, %scan3A_832 : i32
      %get3A_842 = arith.index_cast %add3A_841 : i32 to index
      %get3A_843 = arith.constant 0 : index
      %get3A_844 = tpu.vector_load %arg9[%get3A_842, %get3A_843] {strides = array<i32>} : memref<800x32xf32, #tpu.memory_space<vmem>>, vector<1x16xf32>,
      %get3A_845 = vector.shape_cast %get3A_844 : vector<1x16xf32> to vector<16xf32>
      %add3A_846 = arith.addf %get3A_845, %get3A_835 : vector<16xf32>
      %swap3A = arith.index_cast %add3A_841 : i32 to index
      %swap3A_847 = arith.constant 0 : index
      %swap3A_848 = tpu.vector_load %arg9[%swap3A, %swap3A_847] {strides = array<i32>} : memref<800x32xf32, #tpu.memory_space<vmem>>, vector<1x16xf32>,
      %swap3A_849 = vector.shape_cast %swap3A_848 : vector<1x16xf32> to vector<16xf32>
      %swap3A_850 = vector.shape_cast %add3A_846 : vector<16xf32> to vector<1x16xf32>
      tpu.vector_store %arg9[%swap3A, %swap3A_847], %swap3A_850 {strides = array<i32>} : memref<800x32xf32, #tpu.memory_space<vmem>>, vector<1x16xf32>,
      %get3A_851 = arith.index_cast %add3A_841 : i32 to index
      %get3A_852 = arith.constant 16 : index
      %get3A_853 = tpu.vector_load %arg9[%get3A_851, %get3A_852] {strides = array<i32>} : memref<800x32xf32, #tpu.memory_space<vmem>>, vector<1x16xf32>,
      %get3A_854 = vector.shape_cast %get3A_853 : vector<1x16xf32> to vector<16xf32>
      %add3A_855 = arith.addf %get3A_854, %get3A_839 : vector<16xf32>
      %swap3A_856 = arith.index_cast %add3A_841 : i32 to index
      %swap3A_857 = arith.constant 16 : index
      %swap3A_858 = tpu.vector_load %arg9[%swap3A_856, %swap3A_857] {strides = array<i32>} : memref<800x32xf32, #tpu.memory_space<vmem>>, vector<1x16xf32>,
      %swap3A_859 = vector.shape_cast %swap3A_858 : vector<1x16xf32> to vector<16xf32>
      %swap3A_860 = vector.shape_cast %add3A_855 : vector<16xf32> to vector<1x16xf32>
      tpu.vector_store %arg9[%swap3A_856, %swap3A_857], %swap3A_860 {strides = array<i32>} : memref<800x32xf32, #tpu.memory_space<vmem>>, vector<1x16xf32>,
      %add3A_861 = arith.constant 200 : i32
      %add3A_862 = arith.addi %add3A_861, %scan3A_832 : i32
      %get3A_863 = arith.index_cast %add3A_862 : i32 to index
      %get3A_864 = arith.constant 0 : index
      %get3A_865 = tpu.vector_load %arg9[%get3A_863, %get3A_864] {strides = array<i32>} : memref<800x32xf32, #tpu.memory_space<vmem>>, vector<1x16xf32>,
      %get3A_866 = vector.shape_cast %get3A_865 : vector<1x16xf32> to vector<16xf32>
      %add3A_867 = arith.addf %get3A_866, %get3A_835 : vector<16xf32>
      %swap3A_868 = arith.index_cast %add3A_862 : i32 to index
      %swap3A_869 = arith.constant 0 : index
      %swap3A_870 = tpu.vector_load %arg9[%swap3A_868, %swap3A_869] {strides = array<i32>} : memref<800x32xf32, #tpu.memory_space<vmem>>, vector<1x16xf32>,
      %swap3A_871 = vector.shape_cast %swap3A_870 : vector<1x16xf32> to vector<16xf32>
      %swap3A_872 = vector.shape_cast %add3A_867 : vector<16xf32> to vector<1x16xf32>
      tpu.vector_store %arg9[%swap3A_868, %swap3A_869], %swap3A_872 {strides = array<i32>} : memref<800x32xf32, #tpu.memory_space<vmem>>, vector<1x16xf32>,
      %get3A_873 = arith.index_cast %add3A_862 : i32 to index
      %get3A_874 = arith.constant 16 : index
      %get3A_875 = tpu.vector_load %arg9[%get3A_873, %get3A_874] {strides = array<i32>} : memref<800x32xf32, #tpu.memory_space<vmem>>, vector<1x16xf32>,
      %get3A_876 = vector.shape_cast %get3A_875 : vector<1x16xf32> to vector<16xf32>
      %add3A_877 = arith.addf %get3A_876, %get3A_839 : vector<16xf32>
      %swap3A_878 = arith.index_cast %add3A_862 : i32 to index
      %swap3A_879 = arith.constant 16 : index
      %swap3A_880 = tpu.vector_load %arg9[%swap3A_878, %swap3A_879] {strides = array<i32>} : memref<800x32xf32, #tpu.memory_space<vmem>>, vector<1x16xf32>,
      %swap3A_881 = vector.shape_cast %swap3A_880 : vector<1x16xf32> to vector<16xf32>
      %swap3A_882 = vector.shape_cast %add3A_877 : vector<16xf32> to vector<1x16xf32>
      tpu.vector_store %arg9[%swap3A_878, %swap3A_879], %swap3A_882 {strides = array<i32>} : memref<800x32xf32, #tpu.memory_space<vmem>>, vector<1x16xf32>,
      %add3A_883 = arith.constant 400 : i32
      %add3A_884 = arith.addi %add3A_883, %scan3A_832 : i32
      %get3A_885 = arith.index_cast %add3A_884 : i32 to index
      %get3A_886 = arith.constant 0 : index
      %get3A_887 = tpu.vector_load %arg9[%get3A_885, %get3A_886] {strides = array<i32>} : memref<800x32xf32, #tpu.memory_space<vmem>>, vector<1x16xf32>,
      %get3A_888 = vector.shape_cast %get3A_887 : vector<1x16xf32> to vector<16xf32>
      %add3A_889 = arith.addf %get3A_888, %get3A_835 : vector<16xf32>
      %swap3A_890 = arith.index_cast %add3A_884 : i32 to index
      %swap3A_891 = arith.constant 0 : index
      %swap3A_892 = tpu.vector_load %arg9[%swap3A_890, %swap3A_891] {strides = array<i32>} : memref<800x32xf32, #tpu.memory_space<vmem>>, vector<1x16xf32>,
      %swap3A_893 = vector.shape_cast %swap3A_892 : vector<1x16xf32> to vector<16xf32>
      %swap3A_894 = vector.shape_cast %add3A_889 : vector<16xf32> to vector<1x16xf32>
      tpu.vector_store %arg9[%swap3A_890, %swap3A_891], %swap3A_894 {strides = array<i32>} : memref<800x32xf32, #tpu.memory_space<vmem>>, vector<1x16xf32>,
      %get3A_895 = arith.index_cast %add3A_884 : i32 to index
      %get3A_896 = arith.constant 16 : index
      %get3A_897 = tpu.vector_load %arg9[%get3A_895, %get3A_896] {strides = array<i32>} : memref<800x32xf32, #tpu.memory_space<vmem>>, vector<1x16xf32>,
      %get3A_898 = vector.shape_cast %get3A_897 : vector<1x16xf32> to vector<16xf32>
      %add3A_899 = arith.addf %get3A_898, %get3A_839 : vector<16xf32>
      %swap3A_900 = arith.index_cast %add3A_884 : i32 to index
      %swap3A_901 = arith.constant 16 : index
      %swap3A_902 = tpu.vector_load %arg9[%swap3A_900, %swap3A_901] {strides = array<i32>} : memref<800x32xf32, #tpu.memory_space<vmem>>, vector<1x16xf32>,
      %swap3A_903 = vector.shape_cast %swap3A_902 : vector<1x16xf32> to vector<16xf32>
      %swap3A_904 = vector.shape_cast %add3A_899 : vector<16xf32> to vector<1x16xf32>
      tpu.vector_store %arg9[%swap3A_900, %swap3A_901], %swap3A_904 {strides = array<i32>} : memref<800x32xf32, #tpu.memory_space<vmem>>, vector<1x16xf32>,
      %add3A_905 = arith.constant 600 : i32
      %add3A_906 = arith.addi %add3A_905, %scan3A_832 : i32
      %get3A_907 = arith.index_cast %add3A_906 : i32 to index
      %get3A_908 = arith.constant 0 : index
      %get3A_909 = tpu.vector_load %arg9[%get3A_907, %get3A_908] {strides = array<i32>} : memref<800x32xf32, #tpu.memory_space<vmem>>, vector<1x16xf32>,
      %get3A_910 = vector.shape_cast %get3A_909 : vector<1x16xf32> to vector<16xf32>
      %add3A_911 = arith.addf %get3A_910, %get3A_835 : vector<16xf32>
      %swap3A_912 = arith.index_cast %add3A_906 : i32 to index
      %swap3A_913 = arith.constant 0 : index
      %swap3A_914 = tpu.vector_load %arg9[%swap3A_912, %swap3A_913] {strides = array<i32>} : memref<800x32xf32, #tpu.memory_space<vmem>>, vector<1x16xf32>,
      %swap3A_915 = vector.shape_cast %swap3A_914 : vector<1x16xf32> to vector<16xf32>
      %swap3A_916 = vector.shape_cast %add3A_911 : vector<16xf32> to vector<1x16xf32>
      tpu.vector_store %arg9[%swap3A_912, %swap3A_913], %swap3A_916 {strides = array<i32>} : memref<800x32xf32, #tpu.memory_space<vmem>>, vector<1x16xf32>,
      %get3A_917 = arith.index_cast %add3A_906 : i32 to index
      %get3A_918 = arith.constant 16 : index
      %get3A_919 = tpu.vector_load %arg9[%get3A_917, %get3A_918] {strides = array<i32>} : memref<800x32xf32, #tpu.memory_space<vmem>>, vector<1x16xf32>,
      %get3A_920 = vector.shape_cast %get3A_919 : vector<1x16xf32> to vector<16xf32>
      %add3A_921 = arith.addf %get3A_920, %get3A_839 : vector<16xf32>
      %swap3A_922 = arith.index_cast %add3A_906 : i32 to index
      %swap3A_923 = arith.constant 16 : index
      %swap3A_924 = tpu.vector_load %arg9[%swap3A_922, %swap3A_923] {strides = array<i32>} : memref<800x32xf32, #tpu.memory_space<vmem>>, vector<1x16xf32>,
      %swap3A_925 = vector.shape_cast %swap3A_924 : vector<1x16xf32> to vector<16xf32>
      %swap3A_926 = vector.shape_cast %add3A_921 : vector<16xf32> to vector<1x16xf32>
      tpu.vector_store %arg9[%swap3A_922, %swap3A_923], %swap3A_926 {strides = array<i32>} : memref<800x32xf32, #tpu.memory_space<vmem>>, vector<1x16xf32>,
    }
    %scan3A_545 = arith.constant 200 : i32
    %add3A_546 = arith.constant 16000 : i32
    %add3A_547 = arith.addi %mul3A_2, %add3A_546 : i32
    %dma_start3A_548 = arith.constant 0 : i32
    %dma_start3A_549 = tpu.memref_slice %arg5[%add3A_547, %dma_start3A_548] : memref<819200x32xf32, #tpu.memory_space<hbm>> -> memref<800x32xf32, #tpu.memory_space<hbm>>
    %dma_start3A_550 = arith.constant 0 : i32
    %dma_start3A_551 = tpu.memref_slice %arg5[%add3A_547, %dma_start3A_550] : memref<819200x32xf32, #tpu.memory_space<hbm>> -> memref<800x32xf32, #tpu.memory_space<hbm>>
    tpu.enqueue_dma source(%arg9 : memref<800x32xf32, #tpu.memory_space<vmem>>) target(%dma_start3A_551 : memref<800x32xf32, #tpu.memory_space<hbm>>) target_semaphore(%arg16 : memref<!tpu.dma_semaphore, #tpu.memory_space<semaphore_mem>>)
    %dma_wait3A_552 = arith.constant 0 : i32
    %dma_wait3A_553 = tpu.memref_slice %arg5[%add3A_547, %dma_wait3A_552] : memref<819200x32xf32, #tpu.memory_space<hbm>> -> memref<800x32xf32, #tpu.memory_space<hbm>>
    %dma_wait3A_554 = arith.constant 0 : i32
    %dma_wait3A_555 = tpu.memref_slice %arg5[%add3A_547, %dma_wait3A_554] : memref<819200x32xf32, #tpu.memory_space<hbm>> -> memref<800x32xf32, #tpu.memory_space<hbm>>
    tpu.wait_dma2 semaphore(%arg16 : memref<!tpu.dma_semaphore, #tpu.memory_space<semaphore_mem>>) src(%arg9 : memref<800x32xf32, #tpu.memory_space<vmem>>) dst(%dma_wait3A_555 : memref<800x32xf32, #tpu.memory_space<hbm>>)
    %dma_start3A_556 = arith.constant 18400 : i32
    %dma_start3A_557 = tpu.memref_slice %arg6[%dma_start3A_556] : memref<25600xi32, #tpu.memory_space<vmem>> -> memref<800xi32, #tpu.memory_space<vmem>>
    %dma_start3A_558 = arith.constant 0 : i32
    %dma_start3A_559 = arith.constant 0 : i32
    %dma_start3A_560 = tpu.memref_slice %arg2[%dma_start3A_558, %dma_start3A_559] : memref<1000000x32xf32, #tpu.memory_space<hbm>> -> memref<1000000x32xf32, #tpu.memory_space<hbm>>
    tpu.enqueue_indirect_dma source(%dma_start3A_560 : memref<1000000x32xf32, #tpu.memory_space<hbm>>) target(%arg9 : memref<800x32xf32, #tpu.memory_space<vmem>>) offsets(%dma_start3A_557 : memref<800xi32, #tpu.memory_space<vmem>>) semaphore(%arg13 : memref<!tpu.dma_semaphore, #tpu.memory_space<semaphore_mem>>)
    %dma_wait3A_561 = arith.constant 16800 : i32
    %dma_wait3A_562 = tpu.memref_slice %arg6[%dma_wait3A_561] : memref<25600xi32, #tpu.memory_space<vmem>> -> memref<800xi32, #tpu.memory_space<vmem>>
    %dma_wait3A_563 = arith.constant 0 : i32
    %dma_wait3A_564 = arith.constant 0 : i32
    %dma_wait3A_565 = tpu.memref_slice %arg2[%dma_wait3A_563, %dma_wait3A_564] : memref<1000000x32xf32, #tpu.memory_space<hbm>> -> memref<1000000x32xf32, #tpu.memory_space<hbm>>
    tpu.wait_indirect_dma semaphore(%arg11 : memref<!tpu.dma_semaphore, #tpu.memory_space<semaphore_mem>>) src(%dma_wait3A_565 : memref<1000000x32xf32, #tpu.memory_space<hbm>>) dst(%arg7 : memref<800x32xf32, #tpu.memory_space<vmem>>)
    %scan3A_566 = arith.constant 0 : i32
    %scan3A_567 = arith.constant 0 : i32
    %scan3A_568 = arith.constant 200 : i32
    %scan3A_569 = arith.addi %scan3A_567, %scan3A_568 : i32
    %scan3A_570 = arith.constant 1 : i32
    scf.for %scan3A_832 = %scan3A_567 to %scan3A_569 step %scan3A_570  : i32 {
      %get3A = arith.index_cast %scan3A_832 : i32 to index
      %get3A_833 = arith.constant 0 : index
      %get3A_834 = tpu.vector_load %arg10[%get3A, %get3A_833] {strides = array<i32>} : memref<200x32xf32, #tpu.memory_space<vmem>>, vector<1x16xf32>,
      %get3A_835 = vector.shape_cast %get3A_834 : vector<1x16xf32> to vector<16xf32>
      %get3A_836 = arith.index_cast %scan3A_832 : i32 to index
      %get3A_837 = arith.constant 16 : index
      %get3A_838 = tpu.vector_load %arg10[%get3A_836, %get3A_837] {strides = array<i32>} : memref<200x32xf32, #tpu.memory_space<vmem>>, vector<1x16xf32>,
      %get3A_839 = vector.shape_cast %get3A_838 : vector<1x16xf32> to vector<16xf32>
      %add3A_840 = arith.constant 0 : i32
      %add3A_841 = arith.addi %add3A_840, %scan3A_832 : i32
      %get3A_842 = arith.index_cast %add3A_841 : i32 to index
      %get3A_843 = arith.constant 0 : index
      %get3A_844 = tpu.vector_load %arg7[%get3A_842, %get3A_843] {strides = array<i32>} : memref<800x32xf32, #tpu.memory_space<vmem>>, vector<1x16xf32>,
      %get3A_845 = vector.shape_cast %get3A_844 : vector<1x16xf32> to vector<16xf32>
      %add3A_846 = arith.addf %get3A_845, %get3A_835 : vector<16xf32>
      %swap3A = arith.index_cast %add3A_841 : i32 to index
      %swap3A_847 = arith.constant 0 : index
      %swap3A_848 = tpu.vector_load %arg7[%swap3A, %swap3A_847] {strides = array<i32>} : memref<800x32xf32, #tpu.memory_space<vmem>>, vector<1x16xf32>,
      %swap3A_849 = vector.shape_cast %swap3A_848 : vector<1x16xf32> to vector<16xf32>
      %swap3A_850 = vector.shape_cast %add3A_846 : vector<16xf32> to vector<1x16xf32>
      tpu.vector_store %arg7[%swap3A, %swap3A_847], %swap3A_850 {strides = array<i32>} : memref<800x32xf32, #tpu.memory_space<vmem>>, vector<1x16xf32>,
      %get3A_851 = arith.index_cast %add3A_841 : i32 to index
      %get3A_852 = arith.constant 16 : index
      %get3A_853 = tpu.vector_load %arg7[%get3A_851, %get3A_852] {strides = array<i32>} : memref<800x32xf32, #tpu.memory_space<vmem>>, vector<1x16xf32>,
      %get3A_854 = vector.shape_cast %get3A_853 : vector<1x16xf32> to vector<16xf32>
      %add3A_855 = arith.addf %get3A_854, %get3A_839 : vector<16xf32>
      %swap3A_856 = arith.index_cast %add3A_841 : i32 to index
      %swap3A_857 = arith.constant 16 : index
      %swap3A_858 = tpu.vector_load %arg7[%swap3A_856, %swap3A_857] {strides = array<i32>} : memref<800x32xf32, #tpu.memory_space<vmem>>, vector<1x16xf32>,
      %swap3A_859 = vector.shape_cast %swap3A_858 : vector<1x16xf32> to vector<16xf32>
      %swap3A_860 = vector.shape_cast %add3A_855 : vector<16xf32> to vector<1x16xf32>
      tpu.vector_store %arg7[%swap3A_856, %swap3A_857], %swap3A_860 {strides = array<i32>} : memref<800x32xf32, #tpu.memory_space<vmem>>, vector<1x16xf32>,
      %add3A_861 = arith.constant 200 : i32
      %add3A_862 = arith.addi %add3A_861, %scan3A_832 : i32
      %get3A_863 = arith.index_cast %add3A_862 : i32 to index
      %get3A_864 = arith.constant 0 : index
      %get3A_865 = tpu.vector_load %arg7[%get3A_863, %get3A_864] {strides = array<i32>} : memref<800x32xf32, #tpu.memory_space<vmem>>, vector<1x16xf32>,
      %get3A_866 = vector.shape_cast %get3A_865 : vector<1x16xf32> to vector<16xf32>
      %add3A_867 = arith.addf %get3A_866, %get3A_835 : vector<16xf32>
      %swap3A_868 = arith.index_cast %add3A_862 : i32 to index
      %swap3A_869 = arith.constant 0 : index
      %swap3A_870 = tpu.vector_load %arg7[%swap3A_868, %swap3A_869] {strides = array<i32>} : memref<800x32xf32, #tpu.memory_space<vmem>>, vector<1x16xf32>,
      %swap3A_871 = vector.shape_cast %swap3A_870 : vector<1x16xf32> to vector<16xf32>
      %swap3A_872 = vector.shape_cast %add3A_867 : vector<16xf32> to vector<1x16xf32>
      tpu.vector_store %arg7[%swap3A_868, %swap3A_869], %swap3A_872 {strides = array<i32>} : memref<800x32xf32, #tpu.memory_space<vmem>>, vector<1x16xf32>,
      %get3A_873 = arith.index_cast %add3A_862 : i32 to index
      %get3A_874 = arith.constant 16 : index
      %get3A_875 = tpu.vector_load %arg7[%get3A_873, %get3A_874] {strides = array<i32>} : memref<800x32xf32, #tpu.memory_space<vmem>>, vector<1x16xf32>,
      %get3A_876 = vector.shape_cast %get3A_875 : vector<1x16xf32> to vector<16xf32>
      %add3A_877 = arith.addf %get3A_876, %get3A_839 : vector<16xf32>
      %swap3A_878 = arith.index_cast %add3A_862 : i32 to index
      %swap3A_879 = arith.constant 16 : index
      %swap3A_880 = tpu.vector_load %arg7[%swap3A_878, %swap3A_879] {strides = array<i32>} : memref<800x32xf32, #tpu.memory_space<vmem>>, vector<1x16xf32>,
      %swap3A_881 = vector.shape_cast %swap3A_880 : vector<1x16xf32> to vector<16xf32>
      %swap3A_882 = vector.shape_cast %add3A_877 : vector<16xf32> to vector<1x16xf32>
      tpu.vector_store %arg7[%swap3A_878, %swap3A_879], %swap3A_882 {strides = array<i32>} : memref<800x32xf32, #tpu.memory_space<vmem>>, vector<1x16xf32>,
      %add3A_883 = arith.constant 400 : i32
      %add3A_884 = arith.addi %add3A_883, %scan3A_832 : i32
      %get3A_885 = arith.index_cast %add3A_884 : i32 to index
      %get3A_886 = arith.constant 0 : index
      %get3A_887 = tpu.vector_load %arg7[%get3A_885, %get3A_886] {strides = array<i32>} : memref<800x32xf32, #tpu.memory_space<vmem>>, vector<1x16xf32>,
      %get3A_888 = vector.shape_cast %get3A_887 : vector<1x16xf32> to vector<16xf32>
      %add3A_889 = arith.addf %get3A_888, %get3A_835 : vector<16xf32>
      %swap3A_890 = arith.index_cast %add3A_884 : i32 to index
      %swap3A_891 = arith.constant 0 : index
      %swap3A_892 = tpu.vector_load %arg7[%swap3A_890, %swap3A_891] {strides = array<i32>} : memref<800x32xf32, #tpu.memory_space<vmem>>, vector<1x16xf32>,
      %swap3A_893 = vector.shape_cast %swap3A_892 : vector<1x16xf32> to vector<16xf32>
      %swap3A_894 = vector.shape_cast %add3A_889 : vector<16xf32> to vector<1x16xf32>
      tpu.vector_store %arg7[%swap3A_890, %swap3A_891], %swap3A_894 {strides = array<i32>} : memref<800x32xf32, #tpu.memory_space<vmem>>, vector<1x16xf32>,
      %get3A_895 = arith.index_cast %add3A_884 : i32 to index
      %get3A_896 = arith.constant 16 : index
      %get3A_897 = tpu.vector_load %arg7[%get3A_895, %get3A_896] {strides = array<i32>} : memref<800x32xf32, #tpu.memory_space<vmem>>, vector<1x16xf32>,
      %get3A_898 = vector.shape_cast %get3A_897 : vector<1x16xf32> to vector<16xf32>
      %add3A_899 = arith.addf %get3A_898, %get3A_839 : vector<16xf32>
      %swap3A_900 = arith.index_cast %add3A_884 : i32 to index
      %swap3A_901 = arith.constant 16 : index
      %swap3A_902 = tpu.vector_load %arg7[%swap3A_900, %swap3A_901] {strides = array<i32>} : memref<800x32xf32, #tpu.memory_space<vmem>>, vector<1x16xf32>,
      %swap3A_903 = vector.shape_cast %swap3A_902 : vector<1x16xf32> to vector<16xf32>
      %swap3A_904 = vector.shape_cast %add3A_899 : vector<16xf32> to vector<1x16xf32>
      tpu.vector_store %arg7[%swap3A_900, %swap3A_901], %swap3A_904 {strides = array<i32>} : memref<800x32xf32, #tpu.memory_space<vmem>>, vector<1x16xf32>,
      %add3A_905 = arith.constant 600 : i32
      %add3A_906 = arith.addi %add3A_905, %scan3A_832 : i32
      %get3A_907 = arith.index_cast %add3A_906 : i32 to index
      %get3A_908 = arith.constant 0 : index
      %get3A_909 = tpu.vector_load %arg7[%get3A_907, %get3A_908] {strides = array<i32>} : memref<800x32xf32, #tpu.memory_space<vmem>>, vector<1x16xf32>,
      %get3A_910 = vector.shape_cast %get3A_909 : vector<1x16xf32> to vector<16xf32>
      %add3A_911 = arith.addf %get3A_910, %get3A_835 : vector<16xf32>
      %swap3A_912 = arith.index_cast %add3A_906 : i32 to index
      %swap3A_913 = arith.constant 0 : index
      %swap3A_914 = tpu.vector_load %arg7[%swap3A_912, %swap3A_913] {strides = array<i32>} : memref<800x32xf32, #tpu.memory_space<vmem>>, vector<1x16xf32>,
      %swap3A_915 = vector.shape_cast %swap3A_914 : vector<1x16xf32> to vector<16xf32>
      %swap3A_916 = vector.shape_cast %add3A_911 : vector<16xf32> to vector<1x16xf32>
      tpu.vector_store %arg7[%swap3A_912, %swap3A_913], %swap3A_916 {strides = array<i32>} : memref<800x32xf32, #tpu.memory_space<vmem>>, vector<1x16xf32>,
      %get3A_917 = arith.index_cast %add3A_906 : i32 to index
      %get3A_918 = arith.constant 16 : index
      %get3A_919 = tpu.vector_load %arg7[%get3A_917, %get3A_918] {strides = array<i32>} : memref<800x32xf32, #tpu.memory_space<vmem>>, vector<1x16xf32>,
      %get3A_920 = vector.shape_cast %get3A_919 : vector<1x16xf32> to vector<16xf32>
      %add3A_921 = arith.addf %get3A_920, %get3A_839 : vector<16xf32>
      %swap3A_922 = arith.index_cast %add3A_906 : i32 to index
      %swap3A_923 = arith.constant 16 : index
      %swap3A_924 = tpu.vector_load %arg7[%swap3A_922, %swap3A_923] {strides = array<i32>} : memref<800x32xf32, #tpu.memory_space<vmem>>, vector<1x16xf32>,
      %swap3A_925 = vector.shape_cast %swap3A_924 : vector<1x16xf32> to vector<16xf32>
      %swap3A_926 = vector.shape_cast %add3A_921 : vector<16xf32> to vector<1x16xf32>
      tpu.vector_store %arg7[%swap3A_922, %swap3A_923], %swap3A_926 {strides = array<i32>} : memref<800x32xf32, #tpu.memory_space<vmem>>, vector<1x16xf32>,
    }
    %scan3A_571 = arith.constant 200 : i32
    %add3A_572 = arith.constant 16800 : i32
    %add3A_573 = arith.addi %mul3A_2, %add3A_572 : i32
    %dma_start3A_574 = arith.constant 0 : i32
    %dma_start3A_575 = tpu.memref_slice %arg5[%add3A_573, %dma_start3A_574] : memref<819200x32xf32, #tpu.memory_space<hbm>> -> memref<800x32xf32, #tpu.memory_space<hbm>>
    %dma_start3A_576 = arith.constant 0 : i32
    %dma_start3A_577 = tpu.memref_slice %arg5[%add3A_573, %dma_start3A_576] : memref<819200x32xf32, #tpu.memory_space<hbm>> -> memref<800x32xf32, #tpu.memory_space<hbm>>
    tpu.enqueue_dma source(%arg7 : memref<800x32xf32, #tpu.memory_space<vmem>>) target(%dma_start3A_577 : memref<800x32xf32, #tpu.memory_space<hbm>>) target_semaphore(%arg14 : memref<!tpu.dma_semaphore, #tpu.memory_space<semaphore_mem>>)
    %dma_wait3A_578 = arith.constant 0 : i32
    %dma_wait3A_579 = tpu.memref_slice %arg5[%add3A_573, %dma_wait3A_578] : memref<819200x32xf32, #tpu.memory_space<hbm>> -> memref<800x32xf32, #tpu.memory_space<hbm>>
    %dma_wait3A_580 = arith.constant 0 : i32
    %dma_wait3A_581 = tpu.memref_slice %arg5[%add3A_573, %dma_wait3A_580] : memref<819200x32xf32, #tpu.memory_space<hbm>> -> memref<800x32xf32, #tpu.memory_space<hbm>>
    tpu.wait_dma2 semaphore(%arg14 : memref<!tpu.dma_semaphore, #tpu.memory_space<semaphore_mem>>) src(%arg7 : memref<800x32xf32, #tpu.memory_space<vmem>>) dst(%dma_wait3A_581 : memref<800x32xf32, #tpu.memory_space<hbm>>)
    %dma_start3A_582 = arith.constant 19200 : i32
    %dma_start3A_583 = tpu.memref_slice %arg6[%dma_start3A_582] : memref<25600xi32, #tpu.memory_space<vmem>> -> memref<800xi32, #tpu.memory_space<vmem>>
    %dma_start3A_584 = arith.constant 0 : i32
    %dma_start3A_585 = arith.constant 0 : i32
    %dma_start3A_586 = tpu.memref_slice %arg2[%dma_start3A_584, %dma_start3A_585] : memref<1000000x32xf32, #tpu.memory_space<hbm>> -> memref<1000000x32xf32, #tpu.memory_space<hbm>>
    tpu.enqueue_indirect_dma source(%dma_start3A_586 : memref<1000000x32xf32, #tpu.memory_space<hbm>>) target(%arg7 : memref<800x32xf32, #tpu.memory_space<vmem>>) offsets(%dma_start3A_583 : memref<800xi32, #tpu.memory_space<vmem>>) semaphore(%arg11 : memref<!tpu.dma_semaphore, #tpu.memory_space<semaphore_mem>>)
    %dma_wait3A_587 = arith.constant 17600 : i32
    %dma_wait3A_588 = tpu.memref_slice %arg6[%dma_wait3A_587] : memref<25600xi32, #tpu.memory_space<vmem>> -> memref<800xi32, #tpu.memory_space<vmem>>
    %dma_wait3A_589 = arith.constant 0 : i32
    %dma_wait3A_590 = arith.constant 0 : i32
    %dma_wait3A_591 = tpu.memref_slice %arg2[%dma_wait3A_589, %dma_wait3A_590] : memref<1000000x32xf32, #tpu.memory_space<hbm>> -> memref<1000000x32xf32, #tpu.memory_space<hbm>>
    tpu.wait_indirect_dma semaphore(%arg12 : memref<!tpu.dma_semaphore, #tpu.memory_space<semaphore_mem>>) src(%dma_wait3A_591 : memref<1000000x32xf32, #tpu.memory_space<hbm>>) dst(%arg8 : memref<800x32xf32, #tpu.memory_space<vmem>>)
    %scan3A_592 = arith.constant 0 : i32
    %scan3A_593 = arith.constant 0 : i32
    %scan3A_594 = arith.constant 200 : i32
    %scan3A_595 = arith.addi %scan3A_593, %scan3A_594 : i32
    %scan3A_596 = arith.constant 1 : i32
    scf.for %scan3A_832 = %scan3A_593 to %scan3A_595 step %scan3A_596  : i32 {
      %get3A = arith.index_cast %scan3A_832 : i32 to index
      %get3A_833 = arith.constant 0 : index
      %get3A_834 = tpu.vector_load %arg10[%get3A, %get3A_833] {strides = array<i32>} : memref<200x32xf32, #tpu.memory_space<vmem>>, vector<1x16xf32>,
      %get3A_835 = vector.shape_cast %get3A_834 : vector<1x16xf32> to vector<16xf32>
      %get3A_836 = arith.index_cast %scan3A_832 : i32 to index
      %get3A_837 = arith.constant 16 : index
      %get3A_838 = tpu.vector_load %arg10[%get3A_836, %get3A_837] {strides = array<i32>} : memref<200x32xf32, #tpu.memory_space<vmem>>, vector<1x16xf32>,
      %get3A_839 = vector.shape_cast %get3A_838 : vector<1x16xf32> to vector<16xf32>
      %add3A_840 = arith.constant 0 : i32
      %add3A_841 = arith.addi %add3A_840, %scan3A_832 : i32
      %get3A_842 = arith.index_cast %add3A_841 : i32 to index
      %get3A_843 = arith.constant 0 : index
      %get3A_844 = tpu.vector_load %arg8[%get3A_842, %get3A_843] {strides = array<i32>} : memref<800x32xf32, #tpu.memory_space<vmem>>, vector<1x16xf32>,
      %get3A_845 = vector.shape_cast %get3A_844 : vector<1x16xf32> to vector<16xf32>
      %add3A_846 = arith.addf %get3A_845, %get3A_835 : vector<16xf32>
      %swap3A = arith.index_cast %add3A_841 : i32 to index
      %swap3A_847 = arith.constant 0 : index
      %swap3A_848 = tpu.vector_load %arg8[%swap3A, %swap3A_847] {strides = array<i32>} : memref<800x32xf32, #tpu.memory_space<vmem>>, vector<1x16xf32>,
      %swap3A_849 = vector.shape_cast %swap3A_848 : vector<1x16xf32> to vector<16xf32>
      %swap3A_850 = vector.shape_cast %add3A_846 : vector<16xf32> to vector<1x16xf32>
      tpu.vector_store %arg8[%swap3A, %swap3A_847], %swap3A_850 {strides = array<i32>} : memref<800x32xf32, #tpu.memory_space<vmem>>, vector<1x16xf32>,
      %get3A_851 = arith.index_cast %add3A_841 : i32 to index
      %get3A_852 = arith.constant 16 : index
      %get3A_853 = tpu.vector_load %arg8[%get3A_851, %get3A_852] {strides = array<i32>} : memref<800x32xf32, #tpu.memory_space<vmem>>, vector<1x16xf32>,
      %get3A_854 = vector.shape_cast %get3A_853 : vector<1x16xf32> to vector<16xf32>
      %add3A_855 = arith.addf %get3A_854, %get3A_839 : vector<16xf32>
      %swap3A_856 = arith.index_cast %add3A_841 : i32 to index
      %swap3A_857 = arith.constant 16 : index
      %swap3A_858 = tpu.vector_load %arg8[%swap3A_856, %swap3A_857] {strides = array<i32>} : memref<800x32xf32, #tpu.memory_space<vmem>>, vector<1x16xf32>,
      %swap3A_859 = vector.shape_cast %swap3A_858 : vector<1x16xf32> to vector<16xf32>
      %swap3A_860 = vector.shape_cast %add3A_855 : vector<16xf32> to vector<1x16xf32>
      tpu.vector_store %arg8[%swap3A_856, %swap3A_857], %swap3A_860 {strides = array<i32>} : memref<800x32xf32, #tpu.memory_space<vmem>>, vector<1x16xf32>,
      %add3A_861 = arith.constant 200 : i32
      %add3A_862 = arith.addi %add3A_861, %scan3A_832 : i32
      %get3A_863 = arith.index_cast %add3A_862 : i32 to index
      %get3A_864 = arith.constant 0 : index
      %get3A_865 = tpu.vector_load %arg8[%get3A_863, %get3A_864] {strides = array<i32>} : memref<800x32xf32, #tpu.memory_space<vmem>>, vector<1x16xf32>,
      %get3A_866 = vector.shape_cast %get3A_865 : vector<1x16xf32> to vector<16xf32>
      %add3A_867 = arith.addf %get3A_866, %get3A_835 : vector<16xf32>
      %swap3A_868 = arith.index_cast %add3A_862 : i32 to index
      %swap3A_869 = arith.constant 0 : index
      %swap3A_870 = tpu.vector_load %arg8[%swap3A_868, %swap3A_869] {strides = array<i32>} : memref<800x32xf32, #tpu.memory_space<vmem>>, vector<1x16xf32>,
      %swap3A_871 = vector.shape_cast %swap3A_870 : vector<1x16xf32> to vector<16xf32>
      %swap3A_872 = vector.shape_cast %add3A_867 : vector<16xf32> to vector<1x16xf32>
      tpu.vector_store %arg8[%swap3A_868, %swap3A_869], %swap3A_872 {strides = array<i32>} : memref<800x32xf32, #tpu.memory_space<vmem>>, vector<1x16xf32>,
      %get3A_873 = arith.index_cast %add3A_862 : i32 to index
      %get3A_874 = arith.constant 16 : index
      %get3A_875 = tpu.vector_load %arg8[%get3A_873, %get3A_874] {strides = array<i32>} : memref<800x32xf32, #tpu.memory_space<vmem>>, vector<1x16xf32>,
      %get3A_876 = vector.shape_cast %get3A_875 : vector<1x16xf32> to vector<16xf32>
      %add3A_877 = arith.addf %get3A_876, %get3A_839 : vector<16xf32>
      %swap3A_878 = arith.index_cast %add3A_862 : i32 to index
      %swap3A_879 = arith.constant 16 : index
      %swap3A_880 = tpu.vector_load %arg8[%swap3A_878, %swap3A_879] {strides = array<i32>} : memref<800x32xf32, #tpu.memory_space<vmem>>, vector<1x16xf32>,
      %swap3A_881 = vector.shape_cast %swap3A_880 : vector<1x16xf32> to vector<16xf32>
      %swap3A_882 = vector.shape_cast %add3A_877 : vector<16xf32> to vector<1x16xf32>
      tpu.vector_store %arg8[%swap3A_878, %swap3A_879], %swap3A_882 {strides = array<i32>} : memref<800x32xf32, #tpu.memory_space<vmem>>, vector<1x16xf32>,
      %add3A_883 = arith.constant 400 : i32
      %add3A_884 = arith.addi %add3A_883, %scan3A_832 : i32
      %get3A_885 = arith.index_cast %add3A_884 : i32 to index
      %get3A_886 = arith.constant 0 : index
      %get3A_887 = tpu.vector_load %arg8[%get3A_885, %get3A_886] {strides = array<i32>} : memref<800x32xf32, #tpu.memory_space<vmem>>, vector<1x16xf32>,
      %get3A_888 = vector.shape_cast %get3A_887 : vector<1x16xf32> to vector<16xf32>
      %add3A_889 = arith.addf %get3A_888, %get3A_835 : vector<16xf32>
      %swap3A_890 = arith.index_cast %add3A_884 : i32 to index
      %swap3A_891 = arith.constant 0 : index
      %swap3A_892 = tpu.vector_load %arg8[%swap3A_890, %swap3A_891] {strides = array<i32>} : memref<800x32xf32, #tpu.memory_space<vmem>>, vector<1x16xf32>,
      %swap3A_893 = vector.shape_cast %swap3A_892 : vector<1x16xf32> to vector<16xf32>
      %swap3A_894 = vector.shape_cast %add3A_889 : vector<16xf32> to vector<1x16xf32>
      tpu.vector_store %arg8[%swap3A_890, %swap3A_891], %swap3A_894 {strides = array<i32>} : memref<800x32xf32, #tpu.memory_space<vmem>>, vector<1x16xf32>,
      %get3A_895 = arith.index_cast %add3A_884 : i32 to index
      %get3A_896 = arith.constant 16 : index
      %get3A_897 = tpu.vector_load %arg8[%get3A_895, %get3A_896] {strides = array<i32>} : memref<800x32xf32, #tpu.memory_space<vmem>>, vector<1x16xf32>,
      %get3A_898 = vector.shape_cast %get3A_897 : vector<1x16xf32> to vector<16xf32>
      %add3A_899 = arith.addf %get3A_898, %get3A_839 : vector<16xf32>
      %swap3A_900 = arith.index_cast %add3A_884 : i32 to index
      %swap3A_901 = arith.constant 16 : index
      %swap3A_902 = tpu.vector_load %arg8[%swap3A_900, %swap3A_901] {strides = array<i32>} : memref<800x32xf32, #tpu.memory_space<vmem>>, vector<1x16xf32>,
      %swap3A_903 = vector.shape_cast %swap3A_902 : vector<1x16xf32> to vector<16xf32>
      %swap3A_904 = vector.shape_cast %add3A_899 : vector<16xf32> to vector<1x16xf32>
      tpu.vector_store %arg8[%swap3A_900, %swap3A_901], %swap3A_904 {strides = array<i32>} : memref<800x32xf32, #tpu.memory_space<vmem>>, vector<1x16xf32>,
      %add3A_905 = arith.constant 600 : i32
      %add3A_906 = arith.addi %add3A_905, %scan3A_832 : i32
      %get3A_907 = arith.index_cast %add3A_906 : i32 to index
      %get3A_908 = arith.constant 0 : index
      %get3A_909 = tpu.vector_load %arg8[%get3A_907, %get3A_908] {strides = array<i32>} : memref<800x32xf32, #tpu.memory_space<vmem>>, vector<1x16xf32>,
      %get3A_910 = vector.shape_cast %get3A_909 : vector<1x16xf32> to vector<16xf32>
      %add3A_911 = arith.addf %get3A_910, %get3A_835 : vector<16xf32>
      %swap3A_912 = arith.index_cast %add3A_906 : i32 to index
      %swap3A_913 = arith.constant 0 : index
      %swap3A_914 = tpu.vector_load %arg8[%swap3A_912, %swap3A_913] {strides = array<i32>} : memref<800x32xf32, #tpu.memory_space<vmem>>, vector<1x16xf32>,
      %swap3A_915 = vector.shape_cast %swap3A_914 : vector<1x16xf32> to vector<16xf32>
      %swap3A_916 = vector.shape_cast %add3A_911 : vector<16xf32> to vector<1x16xf32>
      tpu.vector_store %arg8[%swap3A_912, %swap3A_913], %swap3A_916 {strides = array<i32>} : memref<800x32xf32, #tpu.memory_space<vmem>>, vector<1x16xf32>,
      %get3A_917 = arith.index_cast %add3A_906 : i32 to index
      %get3A_918 = arith.constant 16 : index
      %get3A_919 = tpu.vector_load %arg8[%get3A_917, %get3A_918] {strides = array<i32>} : memref<800x32xf32, #tpu.memory_space<vmem>>, vector<1x16xf32>,
      %get3A_920 = vector.shape_cast %get3A_919 : vector<1x16xf32> to vector<16xf32>
      %add3A_921 = arith.addf %get3A_920, %get3A_839 : vector<16xf32>
      %swap3A_922 = arith.index_cast %add3A_906 : i32 to index
      %swap3A_923 = arith.constant 16 : index
      %swap3A_924 = tpu.vector_load %arg8[%swap3A_922, %swap3A_923] {strides = array<i32>} : memref<800x32xf32, #tpu.memory_space<vmem>>, vector<1x16xf32>,
      %swap3A_925 = vector.shape_cast %swap3A_924 : vector<1x16xf32> to vector<16xf32>
      %swap3A_926 = vector.shape_cast %add3A_921 : vector<16xf32> to vector<1x16xf32>
      tpu.vector_store %arg8[%swap3A_922, %swap3A_923], %swap3A_926 {strides = array<i32>} : memref<800x32xf32, #tpu.memory_space<vmem>>, vector<1x16xf32>,
    }
    %scan3A_597 = arith.constant 200 : i32
    %add3A_598 = arith.constant 17600 : i32
    %add3A_599 = arith.addi %mul3A_2, %add3A_598 : i32
    %dma_start3A_600 = arith.constant 0 : i32
    %dma_start3A_601 = tpu.memref_slice %arg5[%add3A_599, %dma_start3A_600] : memref<819200x32xf32, #tpu.memory_space<hbm>> -> memref<800x32xf32, #tpu.memory_space<hbm>>
    %dma_start3A_602 = arith.constant 0 : i32
    %dma_start3A_603 = tpu.memref_slice %arg5[%add3A_599, %dma_start3A_602] : memref<819200x32xf32, #tpu.memory_space<hbm>> -> memref<800x32xf32, #tpu.memory_space<hbm>>
    tpu.enqueue_dma source(%arg8 : memref<800x32xf32, #tpu.memory_space<vmem>>) target(%dma_start3A_603 : memref<800x32xf32, #tpu.memory_space<hbm>>) target_semaphore(%arg15 : memref<!tpu.dma_semaphore, #tpu.memory_space<semaphore_mem>>)
    %dma_wait3A_604 = arith.constant 0 : i32
    %dma_wait3A_605 = tpu.memref_slice %arg5[%add3A_599, %dma_wait3A_604] : memref<819200x32xf32, #tpu.memory_space<hbm>> -> memref<800x32xf32, #tpu.memory_space<hbm>>
    %dma_wait3A_606 = arith.constant 0 : i32
    %dma_wait3A_607 = tpu.memref_slice %arg5[%add3A_599, %dma_wait3A_606] : memref<819200x32xf32, #tpu.memory_space<hbm>> -> memref<800x32xf32, #tpu.memory_space<hbm>>
    tpu.wait_dma2 semaphore(%arg15 : memref<!tpu.dma_semaphore, #tpu.memory_space<semaphore_mem>>) src(%arg8 : memref<800x32xf32, #tpu.memory_space<vmem>>) dst(%dma_wait3A_607 : memref<800x32xf32, #tpu.memory_space<hbm>>)
    %dma_start3A_608 = arith.constant 20000 : i32
    %dma_start3A_609 = tpu.memref_slice %arg6[%dma_start3A_608] : memref<25600xi32, #tpu.memory_space<vmem>> -> memref<800xi32, #tpu.memory_space<vmem>>
    %dma_start3A_610 = arith.constant 0 : i32
    %dma_start3A_611 = arith.constant 0 : i32
    %dma_start3A_612 = tpu.memref_slice %arg2[%dma_start3A_610, %dma_start3A_611] : memref<1000000x32xf32, #tpu.memory_space<hbm>> -> memref<1000000x32xf32, #tpu.memory_space<hbm>>
    tpu.enqueue_indirect_dma source(%dma_start3A_612 : memref<1000000x32xf32, #tpu.memory_space<hbm>>) target(%arg8 : memref<800x32xf32, #tpu.memory_space<vmem>>) offsets(%dma_start3A_609 : memref<800xi32, #tpu.memory_space<vmem>>) semaphore(%arg12 : memref<!tpu.dma_semaphore, #tpu.memory_space<semaphore_mem>>)
    %dma_wait3A_613 = arith.constant 18400 : i32
    %dma_wait3A_614 = tpu.memref_slice %arg6[%dma_wait3A_613] : memref<25600xi32, #tpu.memory_space<vmem>> -> memref<800xi32, #tpu.memory_space<vmem>>
    %dma_wait3A_615 = arith.constant 0 : i32
    %dma_wait3A_616 = arith.constant 0 : i32
    %dma_wait3A_617 = tpu.memref_slice %arg2[%dma_wait3A_615, %dma_wait3A_616] : memref<1000000x32xf32, #tpu.memory_space<hbm>> -> memref<1000000x32xf32, #tpu.memory_space<hbm>>
    tpu.wait_indirect_dma semaphore(%arg13 : memref<!tpu.dma_semaphore, #tpu.memory_space<semaphore_mem>>) src(%dma_wait3A_617 : memref<1000000x32xf32, #tpu.memory_space<hbm>>) dst(%arg9 : memref<800x32xf32, #tpu.memory_space<vmem>>)
    %scan3A_618 = arith.constant 0 : i32
    %scan3A_619 = arith.constant 0 : i32
    %scan3A_620 = arith.constant 200 : i32
    %scan3A_621 = arith.addi %scan3A_619, %scan3A_620 : i32
    %scan3A_622 = arith.constant 1 : i32
    scf.for %scan3A_832 = %scan3A_619 to %scan3A_621 step %scan3A_622  : i32 {
      %get3A = arith.index_cast %scan3A_832 : i32 to index
      %get3A_833 = arith.constant 0 : index
      %get3A_834 = tpu.vector_load %arg10[%get3A, %get3A_833] {strides = array<i32>} : memref<200x32xf32, #tpu.memory_space<vmem>>, vector<1x16xf32>,
      %get3A_835 = vector.shape_cast %get3A_834 : vector<1x16xf32> to vector<16xf32>
      %get3A_836 = arith.index_cast %scan3A_832 : i32 to index
      %get3A_837 = arith.constant 16 : index
      %get3A_838 = tpu.vector_load %arg10[%get3A_836, %get3A_837] {strides = array<i32>} : memref<200x32xf32, #tpu.memory_space<vmem>>, vector<1x16xf32>,
      %get3A_839 = vector.shape_cast %get3A_838 : vector<1x16xf32> to vector<16xf32>
      %add3A_840 = arith.constant 0 : i32
      %add3A_841 = arith.addi %add3A_840, %scan3A_832 : i32
      %get3A_842 = arith.index_cast %add3A_841 : i32 to index
      %get3A_843 = arith.constant 0 : index
      %get3A_844 = tpu.vector_load %arg9[%get3A_842, %get3A_843] {strides = array<i32>} : memref<800x32xf32, #tpu.memory_space<vmem>>, vector<1x16xf32>,
      %get3A_845 = vector.shape_cast %get3A_844 : vector<1x16xf32> to vector<16xf32>
      %add3A_846 = arith.addf %get3A_845, %get3A_835 : vector<16xf32>
      %swap3A = arith.index_cast %add3A_841 : i32 to index
      %swap3A_847 = arith.constant 0 : index
      %swap3A_848 = tpu.vector_load %arg9[%swap3A, %swap3A_847] {strides = array<i32>} : memref<800x32xf32, #tpu.memory_space<vmem>>, vector<1x16xf32>,
      %swap3A_849 = vector.shape_cast %swap3A_848 : vector<1x16xf32> to vector<16xf32>
      %swap3A_850 = vector.shape_cast %add3A_846 : vector<16xf32> to vector<1x16xf32>
      tpu.vector_store %arg9[%swap3A, %swap3A_847], %swap3A_850 {strides = array<i32>} : memref<800x32xf32, #tpu.memory_space<vmem>>, vector<1x16xf32>,
      %get3A_851 = arith.index_cast %add3A_841 : i32 to index
      %get3A_852 = arith.constant 16 : index
      %get3A_853 = tpu.vector_load %arg9[%get3A_851, %get3A_852] {strides = array<i32>} : memref<800x32xf32, #tpu.memory_space<vmem>>, vector<1x16xf32>,
      %get3A_854 = vector.shape_cast %get3A_853 : vector<1x16xf32> to vector<16xf32>
      %add3A_855 = arith.addf %get3A_854, %get3A_839 : vector<16xf32>
      %swap3A_856 = arith.index_cast %add3A_841 : i32 to index
      %swap3A_857 = arith.constant 16 : index
      %swap3A_858 = tpu.vector_load %arg9[%swap3A_856, %swap3A_857] {strides = array<i32>} : memref<800x32xf32, #tpu.memory_space<vmem>>, vector<1x16xf32>,
      %swap3A_859 = vector.shape_cast %swap3A_858 : vector<1x16xf32> to vector<16xf32>
      %swap3A_860 = vector.shape_cast %add3A_855 : vector<16xf32> to vector<1x16xf32>
      tpu.vector_store %arg9[%swap3A_856, %swap3A_857], %swap3A_860 {strides = array<i32>} : memref<800x32xf32, #tpu.memory_space<vmem>>, vector<1x16xf32>,
      %add3A_861 = arith.constant 200 : i32
      %add3A_862 = arith.addi %add3A_861, %scan3A_832 : i32
      %get3A_863 = arith.index_cast %add3A_862 : i32 to index
      %get3A_864 = arith.constant 0 : index
      %get3A_865 = tpu.vector_load %arg9[%get3A_863, %get3A_864] {strides = array<i32>} : memref<800x32xf32, #tpu.memory_space<vmem>>, vector<1x16xf32>,
      %get3A_866 = vector.shape_cast %get3A_865 : vector<1x16xf32> to vector<16xf32>
      %add3A_867 = arith.addf %get3A_866, %get3A_835 : vector<16xf32>
      %swap3A_868 = arith.index_cast %add3A_862 : i32 to index
      %swap3A_869 = arith.constant 0 : index
      %swap3A_870 = tpu.vector_load %arg9[%swap3A_868, %swap3A_869] {strides = array<i32>} : memref<800x32xf32, #tpu.memory_space<vmem>>, vector<1x16xf32>,
      %swap3A_871 = vector.shape_cast %swap3A_870 : vector<1x16xf32> to vector<16xf32>
      %swap3A_872 = vector.shape_cast %add3A_867 : vector<16xf32> to vector<1x16xf32>
      tpu.vector_store %arg9[%swap3A_868, %swap3A_869], %swap3A_872 {strides = array<i32>} : memref<800x32xf32, #tpu.memory_space<vmem>>, vector<1x16xf32>,
      %get3A_873 = arith.index_cast %add3A_862 : i32 to index
      %get3A_874 = arith.constant 16 : index
      %get3A_875 = tpu.vector_load %arg9[%get3A_873, %get3A_874] {strides = array<i32>} : memref<800x32xf32, #tpu.memory_space<vmem>>, vector<1x16xf32>,
      %get3A_876 = vector.shape_cast %get3A_875 : vector<1x16xf32> to vector<16xf32>
      %add3A_877 = arith.addf %get3A_876, %get3A_839 : vector<16xf32>
      %swap3A_878 = arith.index_cast %add3A_862 : i32 to index
      %swap3A_879 = arith.constant 16 : index
      %swap3A_880 = tpu.vector_load %arg9[%swap3A_878, %swap3A_879] {strides = array<i32>} : memref<800x32xf32, #tpu.memory_space<vmem>>, vector<1x16xf32>,
      %swap3A_881 = vector.shape_cast %swap3A_880 : vector<1x16xf32> to vector<16xf32>
      %swap3A_882 = vector.shape_cast %add3A_877 : vector<16xf32> to vector<1x16xf32>
      tpu.vector_store %arg9[%swap3A_878, %swap3A_879], %swap3A_882 {strides = array<i32>} : memref<800x32xf32, #tpu.memory_space<vmem>>, vector<1x16xf32>,
      %add3A_883 = arith.constant 400 : i32
      %add3A_884 = arith.addi %add3A_883, %scan3A_832 : i32
      %get3A_885 = arith.index_cast %add3A_884 : i32 to index
      %get3A_886 = arith.constant 0 : index
      %get3A_887 = tpu.vector_load %arg9[%get3A_885, %get3A_886] {strides = array<i32>} : memref<800x32xf32, #tpu.memory_space<vmem>>, vector<1x16xf32>,
      %get3A_888 = vector.shape_cast %get3A_887 : vector<1x16xf32> to vector<16xf32>
      %add3A_889 = arith.addf %get3A_888, %get3A_835 : vector<16xf32>
      %swap3A_890 = arith.index_cast %add3A_884 : i32 to index
      %swap3A_891 = arith.constant 0 : index
      %swap3A_892 = tpu.vector_load %arg9[%swap3A_890, %swap3A_891] {strides = array<i32>} : memref<800x32xf32, #tpu.memory_space<vmem>>, vector<1x16xf32>,
      %swap3A_893 = vector.shape_cast %swap3A_892 : vector<1x16xf32> to vector<16xf32>
      %swap3A_894 = vector.shape_cast %add3A_889 : vector<16xf32> to vector<1x16xf32>
      tpu.vector_store %arg9[%swap3A_890, %swap3A_891], %swap3A_894 {strides = array<i32>} : memref<800x32xf32, #tpu.memory_space<vmem>>, vector<1x16xf32>,
      %get3A_895 = arith.index_cast %add3A_884 : i32 to index
      %get3A_896 = arith.constant 16 : index
      %get3A_897 = tpu.vector_load %arg9[%get3A_895, %get3A_896] {strides = array<i32>} : memref<800x32xf32, #tpu.memory_space<vmem>>, vector<1x16xf32>,
      %get3A_898 = vector.shape_cast %get3A_897 : vector<1x16xf32> to vector<16xf32>
      %add3A_899 = arith.addf %get3A_898, %get3A_839 : vector<16xf32>
      %swap3A_900 = arith.index_cast %add3A_884 : i32 to index
      %swap3A_901 = arith.constant 16 : index
      %swap3A_902 = tpu.vector_load %arg9[%swap3A_900, %swap3A_901] {strides = array<i32>} : memref<800x32xf32, #tpu.memory_space<vmem>>, vector<1x16xf32>,
      %swap3A_903 = vector.shape_cast %swap3A_902 : vector<1x16xf32> to vector<16xf32>
      %swap3A_904 = vector.shape_cast %add3A_899 : vector<16xf32> to vector<1x16xf32>
      tpu.vector_store %arg9[%swap3A_900, %swap3A_901], %swap3A_904 {strides = array<i32>} : memref<800x32xf32, #tpu.memory_space<vmem>>, vector<1x16xf32>,
      %add3A_905 = arith.constant 600 : i32
      %add3A_906 = arith.addi %add3A_905, %scan3A_832 : i32
      %get3A_907 = arith.index_cast %add3A_906 : i32 to index
      %get3A_908 = arith.constant 0 : index
      %get3A_909 = tpu.vector_load %arg9[%get3A_907, %get3A_908] {strides = array<i32>} : memref<800x32xf32, #tpu.memory_space<vmem>>, vector<1x16xf32>,
      %get3A_910 = vector.shape_cast %get3A_909 : vector<1x16xf32> to vector<16xf32>
      %add3A_911 = arith.addf %get3A_910, %get3A_835 : vector<16xf32>
      %swap3A_912 = arith.index_cast %add3A_906 : i32 to index
      %swap3A_913 = arith.constant 0 : index
      %swap3A_914 = tpu.vector_load %arg9[%swap3A_912, %swap3A_913] {strides = array<i32>} : memref<800x32xf32, #tpu.memory_space<vmem>>, vector<1x16xf32>,
      %swap3A_915 = vector.shape_cast %swap3A_914 : vector<1x16xf32> to vector<16xf32>
      %swap3A_916 = vector.shape_cast %add3A_911 : vector<16xf32> to vector<1x16xf32>
      tpu.vector_store %arg9[%swap3A_912, %swap3A_913], %swap3A_916 {strides = array<i32>} : memref<800x32xf32, #tpu.memory_space<vmem>>, vector<1x16xf32>,
      %get3A_917 = arith.index_cast %add3A_906 : i32 to index
      %get3A_918 = arith.constant 16 : index
      %get3A_919 = tpu.vector_load %arg9[%get3A_917, %get3A_918] {strides = array<i32>} : memref<800x32xf32, #tpu.memory_space<vmem>>, vector<1x16xf32>,
      %get3A_920 = vector.shape_cast %get3A_919 : vector<1x16xf32> to vector<16xf32>
      %add3A_921 = arith.addf %get3A_920, %get3A_839 : vector<16xf32>
      %swap3A_922 = arith.index_cast %add3A_906 : i32 to index
      %swap3A_923 = arith.constant 16 : index
      %swap3A_924 = tpu.vector_load %arg9[%swap3A_922, %swap3A_923] {strides = array<i32>} : memref<800x32xf32, #tpu.memory_space<vmem>>, vector<1x16xf32>,
      %swap3A_925 = vector.shape_cast %swap3A_924 : vector<1x16xf32> to vector<16xf32>
      %swap3A_926 = vector.shape_cast %add3A_921 : vector<16xf32> to vector<1x16xf32>
      tpu.vector_store %arg9[%swap3A_922, %swap3A_923], %swap3A_926 {strides = array<i32>} : memref<800x32xf32, #tpu.memory_space<vmem>>, vector<1x16xf32>,
    }
    %scan3A_623 = arith.constant 200 : i32
    %add3A_624 = arith.constant 18400 : i32
    %add3A_625 = arith.addi %mul3A_2, %add3A_624 : i32
    %dma_start3A_626 = arith.constant 0 : i32
    %dma_start3A_627 = tpu.memref_slice %arg5[%add3A_625, %dma_start3A_626] : memref<819200x32xf32, #tpu.memory_space<hbm>> -> memref<800x32xf32, #tpu.memory_space<hbm>>
    %dma_start3A_628 = arith.constant 0 : i32
    %dma_start3A_629 = tpu.memref_slice %arg5[%add3A_625, %dma_start3A_628] : memref<819200x32xf32, #tpu.memory_space<hbm>> -> memref<800x32xf32, #tpu.memory_space<hbm>>
    tpu.enqueue_dma source(%arg9 : memref<800x32xf32, #tpu.memory_space<vmem>>) target(%dma_start3A_629 : memref<800x32xf32, #tpu.memory_space<hbm>>) target_semaphore(%arg16 : memref<!tpu.dma_semaphore, #tpu.memory_space<semaphore_mem>>)
    %dma_wait3A_630 = arith.constant 0 : i32
    %dma_wait3A_631 = tpu.memref_slice %arg5[%add3A_625, %dma_wait3A_630] : memref<819200x32xf32, #tpu.memory_space<hbm>> -> memref<800x32xf32, #tpu.memory_space<hbm>>
    %dma_wait3A_632 = arith.constant 0 : i32
    %dma_wait3A_633 = tpu.memref_slice %arg5[%add3A_625, %dma_wait3A_632] : memref<819200x32xf32, #tpu.memory_space<hbm>> -> memref<800x32xf32, #tpu.memory_space<hbm>>
    tpu.wait_dma2 semaphore(%arg16 : memref<!tpu.dma_semaphore, #tpu.memory_space<semaphore_mem>>) src(%arg9 : memref<800x32xf32, #tpu.memory_space<vmem>>) dst(%dma_wait3A_633 : memref<800x32xf32, #tpu.memory_space<hbm>>)
    %dma_start3A_634 = arith.constant 20800 : i32
    %dma_start3A_635 = tpu.memref_slice %arg6[%dma_start3A_634] : memref<25600xi32, #tpu.memory_space<vmem>> -> memref<800xi32, #tpu.memory_space<vmem>>
    %dma_start3A_636 = arith.constant 0 : i32
    %dma_start3A_637 = arith.constant 0 : i32
    %dma_start3A_638 = tpu.memref_slice %arg2[%dma_start3A_636, %dma_start3A_637] : memref<1000000x32xf32, #tpu.memory_space<hbm>> -> memref<1000000x32xf32, #tpu.memory_space<hbm>>
    tpu.enqueue_indirect_dma source(%dma_start3A_638 : memref<1000000x32xf32, #tpu.memory_space<hbm>>) target(%arg9 : memref<800x32xf32, #tpu.memory_space<vmem>>) offsets(%dma_start3A_635 : memref<800xi32, #tpu.memory_space<vmem>>) semaphore(%arg13 : memref<!tpu.dma_semaphore, #tpu.memory_space<semaphore_mem>>)
    %dma_wait3A_639 = arith.constant 19200 : i32
    %dma_wait3A_640 = tpu.memref_slice %arg6[%dma_wait3A_639] : memref<25600xi32, #tpu.memory_space<vmem>> -> memref<800xi32, #tpu.memory_space<vmem>>
    %dma_wait3A_641 = arith.constant 0 : i32
    %dma_wait3A_642 = arith.constant 0 : i32
    %dma_wait3A_643 = tpu.memref_slice %arg2[%dma_wait3A_641, %dma_wait3A_642] : memref<1000000x32xf32, #tpu.memory_space<hbm>> -> memref<1000000x32xf32, #tpu.memory_space<hbm>>
    tpu.wait_indirect_dma semaphore(%arg11 : memref<!tpu.dma_semaphore, #tpu.memory_space<semaphore_mem>>) src(%dma_wait3A_643 : memref<1000000x32xf32, #tpu.memory_space<hbm>>) dst(%arg7 : memref<800x32xf32, #tpu.memory_space<vmem>>)
    %scan3A_644 = arith.constant 0 : i32
    %scan3A_645 = arith.constant 0 : i32
    %scan3A_646 = arith.constant 200 : i32
    %scan3A_647 = arith.addi %scan3A_645, %scan3A_646 : i32
    %scan3A_648 = arith.constant 1 : i32
    scf.for %scan3A_832 = %scan3A_645 to %scan3A_647 step %scan3A_648  : i32 {
      %get3A = arith.index_cast %scan3A_832 : i32 to index
      %get3A_833 = arith.constant 0 : index
      %get3A_834 = tpu.vector_load %arg10[%get3A, %get3A_833] {strides = array<i32>} : memref<200x32xf32, #tpu.memory_space<vmem>>, vector<1x16xf32>,
      %get3A_835 = vector.shape_cast %get3A_834 : vector<1x16xf32> to vector<16xf32>
      %get3A_836 = arith.index_cast %scan3A_832 : i32 to index
      %get3A_837 = arith.constant 16 : index
      %get3A_838 = tpu.vector_load %arg10[%get3A_836, %get3A_837] {strides = array<i32>} : memref<200x32xf32, #tpu.memory_space<vmem>>, vector<1x16xf32>,
      %get3A_839 = vector.shape_cast %get3A_838 : vector<1x16xf32> to vector<16xf32>
      %add3A_840 = arith.constant 0 : i32
      %add3A_841 = arith.addi %add3A_840, %scan3A_832 : i32
      %get3A_842 = arith.index_cast %add3A_841 : i32 to index
      %get3A_843 = arith.constant 0 : index
      %get3A_844 = tpu.vector_load %arg7[%get3A_842, %get3A_843] {strides = array<i32>} : memref<800x32xf32, #tpu.memory_space<vmem>>, vector<1x16xf32>,
      %get3A_845 = vector.shape_cast %get3A_844 : vector<1x16xf32> to vector<16xf32>
      %add3A_846 = arith.addf %get3A_845, %get3A_835 : vector<16xf32>
      %swap3A = arith.index_cast %add3A_841 : i32 to index
      %swap3A_847 = arith.constant 0 : index
      %swap3A_848 = tpu.vector_load %arg7[%swap3A, %swap3A_847] {strides = array<i32>} : memref<800x32xf32, #tpu.memory_space<vmem>>, vector<1x16xf32>,
      %swap3A_849 = vector.shape_cast %swap3A_848 : vector<1x16xf32> to vector<16xf32>
      %swap3A_850 = vector.shape_cast %add3A_846 : vector<16xf32> to vector<1x16xf32>
      tpu.vector_store %arg7[%swap3A, %swap3A_847], %swap3A_850 {strides = array<i32>} : memref<800x32xf32, #tpu.memory_space<vmem>>, vector<1x16xf32>,
      %get3A_851 = arith.index_cast %add3A_841 : i32 to index
      %get3A_852 = arith.constant 16 : index
      %get3A_853 = tpu.vector_load %arg7[%get3A_851, %get3A_852] {strides = array<i32>} : memref<800x32xf32, #tpu.memory_space<vmem>>, vector<1x16xf32>,
      %get3A_854 = vector.shape_cast %get3A_853 : vector<1x16xf32> to vector<16xf32>
      %add3A_855 = arith.addf %get3A_854, %get3A_839 : vector<16xf32>
      %swap3A_856 = arith.index_cast %add3A_841 : i32 to index
      %swap3A_857 = arith.constant 16 : index
      %swap3A_858 = tpu.vector_load %arg7[%swap3A_856, %swap3A_857] {strides = array<i32>} : memref<800x32xf32, #tpu.memory_space<vmem>>, vector<1x16xf32>,
      %swap3A_859 = vector.shape_cast %swap3A_858 : vector<1x16xf32> to vector<16xf32>
      %swap3A_860 = vector.shape_cast %add3A_855 : vector<16xf32> to vector<1x16xf32>
      tpu.vector_store %arg7[%swap3A_856, %swap3A_857], %swap3A_860 {strides = array<i32>} : memref<800x32xf32, #tpu.memory_space<vmem>>, vector<1x16xf32>,
      %add3A_861 = arith.constant 200 : i32
      %add3A_862 = arith.addi %add3A_861, %scan3A_832 : i32
      %get3A_863 = arith.index_cast %add3A_862 : i32 to index
      %get3A_864 = arith.constant 0 : index
      %get3A_865 = tpu.vector_load %arg7[%get3A_863, %get3A_864] {strides = array<i32>} : memref<800x32xf32, #tpu.memory_space<vmem>>, vector<1x16xf32>,
      %get3A_866 = vector.shape_cast %get3A_865 : vector<1x16xf32> to vector<16xf32>
      %add3A_867 = arith.addf %get3A_866, %get3A_835 : vector<16xf32>
      %swap3A_868 = arith.index_cast %add3A_862 : i32 to index
      %swap3A_869 = arith.constant 0 : index
      %swap3A_870 = tpu.vector_load %arg7[%swap3A_868, %swap3A_869] {strides = array<i32>} : memref<800x32xf32, #tpu.memory_space<vmem>>, vector<1x16xf32>,
      %swap3A_871 = vector.shape_cast %swap3A_870 : vector<1x16xf32> to vector<16xf32>
      %swap3A_872 = vector.shape_cast %add3A_867 : vector<16xf32> to vector<1x16xf32>
      tpu.vector_store %arg7[%swap3A_868, %swap3A_869], %swap3A_872 {strides = array<i32>} : memref<800x32xf32, #tpu.memory_space<vmem>>, vector<1x16xf32>,
      %get3A_873 = arith.index_cast %add3A_862 : i32 to index
      %get3A_874 = arith.constant 16 : index
      %get3A_875 = tpu.vector_load %arg7[%get3A_873, %get3A_874] {strides = array<i32>} : memref<800x32xf32, #tpu.memory_space<vmem>>, vector<1x16xf32>,
      %get3A_876 = vector.shape_cast %get3A_875 : vector<1x16xf32> to vector<16xf32>
      %add3A_877 = arith.addf %get3A_876, %get3A_839 : vector<16xf32>
      %swap3A_878 = arith.index_cast %add3A_862 : i32 to index
      %swap3A_879 = arith.constant 16 : index
      %swap3A_880 = tpu.vector_load %arg7[%swap3A_878, %swap3A_879] {strides = array<i32>} : memref<800x32xf32, #tpu.memory_space<vmem>>, vector<1x16xf32>,
      %swap3A_881 = vector.shape_cast %swap3A_880 : vector<1x16xf32> to vector<16xf32>
      %swap3A_882 = vector.shape_cast %add3A_877 : vector<16xf32> to vector<1x16xf32>
      tpu.vector_store %arg7[%swap3A_878, %swap3A_879], %swap3A_882 {strides = array<i32>} : memref<800x32xf32, #tpu.memory_space<vmem>>, vector<1x16xf32>,
      %add3A_883 = arith.constant 400 : i32
      %add3A_884 = arith.addi %add3A_883, %scan3A_832 : i32
      %get3A_885 = arith.index_cast %add3A_884 : i32 to index
      %get3A_886 = arith.constant 0 : index
      %get3A_887 = tpu.vector_load %arg7[%get3A_885, %get3A_886] {strides = array<i32>} : memref<800x32xf32, #tpu.memory_space<vmem>>, vector<1x16xf32>,
      %get3A_888 = vector.shape_cast %get3A_887 : vector<1x16xf32> to vector<16xf32>
      %add3A_889 = arith.addf %get3A_888, %get3A_835 : vector<16xf32>
      %swap3A_890 = arith.index_cast %add3A_884 : i32 to index
      %swap3A_891 = arith.constant 0 : index
      %swap3A_892 = tpu.vector_load %arg7[%swap3A_890, %swap3A_891] {strides = array<i32>} : memref<800x32xf32, #tpu.memory_space<vmem>>, vector<1x16xf32>,
      %swap3A_893 = vector.shape_cast %swap3A_892 : vector<1x16xf32> to vector<16xf32>
      %swap3A_894 = vector.shape_cast %add3A_889 : vector<16xf32> to vector<1x16xf32>
      tpu.vector_store %arg7[%swap3A_890, %swap3A_891], %swap3A_894 {strides = array<i32>} : memref<800x32xf32, #tpu.memory_space<vmem>>, vector<1x16xf32>,
      %get3A_895 = arith.index_cast %add3A_884 : i32 to index
      %get3A_896 = arith.constant 16 : index
      %get3A_897 = tpu.vector_load %arg7[%get3A_895, %get3A_896] {strides = array<i32>} : memref<800x32xf32, #tpu.memory_space<vmem>>, vector<1x16xf32>,
      %get3A_898 = vector.shape_cast %get3A_897 : vector<1x16xf32> to vector<16xf32>
      %add3A_899 = arith.addf %get3A_898, %get3A_839 : vector<16xf32>
      %swap3A_900 = arith.index_cast %add3A_884 : i32 to index
      %swap3A_901 = arith.constant 16 : index
      %swap3A_902 = tpu.vector_load %arg7[%swap3A_900, %swap3A_901] {strides = array<i32>} : memref<800x32xf32, #tpu.memory_space<vmem>>, vector<1x16xf32>,
      %swap3A_903 = vector.shape_cast %swap3A_902 : vector<1x16xf32> to vector<16xf32>
      %swap3A_904 = vector.shape_cast %add3A_899 : vector<16xf32> to vector<1x16xf32>
      tpu.vector_store %arg7[%swap3A_900, %swap3A_901], %swap3A_904 {strides = array<i32>} : memref<800x32xf32, #tpu.memory_space<vmem>>, vector<1x16xf32>,
      %add3A_905 = arith.constant 600 : i32
      %add3A_906 = arith.addi %add3A_905, %scan3A_832 : i32
      %get3A_907 = arith.index_cast %add3A_906 : i32 to index
      %get3A_908 = arith.constant 0 : index
      %get3A_909 = tpu.vector_load %arg7[%get3A_907, %get3A_908] {strides = array<i32>} : memref<800x32xf32, #tpu.memory_space<vmem>>, vector<1x16xf32>,
      %get3A_910 = vector.shape_cast %get3A_909 : vector<1x16xf32> to vector<16xf32>
      %add3A_911 = arith.addf %get3A_910, %get3A_835 : vector<16xf32>
      %swap3A_912 = arith.index_cast %add3A_906 : i32 to index
      %swap3A_913 = arith.constant 0 : index
      %swap3A_914 = tpu.vector_load %arg7[%swap3A_912, %swap3A_913] {strides = array<i32>} : memref<800x32xf32, #tpu.memory_space<vmem>>, vector<1x16xf32>,
      %swap3A_915 = vector.shape_cast %swap3A_914 : vector<1x16xf32> to vector<16xf32>
      %swap3A_916 = vector.shape_cast %add3A_911 : vector<16xf32> to vector<1x16xf32>
      tpu.vector_store %arg7[%swap3A_912, %swap3A_913], %swap3A_916 {strides = array<i32>} : memref<800x32xf32, #tpu.memory_space<vmem>>, vector<1x16xf32>,
      %get3A_917 = arith.index_cast %add3A_906 : i32 to index
      %get3A_918 = arith.constant 16 : index
      %get3A_919 = tpu.vector_load %arg7[%get3A_917, %get3A_918] {strides = array<i32>} : memref<800x32xf32, #tpu.memory_space<vmem>>, vector<1x16xf32>,
      %get3A_920 = vector.shape_cast %get3A_919 : vector<1x16xf32> to vector<16xf32>
      %add3A_921 = arith.addf %get3A_920, %get3A_839 : vector<16xf32>
      %swap3A_922 = arith.index_cast %add3A_906 : i32 to index
      %swap3A_923 = arith.constant 16 : index
      %swap3A_924 = tpu.vector_load %arg7[%swap3A_922, %swap3A_923] {strides = array<i32>} : memref<800x32xf32, #tpu.memory_space<vmem>>, vector<1x16xf32>,
      %swap3A_925 = vector.shape_cast %swap3A_924 : vector<1x16xf32> to vector<16xf32>
      %swap3A_926 = vector.shape_cast %add3A_921 : vector<16xf32> to vector<1x16xf32>
      tpu.vector_store %arg7[%swap3A_922, %swap3A_923], %swap3A_926 {strides = array<i32>} : memref<800x32xf32, #tpu.memory_space<vmem>>, vector<1x16xf32>,
    }
    %scan3A_649 = arith.constant 200 : i32
    %add3A_650 = arith.constant 19200 : i32
    %add3A_651 = arith.addi %mul3A_2, %add3A_650 : i32
    %dma_start3A_652 = arith.constant 0 : i32
    %dma_start3A_653 = tpu.memref_slice %arg5[%add3A_651, %dma_start3A_652] : memref<819200x32xf32, #tpu.memory_space<hbm>> -> memref<800x32xf32, #tpu.memory_space<hbm>>
    %dma_start3A_654 = arith.constant 0 : i32
    %dma_start3A_655 = tpu.memref_slice %arg5[%add3A_651, %dma_start3A_654] : memref<819200x32xf32, #tpu.memory_space<hbm>> -> memref<800x32xf32, #tpu.memory_space<hbm>>
    tpu.enqueue_dma source(%arg7 : memref<800x32xf32, #tpu.memory_space<vmem>>) target(%dma_start3A_655 : memref<800x32xf32, #tpu.memory_space<hbm>>) target_semaphore(%arg14 : memref<!tpu.dma_semaphore, #tpu.memory_space<semaphore_mem>>)
    %dma_wait3A_656 = arith.constant 0 : i32
    %dma_wait3A_657 = tpu.memref_slice %arg5[%add3A_651, %dma_wait3A_656] : memref<819200x32xf32, #tpu.memory_space<hbm>> -> memref<800x32xf32, #tpu.memory_space<hbm>>
    %dma_wait3A_658 = arith.constant 0 : i32
    %dma_wait3A_659 = tpu.memref_slice %arg5[%add3A_651, %dma_wait3A_658] : memref<819200x32xf32, #tpu.memory_space<hbm>> -> memref<800x32xf32, #tpu.memory_space<hbm>>
    tpu.wait_dma2 semaphore(%arg14 : memref<!tpu.dma_semaphore, #tpu.memory_space<semaphore_mem>>) src(%arg7 : memref<800x32xf32, #tpu.memory_space<vmem>>) dst(%dma_wait3A_659 : memref<800x32xf32, #tpu.memory_space<hbm>>)
    %dma_start3A_660 = arith.constant 21600 : i32
    %dma_start3A_661 = tpu.memref_slice %arg6[%dma_start3A_660] : memref<25600xi32, #tpu.memory_space<vmem>> -> memref<800xi32, #tpu.memory_space<vmem>>
    %dma_start3A_662 = arith.constant 0 : i32
    %dma_start3A_663 = arith.constant 0 : i32
    %dma_start3A_664 = tpu.memref_slice %arg2[%dma_start3A_662, %dma_start3A_663] : memref<1000000x32xf32, #tpu.memory_space<hbm>> -> memref<1000000x32xf32, #tpu.memory_space<hbm>>
    tpu.enqueue_indirect_dma source(%dma_start3A_664 : memref<1000000x32xf32, #tpu.memory_space<hbm>>) target(%arg7 : memref<800x32xf32, #tpu.memory_space<vmem>>) offsets(%dma_start3A_661 : memref<800xi32, #tpu.memory_space<vmem>>) semaphore(%arg11 : memref<!tpu.dma_semaphore, #tpu.memory_space<semaphore_mem>>)
    %dma_wait3A_665 = arith.constant 20000 : i32
    %dma_wait3A_666 = tpu.memref_slice %arg6[%dma_wait3A_665] : memref<25600xi32, #tpu.memory_space<vmem>> -> memref<800xi32, #tpu.memory_space<vmem>>
    %dma_wait3A_667 = arith.constant 0 : i32
    %dma_wait3A_668 = arith.constant 0 : i32
    %dma_wait3A_669 = tpu.memref_slice %arg2[%dma_wait3A_667, %dma_wait3A_668] : memref<1000000x32xf32, #tpu.memory_space<hbm>> -> memref<1000000x32xf32, #tpu.memory_space<hbm>>
    tpu.wait_indirect_dma semaphore(%arg12 : memref<!tpu.dma_semaphore, #tpu.memory_space<semaphore_mem>>) src(%dma_wait3A_669 : memref<1000000x32xf32, #tpu.memory_space<hbm>>) dst(%arg8 : memref<800x32xf32, #tpu.memory_space<vmem>>)
    %scan3A_670 = arith.constant 0 : i32
    %scan3A_671 = arith.constant 0 : i32
    %scan3A_672 = arith.constant 200 : i32
    %scan3A_673 = arith.addi %scan3A_671, %scan3A_672 : i32
    %scan3A_674 = arith.constant 1 : i32
    scf.for %scan3A_832 = %scan3A_671 to %scan3A_673 step %scan3A_674  : i32 {
      %get3A = arith.index_cast %scan3A_832 : i32 to index
      %get3A_833 = arith.constant 0 : index
      %get3A_834 = tpu.vector_load %arg10[%get3A, %get3A_833] {strides = array<i32>} : memref<200x32xf32, #tpu.memory_space<vmem>>, vector<1x16xf32>,
      %get3A_835 = vector.shape_cast %get3A_834 : vector<1x16xf32> to vector<16xf32>
      %get3A_836 = arith.index_cast %scan3A_832 : i32 to index
      %get3A_837 = arith.constant 16 : index
      %get3A_838 = tpu.vector_load %arg10[%get3A_836, %get3A_837] {strides = array<i32>} : memref<200x32xf32, #tpu.memory_space<vmem>>, vector<1x16xf32>,
      %get3A_839 = vector.shape_cast %get3A_838 : vector<1x16xf32> to vector<16xf32>
      %add3A_840 = arith.constant 0 : i32
      %add3A_841 = arith.addi %add3A_840, %scan3A_832 : i32
      %get3A_842 = arith.index_cast %add3A_841 : i32 to index
      %get3A_843 = arith.constant 0 : index
      %get3A_844 = tpu.vector_load %arg8[%get3A_842, %get3A_843] {strides = array<i32>} : memref<800x32xf32, #tpu.memory_space<vmem>>, vector<1x16xf32>,
      %get3A_845 = vector.shape_cast %get3A_844 : vector<1x16xf32> to vector<16xf32>
      %add3A_846 = arith.addf %get3A_845, %get3A_835 : vector<16xf32>
      %swap3A = arith.index_cast %add3A_841 : i32 to index
      %swap3A_847 = arith.constant 0 : index
      %swap3A_848 = tpu.vector_load %arg8[%swap3A, %swap3A_847] {strides = array<i32>} : memref<800x32xf32, #tpu.memory_space<vmem>>, vector<1x16xf32>,
      %swap3A_849 = vector.shape_cast %swap3A_848 : vector<1x16xf32> to vector<16xf32>
      %swap3A_850 = vector.shape_cast %add3A_846 : vector<16xf32> to vector<1x16xf32>
      tpu.vector_store %arg8[%swap3A, %swap3A_847], %swap3A_850 {strides = array<i32>} : memref<800x32xf32, #tpu.memory_space<vmem>>, vector<1x16xf32>,
      %get3A_851 = arith.index_cast %add3A_841 : i32 to index
      %get3A_852 = arith.constant 16 : index
      %get3A_853 = tpu.vector_load %arg8[%get3A_851, %get3A_852] {strides = array<i32>} : memref<800x32xf32, #tpu.memory_space<vmem>>, vector<1x16xf32>,
      %get3A_854 = vector.shape_cast %get3A_853 : vector<1x16xf32> to vector<16xf32>
      %add3A_855 = arith.addf %get3A_854, %get3A_839 : vector<16xf32>
      %swap3A_856 = arith.index_cast %add3A_841 : i32 to index
      %swap3A_857 = arith.constant 16 : index
      %swap3A_858 = tpu.vector_load %arg8[%swap3A_856, %swap3A_857] {strides = array<i32>} : memref<800x32xf32, #tpu.memory_space<vmem>>, vector<1x16xf32>,
      %swap3A_859 = vector.shape_cast %swap3A_858 : vector<1x16xf32> to vector<16xf32>
      %swap3A_860 = vector.shape_cast %add3A_855 : vector<16xf32> to vector<1x16xf32>
      tpu.vector_store %arg8[%swap3A_856, %swap3A_857], %swap3A_860 {strides = array<i32>} : memref<800x32xf32, #tpu.memory_space<vmem>>, vector<1x16xf32>,
      %add3A_861 = arith.constant 200 : i32
      %add3A_862 = arith.addi %add3A_861, %scan3A_832 : i32
      %get3A_863 = arith.index_cast %add3A_862 : i32 to index
      %get3A_864 = arith.constant 0 : index
      %get3A_865 = tpu.vector_load %arg8[%get3A_863, %get3A_864] {strides = array<i32>} : memref<800x32xf32, #tpu.memory_space<vmem>>, vector<1x16xf32>,
      %get3A_866 = vector.shape_cast %get3A_865 : vector<1x16xf32> to vector<16xf32>
      %add3A_867 = arith.addf %get3A_866, %get3A_835 : vector<16xf32>
      %swap3A_868 = arith.index_cast %add3A_862 : i32 to index
      %swap3A_869 = arith.constant 0 : index
      %swap3A_870 = tpu.vector_load %arg8[%swap3A_868, %swap3A_869] {strides = array<i32>} : memref<800x32xf32, #tpu.memory_space<vmem>>, vector<1x16xf32>,
      %swap3A_871 = vector.shape_cast %swap3A_870 : vector<1x16xf32> to vector<16xf32>
      %swap3A_872 = vector.shape_cast %add3A_867 : vector<16xf32> to vector<1x16xf32>
      tpu.vector_store %arg8[%swap3A_868, %swap3A_869], %swap3A_872 {strides = array<i32>} : memref<800x32xf32, #tpu.memory_space<vmem>>, vector<1x16xf32>,
      %get3A_873 = arith.index_cast %add3A_862 : i32 to index
      %get3A_874 = arith.constant 16 : index
      %get3A_875 = tpu.vector_load %arg8[%get3A_873, %get3A_874] {strides = array<i32>} : memref<800x32xf32, #tpu.memory_space<vmem>>, vector<1x16xf32>,
      %get3A_876 = vector.shape_cast %get3A_875 : vector<1x16xf32> to vector<16xf32>
      %add3A_877 = arith.addf %get3A_876, %get3A_839 : vector<16xf32>
      %swap3A_878 = arith.index_cast %add3A_862 : i32 to index
      %swap3A_879 = arith.constant 16 : index
      %swap3A_880 = tpu.vector_load %arg8[%swap3A_878, %swap3A_879] {strides = array<i32>} : memref<800x32xf32, #tpu.memory_space<vmem>>, vector<1x16xf32>,
      %swap3A_881 = vector.shape_cast %swap3A_880 : vector<1x16xf32> to vector<16xf32>
      %swap3A_882 = vector.shape_cast %add3A_877 : vector<16xf32> to vector<1x16xf32>
      tpu.vector_store %arg8[%swap3A_878, %swap3A_879], %swap3A_882 {strides = array<i32>} : memref<800x32xf32, #tpu.memory_space<vmem>>, vector<1x16xf32>,
      %add3A_883 = arith.constant 400 : i32
      %add3A_884 = arith.addi %add3A_883, %scan3A_832 : i32
      %get3A_885 = arith.index_cast %add3A_884 : i32 to index
      %get3A_886 = arith.constant 0 : index
      %get3A_887 = tpu.vector_load %arg8[%get3A_885, %get3A_886] {strides = array<i32>} : memref<800x32xf32, #tpu.memory_space<vmem>>, vector<1x16xf32>,
      %get3A_888 = vector.shape_cast %get3A_887 : vector<1x16xf32> to vector<16xf32>
      %add3A_889 = arith.addf %get3A_888, %get3A_835 : vector<16xf32>
      %swap3A_890 = arith.index_cast %add3A_884 : i32 to index
      %swap3A_891 = arith.constant 0 : index
      %swap3A_892 = tpu.vector_load %arg8[%swap3A_890, %swap3A_891] {strides = array<i32>} : memref<800x32xf32, #tpu.memory_space<vmem>>, vector<1x16xf32>,
      %swap3A_893 = vector.shape_cast %swap3A_892 : vector<1x16xf32> to vector<16xf32>
      %swap3A_894 = vector.shape_cast %add3A_889 : vector<16xf32> to vector<1x16xf32>
      tpu.vector_store %arg8[%swap3A_890, %swap3A_891], %swap3A_894 {strides = array<i32>} : memref<800x32xf32, #tpu.memory_space<vmem>>, vector<1x16xf32>,
      %get3A_895 = arith.index_cast %add3A_884 : i32 to index
      %get3A_896 = arith.constant 16 : index
      %get3A_897 = tpu.vector_load %arg8[%get3A_895, %get3A_896] {strides = array<i32>} : memref<800x32xf32, #tpu.memory_space<vmem>>, vector<1x16xf32>,
      %get3A_898 = vector.shape_cast %get3A_897 : vector<1x16xf32> to vector<16xf32>
      %add3A_899 = arith.addf %get3A_898, %get3A_839 : vector<16xf32>
      %swap3A_900 = arith.index_cast %add3A_884 : i32 to index
      %swap3A_901 = arith.constant 16 : index
      %swap3A_902 = tpu.vector_load %arg8[%swap3A_900, %swap3A_901] {strides = array<i32>} : memref<800x32xf32, #tpu.memory_space<vmem>>, vector<1x16xf32>,
      %swap3A_903 = vector.shape_cast %swap3A_902 : vector<1x16xf32> to vector<16xf32>
      %swap3A_904 = vector.shape_cast %add3A_899 : vector<16xf32> to vector<1x16xf32>
      tpu.vector_store %arg8[%swap3A_900, %swap3A_901], %swap3A_904 {strides = array<i32>} : memref<800x32xf32, #tpu.memory_space<vmem>>, vector<1x16xf32>,
      %add3A_905 = arith.constant 600 : i32
      %add3A_906 = arith.addi %add3A_905, %scan3A_832 : i32
      %get3A_907 = arith.index_cast %add3A_906 : i32 to index
      %get3A_908 = arith.constant 0 : index
      %get3A_909 = tpu.vector_load %arg8[%get3A_907, %get3A_908] {strides = array<i32>} : memref<800x32xf32, #tpu.memory_space<vmem>>, vector<1x16xf32>,
      %get3A_910 = vector.shape_cast %get3A_909 : vector<1x16xf32> to vector<16xf32>
      %add3A_911 = arith.addf %get3A_910, %get3A_835 : vector<16xf32>
      %swap3A_912 = arith.index_cast %add3A_906 : i32 to index
      %swap3A_913 = arith.constant 0 : index
      %swap3A_914 = tpu.vector_load %arg8[%swap3A_912, %swap3A_913] {strides = array<i32>} : memref<800x32xf32, #tpu.memory_space<vmem>>, vector<1x16xf32>,
      %swap3A_915 = vector.shape_cast %swap3A_914 : vector<1x16xf32> to vector<16xf32>
      %swap3A_916 = vector.shape_cast %add3A_911 : vector<16xf32> to vector<1x16xf32>
      tpu.vector_store %arg8[%swap3A_912, %swap3A_913], %swap3A_916 {strides = array<i32>} : memref<800x32xf32, #tpu.memory_space<vmem>>, vector<1x16xf32>,
      %get3A_917 = arith.index_cast %add3A_906 : i32 to index
      %get3A_918 = arith.constant 16 : index
      %get3A_919 = tpu.vector_load %arg8[%get3A_917, %get3A_918] {strides = array<i32>} : memref<800x32xf32, #tpu.memory_space<vmem>>, vector<1x16xf32>,
      %get3A_920 = vector.shape_cast %get3A_919 : vector<1x16xf32> to vector<16xf32>
      %add3A_921 = arith.addf %get3A_920, %get3A_839 : vector<16xf32>
      %swap3A_922 = arith.index_cast %add3A_906 : i32 to index
      %swap3A_923 = arith.constant 16 : index
      %swap3A_924 = tpu.vector_load %arg8[%swap3A_922, %swap3A_923] {strides = array<i32>} : memref<800x32xf32, #tpu.memory_space<vmem>>, vector<1x16xf32>,
      %swap3A_925 = vector.shape_cast %swap3A_924 : vector<1x16xf32> to vector<16xf32>
      %swap3A_926 = vector.shape_cast %add3A_921 : vector<16xf32> to vector<1x16xf32>
      tpu.vector_store %arg8[%swap3A_922, %swap3A_923], %swap3A_926 {strides = array<i32>} : memref<800x32xf32, #tpu.memory_space<vmem>>, vector<1x16xf32>,
    }
    %scan3A_675 = arith.constant 200 : i32
    %add3A_676 = arith.constant 20000 : i32
    %add3A_677 = arith.addi %mul3A_2, %add3A_676 : i32
    %dma_start3A_678 = arith.constant 0 : i32
    %dma_start3A_679 = tpu.memref_slice %arg5[%add3A_677, %dma_start3A_678] : memref<819200x32xf32, #tpu.memory_space<hbm>> -> memref<800x32xf32, #tpu.memory_space<hbm>>
    %dma_start3A_680 = arith.constant 0 : i32
    %dma_start3A_681 = tpu.memref_slice %arg5[%add3A_677, %dma_start3A_680] : memref<819200x32xf32, #tpu.memory_space<hbm>> -> memref<800x32xf32, #tpu.memory_space<hbm>>
    tpu.enqueue_dma source(%arg8 : memref<800x32xf32, #tpu.memory_space<vmem>>) target(%dma_start3A_681 : memref<800x32xf32, #tpu.memory_space<hbm>>) target_semaphore(%arg15 : memref<!tpu.dma_semaphore, #tpu.memory_space<semaphore_mem>>)
    %dma_wait3A_682 = arith.constant 0 : i32
    %dma_wait3A_683 = tpu.memref_slice %arg5[%add3A_677, %dma_wait3A_682] : memref<819200x32xf32, #tpu.memory_space<hbm>> -> memref<800x32xf32, #tpu.memory_space<hbm>>
    %dma_wait3A_684 = arith.constant 0 : i32
    %dma_wait3A_685 = tpu.memref_slice %arg5[%add3A_677, %dma_wait3A_684] : memref<819200x32xf32, #tpu.memory_space<hbm>> -> memref<800x32xf32, #tpu.memory_space<hbm>>
    tpu.wait_dma2 semaphore(%arg15 : memref<!tpu.dma_semaphore, #tpu.memory_space<semaphore_mem>>) src(%arg8 : memref<800x32xf32, #tpu.memory_space<vmem>>) dst(%dma_wait3A_685 : memref<800x32xf32, #tpu.memory_space<hbm>>)
    %dma_start3A_686 = arith.constant 22400 : i32
    %dma_start3A_687 = tpu.memref_slice %arg6[%dma_start3A_686] : memref<25600xi32, #tpu.memory_space<vmem>> -> memref<800xi32, #tpu.memory_space<vmem>>
    %dma_start3A_688 = arith.constant 0 : i32
    %dma_start3A_689 = arith.constant 0 : i32
    %dma_start3A_690 = tpu.memref_slice %arg2[%dma_start3A_688, %dma_start3A_689] : memref<1000000x32xf32, #tpu.memory_space<hbm>> -> memref<1000000x32xf32, #tpu.memory_space<hbm>>
    tpu.enqueue_indirect_dma source(%dma_start3A_690 : memref<1000000x32xf32, #tpu.memory_space<hbm>>) target(%arg8 : memref<800x32xf32, #tpu.memory_space<vmem>>) offsets(%dma_start3A_687 : memref<800xi32, #tpu.memory_space<vmem>>) semaphore(%arg12 : memref<!tpu.dma_semaphore, #tpu.memory_space<semaphore_mem>>)
    %dma_wait3A_691 = arith.constant 20800 : i32
    %dma_wait3A_692 = tpu.memref_slice %arg6[%dma_wait3A_691] : memref<25600xi32, #tpu.memory_space<vmem>> -> memref<800xi32, #tpu.memory_space<vmem>>
    %dma_wait3A_693 = arith.constant 0 : i32
    %dma_wait3A_694 = arith.constant 0 : i32
    %dma_wait3A_695 = tpu.memref_slice %arg2[%dma_wait3A_693, %dma_wait3A_694] : memref<1000000x32xf32, #tpu.memory_space<hbm>> -> memref<1000000x32xf32, #tpu.memory_space<hbm>>
    tpu.wait_indirect_dma semaphore(%arg13 : memref<!tpu.dma_semaphore, #tpu.memory_space<semaphore_mem>>) src(%dma_wait3A_695 : memref<1000000x32xf32, #tpu.memory_space<hbm>>) dst(%arg9 : memref<800x32xf32, #tpu.memory_space<vmem>>)
    %scan3A_696 = arith.constant 0 : i32
    %scan3A_697 = arith.constant 0 : i32
    %scan3A_698 = arith.constant 200 : i32
    %scan3A_699 = arith.addi %scan3A_697, %scan3A_698 : i32
    %scan3A_700 = arith.constant 1 : i32
    scf.for %scan3A_832 = %scan3A_697 to %scan3A_699 step %scan3A_700  : i32 {
      %get3A = arith.index_cast %scan3A_832 : i32 to index
      %get3A_833 = arith.constant 0 : index
      %get3A_834 = tpu.vector_load %arg10[%get3A, %get3A_833] {strides = array<i32>} : memref<200x32xf32, #tpu.memory_space<vmem>>, vector<1x16xf32>,
      %get3A_835 = vector.shape_cast %get3A_834 : vector<1x16xf32> to vector<16xf32>
      %get3A_836 = arith.index_cast %scan3A_832 : i32 to index
      %get3A_837 = arith.constant 16 : index
      %get3A_838 = tpu.vector_load %arg10[%get3A_836, %get3A_837] {strides = array<i32>} : memref<200x32xf32, #tpu.memory_space<vmem>>, vector<1x16xf32>,
      %get3A_839 = vector.shape_cast %get3A_838 : vector<1x16xf32> to vector<16xf32>
      %add3A_840 = arith.constant 0 : i32
      %add3A_841 = arith.addi %add3A_840, %scan3A_832 : i32
      %get3A_842 = arith.index_cast %add3A_841 : i32 to index
      %get3A_843 = arith.constant 0 : index
      %get3A_844 = tpu.vector_load %arg9[%get3A_842, %get3A_843] {strides = array<i32>} : memref<800x32xf32, #tpu.memory_space<vmem>>, vector<1x16xf32>,
      %get3A_845 = vector.shape_cast %get3A_844 : vector<1x16xf32> to vector<16xf32>
      %add3A_846 = arith.addf %get3A_845, %get3A_835 : vector<16xf32>
      %swap3A = arith.index_cast %add3A_841 : i32 to index
      %swap3A_847 = arith.constant 0 : index
      %swap3A_848 = tpu.vector_load %arg9[%swap3A, %swap3A_847] {strides = array<i32>} : memref<800x32xf32, #tpu.memory_space<vmem>>, vector<1x16xf32>,
      %swap3A_849 = vector.shape_cast %swap3A_848 : vector<1x16xf32> to vector<16xf32>
      %swap3A_850 = vector.shape_cast %add3A_846 : vector<16xf32> to vector<1x16xf32>
      tpu.vector_store %arg9[%swap3A, %swap3A_847], %swap3A_850 {strides = array<i32>} : memref<800x32xf32, #tpu.memory_space<vmem>>, vector<1x16xf32>,
      %get3A_851 = arith.index_cast %add3A_841 : i32 to index
      %get3A_852 = arith.constant 16 : index
      %get3A_853 = tpu.vector_load %arg9[%get3A_851, %get3A_852] {strides = array<i32>} : memref<800x32xf32, #tpu.memory_space<vmem>>, vector<1x16xf32>,
      %get3A_854 = vector.shape_cast %get3A_853 : vector<1x16xf32> to vector<16xf32>
      %add3A_855 = arith.addf %get3A_854, %get3A_839 : vector<16xf32>
      %swap3A_856 = arith.index_cast %add3A_841 : i32 to index
      %swap3A_857 = arith.constant 16 : index
      %swap3A_858 = tpu.vector_load %arg9[%swap3A_856, %swap3A_857] {strides = array<i32>} : memref<800x32xf32, #tpu.memory_space<vmem>>, vector<1x16xf32>,
      %swap3A_859 = vector.shape_cast %swap3A_858 : vector<1x16xf32> to vector<16xf32>
      %swap3A_860 = vector.shape_cast %add3A_855 : vector<16xf32> to vector<1x16xf32>
      tpu.vector_store %arg9[%swap3A_856, %swap3A_857], %swap3A_860 {strides = array<i32>} : memref<800x32xf32, #tpu.memory_space<vmem>>, vector<1x16xf32>,
      %add3A_861 = arith.constant 200 : i32
      %add3A_862 = arith.addi %add3A_861, %scan3A_832 : i32
      %get3A_863 = arith.index_cast %add3A_862 : i32 to index
      %get3A_864 = arith.constant 0 : index
      %get3A_865 = tpu.vector_load %arg9[%get3A_863, %get3A_864] {strides = array<i32>} : memref<800x32xf32, #tpu.memory_space<vmem>>, vector<1x16xf32>,
      %get3A_866 = vector.shape_cast %get3A_865 : vector<1x16xf32> to vector<16xf32>
      %add3A_867 = arith.addf %get3A_866, %get3A_835 : vector<16xf32>
      %swap3A_868 = arith.index_cast %add3A_862 : i32 to index
      %swap3A_869 = arith.constant 0 : index
      %swap3A_870 = tpu.vector_load %arg9[%swap3A_868, %swap3A_869] {strides = array<i32>} : memref<800x32xf32, #tpu.memory_space<vmem>>, vector<1x16xf32>,
      %swap3A_871 = vector.shape_cast %swap3A_870 : vector<1x16xf32> to vector<16xf32>
      %swap3A_872 = vector.shape_cast %add3A_867 : vector<16xf32> to vector<1x16xf32>
      tpu.vector_store %arg9[%swap3A_868, %swap3A_869], %swap3A_872 {strides = array<i32>} : memref<800x32xf32, #tpu.memory_space<vmem>>, vector<1x16xf32>,
      %get3A_873 = arith.index_cast %add3A_862 : i32 to index
      %get3A_874 = arith.constant 16 : index
      %get3A_875 = tpu.vector_load %arg9[%get3A_873, %get3A_874] {strides = array<i32>} : memref<800x32xf32, #tpu.memory_space<vmem>>, vector<1x16xf32>,
      %get3A_876 = vector.shape_cast %get3A_875 : vector<1x16xf32> to vector<16xf32>
      %add3A_877 = arith.addf %get3A_876, %get3A_839 : vector<16xf32>
      %swap3A_878 = arith.index_cast %add3A_862 : i32 to index
      %swap3A_879 = arith.constant 16 : index
      %swap3A_880 = tpu.vector_load %arg9[%swap3A_878, %swap3A_879] {strides = array<i32>} : memref<800x32xf32, #tpu.memory_space<vmem>>, vector<1x16xf32>,
      %swap3A_881 = vector.shape_cast %swap3A_880 : vector<1x16xf32> to vector<16xf32>
      %swap3A_882 = vector.shape_cast %add3A_877 : vector<16xf32> to vector<1x16xf32>
      tpu.vector_store %arg9[%swap3A_878, %swap3A_879], %swap3A_882 {strides = array<i32>} : memref<800x32xf32, #tpu.memory_space<vmem>>, vector<1x16xf32>,
      %add3A_883 = arith.constant 400 : i32
      %add3A_884 = arith.addi %add3A_883, %scan3A_832 : i32
      %get3A_885 = arith.index_cast %add3A_884 : i32 to index
      %get3A_886 = arith.constant 0 : index
      %get3A_887 = tpu.vector_load %arg9[%get3A_885, %get3A_886] {strides = array<i32>} : memref<800x32xf32, #tpu.memory_space<vmem>>, vector<1x16xf32>,
      %get3A_888 = vector.shape_cast %get3A_887 : vector<1x16xf32> to vector<16xf32>
      %add3A_889 = arith.addf %get3A_888, %get3A_835 : vector<16xf32>
      %swap3A_890 = arith.index_cast %add3A_884 : i32 to index
      %swap3A_891 = arith.constant 0 : index
      %swap3A_892 = tpu.vector_load %arg9[%swap3A_890, %swap3A_891] {strides = array<i32>} : memref<800x32xf32, #tpu.memory_space<vmem>>, vector<1x16xf32>,
      %swap3A_893 = vector.shape_cast %swap3A_892 : vector<1x16xf32> to vector<16xf32>
      %swap3A_894 = vector.shape_cast %add3A_889 : vector<16xf32> to vector<1x16xf32>
      tpu.vector_store %arg9[%swap3A_890, %swap3A_891], %swap3A_894 {strides = array<i32>} : memref<800x32xf32, #tpu.memory_space<vmem>>, vector<1x16xf32>,
      %get3A_895 = arith.index_cast %add3A_884 : i32 to index
      %get3A_896 = arith.constant 16 : index
      %get3A_897 = tpu.vector_load %arg9[%get3A_895, %get3A_896] {strides = array<i32>} : memref<800x32xf32, #tpu.memory_space<vmem>>, vector<1x16xf32>,
      %get3A_898 = vector.shape_cast %get3A_897 : vector<1x16xf32> to vector<16xf32>
      %add3A_899 = arith.addf %get3A_898, %get3A_839 : vector<16xf32>
      %swap3A_900 = arith.index_cast %add3A_884 : i32 to index
      %swap3A_901 = arith.constant 16 : index
      %swap3A_902 = tpu.vector_load %arg9[%swap3A_900, %swap3A_901] {strides = array<i32>} : memref<800x32xf32, #tpu.memory_space<vmem>>, vector<1x16xf32>,
      %swap3A_903 = vector.shape_cast %swap3A_902 : vector<1x16xf32> to vector<16xf32>
      %swap3A_904 = vector.shape_cast %add3A_899 : vector<16xf32> to vector<1x16xf32>
      tpu.vector_store %arg9[%swap3A_900, %swap3A_901], %swap3A_904 {strides = array<i32>} : memref<800x32xf32, #tpu.memory_space<vmem>>, vector<1x16xf32>,
      %add3A_905 = arith.constant 600 : i32
      %add3A_906 = arith.addi %add3A_905, %scan3A_832 : i32
      %get3A_907 = arith.index_cast %add3A_906 : i32 to index
      %get3A_908 = arith.constant 0 : index
      %get3A_909 = tpu.vector_load %arg9[%get3A_907, %get3A_908] {strides = array<i32>} : memref<800x32xf32, #tpu.memory_space<vmem>>, vector<1x16xf32>,
      %get3A_910 = vector.shape_cast %get3A_909 : vector<1x16xf32> to vector<16xf32>
      %add3A_911 = arith.addf %get3A_910, %get3A_835 : vector<16xf32>
      %swap3A_912 = arith.index_cast %add3A_906 : i32 to index
      %swap3A_913 = arith.constant 0 : index
      %swap3A_914 = tpu.vector_load %arg9[%swap3A_912, %swap3A_913] {strides = array<i32>} : memref<800x32xf32, #tpu.memory_space<vmem>>, vector<1x16xf32>,
      %swap3A_915 = vector.shape_cast %swap3A_914 : vector<1x16xf32> to vector<16xf32>
      %swap3A_916 = vector.shape_cast %add3A_911 : vector<16xf32> to vector<1x16xf32>
      tpu.vector_store %arg9[%swap3A_912, %swap3A_913], %swap3A_916 {strides = array<i32>} : memref<800x32xf32, #tpu.memory_space<vmem>>, vector<1x16xf32>,
      %get3A_917 = arith.index_cast %add3A_906 : i32 to index
      %get3A_918 = arith.constant 16 : index
      %get3A_919 = tpu.vector_load %arg9[%get3A_917, %get3A_918] {strides = array<i32>} : memref<800x32xf32, #tpu.memory_space<vmem>>, vector<1x16xf32>,
      %get3A_920 = vector.shape_cast %get3A_919 : vector<1x16xf32> to vector<16xf32>
      %add3A_921 = arith.addf %get3A_920, %get3A_839 : vector<16xf32>
      %swap3A_922 = arith.index_cast %add3A_906 : i32 to index
      %swap3A_923 = arith.constant 16 : index
      %swap3A_924 = tpu.vector_load %arg9[%swap3A_922, %swap3A_923] {strides = array<i32>} : memref<800x32xf32, #tpu.memory_space<vmem>>, vector<1x16xf32>,
      %swap3A_925 = vector.shape_cast %swap3A_924 : vector<1x16xf32> to vector<16xf32>
      %swap3A_926 = vector.shape_cast %add3A_921 : vector<16xf32> to vector<1x16xf32>
      tpu.vector_store %arg9[%swap3A_922, %swap3A_923], %swap3A_926 {strides = array<i32>} : memref<800x32xf32, #tpu.memory_space<vmem>>, vector<1x16xf32>,
    }
    %scan3A_701 = arith.constant 200 : i32
    %add3A_702 = arith.constant 20800 : i32
    %add3A_703 = arith.addi %mul3A_2, %add3A_702 : i32
    %dma_start3A_704 = arith.constant 0 : i32
    %dma_start3A_705 = tpu.memref_slice %arg5[%add3A_703, %dma_start3A_704] : memref<819200x32xf32, #tpu.memory_space<hbm>> -> memref<800x32xf32, #tpu.memory_space<hbm>>
    %dma_start3A_706 = arith.constant 0 : i32
    %dma_start3A_707 = tpu.memref_slice %arg5[%add3A_703, %dma_start3A_706] : memref<819200x32xf32, #tpu.memory_space<hbm>> -> memref<800x32xf32, #tpu.memory_space<hbm>>
    tpu.enqueue_dma source(%arg9 : memref<800x32xf32, #tpu.memory_space<vmem>>) target(%dma_start3A_707 : memref<800x32xf32, #tpu.memory_space<hbm>>) target_semaphore(%arg16 : memref<!tpu.dma_semaphore, #tpu.memory_space<semaphore_mem>>)
    %dma_wait3A_708 = arith.constant 0 : i32
    %dma_wait3A_709 = tpu.memref_slice %arg5[%add3A_703, %dma_wait3A_708] : memref<819200x32xf32, #tpu.memory_space<hbm>> -> memref<800x32xf32, #tpu.memory_space<hbm>>
    %dma_wait3A_710 = arith.constant 0 : i32
    %dma_wait3A_711 = tpu.memref_slice %arg5[%add3A_703, %dma_wait3A_710] : memref<819200x32xf32, #tpu.memory_space<hbm>> -> memref<800x32xf32, #tpu.memory_space<hbm>>
    tpu.wait_dma2 semaphore(%arg16 : memref<!tpu.dma_semaphore, #tpu.memory_space<semaphore_mem>>) src(%arg9 : memref<800x32xf32, #tpu.memory_space<vmem>>) dst(%dma_wait3A_711 : memref<800x32xf32, #tpu.memory_space<hbm>>)
    %dma_start3A_712 = arith.constant 23200 : i32
    %dma_start3A_713 = tpu.memref_slice %arg6[%dma_start3A_712] : memref<25600xi32, #tpu.memory_space<vmem>> -> memref<800xi32, #tpu.memory_space<vmem>>
    %dma_start3A_714 = arith.constant 0 : i32
    %dma_start3A_715 = arith.constant 0 : i32
    %dma_start3A_716 = tpu.memref_slice %arg2[%dma_start3A_714, %dma_start3A_715] : memref<1000000x32xf32, #tpu.memory_space<hbm>> -> memref<1000000x32xf32, #tpu.memory_space<hbm>>
    tpu.enqueue_indirect_dma source(%dma_start3A_716 : memref<1000000x32xf32, #tpu.memory_space<hbm>>) target(%arg9 : memref<800x32xf32, #tpu.memory_space<vmem>>) offsets(%dma_start3A_713 : memref<800xi32, #tpu.memory_space<vmem>>) semaphore(%arg13 : memref<!tpu.dma_semaphore, #tpu.memory_space<semaphore_mem>>)
    %dma_wait3A_717 = arith.constant 21600 : i32
    %dma_wait3A_718 = tpu.memref_slice %arg6[%dma_wait3A_717] : memref<25600xi32, #tpu.memory_space<vmem>> -> memref<800xi32, #tpu.memory_space<vmem>>
    %dma_wait3A_719 = arith.constant 0 : i32
    %dma_wait3A_720 = arith.constant 0 : i32
    %dma_wait3A_721 = tpu.memref_slice %arg2[%dma_wait3A_719, %dma_wait3A_720] : memref<1000000x32xf32, #tpu.memory_space<hbm>> -> memref<1000000x32xf32, #tpu.memory_space<hbm>>
    tpu.wait_indirect_dma semaphore(%arg11 : memref<!tpu.dma_semaphore, #tpu.memory_space<semaphore_mem>>) src(%dma_wait3A_721 : memref<1000000x32xf32, #tpu.memory_space<hbm>>) dst(%arg7 : memref<800x32xf32, #tpu.memory_space<vmem>>)
    %scan3A_722 = arith.constant 0 : i32
    %scan3A_723 = arith.constant 0 : i32
    %scan3A_724 = arith.constant 200 : i32
    %scan3A_725 = arith.addi %scan3A_723, %scan3A_724 : i32
    %scan3A_726 = arith.constant 1 : i32
    scf.for %scan3A_832 = %scan3A_723 to %scan3A_725 step %scan3A_726  : i32 {
      %get3A = arith.index_cast %scan3A_832 : i32 to index
      %get3A_833 = arith.constant 0 : index
      %get3A_834 = tpu.vector_load %arg10[%get3A, %get3A_833] {strides = array<i32>} : memref<200x32xf32, #tpu.memory_space<vmem>>, vector<1x16xf32>,
      %get3A_835 = vector.shape_cast %get3A_834 : vector<1x16xf32> to vector<16xf32>
      %get3A_836 = arith.index_cast %scan3A_832 : i32 to index
      %get3A_837 = arith.constant 16 : index
      %get3A_838 = tpu.vector_load %arg10[%get3A_836, %get3A_837] {strides = array<i32>} : memref<200x32xf32, #tpu.memory_space<vmem>>, vector<1x16xf32>,
      %get3A_839 = vector.shape_cast %get3A_838 : vector<1x16xf32> to vector<16xf32>
      %add3A_840 = arith.constant 0 : i32
      %add3A_841 = arith.addi %add3A_840, %scan3A_832 : i32
      %get3A_842 = arith.index_cast %add3A_841 : i32 to index
      %get3A_843 = arith.constant 0 : index
      %get3A_844 = tpu.vector_load %arg7[%get3A_842, %get3A_843] {strides = array<i32>} : memref<800x32xf32, #tpu.memory_space<vmem>>, vector<1x16xf32>,
      %get3A_845 = vector.shape_cast %get3A_844 : vector<1x16xf32> to vector<16xf32>
      %add3A_846 = arith.addf %get3A_845, %get3A_835 : vector<16xf32>
      %swap3A = arith.index_cast %add3A_841 : i32 to index
      %swap3A_847 = arith.constant 0 : index
      %swap3A_848 = tpu.vector_load %arg7[%swap3A, %swap3A_847] {strides = array<i32>} : memref<800x32xf32, #tpu.memory_space<vmem>>, vector<1x16xf32>,
      %swap3A_849 = vector.shape_cast %swap3A_848 : vector<1x16xf32> to vector<16xf32>
      %swap3A_850 = vector.shape_cast %add3A_846 : vector<16xf32> to vector<1x16xf32>
      tpu.vector_store %arg7[%swap3A, %swap3A_847], %swap3A_850 {strides = array<i32>} : memref<800x32xf32, #tpu.memory_space<vmem>>, vector<1x16xf32>,
      %get3A_851 = arith.index_cast %add3A_841 : i32 to index
      %get3A_852 = arith.constant 16 : index
      %get3A_853 = tpu.vector_load %arg7[%get3A_851, %get3A_852] {strides = array<i32>} : memref<800x32xf32, #tpu.memory_space<vmem>>, vector<1x16xf32>,
      %get3A_854 = vector.shape_cast %get3A_853 : vector<1x16xf32> to vector<16xf32>
      %add3A_855 = arith.addf %get3A_854, %get3A_839 : vector<16xf32>
      %swap3A_856 = arith.index_cast %add3A_841 : i32 to index
      %swap3A_857 = arith.constant 16 : index
      %swap3A_858 = tpu.vector_load %arg7[%swap3A_856, %swap3A_857] {strides = array<i32>} : memref<800x32xf32, #tpu.memory_space<vmem>>, vector<1x16xf32>,
      %swap3A_859 = vector.shape_cast %swap3A_858 : vector<1x16xf32> to vector<16xf32>
      %swap3A_860 = vector.shape_cast %add3A_855 : vector<16xf32> to vector<1x16xf32>
      tpu.vector_store %arg7[%swap3A_856, %swap3A_857], %swap3A_860 {strides = array<i32>} : memref<800x32xf32, #tpu.memory_space<vmem>>, vector<1x16xf32>,
      %add3A_861 = arith.constant 200 : i32
      %add3A_862 = arith.addi %add3A_861, %scan3A_832 : i32
      %get3A_863 = arith.index_cast %add3A_862 : i32 to index
      %get3A_864 = arith.constant 0 : index
      %get3A_865 = tpu.vector_load %arg7[%get3A_863, %get3A_864] {strides = array<i32>} : memref<800x32xf32, #tpu.memory_space<vmem>>, vector<1x16xf32>,
      %get3A_866 = vector.shape_cast %get3A_865 : vector<1x16xf32> to vector<16xf32>
      %add3A_867 = arith.addf %get3A_866, %get3A_835 : vector<16xf32>
      %swap3A_868 = arith.index_cast %add3A_862 : i32 to index
      %swap3A_869 = arith.constant 0 : index
      %swap3A_870 = tpu.vector_load %arg7[%swap3A_868, %swap3A_869] {strides = array<i32>} : memref<800x32xf32, #tpu.memory_space<vmem>>, vector<1x16xf32>,
      %swap3A_871 = vector.shape_cast %swap3A_870 : vector<1x16xf32> to vector<16xf32>
      %swap3A_872 = vector.shape_cast %add3A_867 : vector<16xf32> to vector<1x16xf32>
      tpu.vector_store %arg7[%swap3A_868, %swap3A_869], %swap3A_872 {strides = array<i32>} : memref<800x32xf32, #tpu.memory_space<vmem>>, vector<1x16xf32>,
      %get3A_873 = arith.index_cast %add3A_862 : i32 to index
      %get3A_874 = arith.constant 16 : index
      %get3A_875 = tpu.vector_load %arg7[%get3A_873, %get3A_874] {strides = array<i32>} : memref<800x32xf32, #tpu.memory_space<vmem>>, vector<1x16xf32>,
      %get3A_876 = vector.shape_cast %get3A_875 : vector<1x16xf32> to vector<16xf32>
      %add3A_877 = arith.addf %get3A_876, %get3A_839 : vector<16xf32>
      %swap3A_878 = arith.index_cast %add3A_862 : i32 to index
      %swap3A_879 = arith.constant 16 : index
      %swap3A_880 = tpu.vector_load %arg7[%swap3A_878, %swap3A_879] {strides = array<i32>} : memref<800x32xf32, #tpu.memory_space<vmem>>, vector<1x16xf32>,
      %swap3A_881 = vector.shape_cast %swap3A_880 : vector<1x16xf32> to vector<16xf32>
      %swap3A_882 = vector.shape_cast %add3A_877 : vector<16xf32> to vector<1x16xf32>
      tpu.vector_store %arg7[%swap3A_878, %swap3A_879], %swap3A_882 {strides = array<i32>} : memref<800x32xf32, #tpu.memory_space<vmem>>, vector<1x16xf32>,
      %add3A_883 = arith.constant 400 : i32
      %add3A_884 = arith.addi %add3A_883, %scan3A_832 : i32
      %get3A_885 = arith.index_cast %add3A_884 : i32 to index
      %get3A_886 = arith.constant 0 : index
      %get3A_887 = tpu.vector_load %arg7[%get3A_885, %get3A_886] {strides = array<i32>} : memref<800x32xf32, #tpu.memory_space<vmem>>, vector<1x16xf32>,
      %get3A_888 = vector.shape_cast %get3A_887 : vector<1x16xf32> to vector<16xf32>
      %add3A_889 = arith.addf %get3A_888, %get3A_835 : vector<16xf32>
      %swap3A_890 = arith.index_cast %add3A_884 : i32 to index
      %swap3A_891 = arith.constant 0 : index
      %swap3A_892 = tpu.vector_load %arg7[%swap3A_890, %swap3A_891] {strides = array<i32>} : memref<800x32xf32, #tpu.memory_space<vmem>>, vector<1x16xf32>,
      %swap3A_893 = vector.shape_cast %swap3A_892 : vector<1x16xf32> to vector<16xf32>
      %swap3A_894 = vector.shape_cast %add3A_889 : vector<16xf32> to vector<1x16xf32>
      tpu.vector_store %arg7[%swap3A_890, %swap3A_891], %swap3A_894 {strides = array<i32>} : memref<800x32xf32, #tpu.memory_space<vmem>>, vector<1x16xf32>,
      %get3A_895 = arith.index_cast %add3A_884 : i32 to index
      %get3A_896 = arith.constant 16 : index
      %get3A_897 = tpu.vector_load %arg7[%get3A_895, %get3A_896] {strides = array<i32>} : memref<800x32xf32, #tpu.memory_space<vmem>>, vector<1x16xf32>,
      %get3A_898 = vector.shape_cast %get3A_897 : vector<1x16xf32> to vector<16xf32>
      %add3A_899 = arith.addf %get3A_898, %get3A_839 : vector<16xf32>
      %swap3A_900 = arith.index_cast %add3A_884 : i32 to index
      %swap3A_901 = arith.constant 16 : index
      %swap3A_902 = tpu.vector_load %arg7[%swap3A_900, %swap3A_901] {strides = array<i32>} : memref<800x32xf32, #tpu.memory_space<vmem>>, vector<1x16xf32>,
      %swap3A_903 = vector.shape_cast %swap3A_902 : vector<1x16xf32> to vector<16xf32>
      %swap3A_904 = vector.shape_cast %add3A_899 : vector<16xf32> to vector<1x16xf32>
      tpu.vector_store %arg7[%swap3A_900, %swap3A_901], %swap3A_904 {strides = array<i32>} : memref<800x32xf32, #tpu.memory_space<vmem>>, vector<1x16xf32>,
      %add3A_905 = arith.constant 600 : i32
      %add3A_906 = arith.addi %add3A_905, %scan3A_832 : i32
      %get3A_907 = arith.index_cast %add3A_906 : i32 to index
      %get3A_908 = arith.constant 0 : index
      %get3A_909 = tpu.vector_load %arg7[%get3A_907, %get3A_908] {strides = array<i32>} : memref<800x32xf32, #tpu.memory_space<vmem>>, vector<1x16xf32>,
      %get3A_910 = vector.shape_cast %get3A_909 : vector<1x16xf32> to vector<16xf32>
      %add3A_911 = arith.addf %get3A_910, %get3A_835 : vector<16xf32>
      %swap3A_912 = arith.index_cast %add3A_906 : i32 to index
      %swap3A_913 = arith.constant 0 : index
      %swap3A_914 = tpu.vector_load %arg7[%swap3A_912, %swap3A_913] {strides = array<i32>} : memref<800x32xf32, #tpu.memory_space<vmem>>, vector<1x16xf32>,
      %swap3A_915 = vector.shape_cast %swap3A_914 : vector<1x16xf32> to vector<16xf32>
      %swap3A_916 = vector.shape_cast %add3A_911 : vector<16xf32> to vector<1x16xf32>
      tpu.vector_store %arg7[%swap3A_912, %swap3A_913], %swap3A_916 {strides = array<i32>} : memref<800x32xf32, #tpu.memory_space<vmem>>, vector<1x16xf32>,
      %get3A_917 = arith.index_cast %add3A_906 : i32 to index
      %get3A_918 = arith.constant 16 : index
      %get3A_919 = tpu.vector_load %arg7[%get3A_917, %get3A_918] {strides = array<i32>} : memref<800x32xf32, #tpu.memory_space<vmem>>, vector<1x16xf32>,
      %get3A_920 = vector.shape_cast %get3A_919 : vector<1x16xf32> to vector<16xf32>
      %add3A_921 = arith.addf %get3A_920, %get3A_839 : vector<16xf32>
      %swap3A_922 = arith.index_cast %add3A_906 : i32 to index
      %swap3A_923 = arith.constant 16 : index
      %swap3A_924 = tpu.vector_load %arg7[%swap3A_922, %swap3A_923] {strides = array<i32>} : memref<800x32xf32, #tpu.memory_space<vmem>>, vector<1x16xf32>,
      %swap3A_925 = vector.shape_cast %swap3A_924 : vector<1x16xf32> to vector<16xf32>
      %swap3A_926 = vector.shape_cast %add3A_921 : vector<16xf32> to vector<1x16xf32>
      tpu.vector_store %arg7[%swap3A_922, %swap3A_923], %swap3A_926 {strides = array<i32>} : memref<800x32xf32, #tpu.memory_space<vmem>>, vector<1x16xf32>,
    }
    %scan3A_727 = arith.constant 200 : i32
    %add3A_728 = arith.constant 21600 : i32
    %add3A_729 = arith.addi %mul3A_2, %add3A_728 : i32
    %dma_start3A_730 = arith.constant 0 : i32
    %dma_start3A_731 = tpu.memref_slice %arg5[%add3A_729, %dma_start3A_730] : memref<819200x32xf32, #tpu.memory_space<hbm>> -> memref<800x32xf32, #tpu.memory_space<hbm>>
    %dma_start3A_732 = arith.constant 0 : i32
    %dma_start3A_733 = tpu.memref_slice %arg5[%add3A_729, %dma_start3A_732] : memref<819200x32xf32, #tpu.memory_space<hbm>> -> memref<800x32xf32, #tpu.memory_space<hbm>>
    tpu.enqueue_dma source(%arg7 : memref<800x32xf32, #tpu.memory_space<vmem>>) target(%dma_start3A_733 : memref<800x32xf32, #tpu.memory_space<hbm>>) target_semaphore(%arg14 : memref<!tpu.dma_semaphore, #tpu.memory_space<semaphore_mem>>)
    %dma_wait3A_734 = arith.constant 0 : i32
    %dma_wait3A_735 = tpu.memref_slice %arg5[%add3A_729, %dma_wait3A_734] : memref<819200x32xf32, #tpu.memory_space<hbm>> -> memref<800x32xf32, #tpu.memory_space<hbm>>
    %dma_wait3A_736 = arith.constant 0 : i32
    %dma_wait3A_737 = tpu.memref_slice %arg5[%add3A_729, %dma_wait3A_736] : memref<819200x32xf32, #tpu.memory_space<hbm>> -> memref<800x32xf32, #tpu.memory_space<hbm>>
    tpu.wait_dma2 semaphore(%arg14 : memref<!tpu.dma_semaphore, #tpu.memory_space<semaphore_mem>>) src(%arg7 : memref<800x32xf32, #tpu.memory_space<vmem>>) dst(%dma_wait3A_737 : memref<800x32xf32, #tpu.memory_space<hbm>>)
    %dma_start3A_738 = arith.constant 24000 : i32
    %dma_start3A_739 = tpu.memref_slice %arg6[%dma_start3A_738] : memref<25600xi32, #tpu.memory_space<vmem>> -> memref<800xi32, #tpu.memory_space<vmem>>
    %dma_start3A_740 = arith.constant 0 : i32
    %dma_start3A_741 = arith.constant 0 : i32
    %dma_start3A_742 = tpu.memref_slice %arg2[%dma_start3A_740, %dma_start3A_741] : memref<1000000x32xf32, #tpu.memory_space<hbm>> -> memref<1000000x32xf32, #tpu.memory_space<hbm>>
    tpu.enqueue_indirect_dma source(%dma_start3A_742 : memref<1000000x32xf32, #tpu.memory_space<hbm>>) target(%arg7 : memref<800x32xf32, #tpu.memory_space<vmem>>) offsets(%dma_start3A_739 : memref<800xi32, #tpu.memory_space<vmem>>) semaphore(%arg11 : memref<!tpu.dma_semaphore, #tpu.memory_space<semaphore_mem>>)
    %dma_wait3A_743 = arith.constant 22400 : i32
    %dma_wait3A_744 = tpu.memref_slice %arg6[%dma_wait3A_743] : memref<25600xi32, #tpu.memory_space<vmem>> -> memref<800xi32, #tpu.memory_space<vmem>>
    %dma_wait3A_745 = arith.constant 0 : i32
    %dma_wait3A_746 = arith.constant 0 : i32
    %dma_wait3A_747 = tpu.memref_slice %arg2[%dma_wait3A_745, %dma_wait3A_746] : memref<1000000x32xf32, #tpu.memory_space<hbm>> -> memref<1000000x32xf32, #tpu.memory_space<hbm>>
    tpu.wait_indirect_dma semaphore(%arg12 : memref<!tpu.dma_semaphore, #tpu.memory_space<semaphore_mem>>) src(%dma_wait3A_747 : memref<1000000x32xf32, #tpu.memory_space<hbm>>) dst(%arg8 : memref<800x32xf32, #tpu.memory_space<vmem>>)
    %scan3A_748 = arith.constant 0 : i32
    %scan3A_749 = arith.constant 0 : i32
    %scan3A_750 = arith.constant 200 : i32
    %scan3A_751 = arith.addi %scan3A_749, %scan3A_750 : i32
    %scan3A_752 = arith.constant 1 : i32
    scf.for %scan3A_832 = %scan3A_749 to %scan3A_751 step %scan3A_752  : i32 {
      %get3A = arith.index_cast %scan3A_832 : i32 to index
      %get3A_833 = arith.constant 0 : index
      %get3A_834 = tpu.vector_load %arg10[%get3A, %get3A_833] {strides = array<i32>} : memref<200x32xf32, #tpu.memory_space<vmem>>, vector<1x16xf32>,
      %get3A_835 = vector.shape_cast %get3A_834 : vector<1x16xf32> to vector<16xf32>
      %get3A_836 = arith.index_cast %scan3A_832 : i32 to index
      %get3A_837 = arith.constant 16 : index
      %get3A_838 = tpu.vector_load %arg10[%get3A_836, %get3A_837] {strides = array<i32>} : memref<200x32xf32, #tpu.memory_space<vmem>>, vector<1x16xf32>,
      %get3A_839 = vector.shape_cast %get3A_838 : vector<1x16xf32> to vector<16xf32>
      %add3A_840 = arith.constant 0 : i32
      %add3A_841 = arith.addi %add3A_840, %scan3A_832 : i32
      %get3A_842 = arith.index_cast %add3A_841 : i32 to index
      %get3A_843 = arith.constant 0 : index
      %get3A_844 = tpu.vector_load %arg8[%get3A_842, %get3A_843] {strides = array<i32>} : memref<800x32xf32, #tpu.memory_space<vmem>>, vector<1x16xf32>,
      %get3A_845 = vector.shape_cast %get3A_844 : vector<1x16xf32> to vector<16xf32>
      %add3A_846 = arith.addf %get3A_845, %get3A_835 : vector<16xf32>
      %swap3A = arith.index_cast %add3A_841 : i32 to index
      %swap3A_847 = arith.constant 0 : index
      %swap3A_848 = tpu.vector_load %arg8[%swap3A, %swap3A_847] {strides = array<i32>} : memref<800x32xf32, #tpu.memory_space<vmem>>, vector<1x16xf32>,
      %swap3A_849 = vector.shape_cast %swap3A_848 : vector<1x16xf32> to vector<16xf32>
      %swap3A_850 = vector.shape_cast %add3A_846 : vector<16xf32> to vector<1x16xf32>
      tpu.vector_store %arg8[%swap3A, %swap3A_847], %swap3A_850 {strides = array<i32>} : memref<800x32xf32, #tpu.memory_space<vmem>>, vector<1x16xf32>,
      %get3A_851 = arith.index_cast %add3A_841 : i32 to index
      %get3A_852 = arith.constant 16 : index
      %get3A_853 = tpu.vector_load %arg8[%get3A_851, %get3A_852] {strides = array<i32>} : memref<800x32xf32, #tpu.memory_space<vmem>>, vector<1x16xf32>,
      %get3A_854 = vector.shape_cast %get3A_853 : vector<1x16xf32> to vector<16xf32>
      %add3A_855 = arith.addf %get3A_854, %get3A_839 : vector<16xf32>
      %swap3A_856 = arith.index_cast %add3A_841 : i32 to index
      %swap3A_857 = arith.constant 16 : index
      %swap3A_858 = tpu.vector_load %arg8[%swap3A_856, %swap3A_857] {strides = array<i32>} : memref<800x32xf32, #tpu.memory_space<vmem>>, vector<1x16xf32>,
      %swap3A_859 = vector.shape_cast %swap3A_858 : vector<1x16xf32> to vector<16xf32>
      %swap3A_860 = vector.shape_cast %add3A_855 : vector<16xf32> to vector<1x16xf32>
      tpu.vector_store %arg8[%swap3A_856, %swap3A_857], %swap3A_860 {strides = array<i32>} : memref<800x32xf32, #tpu.memory_space<vmem>>, vector<1x16xf32>,
      %add3A_861 = arith.constant 200 : i32
      %add3A_862 = arith.addi %add3A_861, %scan3A_832 : i32
      %get3A_863 = arith.index_cast %add3A_862 : i32 to index
      %get3A_864 = arith.constant 0 : index
      %get3A_865 = tpu.vector_load %arg8[%get3A_863, %get3A_864] {strides = array<i32>} : memref<800x32xf32, #tpu.memory_space<vmem>>, vector<1x16xf32>,
      %get3A_866 = vector.shape_cast %get3A_865 : vector<1x16xf32> to vector<16xf32>
      %add3A_867 = arith.addf %get3A_866, %get3A_835 : vector<16xf32>
      %swap3A_868 = arith.index_cast %add3A_862 : i32 to index
      %swap3A_869 = arith.constant 0 : index
      %swap3A_870 = tpu.vector_load %arg8[%swap3A_868, %swap3A_869] {strides = array<i32>} : memref<800x32xf32, #tpu.memory_space<vmem>>, vector<1x16xf32>,
      %swap3A_871 = vector.shape_cast %swap3A_870 : vector<1x16xf32> to vector<16xf32>
      %swap3A_872 = vector.shape_cast %add3A_867 : vector<16xf32> to vector<1x16xf32>
      tpu.vector_store %arg8[%swap3A_868, %swap3A_869], %swap3A_872 {strides = array<i32>} : memref<800x32xf32, #tpu.memory_space<vmem>>, vector<1x16xf32>,
      %get3A_873 = arith.index_cast %add3A_862 : i32 to index
      %get3A_874 = arith.constant 16 : index
      %get3A_875 = tpu.vector_load %arg8[%get3A_873, %get3A_874] {strides = array<i32>} : memref<800x32xf32, #tpu.memory_space<vmem>>, vector<1x16xf32>,
      %get3A_876 = vector.shape_cast %get3A_875 : vector<1x16xf32> to vector<16xf32>
      %add3A_877 = arith.addf %get3A_876, %get3A_839 : vector<16xf32>
      %swap3A_878 = arith.index_cast %add3A_862 : i32 to index
      %swap3A_879 = arith.constant 16 : index
      %swap3A_880 = tpu.vector_load %arg8[%swap3A_878, %swap3A_879] {strides = array<i32>} : memref<800x32xf32, #tpu.memory_space<vmem>>, vector<1x16xf32>,
      %swap3A_881 = vector.shape_cast %swap3A_880 : vector<1x16xf32> to vector<16xf32>
      %swap3A_882 = vector.shape_cast %add3A_877 : vector<16xf32> to vector<1x16xf32>
      tpu.vector_store %arg8[%swap3A_878, %swap3A_879], %swap3A_882 {strides = array<i32>} : memref<800x32xf32, #tpu.memory_space<vmem>>, vector<1x16xf32>,
      %add3A_883 = arith.constant 400 : i32
      %add3A_884 = arith.addi %add3A_883, %scan3A_832 : i32
      %get3A_885 = arith.index_cast %add3A_884 : i32 to index
      %get3A_886 = arith.constant 0 : index
      %get3A_887 = tpu.vector_load %arg8[%get3A_885, %get3A_886] {strides = array<i32>} : memref<800x32xf32, #tpu.memory_space<vmem>>, vector<1x16xf32>,
      %get3A_888 = vector.shape_cast %get3A_887 : vector<1x16xf32> to vector<16xf32>
      %add3A_889 = arith.addf %get3A_888, %get3A_835 : vector<16xf32>
      %swap3A_890 = arith.index_cast %add3A_884 : i32 to index
      %swap3A_891 = arith.constant 0 : index
      %swap3A_892 = tpu.vector_load %arg8[%swap3A_890, %swap3A_891] {strides = array<i32>} : memref<800x32xf32, #tpu.memory_space<vmem>>, vector<1x16xf32>,
      %swap3A_893 = vector.shape_cast %swap3A_892 : vector<1x16xf32> to vector<16xf32>
      %swap3A_894 = vector.shape_cast %add3A_889 : vector<16xf32> to vector<1x16xf32>
      tpu.vector_store %arg8[%swap3A_890, %swap3A_891], %swap3A_894 {strides = array<i32>} : memref<800x32xf32, #tpu.memory_space<vmem>>, vector<1x16xf32>,
      %get3A_895 = arith.index_cast %add3A_884 : i32 to index
      %get3A_896 = arith.constant 16 : index
      %get3A_897 = tpu.vector_load %arg8[%get3A_895, %get3A_896] {strides = array<i32>} : memref<800x32xf32, #tpu.memory_space<vmem>>, vector<1x16xf32>,
      %get3A_898 = vector.shape_cast %get3A_897 : vector<1x16xf32> to vector<16xf32>
      %add3A_899 = arith.addf %get3A_898, %get3A_839 : vector<16xf32>
      %swap3A_900 = arith.index_cast %add3A_884 : i32 to index
      %swap3A_901 = arith.constant 16 : index
      %swap3A_902 = tpu.vector_load %arg8[%swap3A_900, %swap3A_901] {strides = array<i32>} : memref<800x32xf32, #tpu.memory_space<vmem>>, vector<1x16xf32>,
      %swap3A_903 = vector.shape_cast %swap3A_902 : vector<1x16xf32> to vector<16xf32>
      %swap3A_904 = vector.shape_cast %add3A_899 : vector<16xf32> to vector<1x16xf32>
      tpu.vector_store %arg8[%swap3A_900, %swap3A_901], %swap3A_904 {strides = array<i32>} : memref<800x32xf32, #tpu.memory_space<vmem>>, vector<1x16xf32>,
      %add3A_905 = arith.constant 600 : i32
      %add3A_906 = arith.addi %add3A_905, %scan3A_832 : i32
      %get3A_907 = arith.index_cast %add3A_906 : i32 to index
      %get3A_908 = arith.constant 0 : index
      %get3A_909 = tpu.vector_load %arg8[%get3A_907, %get3A_908] {strides = array<i32>} : memref<800x32xf32, #tpu.memory_space<vmem>>, vector<1x16xf32>,
      %get3A_910 = vector.shape_cast %get3A_909 : vector<1x16xf32> to vector<16xf32>
      %add3A_911 = arith.addf %get3A_910, %get3A_835 : vector<16xf32>
      %swap3A_912 = arith.index_cast %add3A_906 : i32 to index
      %swap3A_913 = arith.constant 0 : index
      %swap3A_914 = tpu.vector_load %arg8[%swap3A_912, %swap3A_913] {strides = array<i32>} : memref<800x32xf32, #tpu.memory_space<vmem>>, vector<1x16xf32>,
      %swap3A_915 = vector.shape_cast %swap3A_914 : vector<1x16xf32> to vector<16xf32>
      %swap3A_916 = vector.shape_cast %add3A_911 : vector<16xf32> to vector<1x16xf32>
      tpu.vector_store %arg8[%swap3A_912, %swap3A_913], %swap3A_916 {strides = array<i32>} : memref<800x32xf32, #tpu.memory_space<vmem>>, vector<1x16xf32>,
      %get3A_917 = arith.index_cast %add3A_906 : i32 to index
      %get3A_918 = arith.constant 16 : index
      %get3A_919 = tpu.vector_load %arg8[%get3A_917, %get3A_918] {strides = array<i32>} : memref<800x32xf32, #tpu.memory_space<vmem>>, vector<1x16xf32>,
      %get3A_920 = vector.shape_cast %get3A_919 : vector<1x16xf32> to vector<16xf32>
      %add3A_921 = arith.addf %get3A_920, %get3A_839 : vector<16xf32>
      %swap3A_922 = arith.index_cast %add3A_906 : i32 to index
      %swap3A_923 = arith.constant 16 : index
      %swap3A_924 = tpu.vector_load %arg8[%swap3A_922, %swap3A_923] {strides = array<i32>} : memref<800x32xf32, #tpu.memory_space<vmem>>, vector<1x16xf32>,
      %swap3A_925 = vector.shape_cast %swap3A_924 : vector<1x16xf32> to vector<16xf32>
      %swap3A_926 = vector.shape_cast %add3A_921 : vector<16xf32> to vector<1x16xf32>
      tpu.vector_store %arg8[%swap3A_922, %swap3A_923], %swap3A_926 {strides = array<i32>} : memref<800x32xf32, #tpu.memory_space<vmem>>, vector<1x16xf32>,
    }
    %scan3A_753 = arith.constant 200 : i32
    %add3A_754 = arith.constant 22400 : i32
    %add3A_755 = arith.addi %mul3A_2, %add3A_754 : i32
    %dma_start3A_756 = arith.constant 0 : i32
    %dma_start3A_757 = tpu.memref_slice %arg5[%add3A_755, %dma_start3A_756] : memref<819200x32xf32, #tpu.memory_space<hbm>> -> memref<800x32xf32, #tpu.memory_space<hbm>>
    %dma_start3A_758 = arith.constant 0 : i32
    %dma_start3A_759 = tpu.memref_slice %arg5[%add3A_755, %dma_start3A_758] : memref<819200x32xf32, #tpu.memory_space<hbm>> -> memref<800x32xf32, #tpu.memory_space<hbm>>
    tpu.enqueue_dma source(%arg8 : memref<800x32xf32, #tpu.memory_space<vmem>>) target(%dma_start3A_759 : memref<800x32xf32, #tpu.memory_space<hbm>>) target_semaphore(%arg15 : memref<!tpu.dma_semaphore, #tpu.memory_space<semaphore_mem>>)
    %dma_wait3A_760 = arith.constant 0 : i32
    %dma_wait3A_761 = tpu.memref_slice %arg5[%add3A_755, %dma_wait3A_760] : memref<819200x32xf32, #tpu.memory_space<hbm>> -> memref<800x32xf32, #tpu.memory_space<hbm>>
    %dma_wait3A_762 = arith.constant 0 : i32
    %dma_wait3A_763 = tpu.memref_slice %arg5[%add3A_755, %dma_wait3A_762] : memref<819200x32xf32, #tpu.memory_space<hbm>> -> memref<800x32xf32, #tpu.memory_space<hbm>>
    tpu.wait_dma2 semaphore(%arg15 : memref<!tpu.dma_semaphore, #tpu.memory_space<semaphore_mem>>) src(%arg8 : memref<800x32xf32, #tpu.memory_space<vmem>>) dst(%dma_wait3A_763 : memref<800x32xf32, #tpu.memory_space<hbm>>)
    %dma_start3A_764 = arith.constant 24800 : i32
    %dma_start3A_765 = tpu.memref_slice %arg6[%dma_start3A_764] : memref<25600xi32, #tpu.memory_space<vmem>> -> memref<800xi32, #tpu.memory_space<vmem>>
    %dma_start3A_766 = arith.constant 0 : i32
    %dma_start3A_767 = arith.constant 0 : i32
    %dma_start3A_768 = tpu.memref_slice %arg2[%dma_start3A_766, %dma_start3A_767] : memref<1000000x32xf32, #tpu.memory_space<hbm>> -> memref<1000000x32xf32, #tpu.memory_space<hbm>>
    tpu.enqueue_indirect_dma source(%dma_start3A_768 : memref<1000000x32xf32, #tpu.memory_space<hbm>>) target(%arg8 : memref<800x32xf32, #tpu.memory_space<vmem>>) offsets(%dma_start3A_765 : memref<800xi32, #tpu.memory_space<vmem>>) semaphore(%arg12 : memref<!tpu.dma_semaphore, #tpu.memory_space<semaphore_mem>>)
    %dma_wait3A_769 = arith.constant 23200 : i32
    %dma_wait3A_770 = tpu.memref_slice %arg6[%dma_wait3A_769] : memref<25600xi32, #tpu.memory_space<vmem>> -> memref<800xi32, #tpu.memory_space<vmem>>
    %dma_wait3A_771 = arith.constant 0 : i32
    %dma_wait3A_772 = arith.constant 0 : i32
    %dma_wait3A_773 = tpu.memref_slice %arg2[%dma_wait3A_771, %dma_wait3A_772] : memref<1000000x32xf32, #tpu.memory_space<hbm>> -> memref<1000000x32xf32, #tpu.memory_space<hbm>>
    tpu.wait_indirect_dma semaphore(%arg13 : memref<!tpu.dma_semaphore, #tpu.memory_space<semaphore_mem>>) src(%dma_wait3A_773 : memref<1000000x32xf32, #tpu.memory_space<hbm>>) dst(%arg9 : memref<800x32xf32, #tpu.memory_space<vmem>>)
    %scan3A_774 = arith.constant 0 : i32
    %scan3A_775 = arith.constant 0 : i32
    %scan3A_776 = arith.constant 200 : i32
    %scan3A_777 = arith.addi %scan3A_775, %scan3A_776 : i32
    %scan3A_778 = arith.constant 1 : i32
    scf.for %scan3A_832 = %scan3A_775 to %scan3A_777 step %scan3A_778  : i32 {
      %get3A = arith.index_cast %scan3A_832 : i32 to index
      %get3A_833 = arith.constant 0 : index
      %get3A_834 = tpu.vector_load %arg10[%get3A, %get3A_833] {strides = array<i32>} : memref<200x32xf32, #tpu.memory_space<vmem>>, vector<1x16xf32>,
      %get3A_835 = vector.shape_cast %get3A_834 : vector<1x16xf32> to vector<16xf32>
      %get3A_836 = arith.index_cast %scan3A_832 : i32 to index
      %get3A_837 = arith.constant 16 : index
      %get3A_838 = tpu.vector_load %arg10[%get3A_836, %get3A_837] {strides = array<i32>} : memref<200x32xf32, #tpu.memory_space<vmem>>, vector<1x16xf32>,
      %get3A_839 = vector.shape_cast %get3A_838 : vector<1x16xf32> to vector<16xf32>
      %add3A_840 = arith.constant 0 : i32
      %add3A_841 = arith.addi %add3A_840, %scan3A_832 : i32
      %get3A_842 = arith.index_cast %add3A_841 : i32 to index
      %get3A_843 = arith.constant 0 : index
      %get3A_844 = tpu.vector_load %arg9[%get3A_842, %get3A_843] {strides = array<i32>} : memref<800x32xf32, #tpu.memory_space<vmem>>, vector<1x16xf32>,
      %get3A_845 = vector.shape_cast %get3A_844 : vector<1x16xf32> to vector<16xf32>
      %add3A_846 = arith.addf %get3A_845, %get3A_835 : vector<16xf32>
      %swap3A = arith.index_cast %add3A_841 : i32 to index
      %swap3A_847 = arith.constant 0 : index
      %swap3A_848 = tpu.vector_load %arg9[%swap3A, %swap3A_847] {strides = array<i32>} : memref<800x32xf32, #tpu.memory_space<vmem>>, vector<1x16xf32>,
      %swap3A_849 = vector.shape_cast %swap3A_848 : vector<1x16xf32> to vector<16xf32>
      %swap3A_850 = vector.shape_cast %add3A_846 : vector<16xf32> to vector<1x16xf32>
      tpu.vector_store %arg9[%swap3A, %swap3A_847], %swap3A_850 {strides = array<i32>} : memref<800x32xf32, #tpu.memory_space<vmem>>, vector<1x16xf32>,
      %get3A_851 = arith.index_cast %add3A_841 : i32 to index
      %get3A_852 = arith.constant 16 : index
      %get3A_853 = tpu.vector_load %arg9[%get3A_851, %get3A_852] {strides = array<i32>} : memref<800x32xf32, #tpu.memory_space<vmem>>, vector<1x16xf32>,
      %get3A_854 = vector.shape_cast %get3A_853 : vector<1x16xf32> to vector<16xf32>
      %add3A_855 = arith.addf %get3A_854, %get3A_839 : vector<16xf32>
      %swap3A_856 = arith.index_cast %add3A_841 : i32 to index
      %swap3A_857 = arith.constant 16 : index
      %swap3A_858 = tpu.vector_load %arg9[%swap3A_856, %swap3A_857] {strides = array<i32>} : memref<800x32xf32, #tpu.memory_space<vmem>>, vector<1x16xf32>,
      %swap3A_859 = vector.shape_cast %swap3A_858 : vector<1x16xf32> to vector<16xf32>
      %swap3A_860 = vector.shape_cast %add3A_855 : vector<16xf32> to vector<1x16xf32>
      tpu.vector_store %arg9[%swap3A_856, %swap3A_857], %swap3A_860 {strides = array<i32>} : memref<800x32xf32, #tpu.memory_space<vmem>>, vector<1x16xf32>,
      %add3A_861 = arith.constant 200 : i32
      %add3A_862 = arith.addi %add3A_861, %scan3A_832 : i32
      %get3A_863 = arith.index_cast %add3A_862 : i32 to index
      %get3A_864 = arith.constant 0 : index
      %get3A_865 = tpu.vector_load %arg9[%get3A_863, %get3A_864] {strides = array<i32>} : memref<800x32xf32, #tpu.memory_space<vmem>>, vector<1x16xf32>,
      %get3A_866 = vector.shape_cast %get3A_865 : vector<1x16xf32> to vector<16xf32>
      %add3A_867 = arith.addf %get3A_866, %get3A_835 : vector<16xf32>
      %swap3A_868 = arith.index_cast %add3A_862 : i32 to index
      %swap3A_869 = arith.constant 0 : index
      %swap3A_870 = tpu.vector_load %arg9[%swap3A_868, %swap3A_869] {strides = array<i32>} : memref<800x32xf32, #tpu.memory_space<vmem>>, vector<1x16xf32>,
      %swap3A_871 = vector.shape_cast %swap3A_870 : vector<1x16xf32> to vector<16xf32>
      %swap3A_872 = vector.shape_cast %add3A_867 : vector<16xf32> to vector<1x16xf32>
      tpu.vector_store %arg9[%swap3A_868, %swap3A_869], %swap3A_872 {strides = array<i32>} : memref<800x32xf32, #tpu.memory_space<vmem>>, vector<1x16xf32>,
      %get3A_873 = arith.index_cast %add3A_862 : i32 to index
      %get3A_874 = arith.constant 16 : index
      %get3A_875 = tpu.vector_load %arg9[%get3A_873, %get3A_874] {strides = array<i32>} : memref<800x32xf32, #tpu.memory_space<vmem>>, vector<1x16xf32>,
      %get3A_876 = vector.shape_cast %get3A_875 : vector<1x16xf32> to vector<16xf32>
      %add3A_877 = arith.addf %get3A_876, %get3A_839 : vector<16xf32>
      %swap3A_878 = arith.index_cast %add3A_862 : i32 to index
      %swap3A_879 = arith.constant 16 : index
      %swap3A_880 = tpu.vector_load %arg9[%swap3A_878, %swap3A_879] {strides = array<i32>} : memref<800x32xf32, #tpu.memory_space<vmem>>, vector<1x16xf32>,
      %swap3A_881 = vector.shape_cast %swap3A_880 : vector<1x16xf32> to vector<16xf32>
      %swap3A_882 = vector.shape_cast %add3A_877 : vector<16xf32> to vector<1x16xf32>
      tpu.vector_store %arg9[%swap3A_878, %swap3A_879], %swap3A_882 {strides = array<i32>} : memref<800x32xf32, #tpu.memory_space<vmem>>, vector<1x16xf32>,
      %add3A_883 = arith.constant 400 : i32
      %add3A_884 = arith.addi %add3A_883, %scan3A_832 : i32
      %get3A_885 = arith.index_cast %add3A_884 : i32 to index
      %get3A_886 = arith.constant 0 : index
      %get3A_887 = tpu.vector_load %arg9[%get3A_885, %get3A_886] {strides = array<i32>} : memref<800x32xf32, #tpu.memory_space<vmem>>, vector<1x16xf32>,
      %get3A_888 = vector.shape_cast %get3A_887 : vector<1x16xf32> to vector<16xf32>
      %add3A_889 = arith.addf %get3A_888, %get3A_835 : vector<16xf32>
      %swap3A_890 = arith.index_cast %add3A_884 : i32 to index
      %swap3A_891 = arith.constant 0 : index
      %swap3A_892 = tpu.vector_load %arg9[%swap3A_890, %swap3A_891] {strides = array<i32>} : memref<800x32xf32, #tpu.memory_space<vmem>>, vector<1x16xf32>,
      %swap3A_893 = vector.shape_cast %swap3A_892 : vector<1x16xf32> to vector<16xf32>
      %swap3A_894 = vector.shape_cast %add3A_889 : vector<16xf32> to vector<1x16xf32>
      tpu.vector_store %arg9[%swap3A_890, %swap3A_891], %swap3A_894 {strides = array<i32>} : memref<800x32xf32, #tpu.memory_space<vmem>>, vector<1x16xf32>,
      %get3A_895 = arith.index_cast %add3A_884 : i32 to index
      %get3A_896 = arith.constant 16 : index
      %get3A_897 = tpu.vector_load %arg9[%get3A_895, %get3A_896] {strides = array<i32>} : memref<800x32xf32, #tpu.memory_space<vmem>>, vector<1x16xf32>,
      %get3A_898 = vector.shape_cast %get3A_897 : vector<1x16xf32> to vector<16xf32>
      %add3A_899 = arith.addf %get3A_898, %get3A_839 : vector<16xf32>
      %swap3A_900 = arith.index_cast %add3A_884 : i32 to index
      %swap3A_901 = arith.constant 16 : index
      %swap3A_902 = tpu.vector_load %arg9[%swap3A_900, %swap3A_901] {strides = array<i32>} : memref<800x32xf32, #tpu.memory_space<vmem>>, vector<1x16xf32>,
      %swap3A_903 = vector.shape_cast %swap3A_902 : vector<1x16xf32> to vector<16xf32>
      %swap3A_904 = vector.shape_cast %add3A_899 : vector<16xf32> to vector<1x16xf32>
      tpu.vector_store %arg9[%swap3A_900, %swap3A_901], %swap3A_904 {strides = array<i32>} : memref<800x32xf32, #tpu.memory_space<vmem>>, vector<1x16xf32>,
      %add3A_905 = arith.constant 600 : i32
      %add3A_906 = arith.addi %add3A_905, %scan3A_832 : i32
      %get3A_907 = arith.index_cast %add3A_906 : i32 to index
      %get3A_908 = arith.constant 0 : index
      %get3A_909 = tpu.vector_load %arg9[%get3A_907, %get3A_908] {strides = array<i32>} : memref<800x32xf32, #tpu.memory_space<vmem>>, vector<1x16xf32>,
      %get3A_910 = vector.shape_cast %get3A_909 : vector<1x16xf32> to vector<16xf32>
      %add3A_911 = arith.addf %get3A_910, %get3A_835 : vector<16xf32>
      %swap3A_912 = arith.index_cast %add3A_906 : i32 to index
      %swap3A_913 = arith.constant 0 : index
      %swap3A_914 = tpu.vector_load %arg9[%swap3A_912, %swap3A_913] {strides = array<i32>} : memref<800x32xf32, #tpu.memory_space<vmem>>, vector<1x16xf32>,
      %swap3A_915 = vector.shape_cast %swap3A_914 : vector<1x16xf32> to vector<16xf32>
      %swap3A_916 = vector.shape_cast %add3A_911 : vector<16xf32> to vector<1x16xf32>
      tpu.vector_store %arg9[%swap3A_912, %swap3A_913], %swap3A_916 {strides = array<i32>} : memref<800x32xf32, #tpu.memory_space<vmem>>, vector<1x16xf32>,
      %get3A_917 = arith.index_cast %add3A_906 : i32 to index
      %get3A_918 = arith.constant 16 : index
      %get3A_919 = tpu.vector_load %arg9[%get3A_917, %get3A_918] {strides = array<i32>} : memref<800x32xf32, #tpu.memory_space<vmem>>, vector<1x16xf32>,
      %get3A_920 = vector.shape_cast %get3A_919 : vector<1x16xf32> to vector<16xf32>
      %add3A_921 = arith.addf %get3A_920, %get3A_839 : vector<16xf32>
      %swap3A_922 = arith.index_cast %add3A_906 : i32 to index
      %swap3A_923 = arith.constant 16 : index
      %swap3A_924 = tpu.vector_load %arg9[%swap3A_922, %swap3A_923] {strides = array<i32>} : memref<800x32xf32, #tpu.memory_space<vmem>>, vector<1x16xf32>,
      %swap3A_925 = vector.shape_cast %swap3A_924 : vector<1x16xf32> to vector<16xf32>
      %swap3A_926 = vector.shape_cast %add3A_921 : vector<16xf32> to vector<1x16xf32>
      tpu.vector_store %arg9[%swap3A_922, %swap3A_923], %swap3A_926 {strides = array<i32>} : memref<800x32xf32, #tpu.memory_space<vmem>>, vector<1x16xf32>,
    }
    %scan3A_779 = arith.constant 200 : i32
    %add3A_780 = arith.constant 23200 : i32
    %add3A_781 = arith.addi %mul3A_2, %add3A_780 : i32
    %dma_start3A_782 = arith.constant 0 : i32
    %dma_start3A_783 = tpu.memref_slice %arg5[%add3A_781, %dma_start3A_782] : memref<819200x32xf32, #tpu.memory_space<hbm>> -> memref<800x32xf32, #tpu.memory_space<hbm>>
    %dma_start3A_784 = arith.constant 0 : i32
    %dma_start3A_785 = tpu.memref_slice %arg5[%add3A_781, %dma_start3A_784] : memref<819200x32xf32, #tpu.memory_space<hbm>> -> memref<800x32xf32, #tpu.memory_space<hbm>>
    tpu.enqueue_dma source(%arg9 : memref<800x32xf32, #tpu.memory_space<vmem>>) target(%dma_start3A_785 : memref<800x32xf32, #tpu.memory_space<hbm>>) target_semaphore(%arg16 : memref<!tpu.dma_semaphore, #tpu.memory_space<semaphore_mem>>)
    %dma_wait3A_786 = arith.constant 24000 : i32
    %dma_wait3A_787 = tpu.memref_slice %arg6[%dma_wait3A_786] : memref<25600xi32, #tpu.memory_space<vmem>> -> memref<800xi32, #tpu.memory_space<vmem>>
    %dma_wait3A_788 = arith.constant 0 : i32
    %dma_wait3A_789 = arith.constant 0 : i32
    %dma_wait3A_790 = tpu.memref_slice %arg2[%dma_wait3A_788, %dma_wait3A_789] : memref<1000000x32xf32, #tpu.memory_space<hbm>> -> memref<1000000x32xf32, #tpu.memory_space<hbm>>
    tpu.wait_indirect_dma semaphore(%arg11 : memref<!tpu.dma_semaphore, #tpu.memory_space<semaphore_mem>>) src(%dma_wait3A_790 : memref<1000000x32xf32, #tpu.memory_space<hbm>>) dst(%arg7 : memref<800x32xf32, #tpu.memory_space<vmem>>)
    %scan3A_791 = arith.constant 0 : i32
    %scan3A_792 = arith.constant 0 : i32
    %scan3A_793 = arith.constant 200 : i32
    %scan3A_794 = arith.addi %scan3A_792, %scan3A_793 : i32
    %scan3A_795 = arith.constant 1 : i32
    scf.for %scan3A_832 = %scan3A_792 to %scan3A_794 step %scan3A_795  : i32 {
      %get3A = arith.index_cast %scan3A_832 : i32 to index
      %get3A_833 = arith.constant 0 : index
      %get3A_834 = tpu.vector_load %arg10[%get3A, %get3A_833] {strides = array<i32>} : memref<200x32xf32, #tpu.memory_space<vmem>>, vector<1x16xf32>,
      %get3A_835 = vector.shape_cast %get3A_834 : vector<1x16xf32> to vector<16xf32>
      %get3A_836 = arith.index_cast %scan3A_832 : i32 to index
      %get3A_837 = arith.constant 16 : index
      %get3A_838 = tpu.vector_load %arg10[%get3A_836, %get3A_837] {strides = array<i32>} : memref<200x32xf32, #tpu.memory_space<vmem>>, vector<1x16xf32>,
      %get3A_839 = vector.shape_cast %get3A_838 : vector<1x16xf32> to vector<16xf32>
      %add3A_840 = arith.constant 0 : i32
      %add3A_841 = arith.addi %add3A_840, %scan3A_832 : i32
      %get3A_842 = arith.index_cast %add3A_841 : i32 to index
      %get3A_843 = arith.constant 0 : index
      %get3A_844 = tpu.vector_load %arg7[%get3A_842, %get3A_843] {strides = array<i32>} : memref<800x32xf32, #tpu.memory_space<vmem>>, vector<1x16xf32>,
      %get3A_845 = vector.shape_cast %get3A_844 : vector<1x16xf32> to vector<16xf32>
      %add3A_846 = arith.addf %get3A_845, %get3A_835 : vector<16xf32>
      %swap3A = arith.index_cast %add3A_841 : i32 to index
      %swap3A_847 = arith.constant 0 : index
      %swap3A_848 = tpu.vector_load %arg7[%swap3A, %swap3A_847] {strides = array<i32>} : memref<800x32xf32, #tpu.memory_space<vmem>>, vector<1x16xf32>,
      %swap3A_849 = vector.shape_cast %swap3A_848 : vector<1x16xf32> to vector<16xf32>
      %swap3A_850 = vector.shape_cast %add3A_846 : vector<16xf32> to vector<1x16xf32>
      tpu.vector_store %arg7[%swap3A, %swap3A_847], %swap3A_850 {strides = array<i32>} : memref<800x32xf32, #tpu.memory_space<vmem>>, vector<1x16xf32>,
      %get3A_851 = arith.index_cast %add3A_841 : i32 to index
      %get3A_852 = arith.constant 16 : index
      %get3A_853 = tpu.vector_load %arg7[%get3A_851, %get3A_852] {strides = array<i32>} : memref<800x32xf32, #tpu.memory_space<vmem>>, vector<1x16xf32>,
      %get3A_854 = vector.shape_cast %get3A_853 : vector<1x16xf32> to vector<16xf32>
      %add3A_855 = arith.addf %get3A_854, %get3A_839 : vector<16xf32>
      %swap3A_856 = arith.index_cast %add3A_841 : i32 to index
      %swap3A_857 = arith.constant 16 : index
      %swap3A_858 = tpu.vector_load %arg7[%swap3A_856, %swap3A_857] {strides = array<i32>} : memref<800x32xf32, #tpu.memory_space<vmem>>, vector<1x16xf32>,
      %swap3A_859 = vector.shape_cast %swap3A_858 : vector<1x16xf32> to vector<16xf32>
      %swap3A_860 = vector.shape_cast %add3A_855 : vector<16xf32> to vector<1x16xf32>
      tpu.vector_store %arg7[%swap3A_856, %swap3A_857], %swap3A_860 {strides = array<i32>} : memref<800x32xf32, #tpu.memory_space<vmem>>, vector<1x16xf32>,
      %add3A_861 = arith.constant 200 : i32
      %add3A_862 = arith.addi %add3A_861, %scan3A_832 : i32
      %get3A_863 = arith.index_cast %add3A_862 : i32 to index
      %get3A_864 = arith.constant 0 : index
      %get3A_865 = tpu.vector_load %arg7[%get3A_863, %get3A_864] {strides = array<i32>} : memref<800x32xf32, #tpu.memory_space<vmem>>, vector<1x16xf32>,
      %get3A_866 = vector.shape_cast %get3A_865 : vector<1x16xf32> to vector<16xf32>
      %add3A_867 = arith.addf %get3A_866, %get3A_835 : vector<16xf32>
      %swap3A_868 = arith.index_cast %add3A_862 : i32 to index
      %swap3A_869 = arith.constant 0 : index
      %swap3A_870 = tpu.vector_load %arg7[%swap3A_868, %swap3A_869] {strides = array<i32>} : memref<800x32xf32, #tpu.memory_space<vmem>>, vector<1x16xf32>,
      %swap3A_871 = vector.shape_cast %swap3A_870 : vector<1x16xf32> to vector<16xf32>
      %swap3A_872 = vector.shape_cast %add3A_867 : vector<16xf32> to vector<1x16xf32>
      tpu.vector_store %arg7[%swap3A_868, %swap3A_869], %swap3A_872 {strides = array<i32>} : memref<800x32xf32, #tpu.memory_space<vmem>>, vector<1x16xf32>,
      %get3A_873 = arith.index_cast %add3A_862 : i32 to index
      %get3A_874 = arith.constant 16 : index
      %get3A_875 = tpu.vector_load %arg7[%get3A_873, %get3A_874] {strides = array<i32>} : memref<800x32xf32, #tpu.memory_space<vmem>>, vector<1x16xf32>,
      %get3A_876 = vector.shape_cast %get3A_875 : vector<1x16xf32> to vector<16xf32>
      %add3A_877 = arith.addf %get3A_876, %get3A_839 : vector<16xf32>
      %swap3A_878 = arith.index_cast %add3A_862 : i32 to index
      %swap3A_879 = arith.constant 16 : index
      %swap3A_880 = tpu.vector_load %arg7[%swap3A_878, %swap3A_879] {strides = array<i32>} : memref<800x32xf32, #tpu.memory_space<vmem>>, vector<1x16xf32>,
      %swap3A_881 = vector.shape_cast %swap3A_880 : vector<1x16xf32> to vector<16xf32>
      %swap3A_882 = vector.shape_cast %add3A_877 : vector<16xf32> to vector<1x16xf32>
      tpu.vector_store %arg7[%swap3A_878, %swap3A_879], %swap3A_882 {strides = array<i32>} : memref<800x32xf32, #tpu.memory_space<vmem>>, vector<1x16xf32>,
      %add3A_883 = arith.constant 400 : i32
      %add3A_884 = arith.addi %add3A_883, %scan3A_832 : i32
      %get3A_885 = arith.index_cast %add3A_884 : i32 to index
      %get3A_886 = arith.constant 0 : index
      %get3A_887 = tpu.vector_load %arg7[%get3A_885, %get3A_886] {strides = array<i32>} : memref<800x32xf32, #tpu.memory_space<vmem>>, vector<1x16xf32>,
      %get3A_888 = vector.shape_cast %get3A_887 : vector<1x16xf32> to vector<16xf32>
      %add3A_889 = arith.addf %get3A_888, %get3A_835 : vector<16xf32>
      %swap3A_890 = arith.index_cast %add3A_884 : i32 to index
      %swap3A_891 = arith.constant 0 : index
      %swap3A_892 = tpu.vector_load %arg7[%swap3A_890, %swap3A_891] {strides = array<i32>} : memref<800x32xf32, #tpu.memory_space<vmem>>, vector<1x16xf32>,
      %swap3A_893 = vector.shape_cast %swap3A_892 : vector<1x16xf32> to vector<16xf32>
      %swap3A_894 = vector.shape_cast %add3A_889 : vector<16xf32> to vector<1x16xf32>
      tpu.vector_store %arg7[%swap3A_890, %swap3A_891], %swap3A_894 {strides = array<i32>} : memref<800x32xf32, #tpu.memory_space<vmem>>, vector<1x16xf32>,
      %get3A_895 = arith.index_cast %add3A_884 : i32 to index
      %get3A_896 = arith.constant 16 : index
      %get3A_897 = tpu.vector_load %arg7[%get3A_895, %get3A_896] {strides = array<i32>} : memref<800x32xf32, #tpu.memory_space<vmem>>, vector<1x16xf32>,
      %get3A_898 = vector.shape_cast %get3A_897 : vector<1x16xf32> to vector<16xf32>
      %add3A_899 = arith.addf %get3A_898, %get3A_839 : vector<16xf32>
      %swap3A_900 = arith.index_cast %add3A_884 : i32 to index
      %swap3A_901 = arith.constant 16 : index
      %swap3A_902 = tpu.vector_load %arg7[%swap3A_900, %swap3A_901] {strides = array<i32>} : memref<800x32xf32, #tpu.memory_space<vmem>>, vector<1x16xf32>,
      %swap3A_903 = vector.shape_cast %swap3A_902 : vector<1x16xf32> to vector<16xf32>
      %swap3A_904 = vector.shape_cast %add3A_899 : vector<16xf32> to vector<1x16xf32>
      tpu.vector_store %arg7[%swap3A_900, %swap3A_901], %swap3A_904 {strides = array<i32>} : memref<800x32xf32, #tpu.memory_space<vmem>>, vector<1x16xf32>,
      %add3A_905 = arith.constant 600 : i32
      %add3A_906 = arith.addi %add3A_905, %scan3A_832 : i32
      %get3A_907 = arith.index_cast %add3A_906 : i32 to index
      %get3A_908 = arith.constant 0 : index
      %get3A_909 = tpu.vector_load %arg7[%get3A_907, %get3A_908] {strides = array<i32>} : memref<800x32xf32, #tpu.memory_space<vmem>>, vector<1x16xf32>,
      %get3A_910 = vector.shape_cast %get3A_909 : vector<1x16xf32> to vector<16xf32>
      %add3A_911 = arith.addf %get3A_910, %get3A_835 : vector<16xf32>
      %swap3A_912 = arith.index_cast %add3A_906 : i32 to index
      %swap3A_913 = arith.constant 0 : index
      %swap3A_914 = tpu.vector_load %arg7[%swap3A_912, %swap3A_913] {strides = array<i32>} : memref<800x32xf32, #tpu.memory_space<vmem>>, vector<1x16xf32>,
      %swap3A_915 = vector.shape_cast %swap3A_914 : vector<1x16xf32> to vector<16xf32>
      %swap3A_916 = vector.shape_cast %add3A_911 : vector<16xf32> to vector<1x16xf32>
      tpu.vector_store %arg7[%swap3A_912, %swap3A_913], %swap3A_916 {strides = array<i32>} : memref<800x32xf32, #tpu.memory_space<vmem>>, vector<1x16xf32>,
      %get3A_917 = arith.index_cast %add3A_906 : i32 to index
      %get3A_918 = arith.constant 16 : index
      %get3A_919 = tpu.vector_load %arg7[%get3A_917, %get3A_918] {strides = array<i32>} : memref<800x32xf32, #tpu.memory_space<vmem>>, vector<1x16xf32>,
      %get3A_920 = vector.shape_cast %get3A_919 : vector<1x16xf32> to vector<16xf32>
      %add3A_921 = arith.addf %get3A_920, %get3A_839 : vector<16xf32>
      %swap3A_922 = arith.index_cast %add3A_906 : i32 to index
      %swap3A_923 = arith.constant 16 : index
      %swap3A_924 = tpu.vector_load %arg7[%swap3A_922, %swap3A_923] {strides = array<i32>} : memref<800x32xf32, #tpu.memory_space<vmem>>, vector<1x16xf32>,
      %swap3A_925 = vector.shape_cast %swap3A_924 : vector<1x16xf32> to vector<16xf32>
      %swap3A_926 = vector.shape_cast %add3A_921 : vector<16xf32> to vector<1x16xf32>
      tpu.vector_store %arg7[%swap3A_922, %swap3A_923], %swap3A_926 {strides = array<i32>} : memref<800x32xf32, #tpu.memory_space<vmem>>, vector<1x16xf32>,
    }
    %scan3A_796 = arith.constant 200 : i32
    %add3A_797 = arith.constant 24000 : i32
    %add3A_798 = arith.addi %mul3A_2, %add3A_797 : i32
    %dma_start3A_799 = arith.constant 0 : i32
    %dma_start3A_800 = tpu.memref_slice %arg5[%add3A_798, %dma_start3A_799] : memref<819200x32xf32, #tpu.memory_space<hbm>> -> memref<800x32xf32, #tpu.memory_space<hbm>>
    %dma_start3A_801 = arith.constant 0 : i32
    %dma_start3A_802 = tpu.memref_slice %arg5[%add3A_798, %dma_start3A_801] : memref<819200x32xf32, #tpu.memory_space<hbm>> -> memref<800x32xf32, #tpu.memory_space<hbm>>
    tpu.enqueue_dma source(%arg7 : memref<800x32xf32, #tpu.memory_space<vmem>>) target(%dma_start3A_802 : memref<800x32xf32, #tpu.memory_space<hbm>>) target_semaphore(%arg14 : memref<!tpu.dma_semaphore, #tpu.memory_space<semaphore_mem>>)
    %dma_wait3A_803 = arith.constant 24800 : i32
    %dma_wait3A_804 = tpu.memref_slice %arg6[%dma_wait3A_803] : memref<25600xi32, #tpu.memory_space<vmem>> -> memref<800xi32, #tpu.memory_space<vmem>>
    %dma_wait3A_805 = arith.constant 0 : i32
    %dma_wait3A_806 = arith.constant 0 : i32
    %dma_wait3A_807 = tpu.memref_slice %arg2[%dma_wait3A_805, %dma_wait3A_806] : memref<1000000x32xf32, #tpu.memory_space<hbm>> -> memref<1000000x32xf32, #tpu.memory_space<hbm>>
    tpu.wait_indirect_dma semaphore(%arg12 : memref<!tpu.dma_semaphore, #tpu.memory_space<semaphore_mem>>) src(%dma_wait3A_807 : memref<1000000x32xf32, #tpu.memory_space<hbm>>) dst(%arg8 : memref<800x32xf32, #tpu.memory_space<vmem>>)
    %scan3A_808 = arith.constant 0 : i32
    %scan3A_809 = arith.constant 0 : i32
    %scan3A_810 = arith.constant 200 : i32
    %scan3A_811 = arith.addi %scan3A_809, %scan3A_810 : i32
    %scan3A_812 = arith.constant 1 : i32
    scf.for %scan3A_832 = %scan3A_809 to %scan3A_811 step %scan3A_812  : i32 {
      %get3A = arith.index_cast %scan3A_832 : i32 to index
      %get3A_833 = arith.constant 0 : index
      %get3A_834 = tpu.vector_load %arg10[%get3A, %get3A_833] {strides = array<i32>} : memref<200x32xf32, #tpu.memory_space<vmem>>, vector<1x16xf32>,
      %get3A_835 = vector.shape_cast %get3A_834 : vector<1x16xf32> to vector<16xf32>
      %get3A_836 = arith.index_cast %scan3A_832 : i32 to index
      %get3A_837 = arith.constant 16 : index
      %get3A_838 = tpu.vector_load %arg10[%get3A_836, %get3A_837] {strides = array<i32>} : memref<200x32xf32, #tpu.memory_space<vmem>>, vector<1x16xf32>,
      %get3A_839 = vector.shape_cast %get3A_838 : vector<1x16xf32> to vector<16xf32>
      %add3A_840 = arith.constant 0 : i32
      %add3A_841 = arith.addi %add3A_840, %scan3A_832 : i32
      %get3A_842 = arith.index_cast %add3A_841 : i32 to index
      %get3A_843 = arith.constant 0 : index
      %get3A_844 = tpu.vector_load %arg8[%get3A_842, %get3A_843] {strides = array<i32>} : memref<800x32xf32, #tpu.memory_space<vmem>>, vector<1x16xf32>,
      %get3A_845 = vector.shape_cast %get3A_844 : vector<1x16xf32> to vector<16xf32>
      %add3A_846 = arith.addf %get3A_845, %get3A_835 : vector<16xf32>
      %swap3A = arith.index_cast %add3A_841 : i32 to index
      %swap3A_847 = arith.constant 0 : index
      %swap3A_848 = tpu.vector_load %arg8[%swap3A, %swap3A_847] {strides = array<i32>} : memref<800x32xf32, #tpu.memory_space<vmem>>, vector<1x16xf32>,
      %swap3A_849 = vector.shape_cast %swap3A_848 : vector<1x16xf32> to vector<16xf32>
      %swap3A_850 = vector.shape_cast %add3A_846 : vector<16xf32> to vector<1x16xf32>
      tpu.vector_store %arg8[%swap3A, %swap3A_847], %swap3A_850 {strides = array<i32>} : memref<800x32xf32, #tpu.memory_space<vmem>>, vector<1x16xf32>,
      %get3A_851 = arith.index_cast %add3A_841 : i32 to index
      %get3A_852 = arith.constant 16 : index
      %get3A_853 = tpu.vector_load %arg8[%get3A_851, %get3A_852] {strides = array<i32>} : memref<800x32xf32, #tpu.memory_space<vmem>>, vector<1x16xf32>,
      %get3A_854 = vector.shape_cast %get3A_853 : vector<1x16xf32> to vector<16xf32>
      %add3A_855 = arith.addf %get3A_854, %get3A_839 : vector<16xf32>
      %swap3A_856 = arith.index_cast %add3A_841 : i32 to index
      %swap3A_857 = arith.constant 16 : index
      %swap3A_858 = tpu.vector_load %arg8[%swap3A_856, %swap3A_857] {strides = array<i32>} : memref<800x32xf32, #tpu.memory_space<vmem>>, vector<1x16xf32>,
      %swap3A_859 = vector.shape_cast %swap3A_858 : vector<1x16xf32> to vector<16xf32>
      %swap3A_860 = vector.shape_cast %add3A_855 : vector<16xf32> to vector<1x16xf32>
      tpu.vector_store %arg8[%swap3A_856, %swap3A_857], %swap3A_860 {strides = array<i32>} : memref<800x32xf32, #tpu.memory_space<vmem>>, vector<1x16xf32>,
      %add3A_861 = arith.constant 200 : i32
      %add3A_862 = arith.addi %add3A_861, %scan3A_832 : i32
      %get3A_863 = arith.index_cast %add3A_862 : i32 to index
      %get3A_864 = arith.constant 0 : index
      %get3A_865 = tpu.vector_load %arg8[%get3A_863, %get3A_864] {strides = array<i32>} : memref<800x32xf32, #tpu.memory_space<vmem>>, vector<1x16xf32>,
      %get3A_866 = vector.shape_cast %get3A_865 : vector<1x16xf32> to vector<16xf32>
      %add3A_867 = arith.addf %get3A_866, %get3A_835 : vector<16xf32>
      %swap3A_868 = arith.index_cast %add3A_862 : i32 to index
      %swap3A_869 = arith.constant 0 : index
      %swap3A_870 = tpu.vector_load %arg8[%swap3A_868, %swap3A_869] {strides = array<i32>} : memref<800x32xf32, #tpu.memory_space<vmem>>, vector<1x16xf32>,
      %swap3A_871 = vector.shape_cast %swap3A_870 : vector<1x16xf32> to vector<16xf32>
      %swap3A_872 = vector.shape_cast %add3A_867 : vector<16xf32> to vector<1x16xf32>
      tpu.vector_store %arg8[%swap3A_868, %swap3A_869], %swap3A_872 {strides = array<i32>} : memref<800x32xf32, #tpu.memory_space<vmem>>, vector<1x16xf32>,
      %get3A_873 = arith.index_cast %add3A_862 : i32 to index
      %get3A_874 = arith.constant 16 : index
      %get3A_875 = tpu.vector_load %arg8[%get3A_873, %get3A_874] {strides = array<i32>} : memref<800x32xf32, #tpu.memory_space<vmem>>, vector<1x16xf32>,
      %get3A_876 = vector.shape_cast %get3A_875 : vector<1x16xf32> to vector<16xf32>
      %add3A_877 = arith.addf %get3A_876, %get3A_839 : vector<16xf32>
      %swap3A_878 = arith.index_cast %add3A_862 : i32 to index
      %swap3A_879 = arith.constant 16 : index
      %swap3A_880 = tpu.vector_load %arg8[%swap3A_878, %swap3A_879] {strides = array<i32>} : memref<800x32xf32, #tpu.memory_space<vmem>>, vector<1x16xf32>,
      %swap3A_881 = vector.shape_cast %swap3A_880 : vector<1x16xf32> to vector<16xf32>
      %swap3A_882 = vector.shape_cast %add3A_877 : vector<16xf32> to vector<1x16xf32>
      tpu.vector_store %arg8[%swap3A_878, %swap3A_879], %swap3A_882 {strides = array<i32>} : memref<800x32xf32, #tpu.memory_space<vmem>>, vector<1x16xf32>,
      %add3A_883 = arith.constant 400 : i32
      %add3A_884 = arith.addi %add3A_883, %scan3A_832 : i32
      %get3A_885 = arith.index_cast %add3A_884 : i32 to index
      %get3A_886 = arith.constant 0 : index
      %get3A_887 = tpu.vector_load %arg8[%get3A_885, %get3A_886] {strides = array<i32>} : memref<800x32xf32, #tpu.memory_space<vmem>>, vector<1x16xf32>,
      %get3A_888 = vector.shape_cast %get3A_887 : vector<1x16xf32> to vector<16xf32>
      %add3A_889 = arith.addf %get3A_888, %get3A_835 : vector<16xf32>
      %swap3A_890 = arith.index_cast %add3A_884 : i32 to index
      %swap3A_891 = arith.constant 0 : index
      %swap3A_892 = tpu.vector_load %arg8[%swap3A_890, %swap3A_891] {strides = array<i32>} : memref<800x32xf32, #tpu.memory_space<vmem>>, vector<1x16xf32>,
      %swap3A_893 = vector.shape_cast %swap3A_892 : vector<1x16xf32> to vector<16xf32>
      %swap3A_894 = vector.shape_cast %add3A_889 : vector<16xf32> to vector<1x16xf32>
      tpu.vector_store %arg8[%swap3A_890, %swap3A_891], %swap3A_894 {strides = array<i32>} : memref<800x32xf32, #tpu.memory_space<vmem>>, vector<1x16xf32>,
      %get3A_895 = arith.index_cast %add3A_884 : i32 to index
      %get3A_896 = arith.constant 16 : index
      %get3A_897 = tpu.vector_load %arg8[%get3A_895, %get3A_896] {strides = array<i32>} : memref<800x32xf32, #tpu.memory_space<vmem>>, vector<1x16xf32>,
      %get3A_898 = vector.shape_cast %get3A_897 : vector<1x16xf32> to vector<16xf32>
      %add3A_899 = arith.addf %get3A_898, %get3A_839 : vector<16xf32>
      %swap3A_900 = arith.index_cast %add3A_884 : i32 to index
      %swap3A_901 = arith.constant 16 : index
      %swap3A_902 = tpu.vector_load %arg8[%swap3A_900, %swap3A_901] {strides = array<i32>} : memref<800x32xf32, #tpu.memory_space<vmem>>, vector<1x16xf32>,
      %swap3A_903 = vector.shape_cast %swap3A_902 : vector<1x16xf32> to vector<16xf32>
      %swap3A_904 = vector.shape_cast %add3A_899 : vector<16xf32> to vector<1x16xf32>
      tpu.vector_store %arg8[%swap3A_900, %swap3A_901], %swap3A_904 {strides = array<i32>} : memref<800x32xf32, #tpu.memory_space<vmem>>, vector<1x16xf32>,
      %add3A_905 = arith.constant 600 : i32
      %add3A_906 = arith.addi %add3A_905, %scan3A_832 : i32
      %get3A_907 = arith.index_cast %add3A_906 : i32 to index
      %get3A_908 = arith.constant 0 : index
      %get3A_909 = tpu.vector_load %arg8[%get3A_907, %get3A_908] {strides = array<i32>} : memref<800x32xf32, #tpu.memory_space<vmem>>, vector<1x16xf32>,
      %get3A_910 = vector.shape_cast %get3A_909 : vector<1x16xf32> to vector<16xf32>
      %add3A_911 = arith.addf %get3A_910, %get3A_835 : vector<16xf32>
      %swap3A_912 = arith.index_cast %add3A_906 : i32 to index
      %swap3A_913 = arith.constant 0 : index
      %swap3A_914 = tpu.vector_load %arg8[%swap3A_912, %swap3A_913] {strides = array<i32>} : memref<800x32xf32, #tpu.memory_space<vmem>>, vector<1x16xf32>,
      %swap3A_915 = vector.shape_cast %swap3A_914 : vector<1x16xf32> to vector<16xf32>
      %swap3A_916 = vector.shape_cast %add3A_911 : vector<16xf32> to vector<1x16xf32>
      tpu.vector_store %arg8[%swap3A_912, %swap3A_913], %swap3A_916 {strides = array<i32>} : memref<800x32xf32, #tpu.memory_space<vmem>>, vector<1x16xf32>,
      %get3A_917 = arith.index_cast %add3A_906 : i32 to index
      %get3A_918 = arith.constant 16 : index
      %get3A_919 = tpu.vector_load %arg8[%get3A_917, %get3A_918] {strides = array<i32>} : memref<800x32xf32, #tpu.memory_space<vmem>>, vector<1x16xf32>,
      %get3A_920 = vector.shape_cast %get3A_919 : vector<1x16xf32> to vector<16xf32>
      %add3A_921 = arith.addf %get3A_920, %get3A_839 : vector<16xf32>
      %swap3A_922 = arith.index_cast %add3A_906 : i32 to index
      %swap3A_923 = arith.constant 16 : index
      %swap3A_924 = tpu.vector_load %arg8[%swap3A_922, %swap3A_923] {strides = array<i32>} : memref<800x32xf32, #tpu.memory_space<vmem>>, vector<1x16xf32>,
      %swap3A_925 = vector.shape_cast %swap3A_924 : vector<1x16xf32> to vector<16xf32>
      %swap3A_926 = vector.shape_cast %add3A_921 : vector<16xf32> to vector<1x16xf32>
      tpu.vector_store %arg8[%swap3A_922, %swap3A_923], %swap3A_926 {strides = array<i32>} : memref<800x32xf32, #tpu.memory_space<vmem>>, vector<1x16xf32>,
    }
    %scan3A_813 = arith.constant 200 : i32
    %add3A_814 = arith.constant 24800 : i32
    %add3A_815 = arith.addi %mul3A_2, %add3A_814 : i32
    %dma_start3A_816 = arith.constant 0 : i32
    %dma_start3A_817 = tpu.memref_slice %arg5[%add3A_815, %dma_start3A_816] : memref<819200x32xf32, #tpu.memory_space<hbm>> -> memref<800x32xf32, #tpu.memory_space<hbm>>
    %dma_start3A_818 = arith.constant 0 : i32
    %dma_start3A_819 = tpu.memref_slice %arg5[%add3A_815, %dma_start3A_818] : memref<819200x32xf32, #tpu.memory_space<hbm>> -> memref<800x32xf32, #tpu.memory_space<hbm>>
    tpu.enqueue_dma source(%arg8 : memref<800x32xf32, #tpu.memory_space<vmem>>) target(%dma_start3A_819 : memref<800x32xf32, #tpu.memory_space<hbm>>) target_semaphore(%arg15 : memref<!tpu.dma_semaphore, #tpu.memory_space<semaphore_mem>>)
    %dma_wait3A_820 = arith.constant 0 : i32
    %dma_wait3A_821 = tpu.memref_slice %arg5[%add3A_798, %dma_wait3A_820] : memref<819200x32xf32, #tpu.memory_space<hbm>> -> memref<800x32xf32, #tpu.memory_space<hbm>>
    %dma_wait3A_822 = arith.constant 0 : i32
    %dma_wait3A_823 = tpu.memref_slice %arg5[%add3A_798, %dma_wait3A_822] : memref<819200x32xf32, #tpu.memory_space<hbm>> -> memref<800x32xf32, #tpu.memory_space<hbm>>
    tpu.wait_dma2 semaphore(%arg14 : memref<!tpu.dma_semaphore, #tpu.memory_space<semaphore_mem>>) src(%arg7 : memref<800x32xf32, #tpu.memory_space<vmem>>) dst(%dma_wait3A_823 : memref<800x32xf32, #tpu.memory_space<hbm>>)
    %dma_wait3A_824 = arith.constant 0 : i32
    %dma_wait3A_825 = tpu.memref_slice %arg5[%add3A_815, %dma_wait3A_824] : memref<819200x32xf32, #tpu.memory_space<hbm>> -> memref<800x32xf32, #tpu.memory_space<hbm>>
    %dma_wait3A_826 = arith.constant 0 : i32
    %dma_wait3A_827 = tpu.memref_slice %arg5[%add3A_815, %dma_wait3A_826] : memref<819200x32xf32, #tpu.memory_space<hbm>> -> memref<800x32xf32, #tpu.memory_space<hbm>>
    tpu.wait_dma2 semaphore(%arg15 : memref<!tpu.dma_semaphore, #tpu.memory_space<semaphore_mem>>) src(%arg8 : memref<800x32xf32, #tpu.memory_space<vmem>>) dst(%dma_wait3A_827 : memref<800x32xf32, #tpu.memory_space<hbm>>)
    %dma_wait3A_828 = arith.constant 0 : i32
    %dma_wait3A_829 = tpu.memref_slice %arg5[%add3A_781, %dma_wait3A_828] : memref<819200x32xf32, #tpu.memory_space<hbm>> -> memref<800x32xf32, #tpu.memory_space<hbm>>
    %dma_wait3A_830 = arith.constant 0 : i32
    %dma_wait3A_831 = tpu.memref_slice %arg5[%add3A_781, %dma_wait3A_830] : memref<819200x32xf32, #tpu.memory_space<hbm>> -> memref<800x32xf32, #tpu.memory_space<hbm>>
    tpu.wait_dma2 semaphore(%arg16 : memref<!tpu.dma_semaphore, #tpu.memory_space<semaphore_mem>>) src(%arg9 : memref<800x32xf32, #tpu.memory_space<vmem>>) dst(%dma_wait3A_831 : memref<800x32xf32, #tpu.memory_space<hbm>>)
    return
  }
}

</mosaic_0001>

<sc_bundles>
// kernel: kernel.3.cloned.1.call-start
scs
__scs_entry_jumppad:
0x0: {  	(pc) =	sbr.rel $0x88, $3  }
0x1: {  	(tag) =	ssettag $0x0;
	lr =	simm.s32 $0x1  }
0x2: {  	[smem:$0x3F9E] =	sst lr;
	_ =	strace $0xD0000000  }
0x3: {  	_ = 	snop  }
0x4: {  	_ = 	snop  }
0x5: {  	_ = 	snop  }
0x6: {  	_ = 	snop  }
0x7: {  	_ = 	snop  }
__scs_overlays_trampoline_lowered:
0x8: {  	[smem:$0x3FAD] =	sst s0  }
0x9: {  	[smem:$0x3FAE] =	sst s1  }
0xa: {  	[smem:$0x3FAF] =	sst s2  }
0xb: {  	[smem:$0x3FB0] =	sst s3  }
0xc: {  	[smem:$0x3FB1] =	sst s4  }
0xd: {  	[smem:$0x3FB2] =	sst s5  }
0xe: {  	[smem:$0x3FB3] =	sst s6  }
0xf: {  	[smem:$0x3FB4] =	sst s7  }
0x10: {  	[smem:$0x3FB5] =	sst s8  }
0x11: {  	[smem:$0x3FB6] =	sst s9;
	s0 =	simm.s32 @!p0 $0x0  }
0x12: {  	s1 =	sld [smem:$0x3F9C];
	s0 =	simm.s32 @p0 $0x1  }
0x13: {  	[smem:$0x3FB7] =	sst s0;
	s0 =	simm.s32 @!p1 $0x0  }
0x14: {  	s2 =	sld [smem:$0x3F9B];
	s0 =	simm.s32 @p1 $0x1  }
0x15: {  	[smem:$0x3FB8] =	sst s0;
	s0 =	simm.s32 @!p2 $0x0  }
0x16: {  	s3 =	sld [smem:$0x3FDB];
	s0 =	simm.s32 @p2 $0x1  }
0x17: {  	s4 =	simm.s32 $0x1BF5;
	[smem:$0x3FBA] =	sst s0  }
0x18: {  	s0 =	sld [smem:$0x3F9D];
	_ =	swait.ge [sflag:s4], $0x0  }
0x19: {  	s7 =	sld [smem:$0x3F9E]  }
0x1a: {  	s8 =	sadd.s32 $0xFFFFE003, lr  }
0x1b: {  	s9 =	sadd.s32 $0xFFFFFEF7, lr;
	s5 =	simm.s32 $0xFFFFFFFF;
	p2 =	slt.u32 s8, $0xFFFFF086  }
0x1c: {  	p1 =	slt.u32 s9, $0xF7A;
	s5 =	simm.s32 @!p2 $0x0  }
0x1d: {  	s5 =	simm.s32 @p1 $0x1;
	p0 =	seq.s32 s7, s2  }
0x1e: {  	s7 =	smul.u32 @!p0 $0xF7A, s2;
	p2 =	seq.s32 @!p0 s5, $0x0  }
0x1f: {  	s9 =	smul.u32 $0xF7A, s1;
	s8 =	simm.s32 @!p0 $0x1BF5;
	p2 =	por !p2, p0  }
0x20: {  	[sflag:s8] =	ssyncset.s32 @!p0 $0xFFFFF086;
	s6 =	sadd.s32 @!p0 s3, s7;
	s7 =	simm.s32 @!p0 $0x108  }
0x21: {  	s3 =	sadd.s32 s3, s9;
	s6 =	sadd.s32 @!p0 $0x88, s6;
	s7 =	simm.s32 @p2 $0x1082  }
0x22: {  	[simem:s7], [sflag:s8] =	dma.local @!p0 [hbm:s6], $0xF7A  }
0x23: {  	s9 =	sor.u32 $0xD0000000, s2;
	s6 =	simm.s32 $0x108;
	_ =	swait.ge @!p0 [sflag:s8], $0x0  }
0x24: {  	s3 =	sadd.s32 $0x88, s3;
	s6 =	simm.s32 @!p1 $0x1082;
	[sflag:s4] =	ssyncset.s32 $0xFFFFF086  }
0x25: {  	[simem:s6], [sflag:s4] =	dma.local [hbm:s3], $0xF7A  }
0x26: {  	[smem:$0x3F9E] =	sst s1;
	(tag) =	ssettag s2;
	_ =	strace s9  }
0x27: {  	s1 =	sld [smem:$0x3FAE]  }
0x28: {  	s2 =	sld [smem:$0x3FAF]  }
0x29: {  	s4 =	sld [smem:$0x3FB1]  }
0x2a: {  	p0 =	seq.s32 s5, $0x0;
	s5 =	sld [smem:$0x3FB2]  }
0x2b: {  	s6 =	sld [smem:$0x3FB3]  }
0x2c: {  	s7 =	sld [smem:$0x3FB4]  }
0x2d: {  	s3 =	simm.s32 $0x108;
	s8 =	sld [smem:$0x3FB5]  }
0x2e: {  	s3 =	simm.s32 @!p0 $0x1082;
	s9 =	sld [smem:$0x3FB6]  }
0x2f: {  	lr =	sadd.s32 s0, s3;
	s0 =	sld [smem:$0x3FAD]  }
0x30: {  	s3 =	sld [smem:$0x3FB0]  }
0x31: {  	[smem:$0x3FB9] =	sst s10  }
0x32: {  	s10 =	sld [smem:$0x3FB7];
	_ =	sdelay $0x3  }
0x33: {  	p0 =	seq.s32 s10, $0x1;
	s10 =	sld [smem:$0x3FB9];
	_ =	sdelay $0x3  }
0x34: {  	[smem:$0x3FB9] =	sst s10  }
0x35: {  	s10 =	sld [smem:$0x3FB8];
	_ =	sdelay $0x3  }
0x36: {  	p1 =	seq.s32 s10, $0x1;
	s10 =	sld [smem:$0x3FB9];
	_ =	sdelay $0x3  }
0x37: {  	[smem:$0x3FB9] =	sst s10  }
0x38: {  	s10 =	sld [smem:$0x3FBA]  }
0x39: {  	_ = 	snop;
	(pc) =	sbr.ind lr, $3  }
0x3a: {  	_ = 	snop  }
0x3b: {  	_ = 	snop  }
0x3c: {  	p2 =	seq.s32 s10, $0x1;
	s10 =	sld [smem:$0x3FB9]  }
0x3d: {  	_ =	shalt  }
0x3e: {  	_ =	shalt  }
0x3f: {  	_ =	shalt  }
0x40: {  	_ =	shalt  }
0x41: {  	_ =	shalt  }
0x42: {  	_ =	shalt  }
0x43: {  	_ =	shalt  }
0x44: {  	_ =	shalt  }
0x45: {  	_ =	shalt  }
0x46: {  	_ =	shalt  }
0x47: {  	_ =	shalt  }
0x48: {  	_ =	shalt  }
0x49: {  	_ =	shalt  }
0x4a: {  	_ =	shalt  }
0x4b: {  	_ =	shalt  }
0x4c: {  	_ =	shalt  }
0x4d: {  	_ =	shalt  }
0x4e: {  	_ =	shalt  }
0x4f: {  	_ =	shalt  }
0x50: {  	_ =	shalt  }
0x51: {  	_ =	shalt  }
0x52: {  	_ =	shalt  }
0x53: {  	_ =	shalt  }
0x54: {  	_ =	shalt  }
0x55: {  	_ =	shalt  }
0x56: {  	_ =	shalt  }
0x57: {  	_ =	shalt  }
0x58: {  	_ =	shalt  }
0x59: {  	_ =	shalt  }
0x5a: {  	_ =	shalt  }
0x5b: {  	_ =	shalt  }
0x5c: {  	_ =	shalt  }
0x5d: {  	_ =	shalt  }
0x5e: {  	_ =	shalt  }
0x5f: {  	_ =	shalt  }
0x60: {  	_ =	shalt  }
0x61: {  	_ =	shalt  }
0x62: {  	_ =	shalt  }
0x63: {  	_ =	shalt  }
0x64: {  	_ =	shalt  }
0x65: {  	_ =	shalt  }
0x66: {  	_ =	shalt  }
0x67: {  	_ =	shalt  }
0x68: {  	_ =	shalt  }
0x69: {  	_ =	shalt  }
0x6a: {  	_ =	shalt  }
0x6b: {  	_ =	shalt  }
0x6c: {  	_ =	shalt  }
0x6d: {  	_ =	shalt  }
0x6e: {  	_ =	shalt  }
0x6f: {  	_ =	shalt  }
0x70: {  	_ =	shalt  }
0x71: {  	_ =	shalt  }
0x72: {  	_ =	shalt  }
0x73: {  	_ =	shalt  }
0x74: {  	_ =	shalt  }
0x75: {  	_ =	shalt  }
0x76: {  	_ =	shalt  }
0x77: {  	_ =	shalt  }
0x78: {  	_ =	shalt  }
0x79: {  	_ =	shalt  }
0x7a: {  	_ =	shalt  }
0x7b: {  	_ =	shalt  }
0x7c: {  	_ =	shalt  }
0x7d: {  	_ =	shalt  }
0x7e: {  	_ =	shalt  }
0x7f: {  	_ =	shalt  }
0x80: {  	_ =	shalt  }
0x81: {  	_ =	shalt  }
0x82: {  	_ =	shalt  }
0x83: {  	_ =	shalt  }
0x84: {  	_ =	shalt  }
0x85: {  	_ =	shalt  }
0x86: {  	_ =	shalt  }
0x87: {  	_ =	shalt  }
.Lfunc_end0:
.L_simem_size_0:
called_computation.1_lowered:
.L_overlay_start_0:
0x88: {  	s2 =	sld [smem:$0x3FD9]  }
0x89: {  	s3 =	sld [smem:$0x3FFE];
	_ =	sdelay $0x1  }
0x8a: {  	s1 =	srdreg.scid  }
0x8b: {  	s0 =	sand.u32 $0x1, s1  }
0x8c: {  	s17 =	sshll.u32 s0, $0xA;
	s2 =	sadd.s32 s3, s2  }
0x8d: {  	s2 =	sadd.s32 s2, s17  }
0x8e: {  	[smem:$0x3FC5] =	sst s2  }
0x8f: {  	_ = 	snop  }
0x90: {  	s2 =	sld [smem:$0x3FD0];
	(tm) =	ssettm $0x1  }
0x91: {  	s18 =	sld [smem:$0x3FFB];
	_ =	sdelay $0x3  }
0x92: {  	_ =	strace s18  }
0x93: {  	s3 =	sld [smem:$0x3FFC];
	_ =	sdelay $0x3  }
0x94: {  	_ =	strace s3  }
0x95: {  	s3 =	sld [smem:$0x3FFD];
	_ =	sdelay $0x3  }
0x96: {  	_ =	strace s3  }
0x97: {  	_ =	strace $0x8FFFFFFF  }
0x98: {  	s19 =	sld [smem:$0x3FDB];
	_ =	sdelay $0x1  }
0x99: {  	s4 =	simm.s32 $_scs_section_size  }
0x9a: {  	s5 =	simm.s32 $_size__tile_overlayer_lowered;
	s6 =	simm.s32 $_tile_overlayer_lowered  }
0x9b: {  	s22 =	simm.s32 $0x1BFF;
	s21 =	sshll.u32 s6, $0x1;
	s3 =	sadd.s32 s4, s19  }
0x9c: {  	s7 =	simm.s32 $0x0;
	s20 =	sshll.u32 s5, $0x1;
	s5 =	sadd.s32 s21, s3  }
0x9d: {  	[timem:s7], [sflag:s22] =	dma.local [hbm:s5], s20  }
0x9e: {  	_ =	swait.ge [sflag:s22], s20  }
0x9f: {  	s4 =	ssub.s32 $0x0, s20;
	[sflag:s22] =	ssyncset.done $0x0  }
0xa0: {  	[sflag:s22] =	ssyncadd.s32 s4;
	_ =	sdelay $0x1  }
0xa1: {  	s23 =	simm.s32 $0x1B8B  }
0xa2: {  	_ =	swait.ge [sflag:s23], $0x1  }
0xa3: {  	[sflag:s23] =	ssyncset.done $0x0  }
0xa4: {  	s25 =	simm.s32 $0x1B8E;
	s24 =	sld [smem:$0x3FFE];
	[sflag:s23] =	ssyncadd.s32 $0xFFFFFFFF  }
0xa5: {  	s26 =	simm.s32 $execute0_lowered;
	[smem:$0x3FD2] =	sst s25  }
0xa6: {  	s5 =	sshll.u32 s26, $0x1;
	_ =	strace $0x80000046;
	[dreg:$0x1] =	wrdreg $0xFFFFFFFF  }
0xa7: {  	s28 =	simm.s32 $_size_execute0_lowered;
	s3 =	sadd.s32 s3, s5;
	[dreg:$0x0] =	wrdreg $0x0  }
0xa8: {  	s5 =	sshll.u32 s28, $0x1;
	[dreg:$0x2] =	wrdreg s3  }
0xa9: {  	[dreg:$0x3] =	wrdreg s5  }
0xaa: {  	[dreg:$0x4] =	wrdreg $0xC0  }
0xab: {  	_ =	task [dreg:s7], $0x5FFFF  }
0xac: {  	[dreg:$0x1] =	wrdreg $0xFFFFFFFF  }
0xad: {  	[dreg:$0x0] =	wrdreg $0x60  }
0xae: {  	[dreg:$0x2] =	wrdreg s24  }
0xaf: {  	[dreg:$0x3] =	wrdreg s2  }
0xb0: {  	[dreg:$0x4] =	wrdreg $0x9  }
0xb1: {  	_ =	task.clear_ibuf [dreg:s7], $0x5FFFF;
	_ =	strace $0x90000046  }
0xb2: {  	s29 =	simm.s32 $0x9;
	_ =	strace $0x80000048  }
0xb3: {  	_ =	swait.ge [sflag:s29], $0x1  }
0xb4: {  	[sflag:s29] =	ssyncadd.s32 $0xFFFFFFFF  }
0xb5: {  	_ =	strace $0x90000048  }
0xb6: {  	_ =	sfence  }
0xb7: {  	s30 =	sld [smem:$0x0];
	_ =	sdelay $0x2  }
0xb8: {  	s31 =	sshll.u32 s1, $0xD;
	s1 =	sshrl.u32 s1, $0x2  }
0xb9: {  	s3 =	sand.u32 $0x4000, s31;
	s1 =	sadd.s32 s1, s30  }
0xba: {  	s0 =	sor.u32 s3, s0;
	s1 =	sshll.u32 s1, $0x11  }
0xbb: {  	s0 =	sor.u32 s1, s0  }
0xbc: {  	s0 =	sadd.s32 $0x8F2B, s0  }
0xbd: {  	[sflag:s0] =	ssyncadd.remote.s32 $0x1  }
0xbe: {  	_ =	sfence.sel $0xFFFF  }
0xbf: {  	[dreg:$0x0] =	wrdreg $0xFFFFFFFF;
	(pc) =	sbr.abs _section_cstart, $3  }
0xc0: {  	[dreg:$0x1] =	wrdreg $0xFFFFFFFF  }
0xc1: {  	_ =	task.clear_ibuf [dreg:s7], $0x2FFFF;
	_ =	strace $0x9FFFFFFF  }
0xc2: {  	(tm) =	ssettm $0x7FFFFFFF  }
0xc3: {  	_ =	shalt  }
tec
execute0_lowered:
.L_overlay_start_1:
0x0: {  	(tag) =	ssettag $0x1  }
0x1: {  	s3 =	srdreg.scid;
	s5 =	stileid.u32  }
0x2: {  	s0 =	rddreg [dreg:$0x0];
	s4 =	sand.u32 $0x1, s3;
	s25 =	sshll.u32 s5, $0x1  }
0x3: {  	s1 =	rddreg [dreg:$0x1];
	s5 =	sor.u32 s4, s25  }
0x4: {  	s2 =	simm.s32 $0x0;
	s4 =	ssub.s32 $0x2, s4;
	s6 =	smul.u32 $0xC80, s5  }
0x5: {  	[smem:$0x7FF] =	sst s2;
	s7 =	smul.u32 $0xC8000, s5;
	s8 =	sshrl.u32 s4, $0x1  }
0x6: {  	s3 =	sadd.s32 $0xF43000, s0;
	_ =	strace $0x80000047;
	s9 =	ssub.s32 s4, s8  }
0x7: {  	s6 =	sadd.s32 s6, s0;
	s0 =	sadd.s32 $0x19C00, s0;
	s26 =	sshrl.u32 s7, $0x3  }
0x8: {  	[dreg:$0x3] =	wrdreg s0;
	s6 =	sadd.s32 $0xC00, s6;
	s8 =	sadd.s32 s1, s26  }
0x9: {  	[dreg:$0x4] =	wrdreg s6;
	s0 =	sadd.s32 $0x1900, s8  }
0xa: {  	s7 =	sadd.s32 $0x2580, s8;
	[dreg:$0x5] =	wrdreg s0  }
0xb: {  	s10 =	sadd.s32 $0x3200, s8;
	[dreg:$0x6] =	wrdreg s7  }
0xc: {  	s11 =	sadd.s32 $0x3E80, s8;
	[dreg:$0x7] =	wrdreg s10  }
0xd: {  	s12 =	sadd.s32 $0x4B00, s8;
	[dreg:$0x8] =	wrdreg s11  }
0xe: {  	s13 =	sadd.s32 $0x5780, s8;
	[dreg:$0x9] =	wrdreg s12  }
0xf: {  	s14 =	sadd.s32 $0x6400, s8;
	[dreg:$0xa] =	wrdreg s13  }
0x10: {  	s15 =	sadd.s32 $0x7080, s8;
	[dreg:$0xb] =	wrdreg s14  }
0x11: {  	s16 =	sadd.s32 $0x7D00, s8;
	[dreg:$0xc] =	wrdreg s15  }
0x12: {  	s5 =	smul.u32 $0x19000, s5;
	s17 =	sadd.s32 $0x8980, s8;
	[dreg:$0xd] =	wrdreg s16  }
0x13: {  	s9 =	smax.u32 s9, $0x1;
	s18 =	sadd.s32 $0x9600, s8;
	[dreg:$0xe] =	wrdreg s17  }
0x14: {  	s6 =	sadd.s32 s1, s5;
	s19 =	sadd.s32 $0xA280, s8;
	[dreg:$0xf] =	wrdreg s18  }
0x15: {  	s20 =	sadd.s32 $0xAF00, s8;
	s21 =	sadd.s32 $0xBB80, s8;
	[dreg:$0x10] =	wrdreg s19  }
0x16: {  	s22 =	sadd.s32 $0xC800, s8;
	s23 =	sadd.s32 $0xD480, s8;
	[dreg:$0x11] =	wrdreg s20  }
0x17: {  	s24 =	sadd.s32 $0xE100, s8;
	s25 =	sadd.s32 $0xED80, s8;
	[dreg:$0x12] =	wrdreg s21  }
0x18: {  	s26 =	sadd.s32 $0xFA00, s8;
	s28 =	sadd.s32 $0x11300, s8;
	[dreg:$0x13] =	wrdreg s22  }
0x19: {  	s29 =	sadd.s32 $0x11F80, s8;
	s30 =	sadd.s32 $0x12C00, s8;
	[dreg:$0x14] =	wrdreg s23  }
0x1a: {  	s31 =	sadd.s32 $0x13880, s8;
	s1 =	sadd.s32 $0x15180, s8;
	[dreg:$0x15] =	wrdreg s24  }
0x1b: {  	s4 =	sadd.s32 $0x15E00, s8;
	s5 =	sadd.s32 $0x16A80, s8;
	[dreg:$0x16] =	wrdreg s25  }
0x1c: {  	[dreg:$0x17] =	wrdreg s26;
	s26 =	sadd.s32 $0x10680, s8;
	s0 =	sadd.s32 $0x14500, s8  }
0x1d: {  	s7 =	sadd.s32 $0x17700, s8;
	s8 =	sadd.s32 $0x18380, s8;
	s10 =	sadd.s32 $0xC80, s6  }
0x1e: {  	s11 =	simm.s32 $0x7;
	s12 =	simm.s32 $0x320;
	s13 =	simm.s32 $0x6400  }
0x1f: {  	s14 =	simm.s32 $0xC800;
	s15 =	simm.s32 $0x12C00;
	s16 =	simm.s32 $0x1  }
0x20: {  	s17 =	simm.s32 $0x4;
	s18 =	simm.s32 $0x2;
	s19 =	simm.s32 $0x5  }
0x21: {  	s20 =	simm.s32 $0x3;
	s21 =	simm.s32 $0x6;
	s22 =	simm.s32 $0x0  }
.LBB2_1:
0x22: {  	s23 =	rddreg [dreg:$0x3];
	s24 =	simm.s32 $0x19000  }
0x23: {  	[tilespmem:s24], [sflag:$0x7] =	stream.linear.gather [hbm4b:s23+s2], $0x1900, $0x38;
	[tilespmem:$0x1A900] =	vst v63  }
0x24: {  	_ =	swait.ge [sflag:s11], $0x1900  }
0x25: {  	[sflag:s11] =	ssyncset.done $0x0  }
0x26: {  	s24 =	rddreg [dreg:$0x4];
	[sflag:s11] =	ssyncadd.s32 $0xFFFFE700  }
0x27: {  	[tilespmem:s2], [sflag:$0x7] =	stream.linear.gather [hbm4b:s24+s2], $0x6400, $0x38;
	[tilespmem:$0x1A900] =	vst v63  }
0x28: {  	_ =	swait.ge [sflag:s11], $0x6400  }
0x29: {  	[sflag:s11] =	ssyncset.done $0x0  }
0x2a: {  	[sflag:s11] =	ssyncadd.s32 $0xFFFF9C00  }
0x2b: {  	[tilespmem:s13], [sflag:$0x1] =	stream.indirect.gather [hbm4b:s3+s12], $0x20, s2, s12, $0xb8;
	[tilespmem:$0x1A900] =	vst v63  }
0x2c: {  	_ = 	snop  }
0x2d: {  	[tilespmem:s14], [sflag:$0x2] =	stream.indirect.gather [hbm4b:s3+s12], $0x20, s12, s12, $0xb8;
	[tilespmem:$0x1A900] =	vst v63  }
0x2e: {  	s25 =	simm.s32 $0x640  }
0x2f: {  	[tilespmem:s15], [sflag:$0x3] =	stream.indirect.gather [hbm4b:s3+s12], $0x20, s25, s12, $0xb8;
	[tilespmem:$0x1A900] =	vst v63  }
0x30: {  	_ =	swait.ge [sflag:s16], $0x6400  }
0x31: {  	[sflag:s16] =	ssyncset.done $0x0  }
0x32: {  	s23 =	simm.s32 $0x0;
	[sflag:s16] =	ssyncadd.s32 $0xFFFF9C00  }
0x33: {  	v1 =	vld [tilespmem:s23+$0x19000]  }
0x34: {  	v0 =	vld [tilespmem:s23+$0x19010]  }
0x35: {  	v5 =	vld [tilespmem:s23+$0x6400]  }
0x36: {  	v7 =	vld [tilespmem:s23+$0x6410]  }
0x37: {  	v6 =	vld [tilespmem:s23+$0x7D00]  }
0x38: {  	v3 =	vld [tilespmem:s23+$0x7D10]  }
0x39: {  	v2 =	vld [tilespmem:s23+$0x9600]  }
0x3a: {  	v4 =	vld [tilespmem:s23+$0x9610];
	v8 =	vadd.f32 v5, v1  }
0x3b: {  	s24 =	simm.s32 $0x80;
	v7 =	vadd.f32 v7, v0;
	v5 =	vld [tilespmem:s23+$0xAF00]  }
.LBB2_2:
0x3c: {  	s25 =	sshra.s32 s24, $0x2;
	p0 =	sne.s32 s24, $0x6380;
	[tilespmem:s23+$0x6400] =	vst v8;
	v6 =	vadd.f32 v6, v1;
	v8 =	vld [tilespmem:s23+$0xAF10]  }
0x3d: {  	v9 =	vld [tilespmem:s25+$0x19000];
	[tilespmem:s23+$0x6410] =	vst v7;
	v3 =	vadd.f32 v3, v0  }
0x3e: {  	v7 =	vld [tilespmem:s25+$0x19010];
	[tilespmem:s23+$0x7D00] =	vst v6;
	v2 =	vadd.f32 v2, v1  }
0x3f: {  	v10 =	vld [tilespmem:s25+$0x6400];
	[tilespmem:s23+$0x7D10] =	vst v3;
	v3 =	vadd.f32 v4, v0  }
0x40: {  	v11 =	vld [tilespmem:s25+$0x6410];
	[tilespmem:s23+$0x9600] =	vst v2;
	v2 =	vadd.f32 v5, v1  }
.Ltmp0:
0x41: {  	v6 =	vld [tilespmem:s25+$0x7D00];
	[tilespmem:s23+$0x9610] =	vst v3;
	v4 =	vadd.f32 v8, v0;
	(pc) =	sbr.rel @p0 .LBB2_2-.Ltmp0, $4  }
0x42: {  	v3 =	vld [tilespmem:s25+$0x7D10];
	[tilespmem:s23+$0xAF00] =	vst v2;
	v1 =	vmov v9  }
0x43: {  	v2 =	vld [tilespmem:s25+$0x9600];
	[tilespmem:s23+$0xAF10] =	vst v4;
	v0 =	vmov v7;
	s23 =	smov.u32 s25  }
0x44: {  	v8 =	vadd.f32 v10, v1;
	v4 =	vld [tilespmem:s23+$0x9610]  }
0x45: {  	s24 =	sadd.s32 $0x80, s24;
	v7 =	vadd.f32 v11, v0;
	v5 =	vld [tilespmem:s23+$0xAF00]  }
0x46: {  	[tilespmem:s23+$0x6400] =	vst v8;
	v6 =	vadd.f32 v6, v1;
	v8 =	vld [tilespmem:s23+$0xAF10]  }
0x47: {  	[tilespmem:s23+$0x6410] =	vst v7;
	v3 =	vadd.f32 v3, v0  }
0x48: {  	[tilespmem:s23+$0x7D00] =	vst v6;
	v2 =	vadd.f32 v2, v1  }
0x49: {  	[tilespmem:s23+$0x7D10] =	vst v3;
	v3 =	vadd.f32 v4, v0  }
0x4a: {  	[tilespmem:s23+$0x9600] =	vst v2;
	v1 =	vadd.f32 v5, v1  }
0x4b: {  	[tilespmem:s23+$0x9610] =	vst v3;
	v0 =	vadd.f32 v8, v0  }
0x4c: {  	[tilespmem:s23+$0xAF00] =	vst v1  }
0x4d: {  	s24 =	simm.s32 $0x0;
	[tilespmem:s23+$0xAF10] =	vst v0  }
0x4e: {  	[hbm4b:s6+s24] =	stream.linear.scatter [tilespmem:s13], [sflag:$0x4], $0x6400, $0x38;
	[tilespmem:$0x1A900] =	vst v63  }
0x4f: {  	_ =	swait.ge [sflag:s17], $0x6400  }
0x50: {  	[sflag:s17] =	ssyncset.done $0x0  }
0x51: {  	s25 =	simm.s32 $0x960;
	[sflag:s17] =	ssyncadd.s32 $0xFFFF9C00  }
0x52: {  	[tilespmem:s13], [sflag:$0x1] =	stream.indirect.gather [hbm4b:s3+s12], $0x20, s25, s12, $0xb8;
	[tilespmem:$0x1A900] =	vst v63  }
0x53: {  	_ =	swait.ge [sflag:s18], $0x6400  }
0x54: {  	[sflag:s18] =	ssyncset.done $0x0  }
0x55: {  	s23 =	simm.s32 $0x0;
	[sflag:s18] =	ssyncadd.s32 $0xFFFF9C00  }
0x56: {  	v1 =	vld [tilespmem:s23+$0x19000]  }
0x57: {  	v0 =	vld [tilespmem:s23+$0x19010]  }
0x58: {  	v5 =	vld [tilespmem:s23+$0xC800]  }
0x59: {  	v7 =	vld [tilespmem:s23+$0xC810]  }
0x5a: {  	v6 =	vld [tilespmem:s23+$0xE100]  }
0x5b: {  	v3 =	vld [tilespmem:s23+$0xE110]  }
0x5c: {  	v2 =	vld [tilespmem:s23+$0xFA00]  }
0x5d: {  	v4 =	vld [tilespmem:s23+$0xFA10];
	v8 =	vadd.f32 v5, v1  }
0x5e: {  	s24 =	simm.s32 $0x80;
	v7 =	vadd.f32 v7, v0;
	v5 =	vld [tilespmem:s23+$0x11300]  }
.LBB2_4:
0x5f: {  	s25 =	sshra.s32 s24, $0x2;
	p0 =	sne.s32 s24, $0x6380;
	[tilespmem:s23+$0xC800] =	vst v8;
	v6 =	vadd.f32 v6, v1;
	v8 =	vld [tilespmem:s23+$0x11310]  }
0x60: {  	v9 =	vld [tilespmem:s25+$0x19000];
	[tilespmem:s23+$0xC810] =	vst v7;
	v3 =	vadd.f32 v3, v0  }
0x61: {  	v7 =	vld [tilespmem:s25+$0x19010];
	[tilespmem:s23+$0xE100] =	vst v6;
	v2 =	vadd.f32 v2, v1  }
0x62: {  	v10 =	vld [tilespmem:s25+$0xC800];
	[tilespmem:s23+$0xE110] =	vst v3;
	v3 =	vadd.f32 v4, v0  }
0x63: {  	v11 =	vld [tilespmem:s25+$0xC810];
	[tilespmem:s23+$0xFA00] =	vst v2;
	v2 =	vadd.f32 v5, v1  }
.Ltmp1:
0x64: {  	v6 =	vld [tilespmem:s25+$0xE100];
	[tilespmem:s23+$0xFA10] =	vst v3;
	v4 =	vadd.f32 v8, v0;
	(pc) =	sbr.rel @p0 .LBB2_4-.Ltmp1, $4  }
0x65: {  	v3 =	vld [tilespmem:s25+$0xE110];
	[tilespmem:s23+$0x11300] =	vst v2;
	v1 =	vmov v9  }
0x66: {  	v2 =	vld [tilespmem:s25+$0xFA00];
	[tilespmem:s23+$0x11310] =	vst v4;
	v0 =	vmov v7;
	s23 =	smov.u32 s25  }
0x67: {  	v8 =	vadd.f32 v10, v1;
	v4 =	vld [tilespmem:s23+$0xFA10]  }
0x68: {  	s24 =	sadd.s32 $0x80, s24;
	v7 =	vadd.f32 v11, v0;
	v5 =	vld [tilespmem:s23+$0x11300]  }
0x69: {  	[tilespmem:s23+$0xC800] =	vst v8;
	v6 =	vadd.f32 v6, v1;
	v8 =	vld [tilespmem:s23+$0x11310]  }
0x6a: {  	[tilespmem:s23+$0xC810] =	vst v7;
	v3 =	vadd.f32 v3, v0  }
0x6b: {  	[tilespmem:s23+$0xE100] =	vst v6;
	v2 =	vadd.f32 v2, v1  }
0x6c: {  	[tilespmem:s23+$0xE110] =	vst v3;
	v3 =	vadd.f32 v4, v0  }
0x6d: {  	[tilespmem:s23+$0xFA00] =	vst v2;
	v1 =	vadd.f32 v5, v1  }
0x6e: {  	[tilespmem:s23+$0xFA10] =	vst v3;
	v0 =	vadd.f32 v8, v0  }
0x6f: {  	[tilespmem:s23+$0x11300] =	vst v1  }
0x70: {  	s24 =	simm.s32 $0x0;
	[tilespmem:s23+$0x11310] =	vst v0  }
0x71: {  	[hbm4b:s10+s24] =	stream.linear.scatter [tilespmem:s14], [sflag:$0x5], $0x6400, $0x38;
	[tilespmem:$0x1A900] =	vst v63  }
0x72: {  	_ =	swait.ge [sflag:s19], $0x6400  }
0x73: {  	[sflag:s19] =	ssyncset.done $0x0  }
0x74: {  	s25 =	simm.s32 $0xC80;
	[sflag:s19] =	ssyncadd.s32 $0xFFFF9C00  }
0x75: {  	[tilespmem:s14], [sflag:$0x2] =	stream.indirect.gather [hbm4b:s3+s12], $0x20, s25, s12, $0xb8;
	[tilespmem:$0x1A900] =	vst v63  }
0x76: {  	_ =	swait.ge [sflag:s20], $0x6400  }
0x77: {  	[sflag:s20] =	ssyncset.done $0x0  }
0x78: {  	s23 =	simm.s32 $0x0;
	[sflag:s20] =	ssyncadd.s32 $0xFFFF9C00  }
0x79: {  	v1 =	vld [tilespmem:s23+$0x19000]  }
0x7a: {  	v0 =	vld [tilespmem:s23+$0x19010]  }
0x7b: {  	v5 =	vld [tilespmem:s23+$0x12C00]  }
0x7c: {  	v7 =	vld [tilespmem:s23+$0x12C10]  }
0x7d: {  	v6 =	vld [tilespmem:s23+$0x14500]  }
0x7e: {  	v3 =	vld [tilespmem:s23+$0x14510]  }
0x7f: {  	v2 =	vld [tilespmem:s23+$0x15E00]  }
0x80: {  	v4 =	vld [tilespmem:s23+$0x15E10];
	v8 =	vadd.f32 v5, v1  }
0x81: {  	s24 =	simm.s32 $0x80;
	v7 =	vadd.f32 v7, v0;
	v5 =	vld [tilespmem:s23+$0x17700]  }
.LBB2_6:
0x82: {  	s25 =	sshra.s32 s24, $0x2;
	p0 =	sne.s32 s24, $0x6380;
	[tilespmem:s23+$0x12C00] =	vst v8;
	v6 =	vadd.f32 v6, v1;
	v8 =	vld [tilespmem:s23+$0x17710]  }
0x83: {  	v9 =	vld [tilespmem:s25+$0x19000];
	[tilespmem:s23+$0x12C10] =	vst v7;
	v3 =	vadd.f32 v3, v0  }
0x84: {  	v7 =	vld [tilespmem:s25+$0x19010];
	[tilespmem:s23+$0x14500] =	vst v6;
	v2 =	vadd.f32 v2, v1  }
0x85: {  	v10 =	vld [tilespmem:s25+$0x12C00];
	[tilespmem:s23+$0x14510] =	vst v3;
	v3 =	vadd.f32 v4, v0  }
0x86: {  	v11 =	vld [tilespmem:s25+$0x12C10];
	[tilespmem:s23+$0x15E00] =	vst v2;
	v2 =	vadd.f32 v5, v1  }
.Ltmp2:
0x87: {  	v6 =	vld [tilespmem:s25+$0x14500];
	[tilespmem:s23+$0x15E10] =	vst v3;
	v4 =	vadd.f32 v8, v0;
	(pc) =	sbr.rel @p0 .LBB2_6-.Ltmp2, $4  }
0x88: {  	v3 =	vld [tilespmem:s25+$0x14510];
	[tilespmem:s23+$0x17700] =	vst v2;
	v1 =	vmov v9  }
0x89: {  	v2 =	vld [tilespmem:s25+$0x15E00];
	[tilespmem:s23+$0x17710] =	vst v4;
	v0 =	vmov v7;
	s23 =	smov.u32 s25  }
0x8a: {  	v8 =	vadd.f32 v10, v1;
	v4 =	vld [tilespmem:s23+$0x15E10]  }
0x8b: {  	s24 =	sadd.s32 $0x80, s24;
	v7 =	vadd.f32 v11, v0;
	v5 =	vld [tilespmem:s23+$0x17700]  }
0x8c: {  	[tilespmem:s23+$0x12C00] =	vst v8;
	v6 =	vadd.f32 v6, v1;
	v8 =	vld [tilespmem:s23+$0x17710]  }
0x8d: {  	[tilespmem:s23+$0x12C10] =	vst v7;
	v3 =	vadd.f32 v3, v0  }
0x8e: {  	[tilespmem:s23+$0x14500] =	vst v6;
	v2 =	vadd.f32 v2, v1  }
0x8f: {  	[tilespmem:s23+$0x14510] =	vst v3;
	v3 =	vadd.f32 v4, v0  }
0x90: {  	[tilespmem:s23+$0x15E00] =	vst v2;
	v1 =	vadd.f32 v5, v1  }
0x91: {  	[tilespmem:s23+$0x15E10] =	vst v3;
	v0 =	vadd.f32 v8, v0  }
0x92: {  	[tilespmem:s23+$0x17700] =	vst v1  }
0x93: {  	s25 =	simm.s32 $0x0;
	s24 =	rddreg [dreg:$0x5];
	[tilespmem:s23+$0x17710] =	vst v0  }
0x94: {  	[hbm4b:s24+s25] =	stream.linear.scatter [tilespmem:s15], [sflag:$0x6], $0x6400, $0x38;
	[tilespmem:$0x1A900] =	vst v63  }
0x95: {  	_ =	swait.ge [sflag:s21], $0x6400  }
0x96: {  	[sflag:s21] =	ssyncset.done $0x0  }
0x97: {  	s25 =	simm.s32 $0xFA0;
	[sflag:s21] =	ssyncadd.s32 $0xFFFF9C00  }
0x98: {  	[tilespmem:s15], [sflag:$0x3] =	stream.indirect.gather [hbm4b:s3+s12], $0x20, s25, s12, $0xb8;
	[tilespmem:$0x1A900] =	vst v63  }
0x99: {  	_ =	swait.ge [sflag:s16], $0x6400  }
0x9a: {  	[sflag:s16] =	ssyncset.done $0x0  }
0x9b: {  	s23 =	simm.s32 $0x0;
	[sflag:s16] =	ssyncadd.s32 $0xFFFF9C00  }
0x9c: {  	v1 =	vld [tilespmem:s23+$0x19000]  }
0x9d: {  	v0 =	vld [tilespmem:s23+$0x19010]  }
0x9e: {  	v5 =	vld [tilespmem:s23+$0x6400]  }
0x9f: {  	v7 =	vld [tilespmem:s23+$0x6410]  }
0xa0: {  	v6 =	vld [tilespmem:s23+$0x7D00]  }
0xa1: {  	v3 =	vld [tilespmem:s23+$0x7D10]  }
0xa2: {  	v2 =	vld [tilespmem:s23+$0x9600]  }
0xa3: {  	v4 =	vld [tilespmem:s23+$0x9610];
	v8 =	vadd.f32 v5, v1  }
0xa4: {  	s24 =	simm.s32 $0x80;
	v7 =	vadd.f32 v7, v0;
	v5 =	vld [tilespmem:s23+$0xAF00]  }
.LBB2_8:
0xa5: {  	s25 =	sshra.s32 s24, $0x2;
	p0 =	sne.s32 s24, $0x6380;
	[tilespmem:s23+$0x6400] =	vst v8;
	v6 =	vadd.f32 v6, v1;
	v8 =	vld [tilespmem:s23+$0xAF10]  }
0xa6: {  	v9 =	vld [tilespmem:s25+$0x19000];
	[tilespmem:s23+$0x6410] =	vst v7;
	v3 =	vadd.f32 v3, v0  }
0xa7: {  	v7 =	vld [tilespmem:s25+$0x19010];
	[tilespmem:s23+$0x7D00] =	vst v6;
	v2 =	vadd.f32 v2, v1  }
0xa8: {  	v10 =	vld [tilespmem:s25+$0x6400];
	[tilespmem:s23+$0x7D10] =	vst v3;
	v3 =	vadd.f32 v4, v0  }
0xa9: {  	v11 =	vld [tilespmem:s25+$0x6410];
	[tilespmem:s23+$0x9600] =	vst v2;
	v2 =	vadd.f32 v5, v1  }
.Ltmp3:
0xaa: {  	v6 =	vld [tilespmem:s25+$0x7D00];
	[tilespmem:s23+$0x9610] =	vst v3;
	v4 =	vadd.f32 v8, v0;
	(pc) =	sbr.rel @p0 .LBB2_8-.Ltmp3, $4  }
0xab: {  	v3 =	vld [tilespmem:s25+$0x7D10];
	[tilespmem:s23+$0xAF00] =	vst v2;
	v1 =	vmov v9  }
0xac: {  	v2 =	vld [tilespmem:s25+$0x9600];
	[tilespmem:s23+$0xAF10] =	vst v4;
	v0 =	vmov v7;
	s23 =	smov.u32 s25  }
0xad: {  	v8 =	vadd.f32 v10, v1;
	v4 =	vld [tilespmem:s23+$0x9610]  }
0xae: {  	s24 =	sadd.s32 $0x80, s24;
	v7 =	vadd.f32 v11, v0;
	v5 =	vld [tilespmem:s23+$0xAF00]  }
0xaf: {  	[tilespmem:s23+$0x6400] =	vst v8;
	v6 =	vadd.f32 v6, v1;
	v8 =	vld [tilespmem:s23+$0xAF10]  }
0xb0: {  	[tilespmem:s23+$0x6410] =	vst v7;
	v3 =	vadd.f32 v3, v0  }
0xb1: {  	[tilespmem:s23+$0x7D00] =	vst v6;
	v2 =	vadd.f32 v2, v1  }
0xb2: {  	[tilespmem:s23+$0x7D10] =	vst v3;
	v3 =	vadd.f32 v4, v0  }
0xb3: {  	[tilespmem:s23+$0x9600] =	vst v2;
	v1 =	vadd.f32 v5, v1  }
0xb4: {  	[tilespmem:s23+$0x9610] =	vst v3;
	v0 =	vadd.f32 v8, v0  }
0xb5: {  	[tilespmem:s23+$0xAF00] =	vst v1  }
0xb6: {  	s25 =	simm.s32 $0x0;
	s24 =	rddreg [dreg:$0x6];
	[tilespmem:s23+$0xAF10] =	vst v0  }
0xb7: {  	[hbm4b:s24+s25] =	stream.linear.scatter [tilespmem:s13], [sflag:$0x4], $0x6400, $0x38;
	[tilespmem:$0x1A900] =	vst v63  }
0xb8: {  	_ =	swait.ge [sflag:s17], $0x6400  }
0xb9: {  	[sflag:s17] =	ssyncset.done $0x0  }
0xba: {  	s25 =	simm.s32 $0x12C0;
	[sflag:s17] =	ssyncadd.s32 $0xFFFF9C00  }
0xbb: {  	[tilespmem:s13], [sflag:$0x1] =	stream.indirect.gather [hbm4b:s3+s12], $0x20, s25, s12, $0xb8;
	[tilespmem:$0x1A900] =	vst v63  }
0xbc: {  	_ =	swait.ge [sflag:s18], $0x6400  }
0xbd: {  	[sflag:s18] =	ssyncset.done $0x0  }
0xbe: {  	s23 =	simm.s32 $0x0;
	[sflag:s18] =	ssyncadd.s32 $0xFFFF9C00  }
0xbf: {  	v1 =	vld [tilespmem:s23+$0x19000]  }
0xc0: {  	v0 =	vld [tilespmem:s23+$0x19010]  }
0xc1: {  	v5 =	vld [tilespmem:s23+$0xC800]  }
0xc2: {  	v7 =	vld [tilespmem:s23+$0xC810]  }
0xc3: {  	v6 =	vld [tilespmem:s23+$0xE100]  }
0xc4: {  	v3 =	vld [tilespmem:s23+$0xE110]  }
0xc5: {  	v2 =	vld [tilespmem:s23+$0xFA00]  }
0xc6: {  	v4 =	vld [tilespmem:s23+$0xFA10];
	v8 =	vadd.f32 v5, v1  }
0xc7: {  	s24 =	simm.s32 $0x80;
	v7 =	vadd.f32 v7, v0;
	v5 =	vld [tilespmem:s23+$0x11300]  }
.LBB2_10:
0xc8: {  	s25 =	sshra.s32 s24, $0x2;
	p0 =	sne.s32 s24, $0x6380;
	[tilespmem:s23+$0xC800] =	vst v8;
	v6 =	vadd.f32 v6, v1;
	v8 =	vld [tilespmem:s23+$0x11310]  }
0xc9: {  	v9 =	vld [tilespmem:s25+$0x19000];
	[tilespmem:s23+$0xC810] =	vst v7;
	v3 =	vadd.f32 v3, v0  }
0xca: {  	v7 =	vld [tilespmem:s25+$0x19010];
	[tilespmem:s23+$0xE100] =	vst v6;
	v2 =	vadd.f32 v2, v1  }
0xcb: {  	v10 =	vld [tilespmem:s25+$0xC800];
	[tilespmem:s23+$0xE110] =	vst v3;
	v3 =	vadd.f32 v4, v0  }
0xcc: {  	v11 =	vld [tilespmem:s25+$0xC810];
	[tilespmem:s23+$0xFA00] =	vst v2;
	v2 =	vadd.f32 v5, v1  }
.Ltmp4:
0xcd: {  	v6 =	vld [tilespmem:s25+$0xE100];
	[tilespmem:s23+$0xFA10] =	vst v3;
	v4 =	vadd.f32 v8, v0;
	(pc) =	sbr.rel @p0 .LBB2_10-.Ltmp4, $4  }
0xce: {  	v3 =	vld [tilespmem:s25+$0xE110];
	[tilespmem:s23+$0x11300] =	vst v2;
	v1 =	vmov v9  }
0xcf: {  	v2 =	vld [tilespmem:s25+$0xFA00];
	[tilespmem:s23+$0x11310] =	vst v4;
	v0 =	vmov v7;
	s23 =	smov.u32 s25  }
0xd0: {  	v8 =	vadd.f32 v10, v1;
	v4 =	vld [tilespmem:s23+$0xFA10]  }
0xd1: {  	s24 =	sadd.s32 $0x80, s24;
	v7 =	vadd.f32 v11, v0;
	v5 =	vld [tilespmem:s23+$0x11300]  }
0xd2: {  	[tilespmem:s23+$0xC800] =	vst v8;
	v6 =	vadd.f32 v6, v1;
	v8 =	vld [tilespmem:s23+$0x11310]  }
0xd3: {  	[tilespmem:s23+$0xC810] =	vst v7;
	v3 =	vadd.f32 v3, v0  }
0xd4: {  	[tilespmem:s23+$0xE100] =	vst v6;
	v2 =	vadd.f32 v2, v1  }
0xd5: {  	[tilespmem:s23+$0xE110] =	vst v3;
	v3 =	vadd.f32 v4, v0  }
0xd6: {  	[tilespmem:s23+$0xFA00] =	vst v2;
	v1 =	vadd.f32 v5, v1  }
0xd7: {  	[tilespmem:s23+$0xFA10] =	vst v3;
	v0 =	vadd.f32 v8, v0  }
0xd8: {  	[tilespmem:s23+$0x11300] =	vst v1  }
0xd9: {  	s25 =	simm.s32 $0x0;
	s24 =	rddreg [dreg:$0x7];
	[tilespmem:s23+$0x11310] =	vst v0  }
0xda: {  	[hbm4b:s24+s25] =	stream.linear.scatter [tilespmem:s14], [sflag:$0x5], $0x6400, $0x38;
	[tilespmem:$0x1A900] =	vst v63  }
0xdb: {  	_ =	swait.ge [sflag:s19], $0x6400  }
0xdc: {  	[sflag:s19] =	ssyncset.done $0x0  }
0xdd: {  	s25 =	simm.s32 $0x15E0;
	[sflag:s19] =	ssyncadd.s32 $0xFFFF9C00  }
0xde: {  	[tilespmem:s14], [sflag:$0x2] =	stream.indirect.gather [hbm4b:s3+s12], $0x20, s25, s12, $0xb8;
	[tilespmem:$0x1A900] =	vst v63  }
0xdf: {  	_ =	swait.ge [sflag:s20], $0x6400  }
0xe0: {  	[sflag:s20] =	ssyncset.done $0x0  }
0xe1: {  	s23 =	simm.s32 $0x0;
	[sflag:s20] =	ssyncadd.s32 $0xFFFF9C00  }
0xe2: {  	v1 =	vld [tilespmem:s23+$0x19000]  }
0xe3: {  	v0 =	vld [tilespmem:s23+$0x19010]  }
0xe4: {  	v5 =	vld [tilespmem:s23+$0x12C00]  }
0xe5: {  	v7 =	vld [tilespmem:s23+$0x12C10]  }
0xe6: {  	v6 =	vld [tilespmem:s23+$0x14500]  }
0xe7: {  	v3 =	vld [tilespmem:s23+$0x14510]  }
0xe8: {  	v2 =	vld [tilespmem:s23+$0x15E00]  }
0xe9: {  	v4 =	vld [tilespmem:s23+$0x15E10];
	v8 =	vadd.f32 v5, v1  }
0xea: {  	s24 =	simm.s32 $0x80;
	v7 =	vadd.f32 v7, v0;
	v5 =	vld [tilespmem:s23+$0x17700]  }
.LBB2_12:
0xeb: {  	s25 =	sshra.s32 s24, $0x2;
	p0 =	sne.s32 s24, $0x6380;
	[tilespmem:s23+$0x12C00] =	vst v8;
	v6 =	vadd.f32 v6, v1;
	v8 =	vld [tilespmem:s23+$0x17710]  }
0xec: {  	v9 =	vld [tilespmem:s25+$0x19000];
	[tilespmem:s23+$0x12C10] =	vst v7;
	v3 =	vadd.f32 v3, v0  }
0xed: {  	v7 =	vld [tilespmem:s25+$0x19010];
	[tilespmem:s23+$0x14500] =	vst v6;
	v2 =	vadd.f32 v2, v1  }
0xee: {  	v10 =	vld [tilespmem:s25+$0x12C00];
	[tilespmem:s23+$0x14510] =	vst v3;
	v3 =	vadd.f32 v4, v0  }
0xef: {  	v11 =	vld [tilespmem:s25+$0x12C10];
	[tilespmem:s23+$0x15E00] =	vst v2;
	v2 =	vadd.f32 v5, v1  }
.Ltmp5:
0xf0: {  	v6 =	vld [tilespmem:s25+$0x14500];
	[tilespmem:s23+$0x15E10] =	vst v3;
	v4 =	vadd.f32 v8, v0;
	(pc) =	sbr.rel @p0 .LBB2_12-.Ltmp5, $4  }
0xf1: {  	v3 =	vld [tilespmem:s25+$0x14510];
	[tilespmem:s23+$0x17700] =	vst v2;
	v1 =	vmov v9  }
0xf2: {  	v2 =	vld [tilespmem:s25+$0x15E00];
	[tilespmem:s23+$0x17710] =	vst v4;
	v0 =	vmov v7;
	s23 =	smov.u32 s25  }
0xf3: {  	v8 =	vadd.f32 v10, v1;
	v4 =	vld [tilespmem:s23+$0x15E10]  }
0xf4: {  	s24 =	sadd.s32 $0x80, s24;
	v7 =	vadd.f32 v11, v0;
	v5 =	vld [tilespmem:s23+$0x17700]  }
0xf5: {  	[tilespmem:s23+$0x12C00] =	vst v8;
	v6 =	vadd.f32 v6, v1;
	v8 =	vld [tilespmem:s23+$0x17710]  }
0xf6: {  	[tilespmem:s23+$0x12C10] =	vst v7;
	v3 =	vadd.f32 v3, v0  }
0xf7: {  	[tilespmem:s23+$0x14500] =	vst v6;
	v2 =	vadd.f32 v2, v1  }
0xf8: {  	[tilespmem:s23+$0x14510] =	vst v3;
	v3 =	vadd.f32 v4, v0  }
0xf9: {  	[tilespmem:s23+$0x15E00] =	vst v2;
	v1 =	vadd.f32 v5, v1  }
0xfa: {  	[tilespmem:s23+$0x15E10] =	vst v3;
	v0 =	vadd.f32 v8, v0  }
0xfb: {  	[tilespmem:s23+$0x17700] =	vst v1  }
0xfc: {  	s25 =	simm.s32 $0x0;
	s24 =	rddreg [dreg:$0x8];
	[tilespmem:s23+$0x17710] =	vst v0  }
0xfd: {  	[hbm4b:s24+s25] =	stream.linear.scatter [tilespmem:s15], [sflag:$0x6], $0x6400, $0x38;
	[tilespmem:$0x1A900] =	vst v63  }
0xfe: {  	_ =	swait.ge [sflag:s21], $0x6400  }
0xff: {  	[sflag:s21] =	ssyncset.done $0x0  }
0x100: {  	s25 =	simm.s32 $0x1900;
	[sflag:s21] =	ssyncadd.s32 $0xFFFF9C00  }
0x101: {  	[tilespmem:s15], [sflag:$0x3] =	stream.indirect.gather [hbm4b:s3+s12], $0x20, s25, s12, $0xb8;
	[tilespmem:$0x1A900] =	vst v63  }
0x102: {  	_ =	swait.ge [sflag:s16], $0x6400  }
0x103: {  	[sflag:s16] =	ssyncset.done $0x0  }
0x104: {  	s23 =	simm.s32 $0x0;
	[sflag:s16] =	ssyncadd.s32 $0xFFFF9C00  }
0x105: {  	v1 =	vld [tilespmem:s23+$0x19000]  }
0x106: {  	v0 =	vld [tilespmem:s23+$0x19010]  }
0x107: {  	v5 =	vld [tilespmem:s23+$0x6400]  }
0x108: {  	v7 =	vld [tilespmem:s23+$0x6410]  }
0x109: {  	v6 =	vld [tilespmem:s23+$0x7D00]  }
0x10a: {  	v3 =	vld [tilespmem:s23+$0x7D10]  }
0x10b: {  	v2 =	vld [tilespmem:s23+$0x9600]  }
0x10c: {  	v4 =	vld [tilespmem:s23+$0x9610];
	v8 =	vadd.f32 v5, v1  }
0x10d: {  	s24 =	simm.s32 $0x80;
	v7 =	vadd.f32 v7, v0;
	v5 =	vld [tilespmem:s23+$0xAF00]  }
.LBB2_14:
0x10e: {  	s25 =	sshra.s32 s24, $0x2;
	p0 =	sne.s32 s24, $0x6380;
	[tilespmem:s23+$0x6400] =	vst v8;
	v6 =	vadd.f32 v6, v1;
	v8 =	vld [tilespmem:s23+$0xAF10]  }
0x10f: {  	v9 =	vld [tilespmem:s25+$0x19000];
	[tilespmem:s23+$0x6410] =	vst v7;
	v3 =	vadd.f32 v3, v0  }
0x110: {  	v7 =	vld [tilespmem:s25+$0x19010];
	[tilespmem:s23+$0x7D00] =	vst v6;
	v2 =	vadd.f32 v2, v1  }
0x111: {  	v10 =	vld [tilespmem:s25+$0x6400];
	[tilespmem:s23+$0x7D10] =	vst v3;
	v3 =	vadd.f32 v4, v0  }
0x112: {  	v11 =	vld [tilespmem:s25+$0x6410];
	[tilespmem:s23+$0x9600] =	vst v2;
	v2 =	vadd.f32 v5, v1  }
.Ltmp6:
0x113: {  	v6 =	vld [tilespmem:s25+$0x7D00];
	[tilespmem:s23+$0x9610] =	vst v3;
	v4 =	vadd.f32 v8, v0;
	(pc) =	sbr.rel @p0 .LBB2_14-.Ltmp6, $4  }
0x114: {  	v3 =	vld [tilespmem:s25+$0x7D10];
	[tilespmem:s23+$0xAF00] =	vst v2;
	v1 =	vmov v9  }
0x115: {  	v2 =	vld [tilespmem:s25+$0x9600];
	[tilespmem:s23+$0xAF10] =	vst v4;
	v0 =	vmov v7;
	s23 =	smov.u32 s25  }
0x116: {  	v8 =	vadd.f32 v10, v1;
	v4 =	vld [tilespmem:s23+$0x9610]  }
0x117: {  	s24 =	sadd.s32 $0x80, s24;
	v7 =	vadd.f32 v11, v0;
	v5 =	vld [tilespmem:s23+$0xAF00]  }
0x118: {  	[tilespmem:s23+$0x6400] =	vst v8;
	v6 =	vadd.f32 v6, v1;
	v8 =	vld [tilespmem:s23+$0xAF10]  }
0x119: {  	[tilespmem:s23+$0x6410] =	vst v7;
	v3 =	vadd.f32 v3, v0  }
0x11a: {  	[tilespmem:s23+$0x7D00] =	vst v6;
	v2 =	vadd.f32 v2, v1  }
0x11b: {  	[tilespmem:s23+$0x7D10] =	vst v3;
	v3 =	vadd.f32 v4, v0  }
0x11c: {  	[tilespmem:s23+$0x9600] =	vst v2;
	v1 =	vadd.f32 v5, v1  }
0x11d: {  	[tilespmem:s23+$0x9610] =	vst v3;
	v0 =	vadd.f32 v8, v0  }
0x11e: {  	[tilespmem:s23+$0xAF00] =	vst v1  }
0x11f: {  	s25 =	simm.s32 $0x0;
	s24 =	rddreg [dreg:$0x9];
	[tilespmem:s23+$0xAF10] =	vst v0  }
0x120: {  	[hbm4b:s24+s25] =	stream.linear.scatter [tilespmem:s13], [sflag:$0x4], $0x6400, $0x38;
	[tilespmem:$0x1A900] =	vst v63  }
0x121: {  	_ =	swait.ge [sflag:s17], $0x6400  }
0x122: {  	[sflag:s17] =	ssyncset.done $0x0  }
0x123: {  	s25 =	simm.s32 $0x1C20;
	[sflag:s17] =	ssyncadd.s32 $0xFFFF9C00  }
0x124: {  	[tilespmem:s13], [sflag:$0x1] =	stream.indirect.gather [hbm4b:s3+s12], $0x20, s25, s12, $0xb8;
	[tilespmem:$0x1A900] =	vst v63  }
0x125: {  	_ =	swait.ge [sflag:s18], $0x6400  }
0x126: {  	[sflag:s18] =	ssyncset.done $0x0  }
0x127: {  	s23 =	simm.s32 $0x0;
	[sflag:s18] =	ssyncadd.s32 $0xFFFF9C00  }
0x128: {  	v1 =	vld [tilespmem:s23+$0x19000]  }
0x129: {  	v0 =	vld [tilespmem:s23+$0x19010]  }
0x12a: {  	v5 =	vld [tilespmem:s23+$0xC800]  }
0x12b: {  	v7 =	vld [tilespmem:s23+$0xC810]  }
0x12c: {  	v6 =	vld [tilespmem:s23+$0xE100]  }
0x12d: {  	v3 =	vld [tilespmem:s23+$0xE110]  }
0x12e: {  	v2 =	vld [tilespmem:s23+$0xFA00]  }
0x12f: {  	v4 =	vld [tilespmem:s23+$0xFA10];
	v8 =	vadd.f32 v5, v1  }
0x130: {  	s24 =	simm.s32 $0x80;
	v7 =	vadd.f32 v7, v0;
	v5 =	vld [tilespmem:s23+$0x11300]  }
.LBB2_16:
0x131: {  	s25 =	sshra.s32 s24, $0x2;
	p0 =	sne.s32 s24, $0x6380;
	[tilespmem:s23+$0xC800] =	vst v8;
	v6 =	vadd.f32 v6, v1;
	v8 =	vld [tilespmem:s23+$0x11310]  }
0x132: {  	v9 =	vld [tilespmem:s25+$0x19000];
	[tilespmem:s23+$0xC810] =	vst v7;
	v3 =	vadd.f32 v3, v0  }
0x133: {  	v7 =	vld [tilespmem:s25+$0x19010];
	[tilespmem:s23+$0xE100] =	vst v6;
	v2 =	vadd.f32 v2, v1  }
0x134: {  	v10 =	vld [tilespmem:s25+$0xC800];
	[tilespmem:s23+$0xE110] =	vst v3;
	v3 =	vadd.f32 v4, v0  }
0x135: {  	v11 =	vld [tilespmem:s25+$0xC810];
	[tilespmem:s23+$0xFA00] =	vst v2;
	v2 =	vadd.f32 v5, v1  }
.Ltmp7:
0x136: {  	v6 =	vld [tilespmem:s25+$0xE100];
	[tilespmem:s23+$0xFA10] =	vst v3;
	v4 =	vadd.f32 v8, v0;
	(pc) =	sbr.rel @p0 .LBB2_16-.Ltmp7, $4  }
0x137: {  	v3 =	vld [tilespmem:s25+$0xE110];
	[tilespmem:s23+$0x11300] =	vst v2;
	v1 =	vmov v9  }
0x138: {  	v2 =	vld [tilespmem:s25+$0xFA00];
	[tilespmem:s23+$0x11310] =	vst v4;
	v0 =	vmov v7;
	s23 =	smov.u32 s25  }
0x139: {  	v8 =	vadd.f32 v10, v1;
	v4 =	vld [tilespmem:s23+$0xFA10]  }
0x13a: {  	s24 =	sadd.s32 $0x80, s24;
	v7 =	vadd.f32 v11, v0;
	v5 =	vld [tilespmem:s23+$0x11300]  }
0x13b: {  	[tilespmem:s23+$0xC800] =	vst v8;
	v6 =	vadd.f32 v6, v1;
	v8 =	vld [tilespmem:s23+$0x11310]  }
0x13c: {  	[tilespmem:s23+$0xC810] =	vst v7;
	v3 =	vadd.f32 v3, v0  }
0x13d: {  	[tilespmem:s23+$0xE100] =	vst v6;
	v2 =	vadd.f32 v2, v1  }
0x13e: {  	[tilespmem:s23+$0xE110] =	vst v3;
	v3 =	vadd.f32 v4, v0  }
0x13f: {  	[tilespmem:s23+$0xFA00] =	vst v2;
	v1 =	vadd.f32 v5, v1  }
0x140: {  	[tilespmem:s23+$0xFA10] =	vst v3;
	v0 =	vadd.f32 v8, v0  }
0x141: {  	[tilespmem:s23+$0x11300] =	vst v1  }
0x142: {  	s25 =	simm.s32 $0x0;
	s24 =	rddreg [dreg:$0xa];
	[tilespmem:s23+$0x11310] =	vst v0  }
0x143: {  	[hbm4b:s24+s25] =	stream.linear.scatter [tilespmem:s14], [sflag:$0x5], $0x6400, $0x38;
	[tilespmem:$0x1A900] =	vst v63  }
0x144: {  	_ =	swait.ge [sflag:s19], $0x6400  }
0x145: {  	[sflag:s19] =	ssyncset.done $0x0  }
0x146: {  	s25 =	simm.s32 $0x1F40;
	[sflag:s19] =	ssyncadd.s32 $0xFFFF9C00  }
0x147: {  	[tilespmem:s14], [sflag:$0x2] =	stream.indirect.gather [hbm4b:s3+s12], $0x20, s25, s12, $0xb8;
	[tilespmem:$0x1A900] =	vst v63  }
0x148: {  	_ =	swait.ge [sflag:s20], $0x6400  }
0x149: {  	[sflag:s20] =	ssyncset.done $0x0  }
0x14a: {  	s23 =	simm.s32 $0x0;
	[sflag:s20] =	ssyncadd.s32 $0xFFFF9C00  }
0x14b: {  	v1 =	vld [tilespmem:s23+$0x19000]  }
0x14c: {  	v0 =	vld [tilespmem:s23+$0x19010]  }
0x14d: {  	v5 =	vld [tilespmem:s23+$0x12C00]  }
0x14e: {  	v7 =	vld [tilespmem:s23+$0x12C10]  }
0x14f: {  	v6 =	vld [tilespmem:s23+$0x14500]  }
0x150: {  	v3 =	vld [tilespmem:s23+$0x14510]  }
0x151: {  	v2 =	vld [tilespmem:s23+$0x15E00]  }
0x152: {  	v4 =	vld [tilespmem:s23+$0x15E10];
	v8 =	vadd.f32 v5, v1  }
0x153: {  	s24 =	simm.s32 $0x80;
	v7 =	vadd.f32 v7, v0;
	v5 =	vld [tilespmem:s23+$0x17700]  }
.LBB2_18:
0x154: {  	s25 =	sshra.s32 s24, $0x2;
	p0 =	sne.s32 s24, $0x6380;
	[tilespmem:s23+$0x12C00] =	vst v8;
	v6 =	vadd.f32 v6, v1;
	v8 =	vld [tilespmem:s23+$0x17710]  }
0x155: {  	v9 =	vld [tilespmem:s25+$0x19000];
	[tilespmem:s23+$0x12C10] =	vst v7;
	v3 =	vadd.f32 v3, v0  }
0x156: {  	v7 =	vld [tilespmem:s25+$0x19010];
	[tilespmem:s23+$0x14500] =	vst v6;
	v2 =	vadd.f32 v2, v1  }
0x157: {  	v10 =	vld [tilespmem:s25+$0x12C00];
	[tilespmem:s23+$0x14510] =	vst v3;
	v3 =	vadd.f32 v4, v0  }
0x158: {  	v11 =	vld [tilespmem:s25+$0x12C10];
	[tilespmem:s23+$0x15E00] =	vst v2;
	v2 =	vadd.f32 v5, v1  }
.Ltmp8:
0x159: {  	v6 =	vld [tilespmem:s25+$0x14500];
	[tilespmem:s23+$0x15E10] =	vst v3;
	v4 =	vadd.f32 v8, v0;
	(pc) =	sbr.rel @p0 .LBB2_18-.Ltmp8, $4  }
0x15a: {  	v3 =	vld [tilespmem:s25+$0x14510];
	[tilespmem:s23+$0x17700] =	vst v2;
	v1 =	vmov v9  }
0x15b: {  	v2 =	vld [tilespmem:s25+$0x15E00];
	[tilespmem:s23+$0x17710] =	vst v4;
	v0 =	vmov v7;
	s23 =	smov.u32 s25  }
0x15c: {  	v8 =	vadd.f32 v10, v1;
	v4 =	vld [tilespmem:s23+$0x15E10]  }
0x15d: {  	s24 =	sadd.s32 $0x80, s24;
	v7 =	vadd.f32 v11, v0;
	v5 =	vld [tilespmem:s23+$0x17700]  }
0x15e: {  	[tilespmem:s23+$0x12C00] =	vst v8;
	v6 =	vadd.f32 v6, v1;
	v8 =	vld [tilespmem:s23+$0x17710]  }
0x15f: {  	[tilespmem:s23+$0x12C10] =	vst v7;
	v3 =	vadd.f32 v3, v0  }
0x160: {  	[tilespmem:s23+$0x14500] =	vst v6;
	v2 =	vadd.f32 v2, v1  }
0x161: {  	[tilespmem:s23+$0x14510] =	vst v3;
	v3 =	vadd.f32 v4, v0  }
0x162: {  	[tilespmem:s23+$0x15E00] =	vst v2;
	v1 =	vadd.f32 v5, v1  }
0x163: {  	[tilespmem:s23+$0x15E10] =	vst v3;
	v0 =	vadd.f32 v8, v0  }
0x164: {  	[tilespmem:s23+$0x17700] =	vst v1  }
0x165: {  	s25 =	simm.s32 $0x0;
	s24 =	rddreg [dreg:$0xb];
	[tilespmem:s23+$0x17710] =	vst v0  }
0x166: {  	[hbm4b:s24+s25] =	stream.linear.scatter [tilespmem:s15], [sflag:$0x6], $0x6400, $0x38;
	[tilespmem:$0x1A900] =	vst v63  }
0x167: {  	_ =	swait.ge [sflag:s21], $0x6400  }
0x168: {  	[sflag:s21] =	ssyncset.done $0x0  }
0x169: {  	s25 =	simm.s32 $0x2260;
	[sflag:s21] =	ssyncadd.s32 $0xFFFF9C00  }
0x16a: {  	[tilespmem:s15], [sflag:$0x3] =	stream.indirect.gather [hbm4b:s3+s12], $0x20, s25, s12, $0xb8;
	[tilespmem:$0x1A900] =	vst v63  }
0x16b: {  	_ =	swait.ge [sflag:s16], $0x6400  }
0x16c: {  	[sflag:s16] =	ssyncset.done $0x0  }
0x16d: {  	s23 =	simm.s32 $0x0;
	[sflag:s16] =	ssyncadd.s32 $0xFFFF9C00  }
0x16e: {  	v1 =	vld [tilespmem:s23+$0x19000]  }
0x16f: {  	v0 =	vld [tilespmem:s23+$0x19010]  }
0x170: {  	v5 =	vld [tilespmem:s23+$0x6400]  }
0x171: {  	v7 =	vld [tilespmem:s23+$0x6410]  }
0x172: {  	v6 =	vld [tilespmem:s23+$0x7D00]  }
0x173: {  	v3 =	vld [tilespmem:s23+$0x7D10]  }
0x174: {  	v2 =	vld [tilespmem:s23+$0x9600]  }
0x175: {  	v4 =	vld [tilespmem:s23+$0x9610];
	v8 =	vadd.f32 v5, v1  }
0x176: {  	s24 =	simm.s32 $0x80;
	v7 =	vadd.f32 v7, v0;
	v5 =	vld [tilespmem:s23+$0xAF00]  }
.LBB2_20:
0x177: {  	s25 =	sshra.s32 s24, $0x2;
	p0 =	sne.s32 s24, $0x6380;
	[tilespmem:s23+$0x6400] =	vst v8;
	v6 =	vadd.f32 v6, v1;
	v8 =	vld [tilespmem:s23+$0xAF10]  }
0x178: {  	v9 =	vld [tilespmem:s25+$0x19000];
	[tilespmem:s23+$0x6410] =	vst v7;
	v3 =	vadd.f32 v3, v0  }
0x179: {  	v7 =	vld [tilespmem:s25+$0x19010];
	[tilespmem:s23+$0x7D00] =	vst v6;
	v2 =	vadd.f32 v2, v1  }
0x17a: {  	v10 =	vld [tilespmem:s25+$0x6400];
	[tilespmem:s23+$0x7D10] =	vst v3;
	v3 =	vadd.f32 v4, v0  }
0x17b: {  	v11 =	vld [tilespmem:s25+$0x6410];
	[tilespmem:s23+$0x9600] =	vst v2;
	v2 =	vadd.f32 v5, v1  }
.Ltmp9:
0x17c: {  	v6 =	vld [tilespmem:s25+$0x7D00];
	[tilespmem:s23+$0x9610] =	vst v3;
	v4 =	vadd.f32 v8, v0;
	(pc) =	sbr.rel @p0 .LBB2_20-.Ltmp9, $4  }
0x17d: {  	v3 =	vld [tilespmem:s25+$0x7D10];
	[tilespmem:s23+$0xAF00] =	vst v2;
	v1 =	vmov v9  }
0x17e: {  	v2 =	vld [tilespmem:s25+$0x9600];
	[tilespmem:s23+$0xAF10] =	vst v4;
	v0 =	vmov v7;
	s23 =	smov.u32 s25  }
0x17f: {  	v8 =	vadd.f32 v10, v1;
	v4 =	vld [tilespmem:s23+$0x9610]  }
0x180: {  	s24 =	sadd.s32 $0x80, s24;
	v7 =	vadd.f32 v11, v0;
	v5 =	vld [tilespmem:s23+$0xAF00]  }
0x181: {  	[tilespmem:s23+$0x6400] =	vst v8;
	v6 =	vadd.f32 v6, v1;
	v8 =	vld [tilespmem:s23+$0xAF10]  }
0x182: {  	[tilespmem:s23+$0x6410] =	vst v7;
	v3 =	vadd.f32 v3, v0  }
0x183: {  	[tilespmem:s23+$0x7D00] =	vst v6;
	v2 =	vadd.f32 v2, v1  }
0x184: {  	[tilespmem:s23+$0x7D10] =	vst v3;
	v3 =	vadd.f32 v4, v0  }
0x185: {  	[tilespmem:s23+$0x9600] =	vst v2;
	v1 =	vadd.f32 v5, v1  }
0x186: {  	[tilespmem:s23+$0x9610] =	vst v3;
	v0 =	vadd.f32 v8, v0  }
0x187: {  	[tilespmem:s23+$0xAF00] =	vst v1  }
0x188: {  	s25 =	simm.s32 $0x0;
	s24 =	rddreg [dreg:$0xc];
	[tilespmem:s23+$0xAF10] =	vst v0  }
0x189: {  	[hbm4b:s24+s25] =	stream.linear.scatter [tilespmem:s13], [sflag:$0x4], $0x6400, $0x38;
	[tilespmem:$0x1A900] =	vst v63  }
0x18a: {  	_ =	swait.ge [sflag:s17], $0x6400  }
0x18b: {  	[sflag:s17] =	ssyncset.done $0x0  }
0x18c: {  	s25 =	simm.s32 $0x2580;
	[sflag:s17] =	ssyncadd.s32 $0xFFFF9C00  }
0x18d: {  	[tilespmem:s13], [sflag:$0x1] =	stream.indirect.gather [hbm4b:s3+s12], $0x20, s25, s12, $0xb8;
	[tilespmem:$0x1A900] =	vst v63  }
0x18e: {  	_ =	swait.ge [sflag:s18], $0x6400  }
0x18f: {  	[sflag:s18] =	ssyncset.done $0x0  }
0x190: {  	s23 =	simm.s32 $0x0;
	[sflag:s18] =	ssyncadd.s32 $0xFFFF9C00  }
0x191: {  	v1 =	vld [tilespmem:s23+$0x19000]  }
0x192: {  	v0 =	vld [tilespmem:s23+$0x19010]  }
0x193: {  	v5 =	vld [tilespmem:s23+$0xC800]  }
0x194: {  	v7 =	vld [tilespmem:s23+$0xC810]  }
0x195: {  	v6 =	vld [tilespmem:s23+$0xE100]  }
0x196: {  	v3 =	vld [tilespmem:s23+$0xE110]  }
0x197: {  	v2 =	vld [tilespmem:s23+$0xFA00]  }
0x198: {  	v4 =	vld [tilespmem:s23+$0xFA10];
	v8 =	vadd.f32 v5, v1  }
0x199: {  	s24 =	simm.s32 $0x80;
	v7 =	vadd.f32 v7, v0;
	v5 =	vld [tilespmem:s23+$0x11300]  }
.LBB2_22:
0x19a: {  	s25 =	sshra.s32 s24, $0x2;
	p0 =	sne.s32 s24, $0x6380;
	[tilespmem:s23+$0xC800] =	vst v8;
	v6 =	vadd.f32 v6, v1;
	v8 =	vld [tilespmem:s23+$0x11310]  }
0x19b: {  	v9 =	vld [tilespmem:s25+$0x19000];
	[tilespmem:s23+$0xC810] =	vst v7;
	v3 =	vadd.f32 v3, v0  }
0x19c: {  	v7 =	vld [tilespmem:s25+$0x19010];
	[tilespmem:s23+$0xE100] =	vst v6;
	v2 =	vadd.f32 v2, v1  }
0x19d: {  	v10 =	vld [tilespmem:s25+$0xC800];
	[tilespmem:s23+$0xE110] =	vst v3;
	v3 =	vadd.f32 v4, v0  }
0x19e: {  	v11 =	vld [tilespmem:s25+$0xC810];
	[tilespmem:s23+$0xFA00] =	vst v2;
	v2 =	vadd.f32 v5, v1  }
.Ltmp10:
0x19f: {  	v6 =	vld [tilespmem:s25+$0xE100];
	[tilespmem:s23+$0xFA10] =	vst v3;
	v4 =	vadd.f32 v8, v0;
	(pc) =	sbr.rel @p0 .LBB2_22-.Ltmp10, $4  }
0x1a0: {  	v3 =	vld [tilespmem:s25+$0xE110];
	[tilespmem:s23+$0x11300] =	vst v2;
	v1 =	vmov v9  }
0x1a1: {  	v2 =	vld [tilespmem:s25+$0xFA00];
	[tilespmem:s23+$0x11310] =	vst v4;
	v0 =	vmov v7;
	s23 =	smov.u32 s25  }
0x1a2: {  	v8 =	vadd.f32 v10, v1;
	v4 =	vld [tilespmem:s23+$0xFA10]  }
0x1a3: {  	s24 =	sadd.s32 $0x80, s24;
	v7 =	vadd.f32 v11, v0;
	v5 =	vld [tilespmem:s23+$0x11300]  }
0x1a4: {  	[tilespmem:s23+$0xC800] =	vst v8;
	v6 =	vadd.f32 v6, v1;
	v8 =	vld [tilespmem:s23+$0x11310]  }
0x1a5: {  	[tilespmem:s23+$0xC810] =	vst v7;
	v3 =	vadd.f32 v3, v0  }
0x1a6: {  	[tilespmem:s23+$0xE100] =	vst v6;
	v2 =	vadd.f32 v2, v1  }
0x1a7: {  	[tilespmem:s23+$0xE110] =	vst v3;
	v3 =	vadd.f32 v4, v0  }
0x1a8: {  	[tilespmem:s23+$0xFA00] =	vst v2;
	v1 =	vadd.f32 v5, v1  }
0x1a9: {  	[tilespmem:s23+$0xFA10] =	vst v3;
	v0 =	vadd.f32 v8, v0  }
0x1aa: {  	[tilespmem:s23+$0x11300] =	vst v1  }
0x1ab: {  	s25 =	simm.s32 $0x0;
	s24 =	rddreg [dreg:$0xd];
	[tilespmem:s23+$0x11310] =	vst v0  }
0x1ac: {  	[hbm4b:s24+s25] =	stream.linear.scatter [tilespmem:s14], [sflag:$0x5], $0x6400, $0x38;
	[tilespmem:$0x1A900] =	vst v63  }
0x1ad: {  	_ =	swait.ge [sflag:s19], $0x6400  }
0x1ae: {  	[sflag:s19] =	ssyncset.done $0x0  }
0x1af: {  	s25 =	simm.s32 $0x28A0;
	[sflag:s19] =	ssyncadd.s32 $0xFFFF9C00  }
0x1b0: {  	[tilespmem:s14], [sflag:$0x2] =	stream.indirect.gather [hbm4b:s3+s12], $0x20, s25, s12, $0xb8;
	[tilespmem:$0x1A900] =	vst v63  }
0x1b1: {  	_ =	swait.ge [sflag:s20], $0x6400  }
0x1b2: {  	[sflag:s20] =	ssyncset.done $0x0  }
0x1b3: {  	s23 =	simm.s32 $0x0;
	[sflag:s20] =	ssyncadd.s32 $0xFFFF9C00  }
0x1b4: {  	v1 =	vld [tilespmem:s23+$0x19000]  }
0x1b5: {  	v0 =	vld [tilespmem:s23+$0x19010]  }
0x1b6: {  	v5 =	vld [tilespmem:s23+$0x12C00]  }
0x1b7: {  	v7 =	vld [tilespmem:s23+$0x12C10]  }
0x1b8: {  	v6 =	vld [tilespmem:s23+$0x14500]  }
0x1b9: {  	v3 =	vld [tilespmem:s23+$0x14510]  }
0x1ba: {  	v2 =	vld [tilespmem:s23+$0x15E00]  }
0x1bb: {  	v4 =	vld [tilespmem:s23+$0x15E10];
	v8 =	vadd.f32 v5, v1  }
0x1bc: {  	s24 =	simm.s32 $0x80;
	v7 =	vadd.f32 v7, v0;
	v5 =	vld [tilespmem:s23+$0x17700]  }
.LBB2_24:
0x1bd: {  	s25 =	sshra.s32 s24, $0x2;
	p0 =	sne.s32 s24, $0x6380;
	[tilespmem:s23+$0x12C00] =	vst v8;
	v6 =	vadd.f32 v6, v1;
	v8 =	vld [tilespmem:s23+$0x17710]  }
0x1be: {  	v9 =	vld [tilespmem:s25+$0x19000];
	[tilespmem:s23+$0x12C10] =	vst v7;
	v3 =	vadd.f32 v3, v0  }
0x1bf: {  	v7 =	vld [tilespmem:s25+$0x19010];
	[tilespmem:s23+$0x14500] =	vst v6;
	v2 =	vadd.f32 v2, v1  }
0x1c0: {  	v10 =	vld [tilespmem:s25+$0x12C00];
	[tilespmem:s23+$0x14510] =	vst v3;
	v3 =	vadd.f32 v4, v0  }
0x1c1: {  	v11 =	vld [tilespmem:s25+$0x12C10];
	[tilespmem:s23+$0x15E00] =	vst v2;
	v2 =	vadd.f32 v5, v1  }
.Ltmp11:
0x1c2: {  	v6 =	vld [tilespmem:s25+$0x14500];
	[tilespmem:s23+$0x15E10] =	vst v3;
	v4 =	vadd.f32 v8, v0;
	(pc) =	sbr.rel @p0 .LBB2_24-.Ltmp11, $4  }
0x1c3: {  	v3 =	vld [tilespmem:s25+$0x14510];
	[tilespmem:s23+$0x17700] =	vst v2;
	v1 =	vmov v9  }
0x1c4: {  	v2 =	vld [tilespmem:s25+$0x15E00];
	[tilespmem:s23+$0x17710] =	vst v4;
	v0 =	vmov v7;
	s23 =	smov.u32 s25  }
0x1c5: {  	v8 =	vadd.f32 v10, v1;
	v4 =	vld [tilespmem:s23+$0x15E10]  }
0x1c6: {  	s24 =	sadd.s32 $0x80, s24;
	v7 =	vadd.f32 v11, v0;
	v5 =	vld [tilespmem:s23+$0x17700]  }
0x1c7: {  	[tilespmem:s23+$0x12C00] =	vst v8;
	v6 =	vadd.f32 v6, v1;
	v8 =	vld [tilespmem:s23+$0x17710]  }
0x1c8: {  	[tilespmem:s23+$0x12C10] =	vst v7;
	v3 =	vadd.f32 v3, v0  }
0x1c9: {  	[tilespmem:s23+$0x14500] =	vst v6;
	v2 =	vadd.f32 v2, v1  }
0x1ca: {  	[tilespmem:s23+$0x14510] =	vst v3;
	v3 =	vadd.f32 v4, v0  }
0x1cb: {  	[tilespmem:s23+$0x15E00] =	vst v2;
	v1 =	vadd.f32 v5, v1  }
0x1cc: {  	[tilespmem:s23+$0x15E10] =	vst v3;
	v0 =	vadd.f32 v8, v0  }
0x1cd: {  	[tilespmem:s23+$0x17700] =	vst v1  }
0x1ce: {  	s25 =	simm.s32 $0x0;
	s24 =	rddreg [dreg:$0xe];
	[tilespmem:s23+$0x17710] =	vst v0  }
0x1cf: {  	[hbm4b:s24+s25] =	stream.linear.scatter [tilespmem:s15], [sflag:$0x6], $0x6400, $0x38;
	[tilespmem:$0x1A900] =	vst v63  }
0x1d0: {  	_ =	swait.ge [sflag:s21], $0x6400  }
0x1d1: {  	[sflag:s21] =	ssyncset.done $0x0  }
0x1d2: {  	s25 =	simm.s32 $0x2BC0;
	[sflag:s21] =	ssyncadd.s32 $0xFFFF9C00  }
0x1d3: {  	[tilespmem:s15], [sflag:$0x3] =	stream.indirect.gather [hbm4b:s3+s12], $0x20, s25, s12, $0xb8;
	[tilespmem:$0x1A900] =	vst v63  }
0x1d4: {  	_ =	swait.ge [sflag:s16], $0x6400  }
0x1d5: {  	[sflag:s16] =	ssyncset.done $0x0  }
0x1d6: {  	s23 =	simm.s32 $0x0;
	[sflag:s16] =	ssyncadd.s32 $0xFFFF9C00  }
0x1d7: {  	v1 =	vld [tilespmem:s23+$0x19000]  }
0x1d8: {  	v0 =	vld [tilespmem:s23+$0x19010]  }
0x1d9: {  	v5 =	vld [tilespmem:s23+$0x6400]  }
0x1da: {  	v7 =	vld [tilespmem:s23+$0x6410]  }
0x1db: {  	v6 =	vld [tilespmem:s23+$0x7D00]  }
0x1dc: {  	v3 =	vld [tilespmem:s23+$0x7D10]  }
0x1dd: {  	v2 =	vld [tilespmem:s23+$0x9600]  }
0x1de: {  	v4 =	vld [tilespmem:s23+$0x9610];
	v8 =	vadd.f32 v5, v1  }
0x1df: {  	s24 =	simm.s32 $0x80;
	v7 =	vadd.f32 v7, v0;
	v5 =	vld [tilespmem:s23+$0xAF00]  }
.LBB2_26:
0x1e0: {  	s25 =	sshra.s32 s24, $0x2;
	p0 =	sne.s32 s24, $0x6380;
	[tilespmem:s23+$0x6400] =	vst v8;
	v6 =	vadd.f32 v6, v1;
	v8 =	vld [tilespmem:s23+$0xAF10]  }
0x1e1: {  	v9 =	vld [tilespmem:s25+$0x19000];
	[tilespmem:s23+$0x6410] =	vst v7;
	v3 =	vadd.f32 v3, v0  }
0x1e2: {  	v7 =	vld [tilespmem:s25+$0x19010];
	[tilespmem:s23+$0x7D00] =	vst v6;
	v2 =	vadd.f32 v2, v1  }
0x1e3: {  	v10 =	vld [tilespmem:s25+$0x6400];
	[tilespmem:s23+$0x7D10] =	vst v3;
	v3 =	vadd.f32 v4, v0  }
0x1e4: {  	v11 =	vld [tilespmem:s25+$0x6410];
	[tilespmem:s23+$0x9600] =	vst v2;
	v2 =	vadd.f32 v5, v1  }
.Ltmp12:
0x1e5: {  	v6 =	vld [tilespmem:s25+$0x7D00];
	[tilespmem:s23+$0x9610] =	vst v3;
	v4 =	vadd.f32 v8, v0;
	(pc) =	sbr.rel @p0 .LBB2_26-.Ltmp12, $4  }
0x1e6: {  	v3 =	vld [tilespmem:s25+$0x7D10];
	[tilespmem:s23+$0xAF00] =	vst v2;
	v1 =	vmov v9  }
0x1e7: {  	v2 =	vld [tilespmem:s25+$0x9600];
	[tilespmem:s23+$0xAF10] =	vst v4;
	v0 =	vmov v7;
	s23 =	smov.u32 s25  }
0x1e8: {  	v8 =	vadd.f32 v10, v1;
	v4 =	vld [tilespmem:s23+$0x9610]  }
0x1e9: {  	s24 =	sadd.s32 $0x80, s24;
	v7 =	vadd.f32 v11, v0;
	v5 =	vld [tilespmem:s23+$0xAF00]  }
0x1ea: {  	[tilespmem:s23+$0x6400] =	vst v8;
	v6 =	vadd.f32 v6, v1;
	v8 =	vld [tilespmem:s23+$0xAF10]  }
0x1eb: {  	[tilespmem:s23+$0x6410] =	vst v7;
	v3 =	vadd.f32 v3, v0  }
0x1ec: {  	[tilespmem:s23+$0x7D00] =	vst v6;
	v2 =	vadd.f32 v2, v1  }
0x1ed: {  	[tilespmem:s23+$0x7D10] =	vst v3;
	v3 =	vadd.f32 v4, v0  }
0x1ee: {  	[tilespmem:s23+$0x9600] =	vst v2;
	v1 =	vadd.f32 v5, v1  }
0x1ef: {  	[tilespmem:s23+$0x9610] =	vst v3;
	v0 =	vadd.f32 v8, v0  }
0x1f0: {  	[tilespmem:s23+$0xAF00] =	vst v1  }
0x1f1: {  	s25 =	simm.s32 $0x0;
	s24 =	rddreg [dreg:$0xf];
	[tilespmem:s23+$0xAF10] =	vst v0  }
0x1f2: {  	[hbm4b:s24+s25] =	stream.linear.scatter [tilespmem:s13], [sflag:$0x4], $0x6400, $0x38;
	[tilespmem:$0x1A900] =	vst v63  }
0x1f3: {  	_ =	swait.ge [sflag:s17], $0x6400  }
0x1f4: {  	[sflag:s17] =	ssyncset.done $0x0  }
0x1f5: {  	s25 =	simm.s32 $0x2EE0;
	[sflag:s17] =	ssyncadd.s32 $0xFFFF9C00  }
0x1f6: {  	[tilespmem:s13], [sflag:$0x1] =	stream.indirect.gather [hbm4b:s3+s12], $0x20, s25, s12, $0xb8;
	[tilespmem:$0x1A900] =	vst v63  }
0x1f7: {  	_ =	swait.ge [sflag:s18], $0x6400  }
0x1f8: {  	[sflag:s18] =	ssyncset.done $0x0  }
0x1f9: {  	s23 =	simm.s32 $0x0;
	[sflag:s18] =	ssyncadd.s32 $0xFFFF9C00  }
0x1fa: {  	v1 =	vld [tilespmem:s23+$0x19000]  }
0x1fb: {  	v0 =	vld [tilespmem:s23+$0x19010]  }
0x1fc: {  	v5 =	vld [tilespmem:s23+$0xC800]  }
0x1fd: {  	v7 =	vld [tilespmem:s23+$0xC810]  }
0x1fe: {  	v6 =	vld [tilespmem:s23+$0xE100]  }
0x1ff: {  	v3 =	vld [tilespmem:s23+$0xE110]  }
0x200: {  	v2 =	vld [tilespmem:s23+$0xFA00]  }
0x201: {  	v4 =	vld [tilespmem:s23+$0xFA10];
	v8 =	vadd.f32 v5, v1  }
0x202: {  	s24 =	simm.s32 $0x80;
	v7 =	vadd.f32 v7, v0;
	v5 =	vld [tilespmem:s23+$0x11300]  }
.LBB2_28:
0x203: {  	s25 =	sshra.s32 s24, $0x2;
	p0 =	sne.s32 s24, $0x6380;
	[tilespmem:s23+$0xC800] =	vst v8;
	v6 =	vadd.f32 v6, v1;
	v8 =	vld [tilespmem:s23+$0x11310]  }
0x204: {  	v9 =	vld [tilespmem:s25+$0x19000];
	[tilespmem:s23+$0xC810] =	vst v7;
	v3 =	vadd.f32 v3, v0  }
0x205: {  	v7 =	vld [tilespmem:s25+$0x19010];
	[tilespmem:s23+$0xE100] =	vst v6;
	v2 =	vadd.f32 v2, v1  }
0x206: {  	v10 =	vld [tilespmem:s25+$0xC800];
	[tilespmem:s23+$0xE110] =	vst v3;
	v3 =	vadd.f32 v4, v0  }
0x207: {  	v11 =	vld [tilespmem:s25+$0xC810];
	[tilespmem:s23+$0xFA00] =	vst v2;
	v2 =	vadd.f32 v5, v1  }
.Ltmp13:
0x208: {  	v6 =	vld [tilespmem:s25+$0xE100];
	[tilespmem:s23+$0xFA10] =	vst v3;
	v4 =	vadd.f32 v8, v0;
	(pc) =	sbr.rel @p0 .LBB2_28-.Ltmp13, $4  }
0x209: {  	v3 =	vld [tilespmem:s25+$0xE110];
	[tilespmem:s23+$0x11300] =	vst v2;
	v1 =	vmov v9  }
0x20a: {  	v2 =	vld [tilespmem:s25+$0xFA00];
	[tilespmem:s23+$0x11310] =	vst v4;
	v0 =	vmov v7;
	s23 =	smov.u32 s25  }
0x20b: {  	v8 =	vadd.f32 v10, v1;
	v4 =	vld [tilespmem:s23+$0xFA10]  }
0x20c: {  	s24 =	sadd.s32 $0x80, s24;
	v7 =	vadd.f32 v11, v0;
	v5 =	vld [tilespmem:s23+$0x11300]  }
0x20d: {  	[tilespmem:s23+$0xC800] =	vst v8;
	v6 =	vadd.f32 v6, v1;
	v8 =	vld [tilespmem:s23+$0x11310]  }
0x20e: {  	[tilespmem:s23+$0xC810] =	vst v7;
	v3 =	vadd.f32 v3, v0  }
0x20f: {  	[tilespmem:s23+$0xE100] =	vst v6;
	v2 =	vadd.f32 v2, v1  }
0x210: {  	[tilespmem:s23+$0xE110] =	vst v3;
	v3 =	vadd.f32 v4, v0  }
0x211: {  	[tilespmem:s23+$0xFA00] =	vst v2;
	v1 =	vadd.f32 v5, v1  }
0x212: {  	[tilespmem:s23+$0xFA10] =	vst v3;
	v0 =	vadd.f32 v8, v0  }
0x213: {  	[tilespmem:s23+$0x11300] =	vst v1  }
0x214: {  	s25 =	simm.s32 $0x0;
	s24 =	rddreg [dreg:$0x10];
	[tilespmem:s23+$0x11310] =	vst v0  }
0x215: {  	[hbm4b:s24+s25] =	stream.linear.scatter [tilespmem:s14], [sflag:$0x5], $0x6400, $0x38;
	[tilespmem:$0x1A900] =	vst v63  }
0x216: {  	_ =	swait.ge [sflag:s19], $0x6400  }
0x217: {  	[sflag:s19] =	ssyncset.done $0x0  }
0x218: {  	s25 =	simm.s32 $0x3200;
	[sflag:s19] =	ssyncadd.s32 $0xFFFF9C00  }
0x219: {  	[tilespmem:s14], [sflag:$0x2] =	stream.indirect.gather [hbm4b:s3+s12], $0x20, s25, s12, $0xb8;
	[tilespmem:$0x1A900] =	vst v63  }
0x21a: {  	_ =	swait.ge [sflag:s20], $0x6400  }
0x21b: {  	[sflag:s20] =	ssyncset.done $0x0  }
0x21c: {  	s23 =	simm.s32 $0x0;
	[sflag:s20] =	ssyncadd.s32 $0xFFFF9C00  }
0x21d: {  	v1 =	vld [tilespmem:s23+$0x19000]  }
0x21e: {  	v0 =	vld [tilespmem:s23+$0x19010]  }
0x21f: {  	v5 =	vld [tilespmem:s23+$0x12C00]  }
0x220: {  	v7 =	vld [tilespmem:s23+$0x12C10]  }
0x221: {  	v6 =	vld [tilespmem:s23+$0x14500]  }
0x222: {  	v3 =	vld [tilespmem:s23+$0x14510]  }
0x223: {  	v2 =	vld [tilespmem:s23+$0x15E00]  }
0x224: {  	v4 =	vld [tilespmem:s23+$0x15E10];
	v8 =	vadd.f32 v5, v1  }
0x225: {  	s24 =	simm.s32 $0x80;
	v7 =	vadd.f32 v7, v0;
	v5 =	vld [tilespmem:s23+$0x17700]  }
.LBB2_30:
0x226: {  	s25 =	sshra.s32 s24, $0x2;
	p0 =	sne.s32 s24, $0x6380;
	[tilespmem:s23+$0x12C00] =	vst v8;
	v6 =	vadd.f32 v6, v1;
	v8 =	vld [tilespmem:s23+$0x17710]  }
0x227: {  	v9 =	vld [tilespmem:s25+$0x19000];
	[tilespmem:s23+$0x12C10] =	vst v7;
	v3 =	vadd.f32 v3, v0  }
0x228: {  	v7 =	vld [tilespmem:s25+$0x19010];
	[tilespmem:s23+$0x14500] =	vst v6;
	v2 =	vadd.f32 v2, v1  }
0x229: {  	v10 =	vld [tilespmem:s25+$0x12C00];
	[tilespmem:s23+$0x14510] =	vst v3;
	v3 =	vadd.f32 v4, v0  }
0x22a: {  	v11 =	vld [tilespmem:s25+$0x12C10];
	[tilespmem:s23+$0x15E00] =	vst v2;
	v2 =	vadd.f32 v5, v1  }
.Ltmp14:
0x22b: {  	v6 =	vld [tilespmem:s25+$0x14500];
	[tilespmem:s23+$0x15E10] =	vst v3;
	v4 =	vadd.f32 v8, v0;
	(pc) =	sbr.rel @p0 .LBB2_30-.Ltmp14, $4  }
0x22c: {  	v3 =	vld [tilespmem:s25+$0x14510];
	[tilespmem:s23+$0x17700] =	vst v2;
	v1 =	vmov v9  }
0x22d: {  	v2 =	vld [tilespmem:s25+$0x15E00];
	[tilespmem:s23+$0x17710] =	vst v4;
	v0 =	vmov v7;
	s23 =	smov.u32 s25  }
0x22e: {  	v8 =	vadd.f32 v10, v1;
	v4 =	vld [tilespmem:s23+$0x15E10]  }
0x22f: {  	s24 =	sadd.s32 $0x80, s24;
	v7 =	vadd.f32 v11, v0;
	v5 =	vld [tilespmem:s23+$0x17700]  }
0x230: {  	[tilespmem:s23+$0x12C00] =	vst v8;
	v6 =	vadd.f32 v6, v1;
	v8 =	vld [tilespmem:s23+$0x17710]  }
0x231: {  	[tilespmem:s23+$0x12C10] =	vst v7;
	v3 =	vadd.f32 v3, v0  }
0x232: {  	[tilespmem:s23+$0x14500] =	vst v6;
	v2 =	vadd.f32 v2, v1  }
0x233: {  	[tilespmem:s23+$0x14510] =	vst v3;
	v3 =	vadd.f32 v4, v0  }
0x234: {  	[tilespmem:s23+$0x15E00] =	vst v2;
	v1 =	vadd.f32 v5, v1  }
0x235: {  	[tilespmem:s23+$0x15E10] =	vst v3;
	v0 =	vadd.f32 v8, v0  }
0x236: {  	[tilespmem:s23+$0x17700] =	vst v1  }
0x237: {  	s25 =	simm.s32 $0x0;
	s24 =	rddreg [dreg:$0x11];
	[tilespmem:s23+$0x17710] =	vst v0  }
0x238: {  	[hbm4b:s24+s25] =	stream.linear.scatter [tilespmem:s15], [sflag:$0x6], $0x6400, $0x38;
	[tilespmem:$0x1A900] =	vst v63  }
0x239: {  	_ =	swait.ge [sflag:s21], $0x6400  }
0x23a: {  	[sflag:s21] =	ssyncset.done $0x0  }
0x23b: {  	s25 =	simm.s32 $0x3520;
	[sflag:s21] =	ssyncadd.s32 $0xFFFF9C00  }
0x23c: {  	[tilespmem:s15], [sflag:$0x3] =	stream.indirect.gather [hbm4b:s3+s12], $0x20, s25, s12, $0xb8;
	[tilespmem:$0x1A900] =	vst v63  }
0x23d: {  	_ =	swait.ge [sflag:s16], $0x6400  }
0x23e: {  	[sflag:s16] =	ssyncset.done $0x0  }
0x23f: {  	s23 =	simm.s32 $0x0;
	[sflag:s16] =	ssyncadd.s32 $0xFFFF9C00  }
0x240: {  	v1 =	vld [tilespmem:s23+$0x19000]  }
0x241: {  	v0 =	vld [tilespmem:s23+$0x19010]  }
0x242: {  	v5 =	vld [tilespmem:s23+$0x6400]  }
0x243: {  	v7 =	vld [tilespmem:s23+$0x6410]  }
0x244: {  	v6 =	vld [tilespmem:s23+$0x7D00]  }
0x245: {  	v3 =	vld [tilespmem:s23+$0x7D10]  }
0x246: {  	v2 =	vld [tilespmem:s23+$0x9600]  }
0x247: {  	v4 =	vld [tilespmem:s23+$0x9610];
	v8 =	vadd.f32 v5, v1  }
0x248: {  	s24 =	simm.s32 $0x80;
	v7 =	vadd.f32 v7, v0;
	v5 =	vld [tilespmem:s23+$0xAF00]  }
.LBB2_32:
0x249: {  	s25 =	sshra.s32 s24, $0x2;
	p0 =	sne.s32 s24, $0x6380;
	[tilespmem:s23+$0x6400] =	vst v8;
	v6 =	vadd.f32 v6, v1;
	v8 =	vld [tilespmem:s23+$0xAF10]  }
0x24a: {  	v9 =	vld [tilespmem:s25+$0x19000];
	[tilespmem:s23+$0x6410] =	vst v7;
	v3 =	vadd.f32 v3, v0  }
0x24b: {  	v7 =	vld [tilespmem:s25+$0x19010];
	[tilespmem:s23+$0x7D00] =	vst v6;
	v2 =	vadd.f32 v2, v1  }
0x24c: {  	v10 =	vld [tilespmem:s25+$0x6400];
	[tilespmem:s23+$0x7D10] =	vst v3;
	v3 =	vadd.f32 v4, v0  }
0x24d: {  	v11 =	vld [tilespmem:s25+$0x6410];
	[tilespmem:s23+$0x9600] =	vst v2;
	v2 =	vadd.f32 v5, v1  }
.Ltmp15:
0x24e: {  	v6 =	vld [tilespmem:s25+$0x7D00];
	[tilespmem:s23+$0x9610] =	vst v3;
	v4 =	vadd.f32 v8, v0;
	(pc) =	sbr.rel @p0 .LBB2_32-.Ltmp15, $4  }
0x24f: {  	v3 =	vld [tilespmem:s25+$0x7D10];
	[tilespmem:s23+$0xAF00] =	vst v2;
	v1 =	vmov v9  }
0x250: {  	v2 =	vld [tilespmem:s25+$0x9600];
	[tilespmem:s23+$0xAF10] =	vst v4;
	v0 =	vmov v7;
	s23 =	smov.u32 s25  }
0x251: {  	v8 =	vadd.f32 v10, v1;
	v4 =	vld [tilespmem:s23+$0x9610]  }
0x252: {  	s24 =	sadd.s32 $0x80, s24;
	v7 =	vadd.f32 v11, v0;
	v5 =	vld [tilespmem:s23+$0xAF00]  }
0x253: {  	[tilespmem:s23+$0x6400] =	vst v8;
	v6 =	vadd.f32 v6, v1;
	v8 =	vld [tilespmem:s23+$0xAF10]  }
0x254: {  	[tilespmem:s23+$0x6410] =	vst v7;
	v3 =	vadd.f32 v3, v0  }
0x255: {  	[tilespmem:s23+$0x7D00] =	vst v6;
	v2 =	vadd.f32 v2, v1  }
0x256: {  	[tilespmem:s23+$0x7D10] =	vst v3;
	v3 =	vadd.f32 v4, v0  }
0x257: {  	[tilespmem:s23+$0x9600] =	vst v2;
	v1 =	vadd.f32 v5, v1  }
0x258: {  	[tilespmem:s23+$0x9610] =	vst v3;
	v0 =	vadd.f32 v8, v0  }
0x259: {  	[tilespmem:s23+$0xAF00] =	vst v1  }
0x25a: {  	s25 =	simm.s32 $0x0;
	s24 =	rddreg [dreg:$0x12];
	[tilespmem:s23+$0xAF10] =	vst v0  }
0x25b: {  	[hbm4b:s24+s25] =	stream.linear.scatter [tilespmem:s13], [sflag:$0x4], $0x6400, $0x38;
	[tilespmem:$0x1A900] =	vst v63  }
0x25c: {  	_ =	swait.ge [sflag:s17], $0x6400  }
0x25d: {  	[sflag:s17] =	ssyncset.done $0x0  }
0x25e: {  	s25 =	simm.s32 $0x3840;
	[sflag:s17] =	ssyncadd.s32 $0xFFFF9C00  }
0x25f: {  	[tilespmem:s13], [sflag:$0x1] =	stream.indirect.gather [hbm4b:s3+s12], $0x20, s25, s12, $0xb8;
	[tilespmem:$0x1A900] =	vst v63  }
0x260: {  	_ =	swait.ge [sflag:s18], $0x6400  }
0x261: {  	[sflag:s18] =	ssyncset.done $0x0  }
0x262: {  	s23 =	simm.s32 $0x0;
	[sflag:s18] =	ssyncadd.s32 $0xFFFF9C00  }
0x263: {  	v1 =	vld [tilespmem:s23+$0x19000]  }
0x264: {  	v0 =	vld [tilespmem:s23+$0x19010]  }
0x265: {  	v5 =	vld [tilespmem:s23+$0xC800]  }
0x266: {  	v7 =	vld [tilespmem:s23+$0xC810]  }
0x267: {  	v6 =	vld [tilespmem:s23+$0xE100]  }
0x268: {  	v3 =	vld [tilespmem:s23+$0xE110]  }
0x269: {  	v2 =	vld [tilespmem:s23+$0xFA00]  }
0x26a: {  	v4 =	vld [tilespmem:s23+$0xFA10];
	v8 =	vadd.f32 v5, v1  }
0x26b: {  	s24 =	simm.s32 $0x80;
	v7 =	vadd.f32 v7, v0;
	v5 =	vld [tilespmem:s23+$0x11300]  }
.LBB2_34:
0x26c: {  	s25 =	sshra.s32 s24, $0x2;
	p0 =	sne.s32 s24, $0x6380;
	[tilespmem:s23+$0xC800] =	vst v8;
	v6 =	vadd.f32 v6, v1;
	v8 =	vld [tilespmem:s23+$0x11310]  }
0x26d: {  	v9 =	vld [tilespmem:s25+$0x19000];
	[tilespmem:s23+$0xC810] =	vst v7;
	v3 =	vadd.f32 v3, v0  }
0x26e: {  	v7 =	vld [tilespmem:s25+$0x19010];
	[tilespmem:s23+$0xE100] =	vst v6;
	v2 =	vadd.f32 v2, v1  }
0x26f: {  	v10 =	vld [tilespmem:s25+$0xC800];
	[tilespmem:s23+$0xE110] =	vst v3;
	v3 =	vadd.f32 v4, v0  }
0x270: {  	v11 =	vld [tilespmem:s25+$0xC810];
	[tilespmem:s23+$0xFA00] =	vst v2;
	v2 =	vadd.f32 v5, v1  }
.Ltmp16:
0x271: {  	v6 =	vld [tilespmem:s25+$0xE100];
	[tilespmem:s23+$0xFA10] =	vst v3;
	v4 =	vadd.f32 v8, v0;
	(pc) =	sbr.rel @p0 .LBB2_34-.Ltmp16, $4  }
0x272: {  	v3 =	vld [tilespmem:s25+$0xE110];
	[tilespmem:s23+$0x11300] =	vst v2;
	v1 =	vmov v9  }
0x273: {  	v2 =	vld [tilespmem:s25+$0xFA00];
	[tilespmem:s23+$0x11310] =	vst v4;
	v0 =	vmov v7;
	s23 =	smov.u32 s25  }
0x274: {  	v8 =	vadd.f32 v10, v1;
	v4 =	vld [tilespmem:s23+$0xFA10]  }
0x275: {  	s24 =	sadd.s32 $0x80, s24;
	v7 =	vadd.f32 v11, v0;
	v5 =	vld [tilespmem:s23+$0x11300]  }
0x276: {  	[tilespmem:s23+$0xC800] =	vst v8;
	v6 =	vadd.f32 v6, v1;
	v8 =	vld [tilespmem:s23+$0x11310]  }
0x277: {  	[tilespmem:s23+$0xC810] =	vst v7;
	v3 =	vadd.f32 v3, v0  }
0x278: {  	[tilespmem:s23+$0xE100] =	vst v6;
	v2 =	vadd.f32 v2, v1  }
0x279: {  	[tilespmem:s23+$0xE110] =	vst v3;
	v3 =	vadd.f32 v4, v0  }
0x27a: {  	[tilespmem:s23+$0xFA00] =	vst v2;
	v1 =	vadd.f32 v5, v1  }
0x27b: {  	[tilespmem:s23+$0xFA10] =	vst v3;
	v0 =	vadd.f32 v8, v0  }
0x27c: {  	[tilespmem:s23+$0x11300] =	vst v1  }
0x27d: {  	s25 =	simm.s32 $0x0;
	s24 =	rddreg [dreg:$0x13];
	[tilespmem:s23+$0x11310] =	vst v0  }
0x27e: {  	[hbm4b:s24+s25] =	stream.linear.scatter [tilespmem:s14], [sflag:$0x5], $0x6400, $0x38;
	[tilespmem:$0x1A900] =	vst v63  }
0x27f: {  	_ =	swait.ge [sflag:s19], $0x6400  }
0x280: {  	[sflag:s19] =	ssyncset.done $0x0  }
0x281: {  	s25 =	simm.s32 $0x3B60;
	[sflag:s19] =	ssyncadd.s32 $0xFFFF9C00  }
0x282: {  	[tilespmem:s14], [sflag:$0x2] =	stream.indirect.gather [hbm4b:s3+s12], $0x20, s25, s12, $0xb8;
	[tilespmem:$0x1A900] =	vst v63  }
0x283: {  	_ =	swait.ge [sflag:s20], $0x6400  }
0x284: {  	[sflag:s20] =	ssyncset.done $0x0  }
0x285: {  	s23 =	simm.s32 $0x0;
	[sflag:s20] =	ssyncadd.s32 $0xFFFF9C00  }
0x286: {  	v1 =	vld [tilespmem:s23+$0x19000]  }
0x287: {  	v0 =	vld [tilespmem:s23+$0x19010]  }
0x288: {  	v5 =	vld [tilespmem:s23+$0x12C00]  }
0x289: {  	v7 =	vld [tilespmem:s23+$0x12C10]  }
0x28a: {  	v6 =	vld [tilespmem:s23+$0x14500]  }
0x28b: {  	v3 =	vld [tilespmem:s23+$0x14510]  }
0x28c: {  	v2 =	vld [tilespmem:s23+$0x15E00]  }
0x28d: {  	v4 =	vld [tilespmem:s23+$0x15E10];
	v8 =	vadd.f32 v5, v1  }
0x28e: {  	s24 =	simm.s32 $0x80;
	v7 =	vadd.f32 v7, v0;
	v5 =	vld [tilespmem:s23+$0x17700]  }
.LBB2_36:
0x28f: {  	s25 =	sshra.s32 s24, $0x2;
	p0 =	sne.s32 s24, $0x6380;
	[tilespmem:s23+$0x12C00] =	vst v8;
	v6 =	vadd.f32 v6, v1;
	v8 =	vld [tilespmem:s23+$0x17710]  }
0x290: {  	v9 =	vld [tilespmem:s25+$0x19000];
	[tilespmem:s23+$0x12C10] =	vst v7;
	v3 =	vadd.f32 v3, v0  }
0x291: {  	v7 =	vld [tilespmem:s25+$0x19010];
	[tilespmem:s23+$0x14500] =	vst v6;
	v2 =	vadd.f32 v2, v1  }
0x292: {  	v10 =	vld [tilespmem:s25+$0x12C00];
	[tilespmem:s23+$0x14510] =	vst v3;
	v3 =	vadd.f32 v4, v0  }
0x293: {  	v11 =	vld [tilespmem:s25+$0x12C10];
	[tilespmem:s23+$0x15E00] =	vst v2;
	v2 =	vadd.f32 v5, v1  }
.Ltmp17:
0x294: {  	v6 =	vld [tilespmem:s25+$0x14500];
	[tilespmem:s23+$0x15E10] =	vst v3;
	v4 =	vadd.f32 v8, v0;
	(pc) =	sbr.rel @p0 .LBB2_36-.Ltmp17, $4  }
0x295: {  	v3 =	vld [tilespmem:s25+$0x14510];
	[tilespmem:s23+$0x17700] =	vst v2;
	v1 =	vmov v9  }
0x296: {  	v2 =	vld [tilespmem:s25+$0x15E00];
	[tilespmem:s23+$0x17710] =	vst v4;
	v0 =	vmov v7;
	s23 =	smov.u32 s25  }
0x297: {  	v8 =	vadd.f32 v10, v1;
	v4 =	vld [tilespmem:s23+$0x15E10]  }
0x298: {  	s24 =	sadd.s32 $0x80, s24;
	v7 =	vadd.f32 v11, v0;
	v5 =	vld [tilespmem:s23+$0x17700]  }
0x299: {  	[tilespmem:s23+$0x12C00] =	vst v8;
	v6 =	vadd.f32 v6, v1;
	v8 =	vld [tilespmem:s23+$0x17710]  }
0x29a: {  	[tilespmem:s23+$0x12C10] =	vst v7;
	v3 =	vadd.f32 v3, v0  }
0x29b: {  	[tilespmem:s23+$0x14500] =	vst v6;
	v2 =	vadd.f32 v2, v1  }
0x29c: {  	[tilespmem:s23+$0x14510] =	vst v3;
	v3 =	vadd.f32 v4, v0  }
0x29d: {  	[tilespmem:s23+$0x15E00] =	vst v2;
	v1 =	vadd.f32 v5, v1  }
0x29e: {  	[tilespmem:s23+$0x15E10] =	vst v3;
	v0 =	vadd.f32 v8, v0  }
0x29f: {  	[tilespmem:s23+$0x17700] =	vst v1  }
0x2a0: {  	s25 =	simm.s32 $0x0;
	s24 =	rddreg [dreg:$0x14];
	[tilespmem:s23+$0x17710] =	vst v0  }
0x2a1: {  	[hbm4b:s24+s25] =	stream.linear.scatter [tilespmem:s15], [sflag:$0x6], $0x6400, $0x38;
	[tilespmem:$0x1A900] =	vst v63  }
0x2a2: {  	_ =	swait.ge [sflag:s21], $0x6400  }
0x2a3: {  	[sflag:s21] =	ssyncset.done $0x0  }
0x2a4: {  	s25 =	simm.s32 $0x3E80;
	[sflag:s21] =	ssyncadd.s32 $0xFFFF9C00  }
0x2a5: {  	[tilespmem:s15], [sflag:$0x3] =	stream.indirect.gather [hbm4b:s3+s12], $0x20, s25, s12, $0xb8;
	[tilespmem:$0x1A900] =	vst v63  }
0x2a6: {  	_ =	swait.ge [sflag:s16], $0x6400  }
0x2a7: {  	[sflag:s16] =	ssyncset.done $0x0  }
0x2a8: {  	s23 =	simm.s32 $0x0;
	[sflag:s16] =	ssyncadd.s32 $0xFFFF9C00  }
0x2a9: {  	v1 =	vld [tilespmem:s23+$0x19000]  }
0x2aa: {  	v0 =	vld [tilespmem:s23+$0x19010]  }
0x2ab: {  	v5 =	vld [tilespmem:s23+$0x6400]  }
0x2ac: {  	v7 =	vld [tilespmem:s23+$0x6410]  }
0x2ad: {  	v6 =	vld [tilespmem:s23+$0x7D00]  }
0x2ae: {  	v3 =	vld [tilespmem:s23+$0x7D10]  }
0x2af: {  	v2 =	vld [tilespmem:s23+$0x9600]  }
0x2b0: {  	v4 =	vld [tilespmem:s23+$0x9610];
	v8 =	vadd.f32 v5, v1  }
0x2b1: {  	s24 =	simm.s32 $0x80;
	v7 =	vadd.f32 v7, v0;
	v5 =	vld [tilespmem:s23+$0xAF00]  }
.LBB2_38:
0x2b2: {  	s25 =	sshra.s32 s24, $0x2;
	p0 =	sne.s32 s24, $0x6380;
	[tilespmem:s23+$0x6400] =	vst v8;
	v6 =	vadd.f32 v6, v1;
	v8 =	vld [tilespmem:s23+$0xAF10]  }
0x2b3: {  	v9 =	vld [tilespmem:s25+$0x19000];
	[tilespmem:s23+$0x6410] =	vst v7;
	v3 =	vadd.f32 v3, v0  }
0x2b4: {  	v7 =	vld [tilespmem:s25+$0x19010];
	[tilespmem:s23+$0x7D00] =	vst v6;
	v2 =	vadd.f32 v2, v1  }
0x2b5: {  	v10 =	vld [tilespmem:s25+$0x6400];
	[tilespmem:s23+$0x7D10] =	vst v3;
	v3 =	vadd.f32 v4, v0  }
0x2b6: {  	v11 =	vld [tilespmem:s25+$0x6410];
	[tilespmem:s23+$0x9600] =	vst v2;
	v2 =	vadd.f32 v5, v1  }
.Ltmp18:
0x2b7: {  	v6 =	vld [tilespmem:s25+$0x7D00];
	[tilespmem:s23+$0x9610] =	vst v3;
	v4 =	vadd.f32 v8, v0;
	(pc) =	sbr.rel @p0 .LBB2_38-.Ltmp18, $4  }
0x2b8: {  	v3 =	vld [tilespmem:s25+$0x7D10];
	[tilespmem:s23+$0xAF00] =	vst v2;
	v1 =	vmov v9  }
0x2b9: {  	v2 =	vld [tilespmem:s25+$0x9600];
	[tilespmem:s23+$0xAF10] =	vst v4;
	v0 =	vmov v7;
	s23 =	smov.u32 s25  }
0x2ba: {  	v8 =	vadd.f32 v10, v1;
	v4 =	vld [tilespmem:s23+$0x9610]  }
0x2bb: {  	s24 =	sadd.s32 $0x80, s24;
	v7 =	vadd.f32 v11, v0;
	v5 =	vld [tilespmem:s23+$0xAF00]  }
0x2bc: {  	[tilespmem:s23+$0x6400] =	vst v8;
	v6 =	vadd.f32 v6, v1;
	v8 =	vld [tilespmem:s23+$0xAF10]  }
0x2bd: {  	[tilespmem:s23+$0x6410] =	vst v7;
	v3 =	vadd.f32 v3, v0  }
0x2be: {  	[tilespmem:s23+$0x7D00] =	vst v6;
	v2 =	vadd.f32 v2, v1  }
0x2bf: {  	[tilespmem:s23+$0x7D10] =	vst v3;
	v3 =	vadd.f32 v4, v0  }
0x2c0: {  	[tilespmem:s23+$0x9600] =	vst v2;
	v1 =	vadd.f32 v5, v1  }
0x2c1: {  	[tilespmem:s23+$0x9610] =	vst v3;
	v0 =	vadd.f32 v8, v0  }
0x2c2: {  	[tilespmem:s23+$0xAF00] =	vst v1  }
0x2c3: {  	s25 =	simm.s32 $0x0;
	s24 =	rddreg [dreg:$0x15];
	[tilespmem:s23+$0xAF10] =	vst v0  }
0x2c4: {  	[hbm4b:s24+s25] =	stream.linear.scatter [tilespmem:s13], [sflag:$0x4], $0x6400, $0x38;
	[tilespmem:$0x1A900] =	vst v63  }
0x2c5: {  	_ =	swait.ge [sflag:s17], $0x6400  }
0x2c6: {  	[sflag:s17] =	ssyncset.done $0x0  }
0x2c7: {  	s25 =	simm.s32 $0x41A0;
	[sflag:s17] =	ssyncadd.s32 $0xFFFF9C00  }
0x2c8: {  	[tilespmem:s13], [sflag:$0x1] =	stream.indirect.gather [hbm4b:s3+s12], $0x20, s25, s12, $0xb8;
	[tilespmem:$0x1A900] =	vst v63  }
0x2c9: {  	_ =	swait.ge [sflag:s18], $0x6400  }
0x2ca: {  	[sflag:s18] =	ssyncset.done $0x0  }
0x2cb: {  	s23 =	simm.s32 $0x0;
	[sflag:s18] =	ssyncadd.s32 $0xFFFF9C00  }
0x2cc: {  	v1 =	vld [tilespmem:s23+$0x19000]  }
0x2cd: {  	v0 =	vld [tilespmem:s23+$0x19010]  }
0x2ce: {  	v5 =	vld [tilespmem:s23+$0xC800]  }
0x2cf: {  	v7 =	vld [tilespmem:s23+$0xC810]  }
0x2d0: {  	v6 =	vld [tilespmem:s23+$0xE100]  }
0x2d1: {  	v3 =	vld [tilespmem:s23+$0xE110]  }
0x2d2: {  	v2 =	vld [tilespmem:s23+$0xFA00]  }
0x2d3: {  	v4 =	vld [tilespmem:s23+$0xFA10];
	v8 =	vadd.f32 v5, v1  }
0x2d4: {  	s24 =	simm.s32 $0x80;
	v7 =	vadd.f32 v7, v0;
	v5 =	vld [tilespmem:s23+$0x11300]  }
.LBB2_40:
0x2d5: {  	s25 =	sshra.s32 s24, $0x2;
	p0 =	sne.s32 s24, $0x6380;
	[tilespmem:s23+$0xC800] =	vst v8;
	v6 =	vadd.f32 v6, v1;
	v8 =	vld [tilespmem:s23+$0x11310]  }
0x2d6: {  	v9 =	vld [tilespmem:s25+$0x19000];
	[tilespmem:s23+$0xC810] =	vst v7;
	v3 =	vadd.f32 v3, v0  }
0x2d7: {  	v7 =	vld [tilespmem:s25+$0x19010];
	[tilespmem:s23+$0xE100] =	vst v6;
	v2 =	vadd.f32 v2, v1  }
0x2d8: {  	v10 =	vld [tilespmem:s25+$0xC800];
	[tilespmem:s23+$0xE110] =	vst v3;
	v3 =	vadd.f32 v4, v0  }
0x2d9: {  	v11 =	vld [tilespmem:s25+$0xC810];
	[tilespmem:s23+$0xFA00] =	vst v2;
	v2 =	vadd.f32 v5, v1  }
.Ltmp19:
0x2da: {  	v6 =	vld [tilespmem:s25+$0xE100];
	[tilespmem:s23+$0xFA10] =	vst v3;
	v4 =	vadd.f32 v8, v0;
	(pc) =	sbr.rel @p0 .LBB2_40-.Ltmp19, $4  }
0x2db: {  	v3 =	vld [tilespmem:s25+$0xE110];
	[tilespmem:s23+$0x11300] =	vst v2;
	v1 =	vmov v9  }
0x2dc: {  	v2 =	vld [tilespmem:s25+$0xFA00];
	[tilespmem:s23+$0x11310] =	vst v4;
	v0 =	vmov v7;
	s23 =	smov.u32 s25  }
0x2dd: {  	v8 =	vadd.f32 v10, v1;
	v4 =	vld [tilespmem:s23+$0xFA10]  }
0x2de: {  	s24 =	sadd.s32 $0x80, s24;
	v7 =	vadd.f32 v11, v0;
	v5 =	vld [tilespmem:s23+$0x11300]  }
0x2df: {  	[tilespmem:s23+$0xC800] =	vst v8;
	v6 =	vadd.f32 v6, v1;
	v8 =	vld [tilespmem:s23+$0x11310]  }
0x2e0: {  	[tilespmem:s23+$0xC810] =	vst v7;
	v3 =	vadd.f32 v3, v0  }
0x2e1: {  	[tilespmem:s23+$0xE100] =	vst v6;
	v2 =	vadd.f32 v2, v1  }
0x2e2: {  	[tilespmem:s23+$0xE110] =	vst v3;
	v3 =	vadd.f32 v4, v0  }
0x2e3: {  	[tilespmem:s23+$0xFA00] =	vst v2;
	v1 =	vadd.f32 v5, v1  }
0x2e4: {  	[tilespmem:s23+$0xFA10] =	vst v3;
	v0 =	vadd.f32 v8, v0  }
0x2e5: {  	[tilespmem:s23+$0x11300] =	vst v1  }
0x2e6: {  	s25 =	simm.s32 $0x0;
	s24 =	rddreg [dreg:$0x16];
	[tilespmem:s23+$0x11310] =	vst v0  }
0x2e7: {  	[hbm4b:s24+s25] =	stream.linear.scatter [tilespmem:s14], [sflag:$0x5], $0x6400, $0x38;
	[tilespmem:$0x1A900] =	vst v63  }
0x2e8: {  	_ =	swait.ge [sflag:s19], $0x6400  }
0x2e9: {  	[sflag:s19] =	ssyncset.done $0x0  }
0x2ea: {  	s25 =	simm.s32 $0x44C0;
	[sflag:s19] =	ssyncadd.s32 $0xFFFF9C00  }
0x2eb: {  	[tilespmem:s14], [sflag:$0x2] =	stream.indirect.gather [hbm4b:s3+s12], $0x20, s25, s12, $0xb8;
	[tilespmem:$0x1A900] =	vst v63  }
0x2ec: {  	_ =	swait.ge [sflag:s20], $0x6400  }
0x2ed: {  	[sflag:s20] =	ssyncset.done $0x0  }
0x2ee: {  	s23 =	simm.s32 $0x0;
	[sflag:s20] =	ssyncadd.s32 $0xFFFF9C00  }
0x2ef: {  	v1 =	vld [tilespmem:s23+$0x19000]  }
0x2f0: {  	v0 =	vld [tilespmem:s23+$0x19010]  }
0x2f1: {  	v5 =	vld [tilespmem:s23+$0x12C00]  }
0x2f2: {  	v7 =	vld [tilespmem:s23+$0x12C10]  }
0x2f3: {  	v6 =	vld [tilespmem:s23+$0x14500]  }
0x2f4: {  	v3 =	vld [tilespmem:s23+$0x14510]  }
0x2f5: {  	v2 =	vld [tilespmem:s23+$0x15E00]  }
0x2f6: {  	v4 =	vld [tilespmem:s23+$0x15E10];
	v8 =	vadd.f32 v5, v1  }
0x2f7: {  	s24 =	simm.s32 $0x80;
	v7 =	vadd.f32 v7, v0;
	v5 =	vld [tilespmem:s23+$0x17700]  }
.LBB2_42:
0x2f8: {  	s25 =	sshra.s32 s24, $0x2;
	p0 =	sne.s32 s24, $0x6380;
	[tilespmem:s23+$0x12C00] =	vst v8;
	v6 =	vadd.f32 v6, v1;
	v8 =	vld [tilespmem:s23+$0x17710]  }
0x2f9: {  	v9 =	vld [tilespmem:s25+$0x19000];
	[tilespmem:s23+$0x12C10] =	vst v7;
	v3 =	vadd.f32 v3, v0  }
0x2fa: {  	v7 =	vld [tilespmem:s25+$0x19010];
	[tilespmem:s23+$0x14500] =	vst v6;
	v2 =	vadd.f32 v2, v1  }
0x2fb: {  	v10 =	vld [tilespmem:s25+$0x12C00];
	[tilespmem:s23+$0x14510] =	vst v3;
	v3 =	vadd.f32 v4, v0  }
0x2fc: {  	v11 =	vld [tilespmem:s25+$0x12C10];
	[tilespmem:s23+$0x15E00] =	vst v2;
	v2 =	vadd.f32 v5, v1  }
.Ltmp20:
0x2fd: {  	v6 =	vld [tilespmem:s25+$0x14500];
	[tilespmem:s23+$0x15E10] =	vst v3;
	v4 =	vadd.f32 v8, v0;
	(pc) =	sbr.rel @p0 .LBB2_42-.Ltmp20, $4  }
0x2fe: {  	v3 =	vld [tilespmem:s25+$0x14510];
	[tilespmem:s23+$0x17700] =	vst v2;
	v1 =	vmov v9  }
0x2ff: {  	v2 =	vld [tilespmem:s25+$0x15E00];
	[tilespmem:s23+$0x17710] =	vst v4;
	v0 =	vmov v7;
	s23 =	smov.u32 s25  }
0x300: {  	v8 =	vadd.f32 v10, v1;
	v4 =	vld [tilespmem:s23+$0x15E10]  }
0x301: {  	s24 =	sadd.s32 $0x80, s24;
	v7 =	vadd.f32 v11, v0;
	v5 =	vld [tilespmem:s23+$0x17700]  }
0x302: {  	[tilespmem:s23+$0x12C00] =	vst v8;
	v6 =	vadd.f32 v6, v1;
	v8 =	vld [tilespmem:s23+$0x17710]  }
0x303: {  	[tilespmem:s23+$0x12C10] =	vst v7;
	v3 =	vadd.f32 v3, v0  }
0x304: {  	[tilespmem:s23+$0x14500] =	vst v6;
	v2 =	vadd.f32 v2, v1  }
0x305: {  	[tilespmem:s23+$0x14510] =	vst v3;
	v3 =	vadd.f32 v4, v0  }
0x306: {  	[tilespmem:s23+$0x15E00] =	vst v2;
	v1 =	vadd.f32 v5, v1  }
0x307: {  	[tilespmem:s23+$0x15E10] =	vst v3;
	v0 =	vadd.f32 v8, v0  }
0x308: {  	[tilespmem:s23+$0x17700] =	vst v1  }
0x309: {  	s25 =	simm.s32 $0x0;
	s24 =	rddreg [dreg:$0x17];
	[tilespmem:s23+$0x17710] =	vst v0  }
0x30a: {  	[hbm4b:s24+s25] =	stream.linear.scatter [tilespmem:s15], [sflag:$0x6], $0x6400, $0x38;
	[tilespmem:$0x1A900] =	vst v63  }
0x30b: {  	_ =	swait.ge [sflag:s21], $0x6400  }
0x30c: {  	[sflag:s21] =	ssyncset.done $0x0  }
0x30d: {  	s25 =	simm.s32 $0x47E0;
	[sflag:s21] =	ssyncadd.s32 $0xFFFF9C00  }
0x30e: {  	[tilespmem:s15], [sflag:$0x3] =	stream.indirect.gather [hbm4b:s3+s12], $0x20, s25, s12, $0xb8;
	[tilespmem:$0x1A900] =	vst v63  }
0x30f: {  	_ =	swait.ge [sflag:s16], $0x6400  }
0x310: {  	[sflag:s16] =	ssyncset.done $0x0  }
0x311: {  	s23 =	simm.s32 $0x0;
	[sflag:s16] =	ssyncadd.s32 $0xFFFF9C00  }
0x312: {  	v1 =	vld [tilespmem:s23+$0x19000]  }
0x313: {  	v0 =	vld [tilespmem:s23+$0x19010]  }
0x314: {  	v5 =	vld [tilespmem:s23+$0x6400]  }
0x315: {  	v7 =	vld [tilespmem:s23+$0x6410]  }
0x316: {  	v6 =	vld [tilespmem:s23+$0x7D00]  }
0x317: {  	v3 =	vld [tilespmem:s23+$0x7D10]  }
0x318: {  	v2 =	vld [tilespmem:s23+$0x9600]  }
0x319: {  	v4 =	vld [tilespmem:s23+$0x9610];
	v8 =	vadd.f32 v5, v1  }
0x31a: {  	s24 =	simm.s32 $0x80;
	v7 =	vadd.f32 v7, v0;
	v5 =	vld [tilespmem:s23+$0xAF00]  }
.LBB2_44:
0x31b: {  	s25 =	sshra.s32 s24, $0x2;
	p0 =	sne.s32 s24, $0x6380;
	[tilespmem:s23+$0x6400] =	vst v8;
	v6 =	vadd.f32 v6, v1;
	v8 =	vld [tilespmem:s23+$0xAF10]  }
0x31c: {  	v9 =	vld [tilespmem:s25+$0x19000];
	[tilespmem:s23+$0x6410] =	vst v7;
	v3 =	vadd.f32 v3, v0  }
0x31d: {  	v7 =	vld [tilespmem:s25+$0x19010];
	[tilespmem:s23+$0x7D00] =	vst v6;
	v2 =	vadd.f32 v2, v1  }
0x31e: {  	v10 =	vld [tilespmem:s25+$0x6400];
	[tilespmem:s23+$0x7D10] =	vst v3;
	v3 =	vadd.f32 v4, v0  }
0x31f: {  	v11 =	vld [tilespmem:s25+$0x6410];
	[tilespmem:s23+$0x9600] =	vst v2;
	v2 =	vadd.f32 v5, v1  }
.Ltmp21:
0x320: {  	v6 =	vld [tilespmem:s25+$0x7D00];
	[tilespmem:s23+$0x9610] =	vst v3;
	v4 =	vadd.f32 v8, v0;
	(pc) =	sbr.rel @p0 .LBB2_44-.Ltmp21, $4  }
0x321: {  	v3 =	vld [tilespmem:s25+$0x7D10];
	[tilespmem:s23+$0xAF00] =	vst v2;
	v1 =	vmov v9  }
0x322: {  	v2 =	vld [tilespmem:s25+$0x9600];
	[tilespmem:s23+$0xAF10] =	vst v4;
	v0 =	vmov v7;
	s23 =	smov.u32 s25  }
0x323: {  	v8 =	vadd.f32 v10, v1;
	v4 =	vld [tilespmem:s23+$0x9610]  }
0x324: {  	s24 =	sadd.s32 $0x80, s24;
	v7 =	vadd.f32 v11, v0;
	v5 =	vld [tilespmem:s23+$0xAF00]  }
0x325: {  	[tilespmem:s23+$0x6400] =	vst v8;
	v6 =	vadd.f32 v6, v1;
	v8 =	vld [tilespmem:s23+$0xAF10]  }
0x326: {  	[tilespmem:s23+$0x6410] =	vst v7;
	v3 =	vadd.f32 v3, v0  }
0x327: {  	[tilespmem:s23+$0x7D00] =	vst v6;
	v2 =	vadd.f32 v2, v1  }
0x328: {  	[tilespmem:s23+$0x7D10] =	vst v3;
	v3 =	vadd.f32 v4, v0  }
0x329: {  	[tilespmem:s23+$0x9600] =	vst v2;
	v1 =	vadd.f32 v5, v1  }
0x32a: {  	[tilespmem:s23+$0x9610] =	vst v3;
	v0 =	vadd.f32 v8, v0  }
0x32b: {  	[tilespmem:s23+$0xAF00] =	vst v1  }
0x32c: {  	s24 =	simm.s32 $0x0;
	[tilespmem:s23+$0xAF10] =	vst v0  }
0x32d: {  	[hbm4b:s26+s24] =	stream.linear.scatter [tilespmem:s13], [sflag:$0x4], $0x6400, $0x38;
	[tilespmem:$0x1A900] =	vst v63  }
0x32e: {  	_ =	swait.ge [sflag:s17], $0x6400  }
0x32f: {  	[sflag:s17] =	ssyncset.done $0x0  }
0x330: {  	s25 =	simm.s32 $0x4B00;
	[sflag:s17] =	ssyncadd.s32 $0xFFFF9C00  }
0x331: {  	[tilespmem:s13], [sflag:$0x1] =	stream.indirect.gather [hbm4b:s3+s12], $0x20, s25, s12, $0xb8;
	[tilespmem:$0x1A900] =	vst v63  }
0x332: {  	_ =	swait.ge [sflag:s18], $0x6400  }
0x333: {  	[sflag:s18] =	ssyncset.done $0x0  }
0x334: {  	s23 =	simm.s32 $0x0;
	[sflag:s18] =	ssyncadd.s32 $0xFFFF9C00  }
0x335: {  	v1 =	vld [tilespmem:s23+$0x19000]  }
0x336: {  	v0 =	vld [tilespmem:s23+$0x19010]  }
0x337: {  	v5 =	vld [tilespmem:s23+$0xC800]  }
0x338: {  	v7 =	vld [tilespmem:s23+$0xC810]  }
0x339: {  	v6 =	vld [tilespmem:s23+$0xE100]  }
0x33a: {  	v3 =	vld [tilespmem:s23+$0xE110]  }
0x33b: {  	v2 =	vld [tilespmem:s23+$0xFA00]  }
0x33c: {  	v4 =	vld [tilespmem:s23+$0xFA10];
	v8 =	vadd.f32 v5, v1  }
0x33d: {  	s24 =	simm.s32 $0x80;
	v7 =	vadd.f32 v7, v0;
	v5 =	vld [tilespmem:s23+$0x11300]  }
.LBB2_46:
0x33e: {  	s25 =	sshra.s32 s24, $0x2;
	p0 =	sne.s32 s24, $0x6380;
	[tilespmem:s23+$0xC800] =	vst v8;
	v6 =	vadd.f32 v6, v1;
	v8 =	vld [tilespmem:s23+$0x11310]  }
0x33f: {  	v9 =	vld [tilespmem:s25+$0x19000];
	[tilespmem:s23+$0xC810] =	vst v7;
	v3 =	vadd.f32 v3, v0  }
0x340: {  	v7 =	vld [tilespmem:s25+$0x19010];
	[tilespmem:s23+$0xE100] =	vst v6;
	v2 =	vadd.f32 v2, v1  }
0x341: {  	v10 =	vld [tilespmem:s25+$0xC800];
	[tilespmem:s23+$0xE110] =	vst v3;
	v3 =	vadd.f32 v4, v0  }
0x342: {  	v11 =	vld [tilespmem:s25+$0xC810];
	[tilespmem:s23+$0xFA00] =	vst v2;
	v2 =	vadd.f32 v5, v1  }
.Ltmp22:
0x343: {  	v6 =	vld [tilespmem:s25+$0xE100];
	[tilespmem:s23+$0xFA10] =	vst v3;
	v4 =	vadd.f32 v8, v0;
	(pc) =	sbr.rel @p0 .LBB2_46-.Ltmp22, $4  }
0x344: {  	v3 =	vld [tilespmem:s25+$0xE110];
	[tilespmem:s23+$0x11300] =	vst v2;
	v1 =	vmov v9  }
0x345: {  	v2 =	vld [tilespmem:s25+$0xFA00];
	[tilespmem:s23+$0x11310] =	vst v4;
	v0 =	vmov v7;
	s23 =	smov.u32 s25  }
0x346: {  	v8 =	vadd.f32 v10, v1;
	v4 =	vld [tilespmem:s23+$0xFA10]  }
0x347: {  	s24 =	sadd.s32 $0x80, s24;
	v7 =	vadd.f32 v11, v0;
	v5 =	vld [tilespmem:s23+$0x11300]  }
0x348: {  	[tilespmem:s23+$0xC800] =	vst v8;
	v6 =	vadd.f32 v6, v1;
	v8 =	vld [tilespmem:s23+$0x11310]  }
0x349: {  	[tilespmem:s23+$0xC810] =	vst v7;
	v3 =	vadd.f32 v3, v0  }
0x34a: {  	[tilespmem:s23+$0xE100] =	vst v6;
	v2 =	vadd.f32 v2, v1  }
0x34b: {  	[tilespmem:s23+$0xE110] =	vst v3;
	v3 =	vadd.f32 v4, v0  }
0x34c: {  	[tilespmem:s23+$0xFA00] =	vst v2;
	v1 =	vadd.f32 v5, v1  }
0x34d: {  	[tilespmem:s23+$0xFA10] =	vst v3;
	v0 =	vadd.f32 v8, v0  }
0x34e: {  	[tilespmem:s23+$0x11300] =	vst v1  }
0x34f: {  	s24 =	simm.s32 $0x0;
	[tilespmem:s23+$0x11310] =	vst v0  }
0x350: {  	[hbm4b:s28+s24] =	stream.linear.scatter [tilespmem:s14], [sflag:$0x5], $0x6400, $0x38;
	[tilespmem:$0x1A900] =	vst v63  }
0x351: {  	_ =	swait.ge [sflag:s19], $0x6400  }
0x352: {  	[sflag:s19] =	ssyncset.done $0x0  }
0x353: {  	s25 =	simm.s32 $0x4E20;
	[sflag:s19] =	ssyncadd.s32 $0xFFFF9C00  }
0x354: {  	[tilespmem:s14], [sflag:$0x2] =	stream.indirect.gather [hbm4b:s3+s12], $0x20, s25, s12, $0xb8;
	[tilespmem:$0x1A900] =	vst v63  }
0x355: {  	_ =	swait.ge [sflag:s20], $0x6400  }
0x356: {  	[sflag:s20] =	ssyncset.done $0x0  }
0x357: {  	s23 =	simm.s32 $0x0;
	[sflag:s20] =	ssyncadd.s32 $0xFFFF9C00  }
0x358: {  	v1 =	vld [tilespmem:s23+$0x19000]  }
0x359: {  	v0 =	vld [tilespmem:s23+$0x19010]  }
0x35a: {  	v5 =	vld [tilespmem:s23+$0x12C00]  }
0x35b: {  	v7 =	vld [tilespmem:s23+$0x12C10]  }
0x35c: {  	v6 =	vld [tilespmem:s23+$0x14500]  }
0x35d: {  	v3 =	vld [tilespmem:s23+$0x14510]  }
0x35e: {  	v2 =	vld [tilespmem:s23+$0x15E00]  }
0x35f: {  	v4 =	vld [tilespmem:s23+$0x15E10];
	v8 =	vadd.f32 v5, v1  }
0x360: {  	s24 =	simm.s32 $0x80;
	v7 =	vadd.f32 v7, v0;
	v5 =	vld [tilespmem:s23+$0x17700]  }
.LBB2_48:
0x361: {  	s25 =	sshra.s32 s24, $0x2;
	p0 =	sne.s32 s24, $0x6380;
	[tilespmem:s23+$0x12C00] =	vst v8;
	v6 =	vadd.f32 v6, v1;
	v8 =	vld [tilespmem:s23+$0x17710]  }
0x362: {  	v9 =	vld [tilespmem:s25+$0x19000];
	[tilespmem:s23+$0x12C10] =	vst v7;
	v3 =	vadd.f32 v3, v0  }
0x363: {  	v7 =	vld [tilespmem:s25+$0x19010];
	[tilespmem:s23+$0x14500] =	vst v6;
	v2 =	vadd.f32 v2, v1  }
0x364: {  	v10 =	vld [tilespmem:s25+$0x12C00];
	[tilespmem:s23+$0x14510] =	vst v3;
	v3 =	vadd.f32 v4, v0  }
0x365: {  	v11 =	vld [tilespmem:s25+$0x12C10];
	[tilespmem:s23+$0x15E00] =	vst v2;
	v2 =	vadd.f32 v5, v1  }
.Ltmp23:
0x366: {  	v6 =	vld [tilespmem:s25+$0x14500];
	[tilespmem:s23+$0x15E10] =	vst v3;
	v4 =	vadd.f32 v8, v0;
	(pc) =	sbr.rel @p0 .LBB2_48-.Ltmp23, $4  }
0x367: {  	v3 =	vld [tilespmem:s25+$0x14510];
	[tilespmem:s23+$0x17700] =	vst v2;
	v1 =	vmov v9  }
0x368: {  	v2 =	vld [tilespmem:s25+$0x15E00];
	[tilespmem:s23+$0x17710] =	vst v4;
	v0 =	vmov v7;
	s23 =	smov.u32 s25  }
0x369: {  	v8 =	vadd.f32 v10, v1;
	v4 =	vld [tilespmem:s23+$0x15E10]  }
0x36a: {  	s24 =	sadd.s32 $0x80, s24;
	v7 =	vadd.f32 v11, v0;
	v5 =	vld [tilespmem:s23+$0x17700]  }
0x36b: {  	[tilespmem:s23+$0x12C00] =	vst v8;
	v6 =	vadd.f32 v6, v1;
	v8 =	vld [tilespmem:s23+$0x17710]  }
0x36c: {  	[tilespmem:s23+$0x12C10] =	vst v7;
	v3 =	vadd.f32 v3, v0  }
0x36d: {  	[tilespmem:s23+$0x14500] =	vst v6;
	v2 =	vadd.f32 v2, v1  }
0x36e: {  	[tilespmem:s23+$0x14510] =	vst v3;
	v3 =	vadd.f32 v4, v0  }
0x36f: {  	[tilespmem:s23+$0x15E00] =	vst v2;
	v1 =	vadd.f32 v5, v1  }
0x370: {  	[tilespmem:s23+$0x15E10] =	vst v3;
	v0 =	vadd.f32 v8, v0  }
0x371: {  	[tilespmem:s23+$0x17700] =	vst v1  }
0x372: {  	s24 =	simm.s32 $0x0;
	[tilespmem:s23+$0x17710] =	vst v0  }
0x373: {  	[hbm4b:s29+s24] =	stream.linear.scatter [tilespmem:s15], [sflag:$0x6], $0x6400, $0x38;
	[tilespmem:$0x1A900] =	vst v63  }
0x374: {  	_ =	swait.ge [sflag:s21], $0x6400  }
0x375: {  	[sflag:s21] =	ssyncset.done $0x0  }
0x376: {  	s25 =	simm.s32 $0x5140;
	[sflag:s21] =	ssyncadd.s32 $0xFFFF9C00  }
0x377: {  	[tilespmem:s15], [sflag:$0x3] =	stream.indirect.gather [hbm4b:s3+s12], $0x20, s25, s12, $0xb8;
	[tilespmem:$0x1A900] =	vst v63  }
0x378: {  	_ =	swait.ge [sflag:s16], $0x6400  }
0x379: {  	[sflag:s16] =	ssyncset.done $0x0  }
0x37a: {  	s23 =	simm.s32 $0x0;
	[sflag:s16] =	ssyncadd.s32 $0xFFFF9C00  }
0x37b: {  	v1 =	vld [tilespmem:s23+$0x19000]  }
0x37c: {  	v0 =	vld [tilespmem:s23+$0x19010]  }
0x37d: {  	v5 =	vld [tilespmem:s23+$0x6400]  }
0x37e: {  	v7 =	vld [tilespmem:s23+$0x6410]  }
0x37f: {  	v6 =	vld [tilespmem:s23+$0x7D00]  }
0x380: {  	v3 =	vld [tilespmem:s23+$0x7D10]  }
0x381: {  	v2 =	vld [tilespmem:s23+$0x9600]  }
0x382: {  	v4 =	vld [tilespmem:s23+$0x9610];
	v8 =	vadd.f32 v5, v1  }
0x383: {  	s24 =	simm.s32 $0x80;
	v7 =	vadd.f32 v7, v0;
	v5 =	vld [tilespmem:s23+$0xAF00]  }
.LBB2_50:
0x384: {  	s25 =	sshra.s32 s24, $0x2;
	p0 =	sne.s32 s24, $0x6380;
	[tilespmem:s23+$0x6400] =	vst v8;
	v6 =	vadd.f32 v6, v1;
	v8 =	vld [tilespmem:s23+$0xAF10]  }
0x385: {  	v9 =	vld [tilespmem:s25+$0x19000];
	[tilespmem:s23+$0x6410] =	vst v7;
	v3 =	vadd.f32 v3, v0  }
0x386: {  	v7 =	vld [tilespmem:s25+$0x19010];
	[tilespmem:s23+$0x7D00] =	vst v6;
	v2 =	vadd.f32 v2, v1  }
0x387: {  	v10 =	vld [tilespmem:s25+$0x6400];
	[tilespmem:s23+$0x7D10] =	vst v3;
	v3 =	vadd.f32 v4, v0  }
0x388: {  	v11 =	vld [tilespmem:s25+$0x6410];
	[tilespmem:s23+$0x9600] =	vst v2;
	v2 =	vadd.f32 v5, v1  }
.Ltmp24:
0x389: {  	v6 =	vld [tilespmem:s25+$0x7D00];
	[tilespmem:s23+$0x9610] =	vst v3;
	v4 =	vadd.f32 v8, v0;
	(pc) =	sbr.rel @p0 .LBB2_50-.Ltmp24, $4  }
0x38a: {  	v3 =	vld [tilespmem:s25+$0x7D10];
	[tilespmem:s23+$0xAF00] =	vst v2;
	v1 =	vmov v9  }
0x38b: {  	v2 =	vld [tilespmem:s25+$0x9600];
	[tilespmem:s23+$0xAF10] =	vst v4;
	v0 =	vmov v7;
	s23 =	smov.u32 s25  }
0x38c: {  	v8 =	vadd.f32 v10, v1;
	v4 =	vld [tilespmem:s23+$0x9610]  }
0x38d: {  	s24 =	sadd.s32 $0x80, s24;
	v7 =	vadd.f32 v11, v0;
	v5 =	vld [tilespmem:s23+$0xAF00]  }
0x38e: {  	[tilespmem:s23+$0x6400] =	vst v8;
	v6 =	vadd.f32 v6, v1;
	v8 =	vld [tilespmem:s23+$0xAF10]  }
0x38f: {  	[tilespmem:s23+$0x6410] =	vst v7;
	v3 =	vadd.f32 v3, v0  }
0x390: {  	[tilespmem:s23+$0x7D00] =	vst v6;
	v2 =	vadd.f32 v2, v1  }
0x391: {  	[tilespmem:s23+$0x7D10] =	vst v3;
	v3 =	vadd.f32 v4, v0  }
0x392: {  	[tilespmem:s23+$0x9600] =	vst v2;
	v1 =	vadd.f32 v5, v1  }
0x393: {  	[tilespmem:s23+$0x9610] =	vst v3;
	v0 =	vadd.f32 v8, v0  }
0x394: {  	[tilespmem:s23+$0xAF00] =	vst v1  }
0x395: {  	s24 =	simm.s32 $0x0;
	[tilespmem:s23+$0xAF10] =	vst v0  }
0x396: {  	[hbm4b:s30+s24] =	stream.linear.scatter [tilespmem:s13], [sflag:$0x4], $0x6400, $0x38;
	[tilespmem:$0x1A900] =	vst v63  }
0x397: {  	_ =	swait.ge [sflag:s17], $0x6400  }
0x398: {  	[sflag:s17] =	ssyncset.done $0x0  }
0x399: {  	s25 =	simm.s32 $0x5460;
	[sflag:s17] =	ssyncadd.s32 $0xFFFF9C00  }
0x39a: {  	[tilespmem:s13], [sflag:$0x1] =	stream.indirect.gather [hbm4b:s3+s12], $0x20, s25, s12, $0xb8;
	[tilespmem:$0x1A900] =	vst v63  }
0x39b: {  	_ =	swait.ge [sflag:s18], $0x6400  }
0x39c: {  	[sflag:s18] =	ssyncset.done $0x0  }
0x39d: {  	s23 =	simm.s32 $0x0;
	[sflag:s18] =	ssyncadd.s32 $0xFFFF9C00  }
0x39e: {  	v1 =	vld [tilespmem:s23+$0x19000]  }
0x39f: {  	v0 =	vld [tilespmem:s23+$0x19010]  }
0x3a0: {  	v5 =	vld [tilespmem:s23+$0xC800]  }
0x3a1: {  	v7 =	vld [tilespmem:s23+$0xC810]  }
0x3a2: {  	v6 =	vld [tilespmem:s23+$0xE100]  }
0x3a3: {  	v3 =	vld [tilespmem:s23+$0xE110]  }
0x3a4: {  	v2 =	vld [tilespmem:s23+$0xFA00]  }
0x3a5: {  	v4 =	vld [tilespmem:s23+$0xFA10];
	v8 =	vadd.f32 v5, v1  }
0x3a6: {  	s24 =	simm.s32 $0x80;
	v7 =	vadd.f32 v7, v0;
	v5 =	vld [tilespmem:s23+$0x11300]  }
.LBB2_52:
0x3a7: {  	s25 =	sshra.s32 s24, $0x2;
	p0 =	sne.s32 s24, $0x6380;
	[tilespmem:s23+$0xC800] =	vst v8;
	v6 =	vadd.f32 v6, v1;
	v8 =	vld [tilespmem:s23+$0x11310]  }
0x3a8: {  	v9 =	vld [tilespmem:s25+$0x19000];
	[tilespmem:s23+$0xC810] =	vst v7;
	v3 =	vadd.f32 v3, v0  }
0x3a9: {  	v7 =	vld [tilespmem:s25+$0x19010];
	[tilespmem:s23+$0xE100] =	vst v6;
	v2 =	vadd.f32 v2, v1  }
0x3aa: {  	v10 =	vld [tilespmem:s25+$0xC800];
	[tilespmem:s23+$0xE110] =	vst v3;
	v3 =	vadd.f32 v4, v0  }
0x3ab: {  	v11 =	vld [tilespmem:s25+$0xC810];
	[tilespmem:s23+$0xFA00] =	vst v2;
	v2 =	vadd.f32 v5, v1  }
.Ltmp25:
0x3ac: {  	v6 =	vld [tilespmem:s25+$0xE100];
	[tilespmem:s23+$0xFA10] =	vst v3;
	v4 =	vadd.f32 v8, v0;
	(pc) =	sbr.rel @p0 .LBB2_52-.Ltmp25, $4  }
0x3ad: {  	v3 =	vld [tilespmem:s25+$0xE110];
	[tilespmem:s23+$0x11300] =	vst v2;
	v1 =	vmov v9  }
0x3ae: {  	v2 =	vld [tilespmem:s25+$0xFA00];
	[tilespmem:s23+$0x11310] =	vst v4;
	v0 =	vmov v7;
	s23 =	smov.u32 s25  }
0x3af: {  	v8 =	vadd.f32 v10, v1;
	v4 =	vld [tilespmem:s23+$0xFA10]  }
0x3b0: {  	s24 =	sadd.s32 $0x80, s24;
	v7 =	vadd.f32 v11, v0;
	v5 =	vld [tilespmem:s23+$0x11300]  }
0x3b1: {  	[tilespmem:s23+$0xC800] =	vst v8;
	v6 =	vadd.f32 v6, v1;
	v8 =	vld [tilespmem:s23+$0x11310]  }
0x3b2: {  	[tilespmem:s23+$0xC810] =	vst v7;
	v3 =	vadd.f32 v3, v0  }
0x3b3: {  	[tilespmem:s23+$0xE100] =	vst v6;
	v2 =	vadd.f32 v2, v1  }
0x3b4: {  	[tilespmem:s23+$0xE110] =	vst v3;
	v3 =	vadd.f32 v4, v0  }
0x3b5: {  	[tilespmem:s23+$0xFA00] =	vst v2;
	v1 =	vadd.f32 v5, v1  }
0x3b6: {  	[tilespmem:s23+$0xFA10] =	vst v3;
	v0 =	vadd.f32 v8, v0  }
0x3b7: {  	[tilespmem:s23+$0x11300] =	vst v1  }
0x3b8: {  	s24 =	simm.s32 $0x0;
	[tilespmem:s23+$0x11310] =	vst v0  }
0x3b9: {  	[hbm4b:s31+s24] =	stream.linear.scatter [tilespmem:s14], [sflag:$0x5], $0x6400, $0x38;
	[tilespmem:$0x1A900] =	vst v63  }
0x3ba: {  	_ =	swait.ge [sflag:s19], $0x6400  }
0x3bb: {  	[sflag:s19] =	ssyncset.done $0x0  }
0x3bc: {  	s25 =	simm.s32 $0x5780;
	[sflag:s19] =	ssyncadd.s32 $0xFFFF9C00  }
0x3bd: {  	[tilespmem:s14], [sflag:$0x2] =	stream.indirect.gather [hbm4b:s3+s12], $0x20, s25, s12, $0xb8;
	[tilespmem:$0x1A900] =	vst v63  }
0x3be: {  	_ =	swait.ge [sflag:s20], $0x6400  }
0x3bf: {  	[sflag:s20] =	ssyncset.done $0x0  }
0x3c0: {  	s23 =	simm.s32 $0x0;
	[sflag:s20] =	ssyncadd.s32 $0xFFFF9C00  }
0x3c1: {  	v1 =	vld [tilespmem:s23+$0x19000]  }
0x3c2: {  	v0 =	vld [tilespmem:s23+$0x19010]  }
0x3c3: {  	v5 =	vld [tilespmem:s23+$0x12C00]  }
0x3c4: {  	v7 =	vld [tilespmem:s23+$0x12C10]  }
0x3c5: {  	v6 =	vld [tilespmem:s23+$0x14500]  }
0x3c6: {  	v3 =	vld [tilespmem:s23+$0x14510]  }
0x3c7: {  	v2 =	vld [tilespmem:s23+$0x15E00]  }
0x3c8: {  	v4 =	vld [tilespmem:s23+$0x15E10];
	v8 =	vadd.f32 v5, v1  }
0x3c9: {  	s24 =	simm.s32 $0x80;
	v7 =	vadd.f32 v7, v0;
	v5 =	vld [tilespmem:s23+$0x17700]  }
.LBB2_54:
0x3ca: {  	s25 =	sshra.s32 s24, $0x2;
	p0 =	sne.s32 s24, $0x6380;
	[tilespmem:s23+$0x12C00] =	vst v8;
	v6 =	vadd.f32 v6, v1;
	v8 =	vld [tilespmem:s23+$0x17710]  }
0x3cb: {  	v9 =	vld [tilespmem:s25+$0x19000];
	[tilespmem:s23+$0x12C10] =	vst v7;
	v3 =	vadd.f32 v3, v0  }
0x3cc: {  	v7 =	vld [tilespmem:s25+$0x19010];
	[tilespmem:s23+$0x14500] =	vst v6;
	v2 =	vadd.f32 v2, v1  }
0x3cd: {  	v10 =	vld [tilespmem:s25+$0x12C00];
	[tilespmem:s23+$0x14510] =	vst v3;
	v3 =	vadd.f32 v4, v0  }
0x3ce: {  	v11 =	vld [tilespmem:s25+$0x12C10];
	[tilespmem:s23+$0x15E00] =	vst v2;
	v2 =	vadd.f32 v5, v1  }
.Ltmp26:
0x3cf: {  	v6 =	vld [tilespmem:s25+$0x14500];
	[tilespmem:s23+$0x15E10] =	vst v3;
	v4 =	vadd.f32 v8, v0;
	(pc) =	sbr.rel @p0 .LBB2_54-.Ltmp26, $4  }
0x3d0: {  	v3 =	vld [tilespmem:s25+$0x14510];
	[tilespmem:s23+$0x17700] =	vst v2;
	v1 =	vmov v9  }
0x3d1: {  	v2 =	vld [tilespmem:s25+$0x15E00];
	[tilespmem:s23+$0x17710] =	vst v4;
	v0 =	vmov v7;
	s23 =	smov.u32 s25  }
0x3d2: {  	v8 =	vadd.f32 v10, v1;
	v4 =	vld [tilespmem:s23+$0x15E10]  }
0x3d3: {  	s24 =	sadd.s32 $0x80, s24;
	v7 =	vadd.f32 v11, v0;
	v5 =	vld [tilespmem:s23+$0x17700]  }
0x3d4: {  	[tilespmem:s23+$0x12C00] =	vst v8;
	v6 =	vadd.f32 v6, v1;
	v8 =	vld [tilespmem:s23+$0x17710]  }
0x3d5: {  	[tilespmem:s23+$0x12C10] =	vst v7;
	v3 =	vadd.f32 v3, v0  }
0x3d6: {  	[tilespmem:s23+$0x14500] =	vst v6;
	v2 =	vadd.f32 v2, v1  }
0x3d7: {  	[tilespmem:s23+$0x14510] =	vst v3;
	v3 =	vadd.f32 v4, v0  }
0x3d8: {  	[tilespmem:s23+$0x15E00] =	vst v2;
	v1 =	vadd.f32 v5, v1  }
0x3d9: {  	[tilespmem:s23+$0x15E10] =	vst v3;
	v0 =	vadd.f32 v8, v0  }
0x3da: {  	[tilespmem:s23+$0x17700] =	vst v1  }
0x3db: {  	s24 =	simm.s32 $0x0;
	[tilespmem:s23+$0x17710] =	vst v0  }
0x3dc: {  	[hbm4b:s0+s24] =	stream.linear.scatter [tilespmem:s15], [sflag:$0x6], $0x6400, $0x38;
	[tilespmem:$0x1A900] =	vst v63  }
0x3dd: {  	_ =	swait.ge [sflag:s21], $0x6400  }
0x3de: {  	[sflag:s21] =	ssyncset.done $0x0  }
0x3df: {  	s25 =	simm.s32 $0x5AA0;
	[sflag:s21] =	ssyncadd.s32 $0xFFFF9C00  }
0x3e0: {  	[tilespmem:s15], [sflag:$0x3] =	stream.indirect.gather [hbm4b:s3+s12], $0x20, s25, s12, $0xb8;
	[tilespmem:$0x1A900] =	vst v63  }
0x3e1: {  	_ =	swait.ge [sflag:s16], $0x6400  }
0x3e2: {  	[sflag:s16] =	ssyncset.done $0x0  }
0x3e3: {  	s23 =	simm.s32 $0x0;
	[sflag:s16] =	ssyncadd.s32 $0xFFFF9C00  }
0x3e4: {  	v1 =	vld [tilespmem:s23+$0x19000]  }
0x3e5: {  	v0 =	vld [tilespmem:s23+$0x19010]  }
0x3e6: {  	v5 =	vld [tilespmem:s23+$0x6400]  }
0x3e7: {  	v7 =	vld [tilespmem:s23+$0x6410]  }
0x3e8: {  	v6 =	vld [tilespmem:s23+$0x7D00]  }
0x3e9: {  	v3 =	vld [tilespmem:s23+$0x7D10]  }
0x3ea: {  	v2 =	vld [tilespmem:s23+$0x9600]  }
0x3eb: {  	v4 =	vld [tilespmem:s23+$0x9610];
	v8 =	vadd.f32 v5, v1  }
0x3ec: {  	s24 =	simm.s32 $0x80;
	v7 =	vadd.f32 v7, v0;
	v5 =	vld [tilespmem:s23+$0xAF00]  }
.LBB2_56:
0x3ed: {  	s25 =	sshra.s32 s24, $0x2;
	p0 =	sne.s32 s24, $0x6380;
	[tilespmem:s23+$0x6400] =	vst v8;
	v6 =	vadd.f32 v6, v1;
	v8 =	vld [tilespmem:s23+$0xAF10]  }
0x3ee: {  	v9 =	vld [tilespmem:s25+$0x19000];
	[tilespmem:s23+$0x6410] =	vst v7;
	v3 =	vadd.f32 v3, v0  }
0x3ef: {  	v7 =	vld [tilespmem:s25+$0x19010];
	[tilespmem:s23+$0x7D00] =	vst v6;
	v2 =	vadd.f32 v2, v1  }
0x3f0: {  	v10 =	vld [tilespmem:s25+$0x6400];
	[tilespmem:s23+$0x7D10] =	vst v3;
	v3 =	vadd.f32 v4, v0  }
0x3f1: {  	v11 =	vld [tilespmem:s25+$0x6410];
	[tilespmem:s23+$0x9600] =	vst v2;
	v2 =	vadd.f32 v5, v1  }
.Ltmp27:
0x3f2: {  	v6 =	vld [tilespmem:s25+$0x7D00];
	[tilespmem:s23+$0x9610] =	vst v3;
	v4 =	vadd.f32 v8, v0;
	(pc) =	sbr.rel @p0 .LBB2_56-.Ltmp27, $4  }
0x3f3: {  	v3 =	vld [tilespmem:s25+$0x7D10];
	[tilespmem:s23+$0xAF00] =	vst v2;
	v1 =	vmov v9  }
0x3f4: {  	v2 =	vld [tilespmem:s25+$0x9600];
	[tilespmem:s23+$0xAF10] =	vst v4;
	v0 =	vmov v7;
	s23 =	smov.u32 s25  }
0x3f5: {  	v8 =	vadd.f32 v10, v1;
	v4 =	vld [tilespmem:s23+$0x9610]  }
0x3f6: {  	s24 =	sadd.s32 $0x80, s24;
	v7 =	vadd.f32 v11, v0;
	v5 =	vld [tilespmem:s23+$0xAF00]  }
0x3f7: {  	[tilespmem:s23+$0x6400] =	vst v8;
	v6 =	vadd.f32 v6, v1;
	v8 =	vld [tilespmem:s23+$0xAF10]  }
0x3f8: {  	[tilespmem:s23+$0x6410] =	vst v7;
	v3 =	vadd.f32 v3, v0  }
0x3f9: {  	[tilespmem:s23+$0x7D00] =	vst v6;
	v2 =	vadd.f32 v2, v1  }
0x3fa: {  	[tilespmem:s23+$0x7D10] =	vst v3;
	v3 =	vadd.f32 v4, v0  }
0x3fb: {  	[tilespmem:s23+$0x9600] =	vst v2;
	v1 =	vadd.f32 v5, v1  }
0x3fc: {  	[tilespmem:s23+$0x9610] =	vst v3;
	v0 =	vadd.f32 v8, v0  }
0x3fd: {  	[tilespmem:s23+$0xAF00] =	vst v1  }
0x3fe: {  	s24 =	simm.s32 $0x0;
	[tilespmem:s23+$0xAF10] =	vst v0  }
0x3ff: {  	[hbm4b:s1+s24] =	stream.linear.scatter [tilespmem:s13], [sflag:$0x4], $0x6400, $0x38;
	[tilespmem:$0x1A900] =	vst v63  }
0x400: {  	_ =	swait.ge [sflag:s17], $0x6400  }
0x401: {  	[sflag:s17] =	ssyncset.done $0x0  }
0x402: {  	s25 =	simm.s32 $0x5DC0;
	[sflag:s17] =	ssyncadd.s32 $0xFFFF9C00  }
0x403: {  	[tilespmem:s13], [sflag:$0x1] =	stream.indirect.gather [hbm4b:s3+s12], $0x20, s25, s12, $0xb8;
	[tilespmem:$0x1A900] =	vst v63  }
0x404: {  	_ =	swait.ge [sflag:s18], $0x6400  }
0x405: {  	[sflag:s18] =	ssyncset.done $0x0  }
0x406: {  	s23 =	simm.s32 $0x0;
	[sflag:s18] =	ssyncadd.s32 $0xFFFF9C00  }
0x407: {  	v1 =	vld [tilespmem:s23+$0x19000]  }
0x408: {  	v0 =	vld [tilespmem:s23+$0x19010]  }
0x409: {  	v5 =	vld [tilespmem:s23+$0xC800]  }
0x40a: {  	v7 =	vld [tilespmem:s23+$0xC810]  }
0x40b: {  	v6 =	vld [tilespmem:s23+$0xE100]  }
0x40c: {  	v3 =	vld [tilespmem:s23+$0xE110]  }
0x40d: {  	v2 =	vld [tilespmem:s23+$0xFA00]  }
0x40e: {  	v4 =	vld [tilespmem:s23+$0xFA10];
	v8 =	vadd.f32 v5, v1  }
0x40f: {  	s24 =	simm.s32 $0x80;
	v7 =	vadd.f32 v7, v0;
	v5 =	vld [tilespmem:s23+$0x11300]  }
.LBB2_58:
0x410: {  	s25 =	sshra.s32 s24, $0x2;
	p0 =	sne.s32 s24, $0x6380;
	[tilespmem:s23+$0xC800] =	vst v8;
	v6 =	vadd.f32 v6, v1;
	v8 =	vld [tilespmem:s23+$0x11310]  }
0x411: {  	v9 =	vld [tilespmem:s25+$0x19000];
	[tilespmem:s23+$0xC810] =	vst v7;
	v3 =	vadd.f32 v3, v0  }
0x412: {  	v7 =	vld [tilespmem:s25+$0x19010];
	[tilespmem:s23+$0xE100] =	vst v6;
	v2 =	vadd.f32 v2, v1  }
0x413: {  	v10 =	vld [tilespmem:s25+$0xC800];
	[tilespmem:s23+$0xE110] =	vst v3;
	v3 =	vadd.f32 v4, v0  }
0x414: {  	v11 =	vld [tilespmem:s25+$0xC810];
	[tilespmem:s23+$0xFA00] =	vst v2;
	v2 =	vadd.f32 v5, v1  }
.Ltmp28:
0x415: {  	v6 =	vld [tilespmem:s25+$0xE100];
	[tilespmem:s23+$0xFA10] =	vst v3;
	v4 =	vadd.f32 v8, v0;
	(pc) =	sbr.rel @p0 .LBB2_58-.Ltmp28, $4  }
0x416: {  	v3 =	vld [tilespmem:s25+$0xE110];
	[tilespmem:s23+$0x11300] =	vst v2;
	v1 =	vmov v9  }
0x417: {  	v2 =	vld [tilespmem:s25+$0xFA00];
	[tilespmem:s23+$0x11310] =	vst v4;
	v0 =	vmov v7;
	s23 =	smov.u32 s25  }
0x418: {  	v8 =	vadd.f32 v10, v1;
	v4 =	vld [tilespmem:s23+$0xFA10]  }
0x419: {  	s24 =	sadd.s32 $0x80, s24;
	v7 =	vadd.f32 v11, v0;
	v5 =	vld [tilespmem:s23+$0x11300]  }
0x41a: {  	[tilespmem:s23+$0xC800] =	vst v8;
	v6 =	vadd.f32 v6, v1;
	v8 =	vld [tilespmem:s23+$0x11310]  }
0x41b: {  	[tilespmem:s23+$0xC810] =	vst v7;
	v3 =	vadd.f32 v3, v0  }
0x41c: {  	[tilespmem:s23+$0xE100] =	vst v6;
	v2 =	vadd.f32 v2, v1  }
0x41d: {  	[tilespmem:s23+$0xE110] =	vst v3;
	v3 =	vadd.f32 v4, v0  }
0x41e: {  	[tilespmem:s23+$0xFA00] =	vst v2;
	v1 =	vadd.f32 v5, v1  }
0x41f: {  	[tilespmem:s23+$0xFA10] =	vst v3;
	v0 =	vadd.f32 v8, v0  }
0x420: {  	[tilespmem:s23+$0x11300] =	vst v1  }
0x421: {  	s24 =	simm.s32 $0x0;
	[tilespmem:s23+$0x11310] =	vst v0  }
0x422: {  	[hbm4b:s4+s24] =	stream.linear.scatter [tilespmem:s14], [sflag:$0x5], $0x6400, $0x38;
	[tilespmem:$0x1A900] =	vst v63  }
0x423: {  	_ =	swait.ge [sflag:s19], $0x6400  }
0x424: {  	[sflag:s19] =	ssyncset.done $0x0  }
0x425: {  	s25 =	simm.s32 $0x60E0;
	[sflag:s19] =	ssyncadd.s32 $0xFFFF9C00  }
0x426: {  	[tilespmem:s14], [sflag:$0x2] =	stream.indirect.gather [hbm4b:s3+s12], $0x20, s25, s12, $0xb8;
	[tilespmem:$0x1A900] =	vst v63  }
0x427: {  	_ =	swait.ge [sflag:s20], $0x6400  }
0x428: {  	[sflag:s20] =	ssyncset.done $0x0  }
0x429: {  	s23 =	simm.s32 $0x0;
	[sflag:s20] =	ssyncadd.s32 $0xFFFF9C00  }
0x42a: {  	v1 =	vld [tilespmem:s23+$0x19000]  }
0x42b: {  	v0 =	vld [tilespmem:s23+$0x19010]  }
0x42c: {  	v5 =	vld [tilespmem:s23+$0x12C00]  }
0x42d: {  	v7 =	vld [tilespmem:s23+$0x12C10]  }
0x42e: {  	v6 =	vld [tilespmem:s23+$0x14500]  }
0x42f: {  	v3 =	vld [tilespmem:s23+$0x14510]  }
0x430: {  	v2 =	vld [tilespmem:s23+$0x15E00]  }
0x431: {  	v4 =	vld [tilespmem:s23+$0x15E10];
	v8 =	vadd.f32 v5, v1  }
0x432: {  	s24 =	simm.s32 $0x80;
	v7 =	vadd.f32 v7, v0;
	v5 =	vld [tilespmem:s23+$0x17700]  }
.LBB2_60:
0x433: {  	s25 =	sshra.s32 s24, $0x2;
	p0 =	sne.s32 s24, $0x6380;
	[tilespmem:s23+$0x12C00] =	vst v8;
	v6 =	vadd.f32 v6, v1;
	v8 =	vld [tilespmem:s23+$0x17710]  }
0x434: {  	v9 =	vld [tilespmem:s25+$0x19000];
	[tilespmem:s23+$0x12C10] =	vst v7;
	v3 =	vadd.f32 v3, v0  }
0x435: {  	v7 =	vld [tilespmem:s25+$0x19010];
	[tilespmem:s23+$0x14500] =	vst v6;
	v2 =	vadd.f32 v2, v1  }
0x436: {  	v10 =	vld [tilespmem:s25+$0x12C00];
	[tilespmem:s23+$0x14510] =	vst v3;
	v3 =	vadd.f32 v4, v0  }
0x437: {  	v11 =	vld [tilespmem:s25+$0x12C10];
	[tilespmem:s23+$0x15E00] =	vst v2;
	v2 =	vadd.f32 v5, v1  }
.Ltmp29:
0x438: {  	v6 =	vld [tilespmem:s25+$0x14500];
	[tilespmem:s23+$0x15E10] =	vst v3;
	v4 =	vadd.f32 v8, v0;
	(pc) =	sbr.rel @p0 .LBB2_60-.Ltmp29, $4  }
0x439: {  	v3 =	vld [tilespmem:s25+$0x14510];
	[tilespmem:s23+$0x17700] =	vst v2;
	v1 =	vmov v9  }
0x43a: {  	v2 =	vld [tilespmem:s25+$0x15E00];
	[tilespmem:s23+$0x17710] =	vst v4;
	v0 =	vmov v7;
	s23 =	smov.u32 s25  }
0x43b: {  	v8 =	vadd.f32 v10, v1;
	v4 =	vld [tilespmem:s23+$0x15E10]  }
0x43c: {  	s24 =	sadd.s32 $0x80, s24;
	v7 =	vadd.f32 v11, v0;
	v5 =	vld [tilespmem:s23+$0x17700]  }
0x43d: {  	[tilespmem:s23+$0x12C00] =	vst v8;
	v6 =	vadd.f32 v6, v1;
	v8 =	vld [tilespmem:s23+$0x17710]  }
0x43e: {  	[tilespmem:s23+$0x12C10] =	vst v7;
	v3 =	vadd.f32 v3, v0  }
0x43f: {  	[tilespmem:s23+$0x14500] =	vst v6;
	v2 =	vadd.f32 v2, v1  }
0x440: {  	[tilespmem:s23+$0x14510] =	vst v3;
	v3 =	vadd.f32 v4, v0  }
0x441: {  	[tilespmem:s23+$0x15E00] =	vst v2;
	v1 =	vadd.f32 v5, v1  }
0x442: {  	[tilespmem:s23+$0x15E10] =	vst v3;
	v0 =	vadd.f32 v8, v0  }
0x443: {  	[tilespmem:s23+$0x17700] =	vst v1  }
0x444: {  	s25 =	simm.s32 $0x0;
	[tilespmem:s23+$0x17710] =	vst v0  }
0x445: {  	[hbm4b:s5+s25] =	stream.linear.scatter [tilespmem:s15], [sflag:$0x6], $0x6400, $0x38;
	[tilespmem:$0x1A900] =	vst v63  }
0x446: {  	_ =	swait.ge [sflag:s16], $0x6400  }
0x447: {  	[sflag:s16] =	ssyncset.done $0x0  }
0x448: {  	s23 =	simm.s32 $0x0;
	[sflag:s16] =	ssyncadd.s32 $0xFFFF9C00  }
0x449: {  	v1 =	vld [tilespmem:s23+$0x19000]  }
0x44a: {  	v0 =	vld [tilespmem:s23+$0x19010]  }
0x44b: {  	v5 =	vld [tilespmem:s23+$0x6400]  }
0x44c: {  	v7 =	vld [tilespmem:s23+$0x6410]  }
0x44d: {  	v6 =	vld [tilespmem:s23+$0x7D00]  }
0x44e: {  	v3 =	vld [tilespmem:s23+$0x7D10]  }
0x44f: {  	v2 =	vld [tilespmem:s23+$0x9600]  }
0x450: {  	v4 =	vld [tilespmem:s23+$0x9610];
	v8 =	vadd.f32 v5, v1  }
0x451: {  	s24 =	simm.s32 $0x80;
	v7 =	vadd.f32 v7, v0;
	v5 =	vld [tilespmem:s23+$0xAF00]  }
.LBB2_62:
0x452: {  	s25 =	sshra.s32 s24, $0x2;
	p0 =	sne.s32 s24, $0x6380;
	[tilespmem:s23+$0x6400] =	vst v8;
	v6 =	vadd.f32 v6, v1;
	v8 =	vld [tilespmem:s23+$0xAF10]  }
0x453: {  	v9 =	vld [tilespmem:s25+$0x19000];
	[tilespmem:s23+$0x6410] =	vst v7;
	v3 =	vadd.f32 v3, v0  }
0x454: {  	v7 =	vld [tilespmem:s25+$0x19010];
	[tilespmem:s23+$0x7D00] =	vst v6;
	v2 =	vadd.f32 v2, v1  }
0x455: {  	v10 =	vld [tilespmem:s25+$0x6400];
	[tilespmem:s23+$0x7D10] =	vst v3;
	v3 =	vadd.f32 v4, v0  }
0x456: {  	v11 =	vld [tilespmem:s25+$0x6410];
	[tilespmem:s23+$0x9600] =	vst v2;
	v2 =	vadd.f32 v5, v1  }
.Ltmp30:
0x457: {  	v6 =	vld [tilespmem:s25+$0x7D00];
	[tilespmem:s23+$0x9610] =	vst v3;
	v4 =	vadd.f32 v8, v0;
	(pc) =	sbr.rel @p0 .LBB2_62-.Ltmp30, $4  }
0x458: {  	v3 =	vld [tilespmem:s25+$0x7D10];
	[tilespmem:s23+$0xAF00] =	vst v2;
	v1 =	vmov v9  }
0x459: {  	v2 =	vld [tilespmem:s25+$0x9600];
	[tilespmem:s23+$0xAF10] =	vst v4;
	v0 =	vmov v7;
	s23 =	smov.u32 s25  }
0x45a: {  	v8 =	vadd.f32 v10, v1;
	v4 =	vld [tilespmem:s23+$0x9610]  }
0x45b: {  	s24 =	sadd.s32 $0x80, s24;
	v7 =	vadd.f32 v11, v0;
	v5 =	vld [tilespmem:s23+$0xAF00]  }
0x45c: {  	[tilespmem:s23+$0x6400] =	vst v8;
	v6 =	vadd.f32 v6, v1;
	v8 =	vld [tilespmem:s23+$0xAF10]  }
0x45d: {  	[tilespmem:s23+$0x6410] =	vst v7;
	v3 =	vadd.f32 v3, v0  }
0x45e: {  	[tilespmem:s23+$0x7D00] =	vst v6;
	v2 =	vadd.f32 v2, v1  }
0x45f: {  	[tilespmem:s23+$0x7D10] =	vst v3;
	v3 =	vadd.f32 v4, v0  }
0x460: {  	[tilespmem:s23+$0x9600] =	vst v2;
	v1 =	vadd.f32 v5, v1  }
0x461: {  	[tilespmem:s23+$0x9610] =	vst v3;
	v0 =	vadd.f32 v8, v0  }
0x462: {  	[tilespmem:s23+$0xAF00] =	vst v1  }
0x463: {  	s25 =	simm.s32 $0x0;
	[tilespmem:s23+$0xAF10] =	vst v0  }
0x464: {  	[hbm4b:s7+s25] =	stream.linear.scatter [tilespmem:s13], [sflag:$0x4], $0x6400, $0x38;
	[tilespmem:$0x1A900] =	vst v63  }
0x465: {  	_ =	swait.ge [sflag:s18], $0x6400  }
0x466: {  	[sflag:s18] =	ssyncset.done $0x0  }
0x467: {  	s23 =	simm.s32 $0x0;
	[sflag:s18] =	ssyncadd.s32 $0xFFFF9C00  }
0x468: {  	v1 =	vld [tilespmem:s23+$0x19000]  }
0x469: {  	v0 =	vld [tilespmem:s23+$0x19010]  }
0x46a: {  	v5 =	vld [tilespmem:s23+$0xC800]  }
0x46b: {  	v7 =	vld [tilespmem:s23+$0xC810]  }
0x46c: {  	v6 =	vld [tilespmem:s23+$0xE100]  }
0x46d: {  	v3 =	vld [tilespmem:s23+$0xE110]  }
0x46e: {  	v2 =	vld [tilespmem:s23+$0xFA00]  }
0x46f: {  	v4 =	vld [tilespmem:s23+$0xFA10];
	v8 =	vadd.f32 v5, v1  }
0x470: {  	s24 =	simm.s32 $0x80;
	v7 =	vadd.f32 v7, v0;
	v5 =	vld [tilespmem:s23+$0x11300]  }
.LBB2_64:
0x471: {  	s25 =	sshra.s32 s24, $0x2;
	p0 =	sne.s32 s24, $0x6380;
	[tilespmem:s23+$0xC800] =	vst v8;
	v6 =	vadd.f32 v6, v1;
	v8 =	vld [tilespmem:s23+$0x11310]  }
0x472: {  	v9 =	vld [tilespmem:s25+$0x19000];
	[tilespmem:s23+$0xC810] =	vst v7;
	v3 =	vadd.f32 v3, v0  }
0x473: {  	v7 =	vld [tilespmem:s25+$0x19010];
	[tilespmem:s23+$0xE100] =	vst v6;
	v2 =	vadd.f32 v2, v1  }
0x474: {  	v10 =	vld [tilespmem:s25+$0xC800];
	[tilespmem:s23+$0xE110] =	vst v3;
	v3 =	vadd.f32 v4, v0  }
0x475: {  	v11 =	vld [tilespmem:s25+$0xC810];
	[tilespmem:s23+$0xFA00] =	vst v2;
	v2 =	vadd.f32 v5, v1  }
.Ltmp31:
0x476: {  	v6 =	vld [tilespmem:s25+$0xE100];
	[tilespmem:s23+$0xFA10] =	vst v3;
	v4 =	vadd.f32 v8, v0;
	(pc) =	sbr.rel @p0 .LBB2_64-.Ltmp31, $4  }
0x477: {  	v3 =	vld [tilespmem:s25+$0xE110];
	[tilespmem:s23+$0x11300] =	vst v2;
	v1 =	vmov v9  }
0x478: {  	v2 =	vld [tilespmem:s25+$0xFA00];
	[tilespmem:s23+$0x11310] =	vst v4;
	v0 =	vmov v7;
	s23 =	smov.u32 s25  }
0x479: {  	v8 =	vadd.f32 v10, v1;
	v4 =	vld [tilespmem:s23+$0xFA10]  }
0x47a: {  	s24 =	sadd.s32 $0x80, s24;
	v7 =	vadd.f32 v11, v0;
	v5 =	vld [tilespmem:s23+$0x11300]  }
0x47b: {  	[tilespmem:s23+$0xC800] =	vst v8;
	v6 =	vadd.f32 v6, v1;
	v60 =	vld [tilespmem:s23+$0x11310]  }
0x47c: {  	[tilespmem:s23+$0xC810] =	vst v7;
	v3 =	vadd.f32 v3, v0  }
0x47d: {  	[tilespmem:s23+$0xE100] =	vst v6;
	v2 =	vadd.f32 v2, v1  }
0x47e: {  	[tilespmem:s23+$0xE110] =	vst v3;
	v61 =	vadd.f32 v4, v0  }
0x47f: {  	[tilespmem:s23+$0xFA00] =	vst v2;
	v62 =	vadd.f32 v5, v1  }
0x480: {  	[tilespmem:s23+$0xFA10] =	vst v61;
	v63 =	vadd.f32 v60, v0  }
0x481: {  	[tilespmem:s23+$0x11300] =	vst v62  }
0x482: {  	[tilespmem:s23+$0x11310] =	vst v63  }
0x483: {  	[hbm4b:s8+s2] =	stream.linear.scatter [tilespmem:s14], [sflag:$0x5], $0x6400, $0x38;
	[tilespmem:$0x1A900] =	vst v63  }
0x484: {  	_ =	swait.ge [sflag:s17], $0x6400  }
0x485: {  	[sflag:s17] =	ssyncset.done $0x0  }
0x486: {  	s22 =	sadd.s32 $0x1, s22;
	[sflag:s17] =	ssyncadd.s32 $0xFFFF9C00  }
0x487: {  	p0 =	sne.s32 s22, s9;
	_ =	swait.ge [sflag:s19], $0x6400  }
.Ltmp32:
0x488: {  	[sflag:s19] =	ssyncset.done $0x0;
	(pc) =	sbr.rel @p0 .LBB2_1-.Ltmp32, $4  }
0x489: {  	[sflag:s19] =	ssyncadd.s32 $0xFFFF9C00  }
0x48a: {  	_ =	swait.ge [sflag:s21], $0x6400  }
0x48b: {  	[sflag:s21] =	ssyncset.done $0x0  }
0x48c: {  	[sflag:s21] =	ssyncadd.s32 $0xFFFF9C00  }
0x48d: {  	_ =	sfence.sel $0x180000  }
0x48e: {  	[bflag:$0x0] =	sbarrier.arrive $0xFFFF  }
0x48f: {  	_ =	strace $0x90000047  }
0x490: {  	s0 =	stileid.u32;
	[bflag:$0x2] =	sbarrier.arrive $0xFFFF  }
0x491: {  	p0 =	sne.s32 s0, $0x0;
	s0 =	rddreg [dreg:$0x2]  }
0x492: {  	s0 =	sadd.s32 @!p0 $0x100000, s0  }
0x493: {  	[sflag:s0] =	ssyncadd.tile.s32 @!p0 $0x1;
	_ =	shalt  }
.Lfunc_end2:
_tile_overlayer_lowered:
.L_overlay_start_2:
0x494: {  	(tag) =	ssettag $0x2  }
0x495: {  	s0 =	rddreg [dreg:$0x0];
	s2 =	stileid.u32  }
0x496: {  	s1 =	rddreg [dreg:$0x1];
	p0 =	sne.s32 s2, $0x0  }
0x497: {  	s3 =	rddreg [dreg:$0x2];
	[bflag:$0x3] =	sbarrier.arrive $0xFFFF;
	s2 =	simm.s32 @!p0 $0x1C07  }
0x498: {  	[timem:s3], [sflag:s2] =	dma.local @!p0 [hbm:s0], s1  }
0x499: {  	s0 =	simm.s32 @!p0 $0x7  }
0x49a: {  	_ =	swait.ge @!p0 [sflag:s0], s1  }
0x49b: {  	s1 =	ssub.s32 @!p0 $0x0, s1;
	[sflag:s0] =	ssyncset.done @!p0 $0x0  }
0x49c: {  	[sflag:s0] =	ssyncadd.s32 @!p0 s1  }
0x49d: {  	[bflag:$0x3] =	sbarrier.arrive $0xFFFF  }
0x49e: {  	_ =	shalt  }

// kernel: sparse-core-data-format-call.cloned.1.call-start
scs
called_computation_lowered:
.L_overlay_start_0:
0x0: {  	s2 =	sld [smem:$0x3FD9]  }
0x1: {  	s3 =	sld [smem:$0x3FFE];
	_ =	sdelay $0x1  }
0x2: {  	s1 =	srdreg.scid  }
0x3: {  	s0 =	sand.u32 $0x1, s1  }
0x4: {  	s18 =	sshll.u32 s0, $0xA;
	s2 =	sadd.s32 s3, s2  }
0x5: {  	s2 =	sadd.s32 s2, s18  }
0x6: {  	[smem:$0x3FC5] =	sst s2  }
0x7: {  	_ = 	snop  }
0x8: {  	s2 =	sld [smem:$0x3FD0];
	(tm) =	ssettm $0x1  }
0x9: {  	s19 =	sld [smem:$0x3FFB];
	_ =	sdelay $0x3  }
0xa: {  	_ =	strace s19  }
0xb: {  	s3 =	sld [smem:$0x3FFC];
	_ =	sdelay $0x3  }
0xc: {  	_ =	strace s3  }
0xd: {  	s3 =	sld [smem:$0x3FFD];
	_ =	sdelay $0x3  }
0xe: {  	_ =	strace s3  }
0xf: {  	_ =	strace $0x8FFFFFFF  }
0x10: {  	s20 =	sld [smem:$0x3FDB];
	_ =	sdelay $0x1  }
0x11: {  	s4 =	simm.s32 $_scs_section_size  }
0x12: {  	s5 =	simm.s32 $_size__tile_overlayer_lowered;
	s6 =	simm.s32 $_tile_overlayer_lowered  }
0x13: {  	s23 =	simm.s32 $0x1BFF;
	s22 =	sshll.u32 s6, $0x1;
	s3 =	sadd.s32 s4, s20  }
0x14: {  	s7 =	simm.s32 $0x0;
	s21 =	sshll.u32 s5, $0x1;
	s5 =	sadd.s32 s22, s3  }
0x15: {  	[timem:s7], [sflag:s23] =	dma.local [hbm:s5], s21  }
0x16: {  	_ =	swait.ge [sflag:s23], s21  }
0x17: {  	s4 =	ssub.s32 $0x0, s21;
	[sflag:s23] =	ssyncset.done $0x0  }
0x18: {  	[sflag:s23] =	ssyncadd.s32 s4;
	_ =	sdelay $0x1  }
0x19: {  	s24 =	simm.s32 $0x1B8B  }
0x1a: {  	_ =	swait.ge [sflag:s24], $0x1  }
0x1b: {  	[sflag:s24] =	ssyncset.done $0x0  }
0x1c: {  	s26 =	simm.s32 $0x1B8E;
	s25 =	sld [smem:$0x3FFE];
	[sflag:s24] =	ssyncadd.s32 $0xFFFFFFFF  }
0x1d: {  	s27 =	simm.s32 $execute0_lowered;
	[smem:$0x3FD2] =	sst s26  }
0x1e: {  	s5 =	sshll.u32 s27, $0x1;
	_ =	strace $0x80000049;
	[dreg:$0x1] =	wrdreg $0xFFFFFFFF  }
0x1f: {  	s28 =	simm.s32 $_size_execute0_lowered;
	s3 =	sadd.s32 s3, s5;
	[dreg:$0x0] =	wrdreg $0x0  }
0x20: {  	s5 =	sshll.u32 s28, $0x1;
	[dreg:$0x2] =	wrdreg s3  }
0x21: {  	[dreg:$0x3] =	wrdreg s5  }
0x22: {  	[dreg:$0x4] =	wrdreg $0xC0  }
0x23: {  	_ =	task [dreg:s7], $0x5FFFF  }
0x24: {  	[dreg:$0x1] =	wrdreg $0xFFFFFFFF  }
0x25: {  	[dreg:$0x0] =	wrdreg $0x60  }
0x26: {  	[dreg:$0x2] =	wrdreg s25  }
0x27: {  	[dreg:$0x3] =	wrdreg s2  }
0x28: {  	[dreg:$0x4] =	wrdreg $0x9  }
0x29: {  	_ =	task.clear_ibuf [dreg:s7], $0x5FFFF;
	_ =	strace $0x90000049  }
0x2a: {  	s29 =	simm.s32 $0x9;
	_ =	strace $0x8000004B  }
0x2b: {  	_ =	swait.ge [sflag:s29], $0x1  }
0x2c: {  	[sflag:s29] =	ssyncadd.s32 $0xFFFFFFFF  }
0x2d: {  	_ =	strace $0x9000004B  }
0x2e: {  	_ =	sfence  }
0x2f: {  	s30 =	sld [smem:$0x0];
	_ =	sdelay $0x2  }
0x30: {  	s31 =	sshll.u32 s1, $0xD;
	s1 =	sshrl.u32 s1, $0x2  }
0x31: {  	s3 =	sand.u32 $0x4000, s31;
	s1 =	sadd.s32 s1, s30  }
0x32: {  	s0 =	sor.u32 s3, s0;
	s1 =	sshll.u32 s1, $0x11  }
0x33: {  	s0 =	sor.u32 s1, s0  }
0x34: {  	s0 =	sadd.s32 $0x8F2B, s0  }
0x35: {  	[sflag:s0] =	ssyncadd.remote.s32 $0x1  }
0x36: {  	_ =	sfence.sel $0xFFFF  }
0x37: {  	[dreg:$0x0] =	wrdreg $0xFFFFFFFF;
	(pc) =	sbr.abs _section_cstart, $3  }
0x38: {  	[dreg:$0x1] =	wrdreg $0xFFFFFFFF  }
0x39: {  	_ =	task.clear_ibuf [dreg:s7], $0x2FFFF;
	_ =	strace $0x9FFFFFFF  }
0x3a: {  	(tm) =	ssettm $0x7FFFFFFF  }
0x3b: {  	_ =	shalt  }
tec
execute0_lowered:
.L_overlay_start_1:
0x0: {  	(tag) =	ssettag $0x1  }
0x1: {  	s0 =	srdreg.scid  }
0x2: {  	s1 =	sshll.u32 s0, $0x4  }
0x3: {  	s0 =	stileid.u32;
	s1 =	sand.u32 $0x10, s1  }
0x4: {  	s1 =	sor.u32 s0, s1  }
0x5: {  	s6 =	rddreg [dreg:$0x0];
	s4 =	simm.s32 $0x1;
	s2 =	sshll.u32 s1, $0x7  }
0x6: {  	s7 =	simm.s32 $0x2;
	s12 =	simm.s32 $0x0;
	s1 =	ssub.s32 $0x1000, s2  }
0x7: {  	s8 =	simm.s32 $0x8000;
	s13 =	simm.s32 $0x0;
	s3 =	sand.u32 $0xF80, s1  }
0x8: {  	s9 =	simm.s32 $0x0;
	s5 =	sshrl.u32 s1, $0xC;
	p0 =	sne.s32 s3, $0x0  }
.Ltmp0:
0x9: {  	s1 =	rddreg [dreg:$0x2];
	s4 =	simm.s32 @!p0 $0x0;
	(pc) =	sbr.rel .LBB1_1-.Ltmp0, $4  }
0xa: {  	s11 =	simm.s32 $0x0;
	s3 =	rddreg [dreg:$0x1];
	s5 =	sadd.s32 s4, s5  }
0xb: {  	_ =	strace $0x8000004A;
	s4 =	simm.s32 $0x1;
	s5 =	smul.u32 $0xC8, s5  }
0xc: {  	s6 =	sadd.s32 $0xC00, s6;
	s10 =	smov.u32 s2;
	[sflag:s4] =	ssyncpa.u1 $0x0  }
0xd: {  	p0 =	por $0x0, $0x0;
	[sflag:s7] =	ssyncpa.u1 $0x0;
	s7 =	sor.u32 $0x1, s5  }
.LBB1_4:
0xe: {  	s16 =	sshll.u32 s13, $0x3;
	s17 =	sand.u32 $0x78, s13  }
0xf: {  	s30 =	sand.u32 $0x3E00, s13;
	s12 =	sshll.u32 s12, $0xE;
	s16 =	sand.u32 $0xC00, s16  }
0x10: {  	s31 =	sand.u32 $0x7, s13;
	s16 =	sor.u32 s17, s16;
	s17 =	sadd.s32 s3, s30  }
0x11: {  	s13 =	sshll.u32 s31, $0x12;
	s16 =	sshrl.u32 s16, $0x3;
	s12 =	sadd.s32 s12, s17  }
0x12: {  	[tilespmem:s15+$0x0 ss:$0x81] =	vst.msk $0xffff, v0;
	s13 =	sor.u32 $0x400, s13;
	s12 =	sadd.s32 s16, s12  }
0x13: {  	[hbm4b:s12+s13] =	stream.strided.scatter [tilespmem:s14], [sflag:$0x2], $0x1000, s8, s13, $0x20;
	[tilespmem:$0x4040] =	vst v63  }
.LBB1_5:
0x14: {  	s14 =	sadd.s32 $0x1, s9  }
0x15: {  	s12 =	sadd.s32 $0x1000, s10;
	s16 =	smov.u32 s10;
	p2 =	sgt.s32 s14, $0xC7  }
0x16: {  	s16 =	smov.u32 @p2 s12  }
0x17: {  	s14 =	simm.s32 @p2 $0x0;
	p2 =	sgt.s32 s16, $0xFFF  }
0x18: {  	s16 =	smov.u32 @p2 s2;
	p2 =	sne.s32 s11, s7  }
.Ltmp1:
0x19: {  	p1 =	slt.u32 s11, $0x2;
	(pc) =	sbr.rel @!p2 .LBB1_6-.Ltmp1, $4  }
0x1a: {  	s15 =	simm.s32 @!p1 $0x2  }
0x1b: {  	s13 =	smov.u32 s10;
	p0 =	por !p0, !p0;
	_ =	swait.ge @!p1 [sflag:s15], $0x1000  }
0x1c: {  	s12 =	smov.u32 s9;
	[sflag:s15] =	ssyncset.done @!p1 $0x0;
	s9 =	smov.u32 s14  }
0x1d: {  	s11 =	sadd.s32 $0x1, s11;
	[sflag:s15] =	ssyncadd.s32 @!p1 $0xFFFFF000;
	s10 =	smov.u32 s16  }
.LBB1_1:
0x1e: {  	p1 =	sge.u32 s11, s5  }
0x1f: {  	s14 =	sand.u32 @!p1 $0x1FFFFFF, s9  }
0x20: {  	s15 =	smulhi.u32 @!p1 $0x147AE15, s14;
	_ =	sdelay $0x1  }
0x21: {  	s15 =	smul.u32 @!p1 $0xC8, s15  }
0x22: {  	s16 =	sxor.u32 @!p1 $0xFFFFFFFF, s11;
	s17 =	smul.u32 @!p1 $0xC80, s10  }
0x23: {  	s31 =	sadd.s32 $0xFFFFFFFF, s11;
	s16 =	sshll.u32 @!p1 s16, $0xC;
	s14 =	ssub.s32 @!p1 s14, s15  }
0x24: {  	s15 =	sand.u32 @!p1 $0x1000, s16;
	s16 =	sadd.s32 @!p1 s6, s17;
	s14 =	sshll.u32 @!p1 s14, $0x4  }
0x25: {  	s17 =	simm.s32 @!p1 $0x6400;
	s14 =	sadd.s32 @!p1 s14, s16;
	s16 =	simm.s32 @!p1 $0x20  }
0x26: {  	[tilespmem:s15], [sflag:$0x1] =	stream.strided.gather @!p1 [hbm4b:s14+s16], $0x1000, s17, s16, $0x38;
	[tilespmem:$0x4040] =	vst v63  }
0x27: {  	p1 =	sge.u32 s31, s5  }
.Ltmp2:
0x28: {  	_ = 	snop;
	(pc) =	sbr.rel @p1 .LBB1_5-.Ltmp2, $1  }
0x29: {  	_ =	sdelay $0x3  }
0x2a: {  	s14 =	simm.s32 $0x1  }
0x2b: {  	_ =	swait.ge [sflag:s4], $0x1000;
	s14 =	simm.s32 @!p0 $0x0  }
0x2c: {  	[sflag:s4] =	ssyncset.done $0x0;
	s15 =	sshll.u32 s14, $0xC  }
0x2d: {  	[sflag:s4] =	ssyncadd.s32 $0xFFFFF000;
	s18 =	sor.u32 $0x10, s15  }
0x2e: {  	s14 =	smul.u32 $0x4080, s14;
	v1 =	vld [tilespmem:s18+$0x0]  }
0x2f: {  	s30 =	sand.u32 $0x1, s11;
	v0 =	vld [tilespmem:s18+$0xFFFFFFF0]  }
0x30: {  	s15 =	smul.u32 $0x4080, s30;
	s14 =	sshrl.u32 s14, $0x2  }
0x31: {  	s16 =	sor.u32 $0x2000, s14  }
0x32: {  	s31 =	sshrl.u32 s15, $0x2;
	s15 =	sadd.s32 $0x0, s16  }
0x33: {  	s17 =	simm.s32 $0x4;
	s18 =	sadd.s32 $0x20, s18;
	s14 =	sor.u32 $0x2000, s31;
	[tilespmem:s15+$0x810 ss:$0x81] =	vst.msk $0xffff, v1  }
.LBB1_3:
0x34: {  	v1 =	vld [tilespmem:s18+$0x0];
	p1 =	sne.s32 s17, $0x1FC;
	[tilespmem:s15+$0x0 ss:$0x81] =	vst.msk $0xffff, v0;
	s15 =	smov.u32 s17;
	s17 =	sadd.s32 $0x4, s17  }
.Ltmp3:
0x35: {  	v0 =	vld [tilespmem:s18+$0xFFFFFFF0];
	(pc) =	sbr.rel @p1 .LBB1_3-.Ltmp3, $4  }
0x36: {  	_ = 	snop  }
0x37: {  	s15 =	sshra.s32 s15, $0x2  }
0x38: {  	s15 =	sadd.s32 s15, s16  }
0x39: {  	s18 =	sadd.s32 $0x20, s18;
	[tilespmem:s15+$0x810 ss:$0x81] =	vst.msk $0xffff, v1  }
.Ltmp4:
0x3a: {  	_ = 	snop;
	(pc) =	sbr.rel .LBB1_4-.Ltmp4, $1  }
0x3b: {  	_ =	sdelay $0x3  }
.LBB1_6:
0x3c: {  	_ =	sfence.sel $0x180000  }
0x3d: {  	s2 =	simm.s32 $0x1;
	[bflag:$0x0] =	sbarrier.arrive $0xFFFF  }
0x3e: {  	s31 =	simm.s32 $0x2;
	[sflag:s2] =	ssyncpa.u1 $0x1  }
0x3f: {  	[sflag:s31] =	ssyncpa.u1 $0x1  }
0x40: {  	p0 =	sne.s32 s0, $0x0;
	_ =	strace $0x9000004A  }
0x41: {  	s0 =	sadd.s32 @!p0 $0x100000, s1;
	[bflag:$0x2] =	sbarrier.arrive $0xFFFF  }
0x42: {  	[sflag:s0] =	ssyncadd.tile.s32 @!p0 $0x1;
	_ =	shalt  }
.Lfunc_end1:
_tile_overlayer_lowered:
.L_overlay_start_2:
0x43: {  	(tag) =	ssettag $0x2  }
0x44: {  	s0 =	rddreg [dreg:$0x0];
	s2 =	stileid.u32  }
0x45: {  	s1 =	rddreg [dreg:$0x1];
	p0 =	sne.s32 s2, $0x0  }
0x46: {  	s3 =	rddreg [dreg:$0x2];
	[bflag:$0x3] =	sbarrier.arrive $0xFFFF;
	s2 =	simm.s32 @!p0 $0x1C01  }
0x47: {  	[timem:s3], [sflag:s2] =	dma.local @!p0 [hbm:s0], s1  }
0x48: {  	s0 =	simm.s32 @!p0 $0x1  }
0x49: {  	_ =	swait.ge @!p0 [sflag:s0], s1  }
0x4a: {  	s1 =	ssub.s32 @!p0 $0x0, s1;
	[sflag:s0] =	ssyncset.done @!p0 $0x0  }
0x4b: {  	[sflag:s0] =	ssyncadd.s32 @!p0 s1  }
0x4c: {  	[bflag:$0x3] =	sbarrier.arrive $0xFFFF  }
0x4d: {  	_ =	shalt  }

</sc_bundles>
